<compile_context>
chip_gen: v7x
topology: tpu7x:2x2x1
jax: 0.10.2.dev20260603
libtpu: 0.0.44.dev20260713+nightly
codegen_flags: <defaults>
</compile_context>

<pallas_src>
import functools

import jax
import jax.numpy as jnp
from jax import lax
from jax.experimental import pallas as pl
from jax.experimental.pallas import tpu as pltpu
from jax.experimental.pallas import tpu_sc as plsc

_K = 1


def kernel(x, pos_emb):
    B, T = x.shape
    D = pos_emb.shape[1]
    TD = T * D
    pe = pos_emb[:T].reshape(1, TD)

    info = plsc.get_sparse_core_info()
    nw = info.num_cores * info.num_subcores
    rows_per_w = B // nw
    n_copies = rows_per_w // _K

    mesh = plsc.VectorSubcoreMesh(core_axis_name="c", subcore_axis_name="s")

    @functools.partial(
        pl.kernel,
        mesh=mesh,
        out_type=jax.ShapeDtypeStruct((B, TD), jnp.float32),
        scratch_types=[
            pltpu.VMEM((_K, TD), jnp.float32),
            pltpu.SemaphoreType.DMA,
            pltpu.SemaphoreType.DMA((4,)),
        ],
    )
    def sc_broadcast(pe_hbm, out_hbm, buf, lsem, ssem):
        wid = lax.axis_index("s") * info.num_cores + lax.axis_index("c")
        base = wid * rows_per_w
        for i in range(_K):
            pltpu.async_copy(pe_hbm, buf.at[pl.ds(i, 1)], lsem)
        for i in range(_K):
            pltpu.make_async_copy(pe_hbm, buf.at[pl.ds(i, 1)], lsem).wait()
        for j in range(n_copies):
            pltpu.async_copy(
                buf, out_hbm.at[pl.ds(base + j * _K, _K)], ssem.at[j % 4]
            )
        for j in range(n_copies):
            pltpu.make_async_copy(
                buf, out_hbm.at[pl.ds(base + j * _K, _K)], ssem.at[j % 4]
            ).wait()

    out = sc_broadcast(pe)
    return out.reshape(B, T, D)

# --- scband reference (transcript-rebuilt; emitter-appended) ---
"""Pipeline reference for scband-positional-embedding-86088324481059 (READ-ONLY COPY).

The authoritative reference and input builder live on the scoring server;
editing this copy changes nothing except your own understanding.
"""

import jax, jax.numpy as jnp
import numpy as np

MAX_LEN = 2048
D_MODEL = 64

def setup_inputs(seed: int = 0) -> dict:
    key = jax.random.key(seed)
    k_x, k_emb = jax.random.split(key)
    x = jax.random.randint(k_x, (4096, 200), 0, 1000, dtype=jnp.int64 if jax.config.jax_enable_x64 else jnp.int32)
    pos_emb = jax.random.normal(k_emb, (MAX_LEN, D_MODEL), dtype=jnp.float32) * 0.02
    return {"x": x, "pos_emb": pos_emb}

def reference(x, pos_emb):
    B, T = x.shape
    pos = jnp.broadcast_to(jnp.arange(T)[None, :], (B, T))
    out = jnp.take(pos_emb, pos, axis=0)
    return out

if __name__ == "__main__":
    import jax
    _d = setup_inputs()
    print(jax.jit(kernel)(*tuple(_d.values())))

</pallas_src>

<mosaic_0001>
#map = affine_map<(d0, d1) -> (0, 0)>
module attributes {stable_mosaic.version = 14 : i64} {
  func.func @sc_broadcast(%arg0: i32, %arg1: i32, %arg2: memref<1x12800xf32, #tpu.memory_space<hbm>>, %arg3: memref<4096x12800xf32, #tpu.memory_space<hbm>>, %arg4: memref<1x12800xf32, #tpu.memory_space<vmem>>, %arg5: memref<!tpu.dma_semaphore, #tpu.memory_space<semaphore_mem>>, %arg6: memref<4x!tpu.dma_semaphore, #tpu.memory_space<semaphore_mem>>) attributes {dimension_semantics = [#tpu.dimension_semantics<core_parallel>, #tpu.dimension_semantics<subcore_parallel>], iteration_bounds = array<i64: 2, 16>, scalar_prefetch = 0 : i64, scratch_operands = 3 : i64, tpu.core_type = #tpu.core_type<sc_vector_subcore>, window_params = [{transform_indices = #map}, {transform_indices = #map}]} {
    %mul3A = arith.constant 2 : i32
    %mul3A_0 = arith.muli %arg1, %mul3A : i32
    %add3A = arith.addi %mul3A_0, %arg0 : i32
    %mul3A_1 = arith.constant 128 : i32
    %mul3A_2 = arith.muli %add3A, %mul3A_1 : i32
    %dma_start3A = arith.constant 0 : i32
    %dma_start3A_3 = arith.constant 0 : i32
    %dma_start3A_4 = tpu.memref_slice %arg4[%dma_start3A, %dma_start3A_3] : memref<1x12800xf32, #tpu.memory_space<vmem>> -> memref<1x12800xf32, #tpu.memory_space<vmem>>
    %dma_start3A_5 = arith.constant 0 : i32
    %dma_start3A_6 = arith.constant 0 : i32
    %dma_start3A_7 = tpu.memref_slice %arg4[%dma_start3A_5, %dma_start3A_6] : memref<1x12800xf32, #tpu.memory_space<vmem>> -> memref<1x12800xf32, #tpu.memory_space<vmem>>
    tpu.enqueue_dma source(%arg2 : memref<1x12800xf32, #tpu.memory_space<hbm>>) target(%dma_start3A_7 : memref<1x12800xf32, #tpu.memory_space<vmem>>) target_semaphore(%arg5 : memref<!tpu.dma_semaphore, #tpu.memory_space<semaphore_mem>>)
    %dma_wait3A = arith.constant 0 : i32
    %dma_wait3A_8 = arith.constant 0 : i32
    %dma_wait3A_9 = tpu.memref_slice %arg4[%dma_wait3A, %dma_wait3A_8] : memref<1x12800xf32, #tpu.memory_space<vmem>> -> memref<1x12800xf32, #tpu.memory_space<vmem>>
    %dma_wait3A_10 = arith.constant 0 : i32
    %dma_wait3A_11 = arith.constant 0 : i32
    %dma_wait3A_12 = tpu.memref_slice %arg4[%dma_wait3A_10, %dma_wait3A_11] : memref<1x12800xf32, #tpu.memory_space<vmem>> -> memref<1x12800xf32, #tpu.memory_space<vmem>>
    tpu.wait_dma2 semaphore(%arg5 : memref<!tpu.dma_semaphore, #tpu.memory_space<semaphore_mem>>) src(%arg2 : memref<1x12800xf32, #tpu.memory_space<hbm>>) dst(%dma_wait3A_12 : memref<1x12800xf32, #tpu.memory_space<vmem>>)
    %add3A_13 = arith.constant 0 : i32
    %add3A_14 = arith.addi %mul3A_2, %add3A_13 : i32
    %dma_start3A_15 = arith.constant 0 : i32
    %dma_start3A_16 = arith.constant 0 : i32
    %dma_start3A_17 = tpu.memref_slice %arg3[%add3A_14, %dma_start3A_16] : memref<4096x12800xf32, #tpu.memory_space<hbm>> -> memref<1x12800xf32, #tpu.memory_space<hbm>>
    %dma_start3A_18 = tpu.memref_slice %arg6[%dma_start3A_15] : memref<4x!tpu.dma_semaphore, #tpu.memory_space<semaphore_mem>> -> memref<1x!tpu.dma_semaphore, #tpu.memory_space<semaphore_mem>>
    %dma_start3A_19 = tpu.memref_squeeze %dma_start3A_18 : memref<1x!tpu.dma_semaphore, #tpu.memory_space<semaphore_mem>> -> memref<!tpu.dma_semaphore, #tpu.memory_space<semaphore_mem>>
    %dma_start3A_20 = arith.constant 0 : i32
    %dma_start3A_21 = tpu.memref_slice %arg3[%add3A_14, %dma_start3A_20] : memref<4096x12800xf32, #tpu.memory_space<hbm>> -> memref<1x12800xf32, #tpu.memory_space<hbm>>
    tpu.enqueue_dma source(%arg4 : memref<1x12800xf32, #tpu.memory_space<vmem>>) target(%dma_start3A_21 : memref<1x12800xf32, #tpu.memory_space<hbm>>) target_semaphore(%dma_start3A_19 : memref<!tpu.dma_semaphore, #tpu.memory_space<semaphore_mem>>)
    %add3A_22 = arith.constant 1 : i32
    %add3A_23 = arith.addi %mul3A_2, %add3A_22 : i32
    %dma_start3A_24 = arith.constant 1 : i32
    %dma_start3A_25 = arith.constant 0 : i32
    %dma_start3A_26 = tpu.memref_slice %arg3[%add3A_23, %dma_start3A_25] : memref<4096x12800xf32, #tpu.memory_space<hbm>> -> memref<1x12800xf32, #tpu.memory_space<hbm>>
    %dma_start3A_27 = tpu.memref_slice %arg6[%dma_start3A_24] : memref<4x!tpu.dma_semaphore, #tpu.memory_space<semaphore_mem>> -> memref<1x!tpu.dma_semaphore, #tpu.memory_space<semaphore_mem>>
    %dma_start3A_28 = tpu.memref_squeeze %dma_start3A_27 : memref<1x!tpu.dma_semaphore, #tpu.memory_space<semaphore_mem>> -> memref<!tpu.dma_semaphore, #tpu.memory_space<semaphore_mem>>
    %dma_start3A_29 = arith.constant 0 : i32
    %dma_start3A_30 = tpu.memref_slice %arg3[%add3A_23, %dma_start3A_29] : memref<4096x12800xf32, #tpu.memory_space<hbm>> -> memref<1x12800xf32, #tpu.memory_space<hbm>>
    tpu.enqueue_dma source(%arg4 : memref<1x12800xf32, #tpu.memory_space<vmem>>) target(%dma_start3A_30 : memref<1x12800xf32, #tpu.memory_space<hbm>>) target_semaphore(%dma_start3A_28 : memref<!tpu.dma_semaphore, #tpu.memory_space<semaphore_mem>>)
    %add3A_31 = arith.constant 2 : i32
    %add3A_32 = arith.addi %mul3A_2, %add3A_31 : i32
    %dma_start3A_33 = arith.constant 2 : i32
    %dma_start3A_34 = arith.constant 0 : i32
    %dma_start3A_35 = tpu.memref_slice %arg3[%add3A_32, %dma_start3A_34] : memref<4096x12800xf32, #tpu.memory_space<hbm>> -> memref<1x12800xf32, #tpu.memory_space<hbm>>
    %dma_start3A_36 = tpu.memref_slice %arg6[%dma_start3A_33] : memref<4x!tpu.dma_semaphore, #tpu.memory_space<semaphore_mem>> -> memref<1x!tpu.dma_semaphore, #tpu.memory_space<semaphore_mem>>
    %dma_start3A_37 = tpu.memref_squeeze %dma_start3A_36 : memref<1x!tpu.dma_semaphore, #tpu.memory_space<semaphore_mem>> -> memref<!tpu.dma_semaphore, #tpu.memory_space<semaphore_mem>>
    %dma_start3A_38 = arith.constant 0 : i32
    %dma_start3A_39 = tpu.memref_slice %arg3[%add3A_32, %dma_start3A_38] : memref<4096x12800xf32, #tpu.memory_space<hbm>> -> memref<1x12800xf32, #tpu.memory_space<hbm>>
    tpu.enqueue_dma source(%arg4 : memref<1x12800xf32, #tpu.memory_space<vmem>>) target(%dma_start3A_39 : memref<1x12800xf32, #tpu.memory_space<hbm>>) target_semaphore(%dma_start3A_37 : memref<!tpu.dma_semaphore, #tpu.memory_space<semaphore_mem>>)
    %add3A_40 = arith.constant 3 : i32
    %add3A_41 = arith.addi %mul3A_2, %add3A_40 : i32
    %dma_start3A_42 = arith.constant 3 : i32
    %dma_start3A_43 = arith.constant 0 : i32
    %dma_start3A_44 = tpu.memref_slice %arg3[%add3A_41, %dma_start3A_43] : memref<4096x12800xf32, #tpu.memory_space<hbm>> -> memref<1x12800xf32, #tpu.memory_space<hbm>>
    %dma_start3A_45 = tpu.memref_slice %arg6[%dma_start3A_42] : memref<4x!tpu.dma_semaphore, #tpu.memory_space<semaphore_mem>> -> memref<1x!tpu.dma_semaphore, #tpu.memory_space<semaphore_mem>>
    %dma_start3A_46 = tpu.memref_squeeze %dma_start3A_45 : memref<1x!tpu.dma_semaphore, #tpu.memory_space<semaphore_mem>> -> memref<!tpu.dma_semaphore, #tpu.memory_space<semaphore_mem>>
    %dma_start3A_47 = arith.constant 0 : i32
    %dma_start3A_48 = tpu.memref_slice %arg3[%add3A_41, %dma_start3A_47] : memref<4096x12800xf32, #tpu.memory_space<hbm>> -> memref<1x12800xf32, #tpu.memory_space<hbm>>
    tpu.enqueue_dma source(%arg4 : memref<1x12800xf32, #tpu.memory_space<vmem>>) target(%dma_start3A_48 : memref<1x12800xf32, #tpu.memory_space<hbm>>) target_semaphore(%dma_start3A_46 : memref<!tpu.dma_semaphore, #tpu.memory_space<semaphore_mem>>)
    %add3A_49 = arith.constant 4 : i32
    %add3A_50 = arith.addi %mul3A_2, %add3A_49 : i32
    %dma_start3A_51 = arith.constant 0 : i32
    %dma_start3A_52 = arith.constant 0 : i32
    %dma_start3A_53 = tpu.memref_slice %arg3[%add3A_50, %dma_start3A_52] : memref<4096x12800xf32, #tpu.memory_space<hbm>> -> memref<1x12800xf32, #tpu.memory_space<hbm>>
    %dma_start3A_54 = tpu.memref_slice %arg6[%dma_start3A_51] : memref<4x!tpu.dma_semaphore, #tpu.memory_space<semaphore_mem>> -> memref<1x!tpu.dma_semaphore, #tpu.memory_space<semaphore_mem>>
    %dma_start3A_55 = tpu.memref_squeeze %dma_start3A_54 : memref<1x!tpu.dma_semaphore, #tpu.memory_space<semaphore_mem>> -> memref<!tpu.dma_semaphore, #tpu.memory_space<semaphore_mem>>
    %dma_start3A_56 = arith.constant 0 : i32
    %dma_start3A_57 = tpu.memref_slice %arg3[%add3A_50, %dma_start3A_56] : memref<4096x12800xf32, #tpu.memory_space<hbm>> -> memref<1x12800xf32, #tpu.memory_space<hbm>>
    tpu.enqueue_dma source(%arg4 : memref<1x12800xf32, #tpu.memory_space<vmem>>) target(%dma_start3A_57 : memref<1x12800xf32, #tpu.memory_space<hbm>>) target_semaphore(%dma_start3A_55 : memref<!tpu.dma_semaphore, #tpu.memory_space<semaphore_mem>>)
    %add3A_58 = arith.constant 5 : i32
    %add3A_59 = arith.addi %mul3A_2, %add3A_58 : i32
    %dma_start3A_60 = arith.constant 1 : i32
    %dma_start3A_61 = arith.constant 0 : i32
    %dma_start3A_62 = tpu.memref_slice %arg3[%add3A_59, %dma_start3A_61] : memref<4096x12800xf32, #tpu.memory_space<hbm>> -> memref<1x12800xf32, #tpu.memory_space<hbm>>
    %dma_start3A_63 = tpu.memref_slice %arg6[%dma_start3A_60] : memref<4x!tpu.dma_semaphore, #tpu.memory_space<semaphore_mem>> -> memref<1x!tpu.dma_semaphore, #tpu.memory_space<semaphore_mem>>
    %dma_start3A_64 = tpu.memref_squeeze %dma_start3A_63 : memref<1x!tpu.dma_semaphore, #tpu.memory_space<semaphore_mem>> -> memref<!tpu.dma_semaphore, #tpu.memory_space<semaphore_mem>>
    %dma_start3A_65 = arith.constant 0 : i32
    %dma_start3A_66 = tpu.memref_slice %arg3[%add3A_59, %dma_start3A_65] : memref<4096x12800xf32, #tpu.memory_space<hbm>> -> memref<1x12800xf32, #tpu.memory_space<hbm>>
    tpu.enqueue_dma source(%arg4 : memref<1x12800xf32, #tpu.memory_space<vmem>>) target(%dma_start3A_66 : memref<1x12800xf32, #tpu.memory_space<hbm>>) target_semaphore(%dma_start3A_64 : memref<!tpu.dma_semaphore, #tpu.memory_space<semaphore_mem>>)
    %add3A_67 = arith.constant 6 : i32
    %add3A_68 = arith.addi %mul3A_2, %add3A_67 : i32
    %dma_start3A_69 = arith.constant 2 : i32
    %dma_start3A_70 = arith.constant 0 : i32
    %dma_start3A_71 = tpu.memref_slice %arg3[%add3A_68, %dma_start3A_70] : memref<4096x12800xf32, #tpu.memory_space<hbm>> -> memref<1x12800xf32, #tpu.memory_space<hbm>>
    %dma_start3A_72 = tpu.memref_slice %arg6[%dma_start3A_69] : memref<4x!tpu.dma_semaphore, #tpu.memory_space<semaphore_mem>> -> memref<1x!tpu.dma_semaphore, #tpu.memory_space<semaphore_mem>>
    %dma_start3A_73 = tpu.memref_squeeze %dma_start3A_72 : memref<1x!tpu.dma_semaphore, #tpu.memory_space<semaphore_mem>> -> memref<!tpu.dma_semaphore, #tpu.memory_space<semaphore_mem>>
    %dma_start3A_74 = arith.constant 0 : i32
    %dma_start3A_75 = tpu.memref_slice %arg3[%add3A_68, %dma_start3A_74] : memref<4096x12800xf32, #tpu.memory_space<hbm>> -> memref<1x12800xf32, #tpu.memory_space<hbm>>
    tpu.enqueue_dma source(%arg4 : memref<1x12800xf32, #tpu.memory_space<vmem>>) target(%dma_start3A_75 : memref<1x12800xf32, #tpu.memory_space<hbm>>) target_semaphore(%dma_start3A_73 : memref<!tpu.dma_semaphore, #tpu.memory_space<semaphore_mem>>)
    %add3A_76 = arith.constant 7 : i32
    %add3A_77 = arith.addi %mul3A_2, %add3A_76 : i32
    %dma_start3A_78 = arith.constant 3 : i32
    %dma_start3A_79 = arith.constant 0 : i32
    %dma_start3A_80 = tpu.memref_slice %arg3[%add3A_77, %dma_start3A_79] : memref<4096x12800xf32, #tpu.memory_space<hbm>> -> memref<1x12800xf32, #tpu.memory_space<hbm>>
    %dma_start3A_81 = tpu.memref_slice %arg6[%dma_start3A_78] : memref<4x!tpu.dma_semaphore, #tpu.memory_space<semaphore_mem>> -> memref<1x!tpu.dma_semaphore, #tpu.memory_space<semaphore_mem>>
    %dma_start3A_82 = tpu.memref_squeeze %dma_start3A_81 : memref<1x!tpu.dma_semaphore, #tpu.memory_space<semaphore_mem>> -> memref<!tpu.dma_semaphore, #tpu.memory_space<semaphore_mem>>
    %dma_start3A_83 = arith.constant 0 : i32
    %dma_start3A_84 = tpu.memref_slice %arg3[%add3A_77, %dma_start3A_83] : memref<4096x12800xf32, #tpu.memory_space<hbm>> -> memref<1x12800xf32, #tpu.memory_space<hbm>>
    tpu.enqueue_dma source(%arg4 : memref<1x12800xf32, #tpu.memory_space<vmem>>) target(%dma_start3A_84 : memref<1x12800xf32, #tpu.memory_space<hbm>>) target_semaphore(%dma_start3A_82 : memref<!tpu.dma_semaphore, #tpu.memory_space<semaphore_mem>>)
    %add3A_85 = arith.constant 8 : i32
    %add3A_86 = arith.addi %mul3A_2, %add3A_85 : i32
    %dma_start3A_87 = arith.constant 0 : i32
    %dma_start3A_88 = arith.constant 0 : i32
    %dma_start3A_89 = tpu.memref_slice %arg3[%add3A_86, %dma_start3A_88] : memref<4096x12800xf32, #tpu.memory_space<hbm>> -> memref<1x12800xf32, #tpu.memory_space<hbm>>
    %dma_start3A_90 = tpu.memref_slice %arg6[%dma_start3A_87] : memref<4x!tpu.dma_semaphore, #tpu.memory_space<semaphore_mem>> -> memref<1x!tpu.dma_semaphore, #tpu.memory_space<semaphore_mem>>
    %dma_start3A_91 = tpu.memref_squeeze %dma_start3A_90 : memref<1x!tpu.dma_semaphore, #tpu.memory_space<semaphore_mem>> -> memref<!tpu.dma_semaphore, #tpu.memory_space<semaphore_mem>>
    %dma_start3A_92 = arith.constant 0 : i32
    %dma_start3A_93 = tpu.memref_slice %arg3[%add3A_86, %dma_start3A_92] : memref<4096x12800xf32, #tpu.memory_space<hbm>> -> memref<1x12800xf32, #tpu.memory_space<hbm>>
    tpu.enqueue_dma source(%arg4 : memref<1x12800xf32, #tpu.memory_space<vmem>>) target(%dma_start3A_93 : memref<1x12800xf32, #tpu.memory_space<hbm>>) target_semaphore(%dma_start3A_91 : memref<!tpu.dma_semaphore, #tpu.memory_space<semaphore_mem>>)
    %add3A_94 = arith.constant 9 : i32
    %add3A_95 = arith.addi %mul3A_2, %add3A_94 : i32
    %dma_start3A_96 = arith.constant 1 : i32
    %dma_start3A_97 = arith.constant 0 : i32
    %dma_start3A_98 = tpu.memref_slice %arg3[%add3A_95, %dma_start3A_97] : memref<4096x12800xf32, #tpu.memory_space<hbm>> -> memref<1x12800xf32, #tpu.memory_space<hbm>>
    %dma_start3A_99 = tpu.memref_slice %arg6[%dma_start3A_96] : memref<4x!tpu.dma_semaphore, #tpu.memory_space<semaphore_mem>> -> memref<1x!tpu.dma_semaphore, #tpu.memory_space<semaphore_mem>>
    %dma_start3A_100 = tpu.memref_squeeze %dma_start3A_99 : memref<1x!tpu.dma_semaphore, #tpu.memory_space<semaphore_mem>> -> memref<!tpu.dma_semaphore, #tpu.memory_space<semaphore_mem>>
    %dma_start3A_101 = arith.constant 0 : i32
    %dma_start3A_102 = tpu.memref_slice %arg3[%add3A_95, %dma_start3A_101] : memref<4096x12800xf32, #tpu.memory_space<hbm>> -> memref<1x12800xf32, #tpu.memory_space<hbm>>
    tpu.enqueue_dma source(%arg4 : memref<1x12800xf32, #tpu.memory_space<vmem>>) target(%dma_start3A_102 : memref<1x12800xf32, #tpu.memory_space<hbm>>) target_semaphore(%dma_start3A_100 : memref<!tpu.dma_semaphore, #tpu.memory_space<semaphore_mem>>)
    %add3A_103 = arith.constant 10 : i32
    %add3A_104 = arith.addi %mul3A_2, %add3A_103 : i32
    %dma_start3A_105 = arith.constant 2 : i32
    %dma_start3A_106 = arith.constant 0 : i32
    %dma_start3A_107 = tpu.memref_slice %arg3[%add3A_104, %dma_start3A_106] : memref<4096x12800xf32, #tpu.memory_space<hbm>> -> memref<1x12800xf32, #tpu.memory_space<hbm>>
    %dma_start3A_108 = tpu.memref_slice %arg6[%dma_start3A_105] : memref<4x!tpu.dma_semaphore, #tpu.memory_space<semaphore_mem>> -> memref<1x!tpu.dma_semaphore, #tpu.memory_space<semaphore_mem>>
    %dma_start3A_109 = tpu.memref_squeeze %dma_start3A_108 : memref<1x!tpu.dma_semaphore, #tpu.memory_space<semaphore_mem>> -> memref<!tpu.dma_semaphore, #tpu.memory_space<semaphore_mem>>
    %dma_start3A_110 = arith.constant 0 : i32
    %dma_start3A_111 = tpu.memref_slice %arg3[%add3A_104, %dma_start3A_110] : memref<4096x12800xf32, #tpu.memory_space<hbm>> -> memref<1x12800xf32, #tpu.memory_space<hbm>>
    tpu.enqueue_dma source(%arg4 : memref<1x12800xf32, #tpu.memory_space<vmem>>) target(%dma_start3A_111 : memref<1x12800xf32, #tpu.memory_space<hbm>>) target_semaphore(%dma_start3A_109 : memref<!tpu.dma_semaphore, #tpu.memory_space<semaphore_mem>>)
    %add3A_112 = arith.constant 11 : i32
    %add3A_113 = arith.addi %mul3A_2, %add3A_112 : i32
    %dma_start3A_114 = arith.constant 3 : i32
    %dma_start3A_115 = arith.constant 0 : i32
    %dma_start3A_116 = tpu.memref_slice %arg3[%add3A_113, %dma_start3A_115] : memref<4096x12800xf32, #tpu.memory_space<hbm>> -> memref<1x12800xf32, #tpu.memory_space<hbm>>
    %dma_start3A_117 = tpu.memref_slice %arg6[%dma_start3A_114] : memref<4x!tpu.dma_semaphore, #tpu.memory_space<semaphore_mem>> -> memref<1x!tpu.dma_semaphore, #tpu.memory_space<semaphore_mem>>
    %dma_start3A_118 = tpu.memref_squeeze %dma_start3A_117 : memref<1x!tpu.dma_semaphore, #tpu.memory_space<semaphore_mem>> -> memref<!tpu.dma_semaphore, #tpu.memory_space<semaphore_mem>>
    %dma_start3A_119 = arith.constant 0 : i32
    %dma_start3A_120 = tpu.memref_slice %arg3[%add3A_113, %dma_start3A_119] : memref<4096x12800xf32, #tpu.memory_space<hbm>> -> memref<1x12800xf32, #tpu.memory_space<hbm>>
    tpu.enqueue_dma source(%arg4 : memref<1x12800xf32, #tpu.memory_space<vmem>>) target(%dma_start3A_120 : memref<1x12800xf32, #tpu.memory_space<hbm>>) target_semaphore(%dma_start3A_118 : memref<!tpu.dma_semaphore, #tpu.memory_space<semaphore_mem>>)
    %add3A_121 = arith.constant 12 : i32
    %add3A_122 = arith.addi %mul3A_2, %add3A_121 : i32
    %dma_start3A_123 = arith.constant 0 : i32
    %dma_start3A_124 = arith.constant 0 : i32
    %dma_start3A_125 = tpu.memref_slice %arg3[%add3A_122, %dma_start3A_124] : memref<4096x12800xf32, #tpu.memory_space<hbm>> -> memref<1x12800xf32, #tpu.memory_space<hbm>>
    %dma_start3A_126 = tpu.memref_slice %arg6[%dma_start3A_123] : memref<4x!tpu.dma_semaphore, #tpu.memory_space<semaphore_mem>> -> memref<1x!tpu.dma_semaphore, #tpu.memory_space<semaphore_mem>>
    %dma_start3A_127 = tpu.memref_squeeze %dma_start3A_126 : memref<1x!tpu.dma_semaphore, #tpu.memory_space<semaphore_mem>> -> memref<!tpu.dma_semaphore, #tpu.memory_space<semaphore_mem>>
    %dma_start3A_128 = arith.constant 0 : i32
    %dma_start3A_129 = tpu.memref_slice %arg3[%add3A_122, %dma_start3A_128] : memref<4096x12800xf32, #tpu.memory_space<hbm>> -> memref<1x12800xf32, #tpu.memory_space<hbm>>
    tpu.enqueue_dma source(%arg4 : memref<1x12800xf32, #tpu.memory_space<vmem>>) target(%dma_start3A_129 : memref<1x12800xf32, #tpu.memory_space<hbm>>) target_semaphore(%dma_start3A_127 : memref<!tpu.dma_semaphore, #tpu.memory_space<semaphore_mem>>)
    %add3A_130 = arith.constant 13 : i32
    %add3A_131 = arith.addi %mul3A_2, %add3A_130 : i32
    %dma_start3A_132 = arith.constant 1 : i32
    %dma_start3A_133 = arith.constant 0 : i32
    %dma_start3A_134 = tpu.memref_slice %arg3[%add3A_131, %dma_start3A_133] : memref<4096x12800xf32, #tpu.memory_space<hbm>> -> memref<1x12800xf32, #tpu.memory_space<hbm>>
    %dma_start3A_135 = tpu.memref_slice %arg6[%dma_start3A_132] : memref<4x!tpu.dma_semaphore, #tpu.memory_space<semaphore_mem>> -> memref<1x!tpu.dma_semaphore, #tpu.memory_space<semaphore_mem>>
    %dma_start3A_136 = tpu.memref_squeeze %dma_start3A_135 : memref<1x!tpu.dma_semaphore, #tpu.memory_space<semaphore_mem>> -> memref<!tpu.dma_semaphore, #tpu.memory_space<semaphore_mem>>
    %dma_start3A_137 = arith.constant 0 : i32
    %dma_start3A_138 = tpu.memref_slice %arg3[%add3A_131, %dma_start3A_137] : memref<4096x12800xf32, #tpu.memory_space<hbm>> -> memref<1x12800xf32, #tpu.memory_space<hbm>>
    tpu.enqueue_dma source(%arg4 : memref<1x12800xf32, #tpu.memory_space<vmem>>) target(%dma_start3A_138 : memref<1x12800xf32, #tpu.memory_space<hbm>>) target_semaphore(%dma_start3A_136 : memref<!tpu.dma_semaphore, #tpu.memory_space<semaphore_mem>>)
    %add3A_139 = arith.constant 14 : i32
    %add3A_140 = arith.addi %mul3A_2, %add3A_139 : i32
    %dma_start3A_141 = arith.constant 2 : i32
    %dma_start3A_142 = arith.constant 0 : i32
    %dma_start3A_143 = tpu.memref_slice %arg3[%add3A_140, %dma_start3A_142] : memref<4096x12800xf32, #tpu.memory_space<hbm>> -> memref<1x12800xf32, #tpu.memory_space<hbm>>
    %dma_start3A_144 = tpu.memref_slice %arg6[%dma_start3A_141] : memref<4x!tpu.dma_semaphore, #tpu.memory_space<semaphore_mem>> -> memref<1x!tpu.dma_semaphore, #tpu.memory_space<semaphore_mem>>
    %dma_start3A_145 = tpu.memref_squeeze %dma_start3A_144 : memref<1x!tpu.dma_semaphore, #tpu.memory_space<semaphore_mem>> -> memref<!tpu.dma_semaphore, #tpu.memory_space<semaphore_mem>>
    %dma_start3A_146 = arith.constant 0 : i32
    %dma_start3A_147 = tpu.memref_slice %arg3[%add3A_140, %dma_start3A_146] : memref<4096x12800xf32, #tpu.memory_space<hbm>> -> memref<1x12800xf32, #tpu.memory_space<hbm>>
    tpu.enqueue_dma source(%arg4 : memref<1x12800xf32, #tpu.memory_space<vmem>>) target(%dma_start3A_147 : memref<1x12800xf32, #tpu.memory_space<hbm>>) target_semaphore(%dma_start3A_145 : memref<!tpu.dma_semaphore, #tpu.memory_space<semaphore_mem>>)
    %add3A_148 = arith.constant 15 : i32
    %add3A_149 = arith.addi %mul3A_2, %add3A_148 : i32
    %dma_start3A_150 = arith.constant 3 : i32
    %dma_start3A_151 = arith.constant 0 : i32
    %dma_start3A_152 = tpu.memref_slice %arg3[%add3A_149, %dma_start3A_151] : memref<4096x12800xf32, #tpu.memory_space<hbm>> -> memref<1x12800xf32, #tpu.memory_space<hbm>>
    %dma_start3A_153 = tpu.memref_slice %arg6[%dma_start3A_150] : memref<4x!tpu.dma_semaphore, #tpu.memory_space<semaphore_mem>> -> memref<1x!tpu.dma_semaphore, #tpu.memory_space<semaphore_mem>>
    %dma_start3A_154 = tpu.memref_squeeze %dma_start3A_153 : memref<1x!tpu.dma_semaphore, #tpu.memory_space<semaphore_mem>> -> memref<!tpu.dma_semaphore, #tpu.memory_space<semaphore_mem>>
    %dma_start3A_155 = arith.constant 0 : i32
    %dma_start3A_156 = tpu.memref_slice %arg3[%add3A_149, %dma_start3A_155] : memref<4096x12800xf32, #tpu.memory_space<hbm>> -> memref<1x12800xf32, #tpu.memory_space<hbm>>
    tpu.enqueue_dma source(%arg4 : memref<1x12800xf32, #tpu.memory_space<vmem>>) target(%dma_start3A_156 : memref<1x12800xf32, #tpu.memory_space<hbm>>) target_semaphore(%dma_start3A_154 : memref<!tpu.dma_semaphore, #tpu.memory_space<semaphore_mem>>)
    %add3A_157 = arith.constant 16 : i32
    %add3A_158 = arith.addi %mul3A_2, %add3A_157 : i32
    %dma_start3A_159 = arith.constant 0 : i32
    %dma_start3A_160 = arith.constant 0 : i32
    %dma_start3A_161 = tpu.memref_slice %arg3[%add3A_158, %dma_start3A_160] : memref<4096x12800xf32, #tpu.memory_space<hbm>> -> memref<1x12800xf32, #tpu.memory_space<hbm>>
    %dma_start3A_162 = tpu.memref_slice %arg6[%dma_start3A_159] : memref<4x!tpu.dma_semaphore, #tpu.memory_space<semaphore_mem>> -> memref<1x!tpu.dma_semaphore, #tpu.memory_space<semaphore_mem>>
    %dma_start3A_163 = tpu.memref_squeeze %dma_start3A_162 : memref<1x!tpu.dma_semaphore, #tpu.memory_space<semaphore_mem>> -> memref<!tpu.dma_semaphore, #tpu.memory_space<semaphore_mem>>
    %dma_start3A_164 = arith.constant 0 : i32
    %dma_start3A_165 = tpu.memref_slice %arg3[%add3A_158, %dma_start3A_164] : memref<4096x12800xf32, #tpu.memory_space<hbm>> -> memref<1x12800xf32, #tpu.memory_space<hbm>>
    tpu.enqueue_dma source(%arg4 : memref<1x12800xf32, #tpu.memory_space<vmem>>) target(%dma_start3A_165 : memref<1x12800xf32, #tpu.memory_space<hbm>>) target_semaphore(%dma_start3A_163 : memref<!tpu.dma_semaphore, #tpu.memory_space<semaphore_mem>>)
    %add3A_166 = arith.constant 17 : i32
    %add3A_167 = arith.addi %mul3A_2, %add3A_166 : i32
    %dma_start3A_168 = arith.constant 1 : i32
    %dma_start3A_169 = arith.constant 0 : i32
    %dma_start3A_170 = tpu.memref_slice %arg3[%add3A_167, %dma_start3A_169] : memref<4096x12800xf32, #tpu.memory_space<hbm>> -> memref<1x12800xf32, #tpu.memory_space<hbm>>
    %dma_start3A_171 = tpu.memref_slice %arg6[%dma_start3A_168] : memref<4x!tpu.dma_semaphore, #tpu.memory_space<semaphore_mem>> -> memref<1x!tpu.dma_semaphore, #tpu.memory_space<semaphore_mem>>
    %dma_start3A_172 = tpu.memref_squeeze %dma_start3A_171 : memref<1x!tpu.dma_semaphore, #tpu.memory_space<semaphore_mem>> -> memref<!tpu.dma_semaphore, #tpu.memory_space<semaphore_mem>>
    %dma_start3A_173 = arith.constant 0 : i32
    %dma_start3A_174 = tpu.memref_slice %arg3[%add3A_167, %dma_start3A_173] : memref<4096x12800xf32, #tpu.memory_space<hbm>> -> memref<1x12800xf32, #tpu.memory_space<hbm>>
    tpu.enqueue_dma source(%arg4 : memref<1x12800xf32, #tpu.memory_space<vmem>>) target(%dma_start3A_174 : memref<1x12800xf32, #tpu.memory_space<hbm>>) target_semaphore(%dma_start3A_172 : memref<!tpu.dma_semaphore, #tpu.memory_space<semaphore_mem>>)
    %add3A_175 = arith.constant 18 : i32
    %add3A_176 = arith.addi %mul3A_2, %add3A_175 : i32
    %dma_start3A_177 = arith.constant 2 : i32
    %dma_start3A_178 = arith.constant 0 : i32
    %dma_start3A_179 = tpu.memref_slice %arg3[%add3A_176, %dma_start3A_178] : memref<4096x12800xf32, #tpu.memory_space<hbm>> -> memref<1x12800xf32, #tpu.memory_space<hbm>>
    %dma_start3A_180 = tpu.memref_slice %arg6[%dma_start3A_177] : memref<4x!tpu.dma_semaphore, #tpu.memory_space<semaphore_mem>> -> memref<1x!tpu.dma_semaphore, #tpu.memory_space<semaphore_mem>>
    %dma_start3A_181 = tpu.memref_squeeze %dma_start3A_180 : memref<1x!tpu.dma_semaphore, #tpu.memory_space<semaphore_mem>> -> memref<!tpu.dma_semaphore, #tpu.memory_space<semaphore_mem>>
    %dma_start3A_182 = arith.constant 0 : i32
    %dma_start3A_183 = tpu.memref_slice %arg3[%add3A_176, %dma_start3A_182] : memref<4096x12800xf32, #tpu.memory_space<hbm>> -> memref<1x12800xf32, #tpu.memory_space<hbm>>
    tpu.enqueue_dma source(%arg4 : memref<1x12800xf32, #tpu.memory_space<vmem>>) target(%dma_start3A_183 : memref<1x12800xf32, #tpu.memory_space<hbm>>) target_semaphore(%dma_start3A_181 : memref<!tpu.dma_semaphore, #tpu.memory_space<semaphore_mem>>)
    %add3A_184 = arith.constant 19 : i32
    %add3A_185 = arith.addi %mul3A_2, %add3A_184 : i32
    %dma_start3A_186 = arith.constant 3 : i32
    %dma_start3A_187 = arith.constant 0 : i32
    %dma_start3A_188 = tpu.memref_slice %arg3[%add3A_185, %dma_start3A_187] : memref<4096x12800xf32, #tpu.memory_space<hbm>> -> memref<1x12800xf32, #tpu.memory_space<hbm>>
    %dma_start3A_189 = tpu.memref_slice %arg6[%dma_start3A_186] : memref<4x!tpu.dma_semaphore, #tpu.memory_space<semaphore_mem>> -> memref<1x!tpu.dma_semaphore, #tpu.memory_space<semaphore_mem>>
    %dma_start3A_190 = tpu.memref_squeeze %dma_start3A_189 : memref<1x!tpu.dma_semaphore, #tpu.memory_space<semaphore_mem>> -> memref<!tpu.dma_semaphore, #tpu.memory_space<semaphore_mem>>
    %dma_start3A_191 = arith.constant 0 : i32
    %dma_start3A_192 = tpu.memref_slice %arg3[%add3A_185, %dma_start3A_191] : memref<4096x12800xf32, #tpu.memory_space<hbm>> -> memref<1x12800xf32, #tpu.memory_space<hbm>>
    tpu.enqueue_dma source(%arg4 : memref<1x12800xf32, #tpu.memory_space<vmem>>) target(%dma_start3A_192 : memref<1x12800xf32, #tpu.memory_space<hbm>>) target_semaphore(%dma_start3A_190 : memref<!tpu.dma_semaphore, #tpu.memory_space<semaphore_mem>>)
    %add3A_193 = arith.constant 20 : i32
    %add3A_194 = arith.addi %mul3A_2, %add3A_193 : i32
    %dma_start3A_195 = arith.constant 0 : i32
    %dma_start3A_196 = arith.constant 0 : i32
    %dma_start3A_197 = tpu.memref_slice %arg3[%add3A_194, %dma_start3A_196] : memref<4096x12800xf32, #tpu.memory_space<hbm>> -> memref<1x12800xf32, #tpu.memory_space<hbm>>
    %dma_start3A_198 = tpu.memref_slice %arg6[%dma_start3A_195] : memref<4x!tpu.dma_semaphore, #tpu.memory_space<semaphore_mem>> -> memref<1x!tpu.dma_semaphore, #tpu.memory_space<semaphore_mem>>
    %dma_start3A_199 = tpu.memref_squeeze %dma_start3A_198 : memref<1x!tpu.dma_semaphore, #tpu.memory_space<semaphore_mem>> -> memref<!tpu.dma_semaphore, #tpu.memory_space<semaphore_mem>>
    %dma_start3A_200 = arith.constant 0 : i32
    %dma_start3A_201 = tpu.memref_slice %arg3[%add3A_194, %dma_start3A_200] : memref<4096x12800xf32, #tpu.memory_space<hbm>> -> memref<1x12800xf32, #tpu.memory_space<hbm>>
    tpu.enqueue_dma source(%arg4 : memref<1x12800xf32, #tpu.memory_space<vmem>>) target(%dma_start3A_201 : memref<1x12800xf32, #tpu.memory_space<hbm>>) target_semaphore(%dma_start3A_199 : memref<!tpu.dma_semaphore, #tpu.memory_space<semaphore_mem>>)
    %add3A_202 = arith.constant 21 : i32
    %add3A_203 = arith.addi %mul3A_2, %add3A_202 : i32
    %dma_start3A_204 = arith.constant 1 : i32
    %dma_start3A_205 = arith.constant 0 : i32
    %dma_start3A_206 = tpu.memref_slice %arg3[%add3A_203, %dma_start3A_205] : memref<4096x12800xf32, #tpu.memory_space<hbm>> -> memref<1x12800xf32, #tpu.memory_space<hbm>>
    %dma_start3A_207 = tpu.memref_slice %arg6[%dma_start3A_204] : memref<4x!tpu.dma_semaphore, #tpu.memory_space<semaphore_mem>> -> memref<1x!tpu.dma_semaphore, #tpu.memory_space<semaphore_mem>>
    %dma_start3A_208 = tpu.memref_squeeze %dma_start3A_207 : memref<1x!tpu.dma_semaphore, #tpu.memory_space<semaphore_mem>> -> memref<!tpu.dma_semaphore, #tpu.memory_space<semaphore_mem>>
    %dma_start3A_209 = arith.constant 0 : i32
    %dma_start3A_210 = tpu.memref_slice %arg3[%add3A_203, %dma_start3A_209] : memref<4096x12800xf32, #tpu.memory_space<hbm>> -> memref<1x12800xf32, #tpu.memory_space<hbm>>
    tpu.enqueue_dma source(%arg4 : memref<1x12800xf32, #tpu.memory_space<vmem>>) target(%dma_start3A_210 : memref<1x12800xf32, #tpu.memory_space<hbm>>) target_semaphore(%dma_start3A_208 : memref<!tpu.dma_semaphore, #tpu.memory_space<semaphore_mem>>)
    %add3A_211 = arith.constant 22 : i32
    %add3A_212 = arith.addi %mul3A_2, %add3A_211 : i32
    %dma_start3A_213 = arith.constant 2 : i32
    %dma_start3A_214 = arith.constant 0 : i32
    %dma_start3A_215 = tpu.memref_slice %arg3[%add3A_212, %dma_start3A_214] : memref<4096x12800xf32, #tpu.memory_space<hbm>> -> memref<1x12800xf32, #tpu.memory_space<hbm>>
    %dma_start3A_216 = tpu.memref_slice %arg6[%dma_start3A_213] : memref<4x!tpu.dma_semaphore, #tpu.memory_space<semaphore_mem>> -> memref<1x!tpu.dma_semaphore, #tpu.memory_space<semaphore_mem>>
    %dma_start3A_217 = tpu.memref_squeeze %dma_start3A_216 : memref<1x!tpu.dma_semaphore, #tpu.memory_space<semaphore_mem>> -> memref<!tpu.dma_semaphore, #tpu.memory_space<semaphore_mem>>
    %dma_start3A_218 = arith.constant 0 : i32
    %dma_start3A_219 = tpu.memref_slice %arg3[%add3A_212, %dma_start3A_218] : memref<4096x12800xf32, #tpu.memory_space<hbm>> -> memref<1x12800xf32, #tpu.memory_space<hbm>>
    tpu.enqueue_dma source(%arg4 : memref<1x12800xf32, #tpu.memory_space<vmem>>) target(%dma_start3A_219 : memref<1x12800xf32, #tpu.memory_space<hbm>>) target_semaphore(%dma_start3A_217 : memref<!tpu.dma_semaphore, #tpu.memory_space<semaphore_mem>>)
    %add3A_220 = arith.constant 23 : i32
    %add3A_221 = arith.addi %mul3A_2, %add3A_220 : i32
    %dma_start3A_222 = arith.constant 3 : i32
    %dma_start3A_223 = arith.constant 0 : i32
    %dma_start3A_224 = tpu.memref_slice %arg3[%add3A_221, %dma_start3A_223] : memref<4096x12800xf32, #tpu.memory_space<hbm>> -> memref<1x12800xf32, #tpu.memory_space<hbm>>
    %dma_start3A_225 = tpu.memref_slice %arg6[%dma_start3A_222] : memref<4x!tpu.dma_semaphore, #tpu.memory_space<semaphore_mem>> -> memref<1x!tpu.dma_semaphore, #tpu.memory_space<semaphore_mem>>
    %dma_start3A_226 = tpu.memref_squeeze %dma_start3A_225 : memref<1x!tpu.dma_semaphore, #tpu.memory_space<semaphore_mem>> -> memref<!tpu.dma_semaphore, #tpu.memory_space<semaphore_mem>>
    %dma_start3A_227 = arith.constant 0 : i32
    %dma_start3A_228 = tpu.memref_slice %arg3[%add3A_221, %dma_start3A_227] : memref<4096x12800xf32, #tpu.memory_space<hbm>> -> memref<1x12800xf32, #tpu.memory_space<hbm>>
    tpu.enqueue_dma source(%arg4 : memref<1x12800xf32, #tpu.memory_space<vmem>>) target(%dma_start3A_228 : memref<1x12800xf32, #tpu.memory_space<hbm>>) target_semaphore(%dma_start3A_226 : memref<!tpu.dma_semaphore, #tpu.memory_space<semaphore_mem>>)
    %add3A_229 = arith.constant 24 : i32
    %add3A_230 = arith.addi %mul3A_2, %add3A_229 : i32
    %dma_start3A_231 = arith.constant 0 : i32
    %dma_start3A_232 = arith.constant 0 : i32
    %dma_start3A_233 = tpu.memref_slice %arg3[%add3A_230, %dma_start3A_232] : memref<4096x12800xf32, #tpu.memory_space<hbm>> -> memref<1x12800xf32, #tpu.memory_space<hbm>>
    %dma_start3A_234 = tpu.memref_slice %arg6[%dma_start3A_231] : memref<4x!tpu.dma_semaphore, #tpu.memory_space<semaphore_mem>> -> memref<1x!tpu.dma_semaphore, #tpu.memory_space<semaphore_mem>>
    %dma_start3A_235 = tpu.memref_squeeze %dma_start3A_234 : memref<1x!tpu.dma_semaphore, #tpu.memory_space<semaphore_mem>> -> memref<!tpu.dma_semaphore, #tpu.memory_space<semaphore_mem>>
    %dma_start3A_236 = arith.constant 0 : i32
    %dma_start3A_237 = tpu.memref_slice %arg3[%add3A_230, %dma_start3A_236] : memref<4096x12800xf32, #tpu.memory_space<hbm>> -> memref<1x12800xf32, #tpu.memory_space<hbm>>
    tpu.enqueue_dma source(%arg4 : memref<1x12800xf32, #tpu.memory_space<vmem>>) target(%dma_start3A_237 : memref<1x12800xf32, #tpu.memory_space<hbm>>) target_semaphore(%dma_start3A_235 : memref<!tpu.dma_semaphore, #tpu.memory_space<semaphore_mem>>)
    %add3A_238 = arith.constant 25 : i32
    %add3A_239 = arith.addi %mul3A_2, %add3A_238 : i32
    %dma_start3A_240 = arith.constant 1 : i32
    %dma_start3A_241 = arith.constant 0 : i32
    %dma_start3A_242 = tpu.memref_slice %arg3[%add3A_239, %dma_start3A_241] : memref<4096x12800xf32, #tpu.memory_space<hbm>> -> memref<1x12800xf32, #tpu.memory_space<hbm>>
    %dma_start3A_243 = tpu.memref_slice %arg6[%dma_start3A_240] : memref<4x!tpu.dma_semaphore, #tpu.memory_space<semaphore_mem>> -> memref<1x!tpu.dma_semaphore, #tpu.memory_space<semaphore_mem>>
    %dma_start3A_244 = tpu.memref_squeeze %dma_start3A_243 : memref<1x!tpu.dma_semaphore, #tpu.memory_space<semaphore_mem>> -> memref<!tpu.dma_semaphore, #tpu.memory_space<semaphore_mem>>
    %dma_start3A_245 = arith.constant 0 : i32
    %dma_start3A_246 = tpu.memref_slice %arg3[%add3A_239, %dma_start3A_245] : memref<4096x12800xf32, #tpu.memory_space<hbm>> -> memref<1x12800xf32, #tpu.memory_space<hbm>>
    tpu.enqueue_dma source(%arg4 : memref<1x12800xf32, #tpu.memory_space<vmem>>) target(%dma_start3A_246 : memref<1x12800xf32, #tpu.memory_space<hbm>>) target_semaphore(%dma_start3A_244 : memref<!tpu.dma_semaphore, #tpu.memory_space<semaphore_mem>>)
    %add3A_247 = arith.constant 26 : i32
    %add3A_248 = arith.addi %mul3A_2, %add3A_247 : i32
    %dma_start3A_249 = arith.constant 2 : i32
    %dma_start3A_250 = arith.constant 0 : i32
    %dma_start3A_251 = tpu.memref_slice %arg3[%add3A_248, %dma_start3A_250] : memref<4096x12800xf32, #tpu.memory_space<hbm>> -> memref<1x12800xf32, #tpu.memory_space<hbm>>
    %dma_start3A_252 = tpu.memref_slice %arg6[%dma_start3A_249] : memref<4x!tpu.dma_semaphore, #tpu.memory_space<semaphore_mem>> -> memref<1x!tpu.dma_semaphore, #tpu.memory_space<semaphore_mem>>
    %dma_start3A_253 = tpu.memref_squeeze %dma_start3A_252 : memref<1x!tpu.dma_semaphore, #tpu.memory_space<semaphore_mem>> -> memref<!tpu.dma_semaphore, #tpu.memory_space<semaphore_mem>>
    %dma_start3A_254 = arith.constant 0 : i32
    %dma_start3A_255 = tpu.memref_slice %arg3[%add3A_248, %dma_start3A_254] : memref<4096x12800xf32, #tpu.memory_space<hbm>> -> memref<1x12800xf32, #tpu.memory_space<hbm>>
    tpu.enqueue_dma source(%arg4 : memref<1x12800xf32, #tpu.memory_space<vmem>>) target(%dma_start3A_255 : memref<1x12800xf32, #tpu.memory_space<hbm>>) target_semaphore(%dma_start3A_253 : memref<!tpu.dma_semaphore, #tpu.memory_space<semaphore_mem>>)
    %add3A_256 = arith.constant 27 : i32
    %add3A_257 = arith.addi %mul3A_2, %add3A_256 : i32
    %dma_start3A_258 = arith.constant 3 : i32
    %dma_start3A_259 = arith.constant 0 : i32
    %dma_start3A_260 = tpu.memref_slice %arg3[%add3A_257, %dma_start3A_259] : memref<4096x12800xf32, #tpu.memory_space<hbm>> -> memref<1x12800xf32, #tpu.memory_space<hbm>>
    %dma_start3A_261 = tpu.memref_slice %arg6[%dma_start3A_258] : memref<4x!tpu.dma_semaphore, #tpu.memory_space<semaphore_mem>> -> memref<1x!tpu.dma_semaphore, #tpu.memory_space<semaphore_mem>>
    %dma_start3A_262 = tpu.memref_squeeze %dma_start3A_261 : memref<1x!tpu.dma_semaphore, #tpu.memory_space<semaphore_mem>> -> memref<!tpu.dma_semaphore, #tpu.memory_space<semaphore_mem>>
    %dma_start3A_263 = arith.constant 0 : i32
    %dma_start3A_264 = tpu.memref_slice %arg3[%add3A_257, %dma_start3A_263] : memref<4096x12800xf32, #tpu.memory_space<hbm>> -> memref<1x12800xf32, #tpu.memory_space<hbm>>
    tpu.enqueue_dma source(%arg4 : memref<1x12800xf32, #tpu.memory_space<vmem>>) target(%dma_start3A_264 : memref<1x12800xf32, #tpu.memory_space<hbm>>) target_semaphore(%dma_start3A_262 : memref<!tpu.dma_semaphore, #tpu.memory_space<semaphore_mem>>)
    %add3A_265 = arith.constant 28 : i32
    %add3A_266 = arith.addi %mul3A_2, %add3A_265 : i32
    %dma_start3A_267 = arith.constant 0 : i32
    %dma_start3A_268 = arith.constant 0 : i32
    %dma_start3A_269 = tpu.memref_slice %arg3[%add3A_266, %dma_start3A_268] : memref<4096x12800xf32, #tpu.memory_space<hbm>> -> memref<1x12800xf32, #tpu.memory_space<hbm>>
    %dma_start3A_270 = tpu.memref_slice %arg6[%dma_start3A_267] : memref<4x!tpu.dma_semaphore, #tpu.memory_space<semaphore_mem>> -> memref<1x!tpu.dma_semaphore, #tpu.memory_space<semaphore_mem>>
    %dma_start3A_271 = tpu.memref_squeeze %dma_start3A_270 : memref<1x!tpu.dma_semaphore, #tpu.memory_space<semaphore_mem>> -> memref<!tpu.dma_semaphore, #tpu.memory_space<semaphore_mem>>
    %dma_start3A_272 = arith.constant 0 : i32
    %dma_start3A_273 = tpu.memref_slice %arg3[%add3A_266, %dma_start3A_272] : memref<4096x12800xf32, #tpu.memory_space<hbm>> -> memref<1x12800xf32, #tpu.memory_space<hbm>>
    tpu.enqueue_dma source(%arg4 : memref<1x12800xf32, #tpu.memory_space<vmem>>) target(%dma_start3A_273 : memref<1x12800xf32, #tpu.memory_space<hbm>>) target_semaphore(%dma_start3A_271 : memref<!tpu.dma_semaphore, #tpu.memory_space<semaphore_mem>>)
    %add3A_274 = arith.constant 29 : i32
    %add3A_275 = arith.addi %mul3A_2, %add3A_274 : i32
    %dma_start3A_276 = arith.constant 1 : i32
    %dma_start3A_277 = arith.constant 0 : i32
    %dma_start3A_278 = tpu.memref_slice %arg3[%add3A_275, %dma_start3A_277] : memref<4096x12800xf32, #tpu.memory_space<hbm>> -> memref<1x12800xf32, #tpu.memory_space<hbm>>
    %dma_start3A_279 = tpu.memref_slice %arg6[%dma_start3A_276] : memref<4x!tpu.dma_semaphore, #tpu.memory_space<semaphore_mem>> -> memref<1x!tpu.dma_semaphore, #tpu.memory_space<semaphore_mem>>
    %dma_start3A_280 = tpu.memref_squeeze %dma_start3A_279 : memref<1x!tpu.dma_semaphore, #tpu.memory_space<semaphore_mem>> -> memref<!tpu.dma_semaphore, #tpu.memory_space<semaphore_mem>>
    %dma_start3A_281 = arith.constant 0 : i32
    %dma_start3A_282 = tpu.memref_slice %arg3[%add3A_275, %dma_start3A_281] : memref<4096x12800xf32, #tpu.memory_space<hbm>> -> memref<1x12800xf32, #tpu.memory_space<hbm>>
    tpu.enqueue_dma source(%arg4 : memref<1x12800xf32, #tpu.memory_space<vmem>>) target(%dma_start3A_282 : memref<1x12800xf32, #tpu.memory_space<hbm>>) target_semaphore(%dma_start3A_280 : memref<!tpu.dma_semaphore, #tpu.memory_space<semaphore_mem>>)
    %add3A_283 = arith.constant 30 : i32
    %add3A_284 = arith.addi %mul3A_2, %add3A_283 : i32
    %dma_start3A_285 = arith.constant 2 : i32
    %dma_start3A_286 = arith.constant 0 : i32
    %dma_start3A_287 = tpu.memref_slice %arg3[%add3A_284, %dma_start3A_286] : memref<4096x12800xf32, #tpu.memory_space<hbm>> -> memref<1x12800xf32, #tpu.memory_space<hbm>>
    %dma_start3A_288 = tpu.memref_slice %arg6[%dma_start3A_285] : memref<4x!tpu.dma_semaphore, #tpu.memory_space<semaphore_mem>> -> memref<1x!tpu.dma_semaphore, #tpu.memory_space<semaphore_mem>>
    %dma_start3A_289 = tpu.memref_squeeze %dma_start3A_288 : memref<1x!tpu.dma_semaphore, #tpu.memory_space<semaphore_mem>> -> memref<!tpu.dma_semaphore, #tpu.memory_space<semaphore_mem>>
    %dma_start3A_290 = arith.constant 0 : i32
    %dma_start3A_291 = tpu.memref_slice %arg3[%add3A_284, %dma_start3A_290] : memref<4096x12800xf32, #tpu.memory_space<hbm>> -> memref<1x12800xf32, #tpu.memory_space<hbm>>
    tpu.enqueue_dma source(%arg4 : memref<1x12800xf32, #tpu.memory_space<vmem>>) target(%dma_start3A_291 : memref<1x12800xf32, #tpu.memory_space<hbm>>) target_semaphore(%dma_start3A_289 : memref<!tpu.dma_semaphore, #tpu.memory_space<semaphore_mem>>)
    %add3A_292 = arith.constant 31 : i32
    %add3A_293 = arith.addi %mul3A_2, %add3A_292 : i32
    %dma_start3A_294 = arith.constant 3 : i32
    %dma_start3A_295 = arith.constant 0 : i32
    %dma_start3A_296 = tpu.memref_slice %arg3[%add3A_293, %dma_start3A_295] : memref<4096x12800xf32, #tpu.memory_space<hbm>> -> memref<1x12800xf32, #tpu.memory_space<hbm>>
    %dma_start3A_297 = tpu.memref_slice %arg6[%dma_start3A_294] : memref<4x!tpu.dma_semaphore, #tpu.memory_space<semaphore_mem>> -> memref<1x!tpu.dma_semaphore, #tpu.memory_space<semaphore_mem>>
    %dma_start3A_298 = tpu.memref_squeeze %dma_start3A_297 : memref<1x!tpu.dma_semaphore, #tpu.memory_space<semaphore_mem>> -> memref<!tpu.dma_semaphore, #tpu.memory_space<semaphore_mem>>
    %dma_start3A_299 = arith.constant 0 : i32
    %dma_start3A_300 = tpu.memref_slice %arg3[%add3A_293, %dma_start3A_299] : memref<4096x12800xf32, #tpu.memory_space<hbm>> -> memref<1x12800xf32, #tpu.memory_space<hbm>>
    tpu.enqueue_dma source(%arg4 : memref<1x12800xf32, #tpu.memory_space<vmem>>) target(%dma_start3A_300 : memref<1x12800xf32, #tpu.memory_space<hbm>>) target_semaphore(%dma_start3A_298 : memref<!tpu.dma_semaphore, #tpu.memory_space<semaphore_mem>>)
    %add3A_301 = arith.constant 32 : i32
    %add3A_302 = arith.addi %mul3A_2, %add3A_301 : i32
    %dma_start3A_303 = arith.constant 0 : i32
    %dma_start3A_304 = arith.constant 0 : i32
    %dma_start3A_305 = tpu.memref_slice %arg3[%add3A_302, %dma_start3A_304] : memref<4096x12800xf32, #tpu.memory_space<hbm>> -> memref<1x12800xf32, #tpu.memory_space<hbm>>
    %dma_start3A_306 = tpu.memref_slice %arg6[%dma_start3A_303] : memref<4x!tpu.dma_semaphore, #tpu.memory_space<semaphore_mem>> -> memref<1x!tpu.dma_semaphore, #tpu.memory_space<semaphore_mem>>
    %dma_start3A_307 = tpu.memref_squeeze %dma_start3A_306 : memref<1x!tpu.dma_semaphore, #tpu.memory_space<semaphore_mem>> -> memref<!tpu.dma_semaphore, #tpu.memory_space<semaphore_mem>>
    %dma_start3A_308 = arith.constant 0 : i32
    %dma_start3A_309 = tpu.memref_slice %arg3[%add3A_302, %dma_start3A_308] : memref<4096x12800xf32, #tpu.memory_space<hbm>> -> memref<1x12800xf32, #tpu.memory_space<hbm>>
    tpu.enqueue_dma source(%arg4 : memref<1x12800xf32, #tpu.memory_space<vmem>>) target(%dma_start3A_309 : memref<1x12800xf32, #tpu.memory_space<hbm>>) target_semaphore(%dma_start3A_307 : memref<!tpu.dma_semaphore, #tpu.memory_space<semaphore_mem>>)
    %add3A_310 = arith.constant 33 : i32
    %add3A_311 = arith.addi %mul3A_2, %add3A_310 : i32
    %dma_start3A_312 = arith.constant 1 : i32
    %dma_start3A_313 = arith.constant 0 : i32
    %dma_start3A_314 = tpu.memref_slice %arg3[%add3A_311, %dma_start3A_313] : memref<4096x12800xf32, #tpu.memory_space<hbm>> -> memref<1x12800xf32, #tpu.memory_space<hbm>>
    %dma_start3A_315 = tpu.memref_slice %arg6[%dma_start3A_312] : memref<4x!tpu.dma_semaphore, #tpu.memory_space<semaphore_mem>> -> memref<1x!tpu.dma_semaphore, #tpu.memory_space<semaphore_mem>>
    %dma_start3A_316 = tpu.memref_squeeze %dma_start3A_315 : memref<1x!tpu.dma_semaphore, #tpu.memory_space<semaphore_mem>> -> memref<!tpu.dma_semaphore, #tpu.memory_space<semaphore_mem>>
    %dma_start3A_317 = arith.constant 0 : i32
    %dma_start3A_318 = tpu.memref_slice %arg3[%add3A_311, %dma_start3A_317] : memref<4096x12800xf32, #tpu.memory_space<hbm>> -> memref<1x12800xf32, #tpu.memory_space<hbm>>
    tpu.enqueue_dma source(%arg4 : memref<1x12800xf32, #tpu.memory_space<vmem>>) target(%dma_start3A_318 : memref<1x12800xf32, #tpu.memory_space<hbm>>) target_semaphore(%dma_start3A_316 : memref<!tpu.dma_semaphore, #tpu.memory_space<semaphore_mem>>)
    %add3A_319 = arith.constant 34 : i32
    %add3A_320 = arith.addi %mul3A_2, %add3A_319 : i32
    %dma_start3A_321 = arith.constant 2 : i32
    %dma_start3A_322 = arith.constant 0 : i32
    %dma_start3A_323 = tpu.memref_slice %arg3[%add3A_320, %dma_start3A_322] : memref<4096x12800xf32, #tpu.memory_space<hbm>> -> memref<1x12800xf32, #tpu.memory_space<hbm>>
    %dma_start3A_324 = tpu.memref_slice %arg6[%dma_start3A_321] : memref<4x!tpu.dma_semaphore, #tpu.memory_space<semaphore_mem>> -> memref<1x!tpu.dma_semaphore, #tpu.memory_space<semaphore_mem>>
    %dma_start3A_325 = tpu.memref_squeeze %dma_start3A_324 : memref<1x!tpu.dma_semaphore, #tpu.memory_space<semaphore_mem>> -> memref<!tpu.dma_semaphore, #tpu.memory_space<semaphore_mem>>
    %dma_start3A_326 = arith.constant 0 : i32
    %dma_start3A_327 = tpu.memref_slice %arg3[%add3A_320, %dma_start3A_326] : memref<4096x12800xf32, #tpu.memory_space<hbm>> -> memref<1x12800xf32, #tpu.memory_space<hbm>>
    tpu.enqueue_dma source(%arg4 : memref<1x12800xf32, #tpu.memory_space<vmem>>) target(%dma_start3A_327 : memref<1x12800xf32, #tpu.memory_space<hbm>>) target_semaphore(%dma_start3A_325 : memref<!tpu.dma_semaphore, #tpu.memory_space<semaphore_mem>>)
    %add3A_328 = arith.constant 35 : i32
    %add3A_329 = arith.addi %mul3A_2, %add3A_328 : i32
    %dma_start3A_330 = arith.constant 3 : i32
    %dma_start3A_331 = arith.constant 0 : i32
    %dma_start3A_332 = tpu.memref_slice %arg3[%add3A_329, %dma_start3A_331] : memref<4096x12800xf32, #tpu.memory_space<hbm>> -> memref<1x12800xf32, #tpu.memory_space<hbm>>
    %dma_start3A_333 = tpu.memref_slice %arg6[%dma_start3A_330] : memref<4x!tpu.dma_semaphore, #tpu.memory_space<semaphore_mem>> -> memref<1x!tpu.dma_semaphore, #tpu.memory_space<semaphore_mem>>
    %dma_start3A_334 = tpu.memref_squeeze %dma_start3A_333 : memref<1x!tpu.dma_semaphore, #tpu.memory_space<semaphore_mem>> -> memref<!tpu.dma_semaphore, #tpu.memory_space<semaphore_mem>>
    %dma_start3A_335 = arith.constant 0 : i32
    %dma_start3A_336 = tpu.memref_slice %arg3[%add3A_329, %dma_start3A_335] : memref<4096x12800xf32, #tpu.memory_space<hbm>> -> memref<1x12800xf32, #tpu.memory_space<hbm>>
    tpu.enqueue_dma source(%arg4 : memref<1x12800xf32, #tpu.memory_space<vmem>>) target(%dma_start3A_336 : memref<1x12800xf32, #tpu.memory_space<hbm>>) target_semaphore(%dma_start3A_334 : memref<!tpu.dma_semaphore, #tpu.memory_space<semaphore_mem>>)
    %add3A_337 = arith.constant 36 : i32
    %add3A_338 = arith.addi %mul3A_2, %add3A_337 : i32
    %dma_start3A_339 = arith.constant 0 : i32
    %dma_start3A_340 = arith.constant 0 : i32
    %dma_start3A_341 = tpu.memref_slice %arg3[%add3A_338, %dma_start3A_340] : memref<4096x12800xf32, #tpu.memory_space<hbm>> -> memref<1x12800xf32, #tpu.memory_space<hbm>>
    %dma_start3A_342 = tpu.memref_slice %arg6[%dma_start3A_339] : memref<4x!tpu.dma_semaphore, #tpu.memory_space<semaphore_mem>> -> memref<1x!tpu.dma_semaphore, #tpu.memory_space<semaphore_mem>>
    %dma_start3A_343 = tpu.memref_squeeze %dma_start3A_342 : memref<1x!tpu.dma_semaphore, #tpu.memory_space<semaphore_mem>> -> memref<!tpu.dma_semaphore, #tpu.memory_space<semaphore_mem>>
    %dma_start3A_344 = arith.constant 0 : i32
    %dma_start3A_345 = tpu.memref_slice %arg3[%add3A_338, %dma_start3A_344] : memref<4096x12800xf32, #tpu.memory_space<hbm>> -> memref<1x12800xf32, #tpu.memory_space<hbm>>
    tpu.enqueue_dma source(%arg4 : memref<1x12800xf32, #tpu.memory_space<vmem>>) target(%dma_start3A_345 : memref<1x12800xf32, #tpu.memory_space<hbm>>) target_semaphore(%dma_start3A_343 : memref<!tpu.dma_semaphore, #tpu.memory_space<semaphore_mem>>)
    %add3A_346 = arith.constant 37 : i32
    %add3A_347 = arith.addi %mul3A_2, %add3A_346 : i32
    %dma_start3A_348 = arith.constant 1 : i32
    %dma_start3A_349 = arith.constant 0 : i32
    %dma_start3A_350 = tpu.memref_slice %arg3[%add3A_347, %dma_start3A_349] : memref<4096x12800xf32, #tpu.memory_space<hbm>> -> memref<1x12800xf32, #tpu.memory_space<hbm>>
    %dma_start3A_351 = tpu.memref_slice %arg6[%dma_start3A_348] : memref<4x!tpu.dma_semaphore, #tpu.memory_space<semaphore_mem>> -> memref<1x!tpu.dma_semaphore, #tpu.memory_space<semaphore_mem>>
    %dma_start3A_352 = tpu.memref_squeeze %dma_start3A_351 : memref<1x!tpu.dma_semaphore, #tpu.memory_space<semaphore_mem>> -> memref<!tpu.dma_semaphore, #tpu.memory_space<semaphore_mem>>
    %dma_start3A_353 = arith.constant 0 : i32
    %dma_start3A_354 = tpu.memref_slice %arg3[%add3A_347, %dma_start3A_353] : memref<4096x12800xf32, #tpu.memory_space<hbm>> -> memref<1x12800xf32, #tpu.memory_space<hbm>>
    tpu.enqueue_dma source(%arg4 : memref<1x12800xf32, #tpu.memory_space<vmem>>) target(%dma_start3A_354 : memref<1x12800xf32, #tpu.memory_space<hbm>>) target_semaphore(%dma_start3A_352 : memref<!tpu.dma_semaphore, #tpu.memory_space<semaphore_mem>>)
    %add3A_355 = arith.constant 38 : i32
    %add3A_356 = arith.addi %mul3A_2, %add3A_355 : i32
    %dma_start3A_357 = arith.constant 2 : i32
    %dma_start3A_358 = arith.constant 0 : i32
    %dma_start3A_359 = tpu.memref_slice %arg3[%add3A_356, %dma_start3A_358] : memref<4096x12800xf32, #tpu.memory_space<hbm>> -> memref<1x12800xf32, #tpu.memory_space<hbm>>
    %dma_start3A_360 = tpu.memref_slice %arg6[%dma_start3A_357] : memref<4x!tpu.dma_semaphore, #tpu.memory_space<semaphore_mem>> -> memref<1x!tpu.dma_semaphore, #tpu.memory_space<semaphore_mem>>
    %dma_start3A_361 = tpu.memref_squeeze %dma_start3A_360 : memref<1x!tpu.dma_semaphore, #tpu.memory_space<semaphore_mem>> -> memref<!tpu.dma_semaphore, #tpu.memory_space<semaphore_mem>>
    %dma_start3A_362 = arith.constant 0 : i32
    %dma_start3A_363 = tpu.memref_slice %arg3[%add3A_356, %dma_start3A_362] : memref<4096x12800xf32, #tpu.memory_space<hbm>> -> memref<1x12800xf32, #tpu.memory_space<hbm>>
    tpu.enqueue_dma source(%arg4 : memref<1x12800xf32, #tpu.memory_space<vmem>>) target(%dma_start3A_363 : memref<1x12800xf32, #tpu.memory_space<hbm>>) target_semaphore(%dma_start3A_361 : memref<!tpu.dma_semaphore, #tpu.memory_space<semaphore_mem>>)
    %add3A_364 = arith.constant 39 : i32
    %add3A_365 = arith.addi %mul3A_2, %add3A_364 : i32
    %dma_start3A_366 = arith.constant 3 : i32
    %dma_start3A_367 = arith.constant 0 : i32
    %dma_start3A_368 = tpu.memref_slice %arg3[%add3A_365, %dma_start3A_367] : memref<4096x12800xf32, #tpu.memory_space<hbm>> -> memref<1x12800xf32, #tpu.memory_space<hbm>>
    %dma_start3A_369 = tpu.memref_slice %arg6[%dma_start3A_366] : memref<4x!tpu.dma_semaphore, #tpu.memory_space<semaphore_mem>> -> memref<1x!tpu.dma_semaphore, #tpu.memory_space<semaphore_mem>>
    %dma_start3A_370 = tpu.memref_squeeze %dma_start3A_369 : memref<1x!tpu.dma_semaphore, #tpu.memory_space<semaphore_mem>> -> memref<!tpu.dma_semaphore, #tpu.memory_space<semaphore_mem>>
    %dma_start3A_371 = arith.constant 0 : i32
    %dma_start3A_372 = tpu.memref_slice %arg3[%add3A_365, %dma_start3A_371] : memref<4096x12800xf32, #tpu.memory_space<hbm>> -> memref<1x12800xf32, #tpu.memory_space<hbm>>
    tpu.enqueue_dma source(%arg4 : memref<1x12800xf32, #tpu.memory_space<vmem>>) target(%dma_start3A_372 : memref<1x12800xf32, #tpu.memory_space<hbm>>) target_semaphore(%dma_start3A_370 : memref<!tpu.dma_semaphore, #tpu.memory_space<semaphore_mem>>)
    %add3A_373 = arith.constant 40 : i32
    %add3A_374 = arith.addi %mul3A_2, %add3A_373 : i32
    %dma_start3A_375 = arith.constant 0 : i32
    %dma_start3A_376 = arith.constant 0 : i32
    %dma_start3A_377 = tpu.memref_slice %arg3[%add3A_374, %dma_start3A_376] : memref<4096x12800xf32, #tpu.memory_space<hbm>> -> memref<1x12800xf32, #tpu.memory_space<hbm>>
    %dma_start3A_378 = tpu.memref_slice %arg6[%dma_start3A_375] : memref<4x!tpu.dma_semaphore, #tpu.memory_space<semaphore_mem>> -> memref<1x!tpu.dma_semaphore, #tpu.memory_space<semaphore_mem>>
    %dma_start3A_379 = tpu.memref_squeeze %dma_start3A_378 : memref<1x!tpu.dma_semaphore, #tpu.memory_space<semaphore_mem>> -> memref<!tpu.dma_semaphore, #tpu.memory_space<semaphore_mem>>
    %dma_start3A_380 = arith.constant 0 : i32
    %dma_start3A_381 = tpu.memref_slice %arg3[%add3A_374, %dma_start3A_380] : memref<4096x12800xf32, #tpu.memory_space<hbm>> -> memref<1x12800xf32, #tpu.memory_space<hbm>>
    tpu.enqueue_dma source(%arg4 : memref<1x12800xf32, #tpu.memory_space<vmem>>) target(%dma_start3A_381 : memref<1x12800xf32, #tpu.memory_space<hbm>>) target_semaphore(%dma_start3A_379 : memref<!tpu.dma_semaphore, #tpu.memory_space<semaphore_mem>>)
    %add3A_382 = arith.constant 41 : i32
    %add3A_383 = arith.addi %mul3A_2, %add3A_382 : i32
    %dma_start3A_384 = arith.constant 1 : i32
    %dma_start3A_385 = arith.constant 0 : i32
    %dma_start3A_386 = tpu.memref_slice %arg3[%add3A_383, %dma_start3A_385] : memref<4096x12800xf32, #tpu.memory_space<hbm>> -> memref<1x12800xf32, #tpu.memory_space<hbm>>
    %dma_start3A_387 = tpu.memref_slice %arg6[%dma_start3A_384] : memref<4x!tpu.dma_semaphore, #tpu.memory_space<semaphore_mem>> -> memref<1x!tpu.dma_semaphore, #tpu.memory_space<semaphore_mem>>
    %dma_start3A_388 = tpu.memref_squeeze %dma_start3A_387 : memref<1x!tpu.dma_semaphore, #tpu.memory_space<semaphore_mem>> -> memref<!tpu.dma_semaphore, #tpu.memory_space<semaphore_mem>>
    %dma_start3A_389 = arith.constant 0 : i32
    %dma_start3A_390 = tpu.memref_slice %arg3[%add3A_383, %dma_start3A_389] : memref<4096x12800xf32, #tpu.memory_space<hbm>> -> memref<1x12800xf32, #tpu.memory_space<hbm>>
    tpu.enqueue_dma source(%arg4 : memref<1x12800xf32, #tpu.memory_space<vmem>>) target(%dma_start3A_390 : memref<1x12800xf32, #tpu.memory_space<hbm>>) target_semaphore(%dma_start3A_388 : memref<!tpu.dma_semaphore, #tpu.memory_space<semaphore_mem>>)
    %add3A_391 = arith.constant 42 : i32
    %add3A_392 = arith.addi %mul3A_2, %add3A_391 : i32
    %dma_start3A_393 = arith.constant 2 : i32
    %dma_start3A_394 = arith.constant 0 : i32
    %dma_start3A_395 = tpu.memref_slice %arg3[%add3A_392, %dma_start3A_394] : memref<4096x12800xf32, #tpu.memory_space<hbm>> -> memref<1x12800xf32, #tpu.memory_space<hbm>>
    %dma_start3A_396 = tpu.memref_slice %arg6[%dma_start3A_393] : memref<4x!tpu.dma_semaphore, #tpu.memory_space<semaphore_mem>> -> memref<1x!tpu.dma_semaphore, #tpu.memory_space<semaphore_mem>>
    %dma_start3A_397 = tpu.memref_squeeze %dma_start3A_396 : memref<1x!tpu.dma_semaphore, #tpu.memory_space<semaphore_mem>> -> memref<!tpu.dma_semaphore, #tpu.memory_space<semaphore_mem>>
    %dma_start3A_398 = arith.constant 0 : i32
    %dma_start3A_399 = tpu.memref_slice %arg3[%add3A_392, %dma_start3A_398] : memref<4096x12800xf32, #tpu.memory_space<hbm>> -> memref<1x12800xf32, #tpu.memory_space<hbm>>
    tpu.enqueue_dma source(%arg4 : memref<1x12800xf32, #tpu.memory_space<vmem>>) target(%dma_start3A_399 : memref<1x12800xf32, #tpu.memory_space<hbm>>) target_semaphore(%dma_start3A_397 : memref<!tpu.dma_semaphore, #tpu.memory_space<semaphore_mem>>)
    %add3A_400 = arith.constant 43 : i32
    %add3A_401 = arith.addi %mul3A_2, %add3A_400 : i32
    %dma_start3A_402 = arith.constant 3 : i32
    %dma_start3A_403 = arith.constant 0 : i32
    %dma_start3A_404 = tpu.memref_slice %arg3[%add3A_401, %dma_start3A_403] : memref<4096x12800xf32, #tpu.memory_space<hbm>> -> memref<1x12800xf32, #tpu.memory_space<hbm>>
    %dma_start3A_405 = tpu.memref_slice %arg6[%dma_start3A_402] : memref<4x!tpu.dma_semaphore, #tpu.memory_space<semaphore_mem>> -> memref<1x!tpu.dma_semaphore, #tpu.memory_space<semaphore_mem>>
    %dma_start3A_406 = tpu.memref_squeeze %dma_start3A_405 : memref<1x!tpu.dma_semaphore, #tpu.memory_space<semaphore_mem>> -> memref<!tpu.dma_semaphore, #tpu.memory_space<semaphore_mem>>
    %dma_start3A_407 = arith.constant 0 : i32
    %dma_start3A_408 = tpu.memref_slice %arg3[%add3A_401, %dma_start3A_407] : memref<4096x12800xf32, #tpu.memory_space<hbm>> -> memref<1x12800xf32, #tpu.memory_space<hbm>>
    tpu.enqueue_dma source(%arg4 : memref<1x12800xf32, #tpu.memory_space<vmem>>) target(%dma_start3A_408 : memref<1x12800xf32, #tpu.memory_space<hbm>>) target_semaphore(%dma_start3A_406 : memref<!tpu.dma_semaphore, #tpu.memory_space<semaphore_mem>>)
    %add3A_409 = arith.constant 44 : i32
    %add3A_410 = arith.addi %mul3A_2, %add3A_409 : i32
    %dma_start3A_411 = arith.constant 0 : i32
    %dma_start3A_412 = arith.constant 0 : i32
    %dma_start3A_413 = tpu.memref_slice %arg3[%add3A_410, %dma_start3A_412] : memref<4096x12800xf32, #tpu.memory_space<hbm>> -> memref<1x12800xf32, #tpu.memory_space<hbm>>
    %dma_start3A_414 = tpu.memref_slice %arg6[%dma_start3A_411] : memref<4x!tpu.dma_semaphore, #tpu.memory_space<semaphore_mem>> -> memref<1x!tpu.dma_semaphore, #tpu.memory_space<semaphore_mem>>
    %dma_start3A_415 = tpu.memref_squeeze %dma_start3A_414 : memref<1x!tpu.dma_semaphore, #tpu.memory_space<semaphore_mem>> -> memref<!tpu.dma_semaphore, #tpu.memory_space<semaphore_mem>>
    %dma_start3A_416 = arith.constant 0 : i32
    %dma_start3A_417 = tpu.memref_slice %arg3[%add3A_410, %dma_start3A_416] : memref<4096x12800xf32, #tpu.memory_space<hbm>> -> memref<1x12800xf32, #tpu.memory_space<hbm>>
    tpu.enqueue_dma source(%arg4 : memref<1x12800xf32, #tpu.memory_space<vmem>>) target(%dma_start3A_417 : memref<1x12800xf32, #tpu.memory_space<hbm>>) target_semaphore(%dma_start3A_415 : memref<!tpu.dma_semaphore, #tpu.memory_space<semaphore_mem>>)
    %add3A_418 = arith.constant 45 : i32
    %add3A_419 = arith.addi %mul3A_2, %add3A_418 : i32
    %dma_start3A_420 = arith.constant 1 : i32
    %dma_start3A_421 = arith.constant 0 : i32
    %dma_start3A_422 = tpu.memref_slice %arg3[%add3A_419, %dma_start3A_421] : memref<4096x12800xf32, #tpu.memory_space<hbm>> -> memref<1x12800xf32, #tpu.memory_space<hbm>>
    %dma_start3A_423 = tpu.memref_slice %arg6[%dma_start3A_420] : memref<4x!tpu.dma_semaphore, #tpu.memory_space<semaphore_mem>> -> memref<1x!tpu.dma_semaphore, #tpu.memory_space<semaphore_mem>>
    %dma_start3A_424 = tpu.memref_squeeze %dma_start3A_423 : memref<1x!tpu.dma_semaphore, #tpu.memory_space<semaphore_mem>> -> memref<!tpu.dma_semaphore, #tpu.memory_space<semaphore_mem>>
    %dma_start3A_425 = arith.constant 0 : i32
    %dma_start3A_426 = tpu.memref_slice %arg3[%add3A_419, %dma_start3A_425] : memref<4096x12800xf32, #tpu.memory_space<hbm>> -> memref<1x12800xf32, #tpu.memory_space<hbm>>
    tpu.enqueue_dma source(%arg4 : memref<1x12800xf32, #tpu.memory_space<vmem>>) target(%dma_start3A_426 : memref<1x12800xf32, #tpu.memory_space<hbm>>) target_semaphore(%dma_start3A_424 : memref<!tpu.dma_semaphore, #tpu.memory_space<semaphore_mem>>)
    %add3A_427 = arith.constant 46 : i32
    %add3A_428 = arith.addi %mul3A_2, %add3A_427 : i32
    %dma_start3A_429 = arith.constant 2 : i32
    %dma_start3A_430 = arith.constant 0 : i32
    %dma_start3A_431 = tpu.memref_slice %arg3[%add3A_428, %dma_start3A_430] : memref<4096x12800xf32, #tpu.memory_space<hbm>> -> memref<1x12800xf32, #tpu.memory_space<hbm>>
    %dma_start3A_432 = tpu.memref_slice %arg6[%dma_start3A_429] : memref<4x!tpu.dma_semaphore, #tpu.memory_space<semaphore_mem>> -> memref<1x!tpu.dma_semaphore, #tpu.memory_space<semaphore_mem>>
    %dma_start3A_433 = tpu.memref_squeeze %dma_start3A_432 : memref<1x!tpu.dma_semaphore, #tpu.memory_space<semaphore_mem>> -> memref<!tpu.dma_semaphore, #tpu.memory_space<semaphore_mem>>
    %dma_start3A_434 = arith.constant 0 : i32
    %dma_start3A_435 = tpu.memref_slice %arg3[%add3A_428, %dma_start3A_434] : memref<4096x12800xf32, #tpu.memory_space<hbm>> -> memref<1x12800xf32, #tpu.memory_space<hbm>>
    tpu.enqueue_dma source(%arg4 : memref<1x12800xf32, #tpu.memory_space<vmem>>) target(%dma_start3A_435 : memref<1x12800xf32, #tpu.memory_space<hbm>>) target_semaphore(%dma_start3A_433 : memref<!tpu.dma_semaphore, #tpu.memory_space<semaphore_mem>>)
    %add3A_436 = arith.constant 47 : i32
    %add3A_437 = arith.addi %mul3A_2, %add3A_436 : i32
    %dma_start3A_438 = arith.constant 3 : i32
    %dma_start3A_439 = arith.constant 0 : i32
    %dma_start3A_440 = tpu.memref_slice %arg3[%add3A_437, %dma_start3A_439] : memref<4096x12800xf32, #tpu.memory_space<hbm>> -> memref<1x12800xf32, #tpu.memory_space<hbm>>
    %dma_start3A_441 = tpu.memref_slice %arg6[%dma_start3A_438] : memref<4x!tpu.dma_semaphore, #tpu.memory_space<semaphore_mem>> -> memref<1x!tpu.dma_semaphore, #tpu.memory_space<semaphore_mem>>
    %dma_start3A_442 = tpu.memref_squeeze %dma_start3A_441 : memref<1x!tpu.dma_semaphore, #tpu.memory_space<semaphore_mem>> -> memref<!tpu.dma_semaphore, #tpu.memory_space<semaphore_mem>>
    %dma_start3A_443 = arith.constant 0 : i32
    %dma_start3A_444 = tpu.memref_slice %arg3[%add3A_437, %dma_start3A_443] : memref<4096x12800xf32, #tpu.memory_space<hbm>> -> memref<1x12800xf32, #tpu.memory_space<hbm>>
    tpu.enqueue_dma source(%arg4 : memref<1x12800xf32, #tpu.memory_space<vmem>>) target(%dma_start3A_444 : memref<1x12800xf32, #tpu.memory_space<hbm>>) target_semaphore(%dma_start3A_442 : memref<!tpu.dma_semaphore, #tpu.memory_space<semaphore_mem>>)
    %add3A_445 = arith.constant 48 : i32
    %add3A_446 = arith.addi %mul3A_2, %add3A_445 : i32
    %dma_start3A_447 = arith.constant 0 : i32
    %dma_start3A_448 = arith.constant 0 : i32
    %dma_start3A_449 = tpu.memref_slice %arg3[%add3A_446, %dma_start3A_448] : memref<4096x12800xf32, #tpu.memory_space<hbm>> -> memref<1x12800xf32, #tpu.memory_space<hbm>>
    %dma_start3A_450 = tpu.memref_slice %arg6[%dma_start3A_447] : memref<4x!tpu.dma_semaphore, #tpu.memory_space<semaphore_mem>> -> memref<1x!tpu.dma_semaphore, #tpu.memory_space<semaphore_mem>>
    %dma_start3A_451 = tpu.memref_squeeze %dma_start3A_450 : memref<1x!tpu.dma_semaphore, #tpu.memory_space<semaphore_mem>> -> memref<!tpu.dma_semaphore, #tpu.memory_space<semaphore_mem>>
    %dma_start3A_452 = arith.constant 0 : i32
    %dma_start3A_453 = tpu.memref_slice %arg3[%add3A_446, %dma_start3A_452] : memref<4096x12800xf32, #tpu.memory_space<hbm>> -> memref<1x12800xf32, #tpu.memory_space<hbm>>
    tpu.enqueue_dma source(%arg4 : memref<1x12800xf32, #tpu.memory_space<vmem>>) target(%dma_start3A_453 : memref<1x12800xf32, #tpu.memory_space<hbm>>) target_semaphore(%dma_start3A_451 : memref<!tpu.dma_semaphore, #tpu.memory_space<semaphore_mem>>)
    %add3A_454 = arith.constant 49 : i32
    %add3A_455 = arith.addi %mul3A_2, %add3A_454 : i32
    %dma_start3A_456 = arith.constant 1 : i32
    %dma_start3A_457 = arith.constant 0 : i32
    %dma_start3A_458 = tpu.memref_slice %arg3[%add3A_455, %dma_start3A_457] : memref<4096x12800xf32, #tpu.memory_space<hbm>> -> memref<1x12800xf32, #tpu.memory_space<hbm>>
    %dma_start3A_459 = tpu.memref_slice %arg6[%dma_start3A_456] : memref<4x!tpu.dma_semaphore, #tpu.memory_space<semaphore_mem>> -> memref<1x!tpu.dma_semaphore, #tpu.memory_space<semaphore_mem>>
    %dma_start3A_460 = tpu.memref_squeeze %dma_start3A_459 : memref<1x!tpu.dma_semaphore, #tpu.memory_space<semaphore_mem>> -> memref<!tpu.dma_semaphore, #tpu.memory_space<semaphore_mem>>
    %dma_start3A_461 = arith.constant 0 : i32
    %dma_start3A_462 = tpu.memref_slice %arg3[%add3A_455, %dma_start3A_461] : memref<4096x12800xf32, #tpu.memory_space<hbm>> -> memref<1x12800xf32, #tpu.memory_space<hbm>>
    tpu.enqueue_dma source(%arg4 : memref<1x12800xf32, #tpu.memory_space<vmem>>) target(%dma_start3A_462 : memref<1x12800xf32, #tpu.memory_space<hbm>>) target_semaphore(%dma_start3A_460 : memref<!tpu.dma_semaphore, #tpu.memory_space<semaphore_mem>>)
    %add3A_463 = arith.constant 50 : i32
    %add3A_464 = arith.addi %mul3A_2, %add3A_463 : i32
    %dma_start3A_465 = arith.constant 2 : i32
    %dma_start3A_466 = arith.constant 0 : i32
    %dma_start3A_467 = tpu.memref_slice %arg3[%add3A_464, %dma_start3A_466] : memref<4096x12800xf32, #tpu.memory_space<hbm>> -> memref<1x12800xf32, #tpu.memory_space<hbm>>
    %dma_start3A_468 = tpu.memref_slice %arg6[%dma_start3A_465] : memref<4x!tpu.dma_semaphore, #tpu.memory_space<semaphore_mem>> -> memref<1x!tpu.dma_semaphore, #tpu.memory_space<semaphore_mem>>
    %dma_start3A_469 = tpu.memref_squeeze %dma_start3A_468 : memref<1x!tpu.dma_semaphore, #tpu.memory_space<semaphore_mem>> -> memref<!tpu.dma_semaphore, #tpu.memory_space<semaphore_mem>>
    %dma_start3A_470 = arith.constant 0 : i32
    %dma_start3A_471 = tpu.memref_slice %arg3[%add3A_464, %dma_start3A_470] : memref<4096x12800xf32, #tpu.memory_space<hbm>> -> memref<1x12800xf32, #tpu.memory_space<hbm>>
    tpu.enqueue_dma source(%arg4 : memref<1x12800xf32, #tpu.memory_space<vmem>>) target(%dma_start3A_471 : memref<1x12800xf32, #tpu.memory_space<hbm>>) target_semaphore(%dma_start3A_469 : memref<!tpu.dma_semaphore, #tpu.memory_space<semaphore_mem>>)
    %add3A_472 = arith.constant 51 : i32
    %add3A_473 = arith.addi %mul3A_2, %add3A_472 : i32
    %dma_start3A_474 = arith.constant 3 : i32
    %dma_start3A_475 = arith.constant 0 : i32
    %dma_start3A_476 = tpu.memref_slice %arg3[%add3A_473, %dma_start3A_475] : memref<4096x12800xf32, #tpu.memory_space<hbm>> -> memref<1x12800xf32, #tpu.memory_space<hbm>>
    %dma_start3A_477 = tpu.memref_slice %arg6[%dma_start3A_474] : memref<4x!tpu.dma_semaphore, #tpu.memory_space<semaphore_mem>> -> memref<1x!tpu.dma_semaphore, #tpu.memory_space<semaphore_mem>>
    %dma_start3A_478 = tpu.memref_squeeze %dma_start3A_477 : memref<1x!tpu.dma_semaphore, #tpu.memory_space<semaphore_mem>> -> memref<!tpu.dma_semaphore, #tpu.memory_space<semaphore_mem>>
    %dma_start3A_479 = arith.constant 0 : i32
    %dma_start3A_480 = tpu.memref_slice %arg3[%add3A_473, %dma_start3A_479] : memref<4096x12800xf32, #tpu.memory_space<hbm>> -> memref<1x12800xf32, #tpu.memory_space<hbm>>
    tpu.enqueue_dma source(%arg4 : memref<1x12800xf32, #tpu.memory_space<vmem>>) target(%dma_start3A_480 : memref<1x12800xf32, #tpu.memory_space<hbm>>) target_semaphore(%dma_start3A_478 : memref<!tpu.dma_semaphore, #tpu.memory_space<semaphore_mem>>)
    %add3A_481 = arith.constant 52 : i32
    %add3A_482 = arith.addi %mul3A_2, %add3A_481 : i32
    %dma_start3A_483 = arith.constant 0 : i32
    %dma_start3A_484 = arith.constant 0 : i32
    %dma_start3A_485 = tpu.memref_slice %arg3[%add3A_482, %dma_start3A_484] : memref<4096x12800xf32, #tpu.memory_space<hbm>> -> memref<1x12800xf32, #tpu.memory_space<hbm>>
    %dma_start3A_486 = tpu.memref_slice %arg6[%dma_start3A_483] : memref<4x!tpu.dma_semaphore, #tpu.memory_space<semaphore_mem>> -> memref<1x!tpu.dma_semaphore, #tpu.memory_space<semaphore_mem>>
    %dma_start3A_487 = tpu.memref_squeeze %dma_start3A_486 : memref<1x!tpu.dma_semaphore, #tpu.memory_space<semaphore_mem>> -> memref<!tpu.dma_semaphore, #tpu.memory_space<semaphore_mem>>
    %dma_start3A_488 = arith.constant 0 : i32
    %dma_start3A_489 = tpu.memref_slice %arg3[%add3A_482, %dma_start3A_488] : memref<4096x12800xf32, #tpu.memory_space<hbm>> -> memref<1x12800xf32, #tpu.memory_space<hbm>>
    tpu.enqueue_dma source(%arg4 : memref<1x12800xf32, #tpu.memory_space<vmem>>) target(%dma_start3A_489 : memref<1x12800xf32, #tpu.memory_space<hbm>>) target_semaphore(%dma_start3A_487 : memref<!tpu.dma_semaphore, #tpu.memory_space<semaphore_mem>>)
    %add3A_490 = arith.constant 53 : i32
    %add3A_491 = arith.addi %mul3A_2, %add3A_490 : i32
    %dma_start3A_492 = arith.constant 1 : i32
    %dma_start3A_493 = arith.constant 0 : i32
    %dma_start3A_494 = tpu.memref_slice %arg3[%add3A_491, %dma_start3A_493] : memref<4096x12800xf32, #tpu.memory_space<hbm>> -> memref<1x12800xf32, #tpu.memory_space<hbm>>
    %dma_start3A_495 = tpu.memref_slice %arg6[%dma_start3A_492] : memref<4x!tpu.dma_semaphore, #tpu.memory_space<semaphore_mem>> -> memref<1x!tpu.dma_semaphore, #tpu.memory_space<semaphore_mem>>
    %dma_start3A_496 = tpu.memref_squeeze %dma_start3A_495 : memref<1x!tpu.dma_semaphore, #tpu.memory_space<semaphore_mem>> -> memref<!tpu.dma_semaphore, #tpu.memory_space<semaphore_mem>>
    %dma_start3A_497 = arith.constant 0 : i32
    %dma_start3A_498 = tpu.memref_slice %arg3[%add3A_491, %dma_start3A_497] : memref<4096x12800xf32, #tpu.memory_space<hbm>> -> memref<1x12800xf32, #tpu.memory_space<hbm>>
    tpu.enqueue_dma source(%arg4 : memref<1x12800xf32, #tpu.memory_space<vmem>>) target(%dma_start3A_498 : memref<1x12800xf32, #tpu.memory_space<hbm>>) target_semaphore(%dma_start3A_496 : memref<!tpu.dma_semaphore, #tpu.memory_space<semaphore_mem>>)
    %add3A_499 = arith.constant 54 : i32
    %add3A_500 = arith.addi %mul3A_2, %add3A_499 : i32
    %dma_start3A_501 = arith.constant 2 : i32
    %dma_start3A_502 = arith.constant 0 : i32
    %dma_start3A_503 = tpu.memref_slice %arg3[%add3A_500, %dma_start3A_502] : memref<4096x12800xf32, #tpu.memory_space<hbm>> -> memref<1x12800xf32, #tpu.memory_space<hbm>>
    %dma_start3A_504 = tpu.memref_slice %arg6[%dma_start3A_501] : memref<4x!tpu.dma_semaphore, #tpu.memory_space<semaphore_mem>> -> memref<1x!tpu.dma_semaphore, #tpu.memory_space<semaphore_mem>>
    %dma_start3A_505 = tpu.memref_squeeze %dma_start3A_504 : memref<1x!tpu.dma_semaphore, #tpu.memory_space<semaphore_mem>> -> memref<!tpu.dma_semaphore, #tpu.memory_space<semaphore_mem>>
    %dma_start3A_506 = arith.constant 0 : i32
    %dma_start3A_507 = tpu.memref_slice %arg3[%add3A_500, %dma_start3A_506] : memref<4096x12800xf32, #tpu.memory_space<hbm>> -> memref<1x12800xf32, #tpu.memory_space<hbm>>
    tpu.enqueue_dma source(%arg4 : memref<1x12800xf32, #tpu.memory_space<vmem>>) target(%dma_start3A_507 : memref<1x12800xf32, #tpu.memory_space<hbm>>) target_semaphore(%dma_start3A_505 : memref<!tpu.dma_semaphore, #tpu.memory_space<semaphore_mem>>)
    %add3A_508 = arith.constant 55 : i32
    %add3A_509 = arith.addi %mul3A_2, %add3A_508 : i32
    %dma_start3A_510 = arith.constant 3 : i32
    %dma_start3A_511 = arith.constant 0 : i32
    %dma_start3A_512 = tpu.memref_slice %arg3[%add3A_509, %dma_start3A_511] : memref<4096x12800xf32, #tpu.memory_space<hbm>> -> memref<1x12800xf32, #tpu.memory_space<hbm>>
    %dma_start3A_513 = tpu.memref_slice %arg6[%dma_start3A_510] : memref<4x!tpu.dma_semaphore, #tpu.memory_space<semaphore_mem>> -> memref<1x!tpu.dma_semaphore, #tpu.memory_space<semaphore_mem>>
    %dma_start3A_514 = tpu.memref_squeeze %dma_start3A_513 : memref<1x!tpu.dma_semaphore, #tpu.memory_space<semaphore_mem>> -> memref<!tpu.dma_semaphore, #tpu.memory_space<semaphore_mem>>
    %dma_start3A_515 = arith.constant 0 : i32
    %dma_start3A_516 = tpu.memref_slice %arg3[%add3A_509, %dma_start3A_515] : memref<4096x12800xf32, #tpu.memory_space<hbm>> -> memref<1x12800xf32, #tpu.memory_space<hbm>>
    tpu.enqueue_dma source(%arg4 : memref<1x12800xf32, #tpu.memory_space<vmem>>) target(%dma_start3A_516 : memref<1x12800xf32, #tpu.memory_space<hbm>>) target_semaphore(%dma_start3A_514 : memref<!tpu.dma_semaphore, #tpu.memory_space<semaphore_mem>>)
    %add3A_517 = arith.constant 56 : i32
    %add3A_518 = arith.addi %mul3A_2, %add3A_517 : i32
    %dma_start3A_519 = arith.constant 0 : i32
    %dma_start3A_520 = arith.constant 0 : i32
    %dma_start3A_521 = tpu.memref_slice %arg3[%add3A_518, %dma_start3A_520] : memref<4096x12800xf32, #tpu.memory_space<hbm>> -> memref<1x12800xf32, #tpu.memory_space<hbm>>
    %dma_start3A_522 = tpu.memref_slice %arg6[%dma_start3A_519] : memref<4x!tpu.dma_semaphore, #tpu.memory_space<semaphore_mem>> -> memref<1x!tpu.dma_semaphore, #tpu.memory_space<semaphore_mem>>
    %dma_start3A_523 = tpu.memref_squeeze %dma_start3A_522 : memref<1x!tpu.dma_semaphore, #tpu.memory_space<semaphore_mem>> -> memref<!tpu.dma_semaphore, #tpu.memory_space<semaphore_mem>>
    %dma_start3A_524 = arith.constant 0 : i32
    %dma_start3A_525 = tpu.memref_slice %arg3[%add3A_518, %dma_start3A_524] : memref<4096x12800xf32, #tpu.memory_space<hbm>> -> memref<1x12800xf32, #tpu.memory_space<hbm>>
    tpu.enqueue_dma source(%arg4 : memref<1x12800xf32, #tpu.memory_space<vmem>>) target(%dma_start3A_525 : memref<1x12800xf32, #tpu.memory_space<hbm>>) target_semaphore(%dma_start3A_523 : memref<!tpu.dma_semaphore, #tpu.memory_space<semaphore_mem>>)
    %add3A_526 = arith.constant 57 : i32
    %add3A_527 = arith.addi %mul3A_2, %add3A_526 : i32
    %dma_start3A_528 = arith.constant 1 : i32
    %dma_start3A_529 = arith.constant 0 : i32
    %dma_start3A_530 = tpu.memref_slice %arg3[%add3A_527, %dma_start3A_529] : memref<4096x12800xf32, #tpu.memory_space<hbm>> -> memref<1x12800xf32, #tpu.memory_space<hbm>>
    %dma_start3A_531 = tpu.memref_slice %arg6[%dma_start3A_528] : memref<4x!tpu.dma_semaphore, #tpu.memory_space<semaphore_mem>> -> memref<1x!tpu.dma_semaphore, #tpu.memory_space<semaphore_mem>>
    %dma_start3A_532 = tpu.memref_squeeze %dma_start3A_531 : memref<1x!tpu.dma_semaphore, #tpu.memory_space<semaphore_mem>> -> memref<!tpu.dma_semaphore, #tpu.memory_space<semaphore_mem>>
    %dma_start3A_533 = arith.constant 0 : i32
    %dma_start3A_534 = tpu.memref_slice %arg3[%add3A_527, %dma_start3A_533] : memref<4096x12800xf32, #tpu.memory_space<hbm>> -> memref<1x12800xf32, #tpu.memory_space<hbm>>
    tpu.enqueue_dma source(%arg4 : memref<1x12800xf32, #tpu.memory_space<vmem>>) target(%dma_start3A_534 : memref<1x12800xf32, #tpu.memory_space<hbm>>) target_semaphore(%dma_start3A_532 : memref<!tpu.dma_semaphore, #tpu.memory_space<semaphore_mem>>)
    %add3A_535 = arith.constant 58 : i32
    %add3A_536 = arith.addi %mul3A_2, %add3A_535 : i32
    %dma_start3A_537 = arith.constant 2 : i32
    %dma_start3A_538 = arith.constant 0 : i32
    %dma_start3A_539 = tpu.memref_slice %arg3[%add3A_536, %dma_start3A_538] : memref<4096x12800xf32, #tpu.memory_space<hbm>> -> memref<1x12800xf32, #tpu.memory_space<hbm>>
    %dma_start3A_540 = tpu.memref_slice %arg6[%dma_start3A_537] : memref<4x!tpu.dma_semaphore, #tpu.memory_space<semaphore_mem>> -> memref<1x!tpu.dma_semaphore, #tpu.memory_space<semaphore_mem>>
    %dma_start3A_541 = tpu.memref_squeeze %dma_start3A_540 : memref<1x!tpu.dma_semaphore, #tpu.memory_space<semaphore_mem>> -> memref<!tpu.dma_semaphore, #tpu.memory_space<semaphore_mem>>
    %dma_start3A_542 = arith.constant 0 : i32
    %dma_start3A_543 = tpu.memref_slice %arg3[%add3A_536, %dma_start3A_542] : memref<4096x12800xf32, #tpu.memory_space<hbm>> -> memref<1x12800xf32, #tpu.memory_space<hbm>>
    tpu.enqueue_dma source(%arg4 : memref<1x12800xf32, #tpu.memory_space<vmem>>) target(%dma_start3A_543 : memref<1x12800xf32, #tpu.memory_space<hbm>>) target_semaphore(%dma_start3A_541 : memref<!tpu.dma_semaphore, #tpu.memory_space<semaphore_mem>>)
    %add3A_544 = arith.constant 59 : i32
    %add3A_545 = arith.addi %mul3A_2, %add3A_544 : i32
    %dma_start3A_546 = arith.constant 3 : i32
    %dma_start3A_547 = arith.constant 0 : i32
    %dma_start3A_548 = tpu.memref_slice %arg3[%add3A_545, %dma_start3A_547] : memref<4096x12800xf32, #tpu.memory_space<hbm>> -> memref<1x12800xf32, #tpu.memory_space<hbm>>
    %dma_start3A_549 = tpu.memref_slice %arg6[%dma_start3A_546] : memref<4x!tpu.dma_semaphore, #tpu.memory_space<semaphore_mem>> -> memref<1x!tpu.dma_semaphore, #tpu.memory_space<semaphore_mem>>
    %dma_start3A_550 = tpu.memref_squeeze %dma_start3A_549 : memref<1x!tpu.dma_semaphore, #tpu.memory_space<semaphore_mem>> -> memref<!tpu.dma_semaphore, #tpu.memory_space<semaphore_mem>>
    %dma_start3A_551 = arith.constant 0 : i32
    %dma_start3A_552 = tpu.memref_slice %arg3[%add3A_545, %dma_start3A_551] : memref<4096x12800xf32, #tpu.memory_space<hbm>> -> memref<1x12800xf32, #tpu.memory_space<hbm>>
    tpu.enqueue_dma source(%arg4 : memref<1x12800xf32, #tpu.memory_space<vmem>>) target(%dma_start3A_552 : memref<1x12800xf32, #tpu.memory_space<hbm>>) target_semaphore(%dma_start3A_550 : memref<!tpu.dma_semaphore, #tpu.memory_space<semaphore_mem>>)
    %add3A_553 = arith.constant 60 : i32
    %add3A_554 = arith.addi %mul3A_2, %add3A_553 : i32
    %dma_start3A_555 = arith.constant 0 : i32
    %dma_start3A_556 = arith.constant 0 : i32
    %dma_start3A_557 = tpu.memref_slice %arg3[%add3A_554, %dma_start3A_556] : memref<4096x12800xf32, #tpu.memory_space<hbm>> -> memref<1x12800xf32, #tpu.memory_space<hbm>>
    %dma_start3A_558 = tpu.memref_slice %arg6[%dma_start3A_555] : memref<4x!tpu.dma_semaphore, #tpu.memory_space<semaphore_mem>> -> memref<1x!tpu.dma_semaphore, #tpu.memory_space<semaphore_mem>>
    %dma_start3A_559 = tpu.memref_squeeze %dma_start3A_558 : memref<1x!tpu.dma_semaphore, #tpu.memory_space<semaphore_mem>> -> memref<!tpu.dma_semaphore, #tpu.memory_space<semaphore_mem>>
    %dma_start3A_560 = arith.constant 0 : i32
    %dma_start3A_561 = tpu.memref_slice %arg3[%add3A_554, %dma_start3A_560] : memref<4096x12800xf32, #tpu.memory_space<hbm>> -> memref<1x12800xf32, #tpu.memory_space<hbm>>
    tpu.enqueue_dma source(%arg4 : memref<1x12800xf32, #tpu.memory_space<vmem>>) target(%dma_start3A_561 : memref<1x12800xf32, #tpu.memory_space<hbm>>) target_semaphore(%dma_start3A_559 : memref<!tpu.dma_semaphore, #tpu.memory_space<semaphore_mem>>)
    %add3A_562 = arith.constant 61 : i32
    %add3A_563 = arith.addi %mul3A_2, %add3A_562 : i32
    %dma_start3A_564 = arith.constant 1 : i32
    %dma_start3A_565 = arith.constant 0 : i32
    %dma_start3A_566 = tpu.memref_slice %arg3[%add3A_563, %dma_start3A_565] : memref<4096x12800xf32, #tpu.memory_space<hbm>> -> memref<1x12800xf32, #tpu.memory_space<hbm>>
    %dma_start3A_567 = tpu.memref_slice %arg6[%dma_start3A_564] : memref<4x!tpu.dma_semaphore, #tpu.memory_space<semaphore_mem>> -> memref<1x!tpu.dma_semaphore, #tpu.memory_space<semaphore_mem>>
    %dma_start3A_568 = tpu.memref_squeeze %dma_start3A_567 : memref<1x!tpu.dma_semaphore, #tpu.memory_space<semaphore_mem>> -> memref<!tpu.dma_semaphore, #tpu.memory_space<semaphore_mem>>
    %dma_start3A_569 = arith.constant 0 : i32
    %dma_start3A_570 = tpu.memref_slice %arg3[%add3A_563, %dma_start3A_569] : memref<4096x12800xf32, #tpu.memory_space<hbm>> -> memref<1x12800xf32, #tpu.memory_space<hbm>>
    tpu.enqueue_dma source(%arg4 : memref<1x12800xf32, #tpu.memory_space<vmem>>) target(%dma_start3A_570 : memref<1x12800xf32, #tpu.memory_space<hbm>>) target_semaphore(%dma_start3A_568 : memref<!tpu.dma_semaphore, #tpu.memory_space<semaphore_mem>>)
    %add3A_571 = arith.constant 62 : i32
    %add3A_572 = arith.addi %mul3A_2, %add3A_571 : i32
    %dma_start3A_573 = arith.constant 2 : i32
    %dma_start3A_574 = arith.constant 0 : i32
    %dma_start3A_575 = tpu.memref_slice %arg3[%add3A_572, %dma_start3A_574] : memref<4096x12800xf32, #tpu.memory_space<hbm>> -> memref<1x12800xf32, #tpu.memory_space<hbm>>
    %dma_start3A_576 = tpu.memref_slice %arg6[%dma_start3A_573] : memref<4x!tpu.dma_semaphore, #tpu.memory_space<semaphore_mem>> -> memref<1x!tpu.dma_semaphore, #tpu.memory_space<semaphore_mem>>
    %dma_start3A_577 = tpu.memref_squeeze %dma_start3A_576 : memref<1x!tpu.dma_semaphore, #tpu.memory_space<semaphore_mem>> -> memref<!tpu.dma_semaphore, #tpu.memory_space<semaphore_mem>>
    %dma_start3A_578 = arith.constant 0 : i32
    %dma_start3A_579 = tpu.memref_slice %arg3[%add3A_572, %dma_start3A_578] : memref<4096x12800xf32, #tpu.memory_space<hbm>> -> memref<1x12800xf32, #tpu.memory_space<hbm>>
    tpu.enqueue_dma source(%arg4 : memref<1x12800xf32, #tpu.memory_space<vmem>>) target(%dma_start3A_579 : memref<1x12800xf32, #tpu.memory_space<hbm>>) target_semaphore(%dma_start3A_577 : memref<!tpu.dma_semaphore, #tpu.memory_space<semaphore_mem>>)
    %add3A_580 = arith.constant 63 : i32
    %add3A_581 = arith.addi %mul3A_2, %add3A_580 : i32
    %dma_start3A_582 = arith.constant 3 : i32
    %dma_start3A_583 = arith.constant 0 : i32
    %dma_start3A_584 = tpu.memref_slice %arg3[%add3A_581, %dma_start3A_583] : memref<4096x12800xf32, #tpu.memory_space<hbm>> -> memref<1x12800xf32, #tpu.memory_space<hbm>>
    %dma_start3A_585 = tpu.memref_slice %arg6[%dma_start3A_582] : memref<4x!tpu.dma_semaphore, #tpu.memory_space<semaphore_mem>> -> memref<1x!tpu.dma_semaphore, #tpu.memory_space<semaphore_mem>>
    %dma_start3A_586 = tpu.memref_squeeze %dma_start3A_585 : memref<1x!tpu.dma_semaphore, #tpu.memory_space<semaphore_mem>> -> memref<!tpu.dma_semaphore, #tpu.memory_space<semaphore_mem>>
    %dma_start3A_587 = arith.constant 0 : i32
    %dma_start3A_588 = tpu.memref_slice %arg3[%add3A_581, %dma_start3A_587] : memref<4096x12800xf32, #tpu.memory_space<hbm>> -> memref<1x12800xf32, #tpu.memory_space<hbm>>
    tpu.enqueue_dma source(%arg4 : memref<1x12800xf32, #tpu.memory_space<vmem>>) target(%dma_start3A_588 : memref<1x12800xf32, #tpu.memory_space<hbm>>) target_semaphore(%dma_start3A_586 : memref<!tpu.dma_semaphore, #tpu.memory_space<semaphore_mem>>)
    %add3A_589 = arith.constant 64 : i32
    %add3A_590 = arith.addi %mul3A_2, %add3A_589 : i32
    %dma_start3A_591 = arith.constant 0 : i32
    %dma_start3A_592 = arith.constant 0 : i32
    %dma_start3A_593 = tpu.memref_slice %arg3[%add3A_590, %dma_start3A_592] : memref<4096x12800xf32, #tpu.memory_space<hbm>> -> memref<1x12800xf32, #tpu.memory_space<hbm>>
    %dma_start3A_594 = tpu.memref_slice %arg6[%dma_start3A_591] : memref<4x!tpu.dma_semaphore, #tpu.memory_space<semaphore_mem>> -> memref<1x!tpu.dma_semaphore, #tpu.memory_space<semaphore_mem>>
    %dma_start3A_595 = tpu.memref_squeeze %dma_start3A_594 : memref<1x!tpu.dma_semaphore, #tpu.memory_space<semaphore_mem>> -> memref<!tpu.dma_semaphore, #tpu.memory_space<semaphore_mem>>
    %dma_start3A_596 = arith.constant 0 : i32
    %dma_start3A_597 = tpu.memref_slice %arg3[%add3A_590, %dma_start3A_596] : memref<4096x12800xf32, #tpu.memory_space<hbm>> -> memref<1x12800xf32, #tpu.memory_space<hbm>>
    tpu.enqueue_dma source(%arg4 : memref<1x12800xf32, #tpu.memory_space<vmem>>) target(%dma_start3A_597 : memref<1x12800xf32, #tpu.memory_space<hbm>>) target_semaphore(%dma_start3A_595 : memref<!tpu.dma_semaphore, #tpu.memory_space<semaphore_mem>>)
    %add3A_598 = arith.constant 65 : i32
    %add3A_599 = arith.addi %mul3A_2, %add3A_598 : i32
    %dma_start3A_600 = arith.constant 1 : i32
    %dma_start3A_601 = arith.constant 0 : i32
    %dma_start3A_602 = tpu.memref_slice %arg3[%add3A_599, %dma_start3A_601] : memref<4096x12800xf32, #tpu.memory_space<hbm>> -> memref<1x12800xf32, #tpu.memory_space<hbm>>
    %dma_start3A_603 = tpu.memref_slice %arg6[%dma_start3A_600] : memref<4x!tpu.dma_semaphore, #tpu.memory_space<semaphore_mem>> -> memref<1x!tpu.dma_semaphore, #tpu.memory_space<semaphore_mem>>
    %dma_start3A_604 = tpu.memref_squeeze %dma_start3A_603 : memref<1x!tpu.dma_semaphore, #tpu.memory_space<semaphore_mem>> -> memref<!tpu.dma_semaphore, #tpu.memory_space<semaphore_mem>>
    %dma_start3A_605 = arith.constant 0 : i32
    %dma_start3A_606 = tpu.memref_slice %arg3[%add3A_599, %dma_start3A_605] : memref<4096x12800xf32, #tpu.memory_space<hbm>> -> memref<1x12800xf32, #tpu.memory_space<hbm>>
    tpu.enqueue_dma source(%arg4 : memref<1x12800xf32, #tpu.memory_space<vmem>>) target(%dma_start3A_606 : memref<1x12800xf32, #tpu.memory_space<hbm>>) target_semaphore(%dma_start3A_604 : memref<!tpu.dma_semaphore, #tpu.memory_space<semaphore_mem>>)
    %add3A_607 = arith.constant 66 : i32
    %add3A_608 = arith.addi %mul3A_2, %add3A_607 : i32
    %dma_start3A_609 = arith.constant 2 : i32
    %dma_start3A_610 = arith.constant 0 : i32
    %dma_start3A_611 = tpu.memref_slice %arg3[%add3A_608, %dma_start3A_610] : memref<4096x12800xf32, #tpu.memory_space<hbm>> -> memref<1x12800xf32, #tpu.memory_space<hbm>>
    %dma_start3A_612 = tpu.memref_slice %arg6[%dma_start3A_609] : memref<4x!tpu.dma_semaphore, #tpu.memory_space<semaphore_mem>> -> memref<1x!tpu.dma_semaphore, #tpu.memory_space<semaphore_mem>>
    %dma_start3A_613 = tpu.memref_squeeze %dma_start3A_612 : memref<1x!tpu.dma_semaphore, #tpu.memory_space<semaphore_mem>> -> memref<!tpu.dma_semaphore, #tpu.memory_space<semaphore_mem>>
    %dma_start3A_614 = arith.constant 0 : i32
    %dma_start3A_615 = tpu.memref_slice %arg3[%add3A_608, %dma_start3A_614] : memref<4096x12800xf32, #tpu.memory_space<hbm>> -> memref<1x12800xf32, #tpu.memory_space<hbm>>
    tpu.enqueue_dma source(%arg4 : memref<1x12800xf32, #tpu.memory_space<vmem>>) target(%dma_start3A_615 : memref<1x12800xf32, #tpu.memory_space<hbm>>) target_semaphore(%dma_start3A_613 : memref<!tpu.dma_semaphore, #tpu.memory_space<semaphore_mem>>)
    %add3A_616 = arith.constant 67 : i32
    %add3A_617 = arith.addi %mul3A_2, %add3A_616 : i32
    %dma_start3A_618 = arith.constant 3 : i32
    %dma_start3A_619 = arith.constant 0 : i32
    %dma_start3A_620 = tpu.memref_slice %arg3[%add3A_617, %dma_start3A_619] : memref<4096x12800xf32, #tpu.memory_space<hbm>> -> memref<1x12800xf32, #tpu.memory_space<hbm>>
    %dma_start3A_621 = tpu.memref_slice %arg6[%dma_start3A_618] : memref<4x!tpu.dma_semaphore, #tpu.memory_space<semaphore_mem>> -> memref<1x!tpu.dma_semaphore, #tpu.memory_space<semaphore_mem>>
    %dma_start3A_622 = tpu.memref_squeeze %dma_start3A_621 : memref<1x!tpu.dma_semaphore, #tpu.memory_space<semaphore_mem>> -> memref<!tpu.dma_semaphore, #tpu.memory_space<semaphore_mem>>
    %dma_start3A_623 = arith.constant 0 : i32
    %dma_start3A_624 = tpu.memref_slice %arg3[%add3A_617, %dma_start3A_623] : memref<4096x12800xf32, #tpu.memory_space<hbm>> -> memref<1x12800xf32, #tpu.memory_space<hbm>>
    tpu.enqueue_dma source(%arg4 : memref<1x12800xf32, #tpu.memory_space<vmem>>) target(%dma_start3A_624 : memref<1x12800xf32, #tpu.memory_space<hbm>>) target_semaphore(%dma_start3A_622 : memref<!tpu.dma_semaphore, #tpu.memory_space<semaphore_mem>>)
    %add3A_625 = arith.constant 68 : i32
    %add3A_626 = arith.addi %mul3A_2, %add3A_625 : i32
    %dma_start3A_627 = arith.constant 0 : i32
    %dma_start3A_628 = arith.constant 0 : i32
    %dma_start3A_629 = tpu.memref_slice %arg3[%add3A_626, %dma_start3A_628] : memref<4096x12800xf32, #tpu.memory_space<hbm>> -> memref<1x12800xf32, #tpu.memory_space<hbm>>
    %dma_start3A_630 = tpu.memref_slice %arg6[%dma_start3A_627] : memref<4x!tpu.dma_semaphore, #tpu.memory_space<semaphore_mem>> -> memref<1x!tpu.dma_semaphore, #tpu.memory_space<semaphore_mem>>
    %dma_start3A_631 = tpu.memref_squeeze %dma_start3A_630 : memref<1x!tpu.dma_semaphore, #tpu.memory_space<semaphore_mem>> -> memref<!tpu.dma_semaphore, #tpu.memory_space<semaphore_mem>>
    %dma_start3A_632 = arith.constant 0 : i32
    %dma_start3A_633 = tpu.memref_slice %arg3[%add3A_626, %dma_start3A_632] : memref<4096x12800xf32, #tpu.memory_space<hbm>> -> memref<1x12800xf32, #tpu.memory_space<hbm>>
    tpu.enqueue_dma source(%arg4 : memref<1x12800xf32, #tpu.memory_space<vmem>>) target(%dma_start3A_633 : memref<1x12800xf32, #tpu.memory_space<hbm>>) target_semaphore(%dma_start3A_631 : memref<!tpu.dma_semaphore, #tpu.memory_space<semaphore_mem>>)
    %add3A_634 = arith.constant 69 : i32
    %add3A_635 = arith.addi %mul3A_2, %add3A_634 : i32
    %dma_start3A_636 = arith.constant 1 : i32
    %dma_start3A_637 = arith.constant 0 : i32
    %dma_start3A_638 = tpu.memref_slice %arg3[%add3A_635, %dma_start3A_637] : memref<4096x12800xf32, #tpu.memory_space<hbm>> -> memref<1x12800xf32, #tpu.memory_space<hbm>>
    %dma_start3A_639 = tpu.memref_slice %arg6[%dma_start3A_636] : memref<4x!tpu.dma_semaphore, #tpu.memory_space<semaphore_mem>> -> memref<1x!tpu.dma_semaphore, #tpu.memory_space<semaphore_mem>>
    %dma_start3A_640 = tpu.memref_squeeze %dma_start3A_639 : memref<1x!tpu.dma_semaphore, #tpu.memory_space<semaphore_mem>> -> memref<!tpu.dma_semaphore, #tpu.memory_space<semaphore_mem>>
    %dma_start3A_641 = arith.constant 0 : i32
    %dma_start3A_642 = tpu.memref_slice %arg3[%add3A_635, %dma_start3A_641] : memref<4096x12800xf32, #tpu.memory_space<hbm>> -> memref<1x12800xf32, #tpu.memory_space<hbm>>
    tpu.enqueue_dma source(%arg4 : memref<1x12800xf32, #tpu.memory_space<vmem>>) target(%dma_start3A_642 : memref<1x12800xf32, #tpu.memory_space<hbm>>) target_semaphore(%dma_start3A_640 : memref<!tpu.dma_semaphore, #tpu.memory_space<semaphore_mem>>)
    %add3A_643 = arith.constant 70 : i32
    %add3A_644 = arith.addi %mul3A_2, %add3A_643 : i32
    %dma_start3A_645 = arith.constant 2 : i32
    %dma_start3A_646 = arith.constant 0 : i32
    %dma_start3A_647 = tpu.memref_slice %arg3[%add3A_644, %dma_start3A_646] : memref<4096x12800xf32, #tpu.memory_space<hbm>> -> memref<1x12800xf32, #tpu.memory_space<hbm>>
    %dma_start3A_648 = tpu.memref_slice %arg6[%dma_start3A_645] : memref<4x!tpu.dma_semaphore, #tpu.memory_space<semaphore_mem>> -> memref<1x!tpu.dma_semaphore, #tpu.memory_space<semaphore_mem>>
    %dma_start3A_649 = tpu.memref_squeeze %dma_start3A_648 : memref<1x!tpu.dma_semaphore, #tpu.memory_space<semaphore_mem>> -> memref<!tpu.dma_semaphore, #tpu.memory_space<semaphore_mem>>
    %dma_start3A_650 = arith.constant 0 : i32
    %dma_start3A_651 = tpu.memref_slice %arg3[%add3A_644, %dma_start3A_650] : memref<4096x12800xf32, #tpu.memory_space<hbm>> -> memref<1x12800xf32, #tpu.memory_space<hbm>>
    tpu.enqueue_dma source(%arg4 : memref<1x12800xf32, #tpu.memory_space<vmem>>) target(%dma_start3A_651 : memref<1x12800xf32, #tpu.memory_space<hbm>>) target_semaphore(%dma_start3A_649 : memref<!tpu.dma_semaphore, #tpu.memory_space<semaphore_mem>>)
    %add3A_652 = arith.constant 71 : i32
    %add3A_653 = arith.addi %mul3A_2, %add3A_652 : i32
    %dma_start3A_654 = arith.constant 3 : i32
    %dma_start3A_655 = arith.constant 0 : i32
    %dma_start3A_656 = tpu.memref_slice %arg3[%add3A_653, %dma_start3A_655] : memref<4096x12800xf32, #tpu.memory_space<hbm>> -> memref<1x12800xf32, #tpu.memory_space<hbm>>
    %dma_start3A_657 = tpu.memref_slice %arg6[%dma_start3A_654] : memref<4x!tpu.dma_semaphore, #tpu.memory_space<semaphore_mem>> -> memref<1x!tpu.dma_semaphore, #tpu.memory_space<semaphore_mem>>
    %dma_start3A_658 = tpu.memref_squeeze %dma_start3A_657 : memref<1x!tpu.dma_semaphore, #tpu.memory_space<semaphore_mem>> -> memref<!tpu.dma_semaphore, #tpu.memory_space<semaphore_mem>>
    %dma_start3A_659 = arith.constant 0 : i32
    %dma_start3A_660 = tpu.memref_slice %arg3[%add3A_653, %dma_start3A_659] : memref<4096x12800xf32, #tpu.memory_space<hbm>> -> memref<1x12800xf32, #tpu.memory_space<hbm>>
    tpu.enqueue_dma source(%arg4 : memref<1x12800xf32, #tpu.memory_space<vmem>>) target(%dma_start3A_660 : memref<1x12800xf32, #tpu.memory_space<hbm>>) target_semaphore(%dma_start3A_658 : memref<!tpu.dma_semaphore, #tpu.memory_space<semaphore_mem>>)
    %add3A_661 = arith.constant 72 : i32
    %add3A_662 = arith.addi %mul3A_2, %add3A_661 : i32
    %dma_start3A_663 = arith.constant 0 : i32
    %dma_start3A_664 = arith.constant 0 : i32
    %dma_start3A_665 = tpu.memref_slice %arg3[%add3A_662, %dma_start3A_664] : memref<4096x12800xf32, #tpu.memory_space<hbm>> -> memref<1x12800xf32, #tpu.memory_space<hbm>>
    %dma_start3A_666 = tpu.memref_slice %arg6[%dma_start3A_663] : memref<4x!tpu.dma_semaphore, #tpu.memory_space<semaphore_mem>> -> memref<1x!tpu.dma_semaphore, #tpu.memory_space<semaphore_mem>>
    %dma_start3A_667 = tpu.memref_squeeze %dma_start3A_666 : memref<1x!tpu.dma_semaphore, #tpu.memory_space<semaphore_mem>> -> memref<!tpu.dma_semaphore, #tpu.memory_space<semaphore_mem>>
    %dma_start3A_668 = arith.constant 0 : i32
    %dma_start3A_669 = tpu.memref_slice %arg3[%add3A_662, %dma_start3A_668] : memref<4096x12800xf32, #tpu.memory_space<hbm>> -> memref<1x12800xf32, #tpu.memory_space<hbm>>
    tpu.enqueue_dma source(%arg4 : memref<1x12800xf32, #tpu.memory_space<vmem>>) target(%dma_start3A_669 : memref<1x12800xf32, #tpu.memory_space<hbm>>) target_semaphore(%dma_start3A_667 : memref<!tpu.dma_semaphore, #tpu.memory_space<semaphore_mem>>)
    %add3A_670 = arith.constant 73 : i32
    %add3A_671 = arith.addi %mul3A_2, %add3A_670 : i32
    %dma_start3A_672 = arith.constant 1 : i32
    %dma_start3A_673 = arith.constant 0 : i32
    %dma_start3A_674 = tpu.memref_slice %arg3[%add3A_671, %dma_start3A_673] : memref<4096x12800xf32, #tpu.memory_space<hbm>> -> memref<1x12800xf32, #tpu.memory_space<hbm>>
    %dma_start3A_675 = tpu.memref_slice %arg6[%dma_start3A_672] : memref<4x!tpu.dma_semaphore, #tpu.memory_space<semaphore_mem>> -> memref<1x!tpu.dma_semaphore, #tpu.memory_space<semaphore_mem>>
    %dma_start3A_676 = tpu.memref_squeeze %dma_start3A_675 : memref<1x!tpu.dma_semaphore, #tpu.memory_space<semaphore_mem>> -> memref<!tpu.dma_semaphore, #tpu.memory_space<semaphore_mem>>
    %dma_start3A_677 = arith.constant 0 : i32
    %dma_start3A_678 = tpu.memref_slice %arg3[%add3A_671, %dma_start3A_677] : memref<4096x12800xf32, #tpu.memory_space<hbm>> -> memref<1x12800xf32, #tpu.memory_space<hbm>>
    tpu.enqueue_dma source(%arg4 : memref<1x12800xf32, #tpu.memory_space<vmem>>) target(%dma_start3A_678 : memref<1x12800xf32, #tpu.memory_space<hbm>>) target_semaphore(%dma_start3A_676 : memref<!tpu.dma_semaphore, #tpu.memory_space<semaphore_mem>>)
    %add3A_679 = arith.constant 74 : i32
    %add3A_680 = arith.addi %mul3A_2, %add3A_679 : i32
    %dma_start3A_681 = arith.constant 2 : i32
    %dma_start3A_682 = arith.constant 0 : i32
    %dma_start3A_683 = tpu.memref_slice %arg3[%add3A_680, %dma_start3A_682] : memref<4096x12800xf32, #tpu.memory_space<hbm>> -> memref<1x12800xf32, #tpu.memory_space<hbm>>
    %dma_start3A_684 = tpu.memref_slice %arg6[%dma_start3A_681] : memref<4x!tpu.dma_semaphore, #tpu.memory_space<semaphore_mem>> -> memref<1x!tpu.dma_semaphore, #tpu.memory_space<semaphore_mem>>
    %dma_start3A_685 = tpu.memref_squeeze %dma_start3A_684 : memref<1x!tpu.dma_semaphore, #tpu.memory_space<semaphore_mem>> -> memref<!tpu.dma_semaphore, #tpu.memory_space<semaphore_mem>>
    %dma_start3A_686 = arith.constant 0 : i32
    %dma_start3A_687 = tpu.memref_slice %arg3[%add3A_680, %dma_start3A_686] : memref<4096x12800xf32, #tpu.memory_space<hbm>> -> memref<1x12800xf32, #tpu.memory_space<hbm>>
    tpu.enqueue_dma source(%arg4 : memref<1x12800xf32, #tpu.memory_space<vmem>>) target(%dma_start3A_687 : memref<1x12800xf32, #tpu.memory_space<hbm>>) target_semaphore(%dma_start3A_685 : memref<!tpu.dma_semaphore, #tpu.memory_space<semaphore_mem>>)
    %add3A_688 = arith.constant 75 : i32
    %add3A_689 = arith.addi %mul3A_2, %add3A_688 : i32
    %dma_start3A_690 = arith.constant 3 : i32
    %dma_start3A_691 = arith.constant 0 : i32
    %dma_start3A_692 = tpu.memref_slice %arg3[%add3A_689, %dma_start3A_691] : memref<4096x12800xf32, #tpu.memory_space<hbm>> -> memref<1x12800xf32, #tpu.memory_space<hbm>>
    %dma_start3A_693 = tpu.memref_slice %arg6[%dma_start3A_690] : memref<4x!tpu.dma_semaphore, #tpu.memory_space<semaphore_mem>> -> memref<1x!tpu.dma_semaphore, #tpu.memory_space<semaphore_mem>>
    %dma_start3A_694 = tpu.memref_squeeze %dma_start3A_693 : memref<1x!tpu.dma_semaphore, #tpu.memory_space<semaphore_mem>> -> memref<!tpu.dma_semaphore, #tpu.memory_space<semaphore_mem>>
    %dma_start3A_695 = arith.constant 0 : i32
    %dma_start3A_696 = tpu.memref_slice %arg3[%add3A_689, %dma_start3A_695] : memref<4096x12800xf32, #tpu.memory_space<hbm>> -> memref<1x12800xf32, #tpu.memory_space<hbm>>
    tpu.enqueue_dma source(%arg4 : memref<1x12800xf32, #tpu.memory_space<vmem>>) target(%dma_start3A_696 : memref<1x12800xf32, #tpu.memory_space<hbm>>) target_semaphore(%dma_start3A_694 : memref<!tpu.dma_semaphore, #tpu.memory_space<semaphore_mem>>)
    %add3A_697 = arith.constant 76 : i32
    %add3A_698 = arith.addi %mul3A_2, %add3A_697 : i32
    %dma_start3A_699 = arith.constant 0 : i32
    %dma_start3A_700 = arith.constant 0 : i32
    %dma_start3A_701 = tpu.memref_slice %arg3[%add3A_698, %dma_start3A_700] : memref<4096x12800xf32, #tpu.memory_space<hbm>> -> memref<1x12800xf32, #tpu.memory_space<hbm>>
    %dma_start3A_702 = tpu.memref_slice %arg6[%dma_start3A_699] : memref<4x!tpu.dma_semaphore, #tpu.memory_space<semaphore_mem>> -> memref<1x!tpu.dma_semaphore, #tpu.memory_space<semaphore_mem>>
    %dma_start3A_703 = tpu.memref_squeeze %dma_start3A_702 : memref<1x!tpu.dma_semaphore, #tpu.memory_space<semaphore_mem>> -> memref<!tpu.dma_semaphore, #tpu.memory_space<semaphore_mem>>
    %dma_start3A_704 = arith.constant 0 : i32
    %dma_start3A_705 = tpu.memref_slice %arg3[%add3A_698, %dma_start3A_704] : memref<4096x12800xf32, #tpu.memory_space<hbm>> -> memref<1x12800xf32, #tpu.memory_space<hbm>>
    tpu.enqueue_dma source(%arg4 : memref<1x12800xf32, #tpu.memory_space<vmem>>) target(%dma_start3A_705 : memref<1x12800xf32, #tpu.memory_space<hbm>>) target_semaphore(%dma_start3A_703 : memref<!tpu.dma_semaphore, #tpu.memory_space<semaphore_mem>>)
    %add3A_706 = arith.constant 77 : i32
    %add3A_707 = arith.addi %mul3A_2, %add3A_706 : i32
    %dma_start3A_708 = arith.constant 1 : i32
    %dma_start3A_709 = arith.constant 0 : i32
    %dma_start3A_710 = tpu.memref_slice %arg3[%add3A_707, %dma_start3A_709] : memref<4096x12800xf32, #tpu.memory_space<hbm>> -> memref<1x12800xf32, #tpu.memory_space<hbm>>
    %dma_start3A_711 = tpu.memref_slice %arg6[%dma_start3A_708] : memref<4x!tpu.dma_semaphore, #tpu.memory_space<semaphore_mem>> -> memref<1x!tpu.dma_semaphore, #tpu.memory_space<semaphore_mem>>
    %dma_start3A_712 = tpu.memref_squeeze %dma_start3A_711 : memref<1x!tpu.dma_semaphore, #tpu.memory_space<semaphore_mem>> -> memref<!tpu.dma_semaphore, #tpu.memory_space<semaphore_mem>>
    %dma_start3A_713 = arith.constant 0 : i32
    %dma_start3A_714 = tpu.memref_slice %arg3[%add3A_707, %dma_start3A_713] : memref<4096x12800xf32, #tpu.memory_space<hbm>> -> memref<1x12800xf32, #tpu.memory_space<hbm>>
    tpu.enqueue_dma source(%arg4 : memref<1x12800xf32, #tpu.memory_space<vmem>>) target(%dma_start3A_714 : memref<1x12800xf32, #tpu.memory_space<hbm>>) target_semaphore(%dma_start3A_712 : memref<!tpu.dma_semaphore, #tpu.memory_space<semaphore_mem>>)
    %add3A_715 = arith.constant 78 : i32
    %add3A_716 = arith.addi %mul3A_2, %add3A_715 : i32
    %dma_start3A_717 = arith.constant 2 : i32
    %dma_start3A_718 = arith.constant 0 : i32
    %dma_start3A_719 = tpu.memref_slice %arg3[%add3A_716, %dma_start3A_718] : memref<4096x12800xf32, #tpu.memory_space<hbm>> -> memref<1x12800xf32, #tpu.memory_space<hbm>>
    %dma_start3A_720 = tpu.memref_slice %arg6[%dma_start3A_717] : memref<4x!tpu.dma_semaphore, #tpu.memory_space<semaphore_mem>> -> memref<1x!tpu.dma_semaphore, #tpu.memory_space<semaphore_mem>>
    %dma_start3A_721 = tpu.memref_squeeze %dma_start3A_720 : memref<1x!tpu.dma_semaphore, #tpu.memory_space<semaphore_mem>> -> memref<!tpu.dma_semaphore, #tpu.memory_space<semaphore_mem>>
    %dma_start3A_722 = arith.constant 0 : i32
    %dma_start3A_723 = tpu.memref_slice %arg3[%add3A_716, %dma_start3A_722] : memref<4096x12800xf32, #tpu.memory_space<hbm>> -> memref<1x12800xf32, #tpu.memory_space<hbm>>
    tpu.enqueue_dma source(%arg4 : memref<1x12800xf32, #tpu.memory_space<vmem>>) target(%dma_start3A_723 : memref<1x12800xf32, #tpu.memory_space<hbm>>) target_semaphore(%dma_start3A_721 : memref<!tpu.dma_semaphore, #tpu.memory_space<semaphore_mem>>)
    %add3A_724 = arith.constant 79 : i32
    %add3A_725 = arith.addi %mul3A_2, %add3A_724 : i32
    %dma_start3A_726 = arith.constant 3 : i32
    %dma_start3A_727 = arith.constant 0 : i32
    %dma_start3A_728 = tpu.memref_slice %arg3[%add3A_725, %dma_start3A_727] : memref<4096x12800xf32, #tpu.memory_space<hbm>> -> memref<1x12800xf32, #tpu.memory_space<hbm>>
    %dma_start3A_729 = tpu.memref_slice %arg6[%dma_start3A_726] : memref<4x!tpu.dma_semaphore, #tpu.memory_space<semaphore_mem>> -> memref<1x!tpu.dma_semaphore, #tpu.memory_space<semaphore_mem>>
    %dma_start3A_730 = tpu.memref_squeeze %dma_start3A_729 : memref<1x!tpu.dma_semaphore, #tpu.memory_space<semaphore_mem>> -> memref<!tpu.dma_semaphore, #tpu.memory_space<semaphore_mem>>
    %dma_start3A_731 = arith.constant 0 : i32
    %dma_start3A_732 = tpu.memref_slice %arg3[%add3A_725, %dma_start3A_731] : memref<4096x12800xf32, #tpu.memory_space<hbm>> -> memref<1x12800xf32, #tpu.memory_space<hbm>>
    tpu.enqueue_dma source(%arg4 : memref<1x12800xf32, #tpu.memory_space<vmem>>) target(%dma_start3A_732 : memref<1x12800xf32, #tpu.memory_space<hbm>>) target_semaphore(%dma_start3A_730 : memref<!tpu.dma_semaphore, #tpu.memory_space<semaphore_mem>>)
    %add3A_733 = arith.constant 80 : i32
    %add3A_734 = arith.addi %mul3A_2, %add3A_733 : i32
    %dma_start3A_735 = arith.constant 0 : i32
    %dma_start3A_736 = arith.constant 0 : i32
    %dma_start3A_737 = tpu.memref_slice %arg3[%add3A_734, %dma_start3A_736] : memref<4096x12800xf32, #tpu.memory_space<hbm>> -> memref<1x12800xf32, #tpu.memory_space<hbm>>
    %dma_start3A_738 = tpu.memref_slice %arg6[%dma_start3A_735] : memref<4x!tpu.dma_semaphore, #tpu.memory_space<semaphore_mem>> -> memref<1x!tpu.dma_semaphore, #tpu.memory_space<semaphore_mem>>
    %dma_start3A_739 = tpu.memref_squeeze %dma_start3A_738 : memref<1x!tpu.dma_semaphore, #tpu.memory_space<semaphore_mem>> -> memref<!tpu.dma_semaphore, #tpu.memory_space<semaphore_mem>>
    %dma_start3A_740 = arith.constant 0 : i32
    %dma_start3A_741 = tpu.memref_slice %arg3[%add3A_734, %dma_start3A_740] : memref<4096x12800xf32, #tpu.memory_space<hbm>> -> memref<1x12800xf32, #tpu.memory_space<hbm>>
    tpu.enqueue_dma source(%arg4 : memref<1x12800xf32, #tpu.memory_space<vmem>>) target(%dma_start3A_741 : memref<1x12800xf32, #tpu.memory_space<hbm>>) target_semaphore(%dma_start3A_739 : memref<!tpu.dma_semaphore, #tpu.memory_space<semaphore_mem>>)
    %add3A_742 = arith.constant 81 : i32
    %add3A_743 = arith.addi %mul3A_2, %add3A_742 : i32
    %dma_start3A_744 = arith.constant 1 : i32
    %dma_start3A_745 = arith.constant 0 : i32
    %dma_start3A_746 = tpu.memref_slice %arg3[%add3A_743, %dma_start3A_745] : memref<4096x12800xf32, #tpu.memory_space<hbm>> -> memref<1x12800xf32, #tpu.memory_space<hbm>>
    %dma_start3A_747 = tpu.memref_slice %arg6[%dma_start3A_744] : memref<4x!tpu.dma_semaphore, #tpu.memory_space<semaphore_mem>> -> memref<1x!tpu.dma_semaphore, #tpu.memory_space<semaphore_mem>>
    %dma_start3A_748 = tpu.memref_squeeze %dma_start3A_747 : memref<1x!tpu.dma_semaphore, #tpu.memory_space<semaphore_mem>> -> memref<!tpu.dma_semaphore, #tpu.memory_space<semaphore_mem>>
    %dma_start3A_749 = arith.constant 0 : i32
    %dma_start3A_750 = tpu.memref_slice %arg3[%add3A_743, %dma_start3A_749] : memref<4096x12800xf32, #tpu.memory_space<hbm>> -> memref<1x12800xf32, #tpu.memory_space<hbm>>
    tpu.enqueue_dma source(%arg4 : memref<1x12800xf32, #tpu.memory_space<vmem>>) target(%dma_start3A_750 : memref<1x12800xf32, #tpu.memory_space<hbm>>) target_semaphore(%dma_start3A_748 : memref<!tpu.dma_semaphore, #tpu.memory_space<semaphore_mem>>)
    %add3A_751 = arith.constant 82 : i32
    %add3A_752 = arith.addi %mul3A_2, %add3A_751 : i32
    %dma_start3A_753 = arith.constant 2 : i32
    %dma_start3A_754 = arith.constant 0 : i32
    %dma_start3A_755 = tpu.memref_slice %arg3[%add3A_752, %dma_start3A_754] : memref<4096x12800xf32, #tpu.memory_space<hbm>> -> memref<1x12800xf32, #tpu.memory_space<hbm>>
    %dma_start3A_756 = tpu.memref_slice %arg6[%dma_start3A_753] : memref<4x!tpu.dma_semaphore, #tpu.memory_space<semaphore_mem>> -> memref<1x!tpu.dma_semaphore, #tpu.memory_space<semaphore_mem>>
    %dma_start3A_757 = tpu.memref_squeeze %dma_start3A_756 : memref<1x!tpu.dma_semaphore, #tpu.memory_space<semaphore_mem>> -> memref<!tpu.dma_semaphore, #tpu.memory_space<semaphore_mem>>
    %dma_start3A_758 = arith.constant 0 : i32
    %dma_start3A_759 = tpu.memref_slice %arg3[%add3A_752, %dma_start3A_758] : memref<4096x12800xf32, #tpu.memory_space<hbm>> -> memref<1x12800xf32, #tpu.memory_space<hbm>>
    tpu.enqueue_dma source(%arg4 : memref<1x12800xf32, #tpu.memory_space<vmem>>) target(%dma_start3A_759 : memref<1x12800xf32, #tpu.memory_space<hbm>>) target_semaphore(%dma_start3A_757 : memref<!tpu.dma_semaphore, #tpu.memory_space<semaphore_mem>>)
    %add3A_760 = arith.constant 83 : i32
    %add3A_761 = arith.addi %mul3A_2, %add3A_760 : i32
    %dma_start3A_762 = arith.constant 3 : i32
    %dma_start3A_763 = arith.constant 0 : i32
    %dma_start3A_764 = tpu.memref_slice %arg3[%add3A_761, %dma_start3A_763] : memref<4096x12800xf32, #tpu.memory_space<hbm>> -> memref<1x12800xf32, #tpu.memory_space<hbm>>
    %dma_start3A_765 = tpu.memref_slice %arg6[%dma_start3A_762] : memref<4x!tpu.dma_semaphore, #tpu.memory_space<semaphore_mem>> -> memref<1x!tpu.dma_semaphore, #tpu.memory_space<semaphore_mem>>
    %dma_start3A_766 = tpu.memref_squeeze %dma_start3A_765 : memref<1x!tpu.dma_semaphore, #tpu.memory_space<semaphore_mem>> -> memref<!tpu.dma_semaphore, #tpu.memory_space<semaphore_mem>>
    %dma_start3A_767 = arith.constant 0 : i32
    %dma_start3A_768 = tpu.memref_slice %arg3[%add3A_761, %dma_start3A_767] : memref<4096x12800xf32, #tpu.memory_space<hbm>> -> memref<1x12800xf32, #tpu.memory_space<hbm>>
    tpu.enqueue_dma source(%arg4 : memref<1x12800xf32, #tpu.memory_space<vmem>>) target(%dma_start3A_768 : memref<1x12800xf32, #tpu.memory_space<hbm>>) target_semaphore(%dma_start3A_766 : memref<!tpu.dma_semaphore, #tpu.memory_space<semaphore_mem>>)
    %add3A_769 = arith.constant 84 : i32
    %add3A_770 = arith.addi %mul3A_2, %add3A_769 : i32
    %dma_start3A_771 = arith.constant 0 : i32
    %dma_start3A_772 = arith.constant 0 : i32
    %dma_start3A_773 = tpu.memref_slice %arg3[%add3A_770, %dma_start3A_772] : memref<4096x12800xf32, #tpu.memory_space<hbm>> -> memref<1x12800xf32, #tpu.memory_space<hbm>>
    %dma_start3A_774 = tpu.memref_slice %arg6[%dma_start3A_771] : memref<4x!tpu.dma_semaphore, #tpu.memory_space<semaphore_mem>> -> memref<1x!tpu.dma_semaphore, #tpu.memory_space<semaphore_mem>>
    %dma_start3A_775 = tpu.memref_squeeze %dma_start3A_774 : memref<1x!tpu.dma_semaphore, #tpu.memory_space<semaphore_mem>> -> memref<!tpu.dma_semaphore, #tpu.memory_space<semaphore_mem>>
    %dma_start3A_776 = arith.constant 0 : i32
    %dma_start3A_777 = tpu.memref_slice %arg3[%add3A_770, %dma_start3A_776] : memref<4096x12800xf32, #tpu.memory_space<hbm>> -> memref<1x12800xf32, #tpu.memory_space<hbm>>
    tpu.enqueue_dma source(%arg4 : memref<1x12800xf32, #tpu.memory_space<vmem>>) target(%dma_start3A_777 : memref<1x12800xf32, #tpu.memory_space<hbm>>) target_semaphore(%dma_start3A_775 : memref<!tpu.dma_semaphore, #tpu.memory_space<semaphore_mem>>)
    %add3A_778 = arith.constant 85 : i32
    %add3A_779 = arith.addi %mul3A_2, %add3A_778 : i32
    %dma_start3A_780 = arith.constant 1 : i32
    %dma_start3A_781 = arith.constant 0 : i32
    %dma_start3A_782 = tpu.memref_slice %arg3[%add3A_779, %dma_start3A_781] : memref<4096x12800xf32, #tpu.memory_space<hbm>> -> memref<1x12800xf32, #tpu.memory_space<hbm>>
    %dma_start3A_783 = tpu.memref_slice %arg6[%dma_start3A_780] : memref<4x!tpu.dma_semaphore, #tpu.memory_space<semaphore_mem>> -> memref<1x!tpu.dma_semaphore, #tpu.memory_space<semaphore_mem>>
    %dma_start3A_784 = tpu.memref_squeeze %dma_start3A_783 : memref<1x!tpu.dma_semaphore, #tpu.memory_space<semaphore_mem>> -> memref<!tpu.dma_semaphore, #tpu.memory_space<semaphore_mem>>
    %dma_start3A_785 = arith.constant 0 : i32
    %dma_start3A_786 = tpu.memref_slice %arg3[%add3A_779, %dma_start3A_785] : memref<4096x12800xf32, #tpu.memory_space<hbm>> -> memref<1x12800xf32, #tpu.memory_space<hbm>>
    tpu.enqueue_dma source(%arg4 : memref<1x12800xf32, #tpu.memory_space<vmem>>) target(%dma_start3A_786 : memref<1x12800xf32, #tpu.memory_space<hbm>>) target_semaphore(%dma_start3A_784 : memref<!tpu.dma_semaphore, #tpu.memory_space<semaphore_mem>>)
    %add3A_787 = arith.constant 86 : i32
    %add3A_788 = arith.addi %mul3A_2, %add3A_787 : i32
    %dma_start3A_789 = arith.constant 2 : i32
    %dma_start3A_790 = arith.constant 0 : i32
    %dma_start3A_791 = tpu.memref_slice %arg3[%add3A_788, %dma_start3A_790] : memref<4096x12800xf32, #tpu.memory_space<hbm>> -> memref<1x12800xf32, #tpu.memory_space<hbm>>
    %dma_start3A_792 = tpu.memref_slice %arg6[%dma_start3A_789] : memref<4x!tpu.dma_semaphore, #tpu.memory_space<semaphore_mem>> -> memref<1x!tpu.dma_semaphore, #tpu.memory_space<semaphore_mem>>
    %dma_start3A_793 = tpu.memref_squeeze %dma_start3A_792 : memref<1x!tpu.dma_semaphore, #tpu.memory_space<semaphore_mem>> -> memref<!tpu.dma_semaphore, #tpu.memory_space<semaphore_mem>>
    %dma_start3A_794 = arith.constant 0 : i32
    %dma_start3A_795 = tpu.memref_slice %arg3[%add3A_788, %dma_start3A_794] : memref<4096x12800xf32, #tpu.memory_space<hbm>> -> memref<1x12800xf32, #tpu.memory_space<hbm>>
    tpu.enqueue_dma source(%arg4 : memref<1x12800xf32, #tpu.memory_space<vmem>>) target(%dma_start3A_795 : memref<1x12800xf32, #tpu.memory_space<hbm>>) target_semaphore(%dma_start3A_793 : memref<!tpu.dma_semaphore, #tpu.memory_space<semaphore_mem>>)
    %add3A_796 = arith.constant 87 : i32
    %add3A_797 = arith.addi %mul3A_2, %add3A_796 : i32
    %dma_start3A_798 = arith.constant 3 : i32
    %dma_start3A_799 = arith.constant 0 : i32
    %dma_start3A_800 = tpu.memref_slice %arg3[%add3A_797, %dma_start3A_799] : memref<4096x12800xf32, #tpu.memory_space<hbm>> -> memref<1x12800xf32, #tpu.memory_space<hbm>>
    %dma_start3A_801 = tpu.memref_slice %arg6[%dma_start3A_798] : memref<4x!tpu.dma_semaphore, #tpu.memory_space<semaphore_mem>> -> memref<1x!tpu.dma_semaphore, #tpu.memory_space<semaphore_mem>>
    %dma_start3A_802 = tpu.memref_squeeze %dma_start3A_801 : memref<1x!tpu.dma_semaphore, #tpu.memory_space<semaphore_mem>> -> memref<!tpu.dma_semaphore, #tpu.memory_space<semaphore_mem>>
    %dma_start3A_803 = arith.constant 0 : i32
    %dma_start3A_804 = tpu.memref_slice %arg3[%add3A_797, %dma_start3A_803] : memref<4096x12800xf32, #tpu.memory_space<hbm>> -> memref<1x12800xf32, #tpu.memory_space<hbm>>
    tpu.enqueue_dma source(%arg4 : memref<1x12800xf32, #tpu.memory_space<vmem>>) target(%dma_start3A_804 : memref<1x12800xf32, #tpu.memory_space<hbm>>) target_semaphore(%dma_start3A_802 : memref<!tpu.dma_semaphore, #tpu.memory_space<semaphore_mem>>)
    %add3A_805 = arith.constant 88 : i32
    %add3A_806 = arith.addi %mul3A_2, %add3A_805 : i32
    %dma_start3A_807 = arith.constant 0 : i32
    %dma_start3A_808 = arith.constant 0 : i32
    %dma_start3A_809 = tpu.memref_slice %arg3[%add3A_806, %dma_start3A_808] : memref<4096x12800xf32, #tpu.memory_space<hbm>> -> memref<1x12800xf32, #tpu.memory_space<hbm>>
    %dma_start3A_810 = tpu.memref_slice %arg6[%dma_start3A_807] : memref<4x!tpu.dma_semaphore, #tpu.memory_space<semaphore_mem>> -> memref<1x!tpu.dma_semaphore, #tpu.memory_space<semaphore_mem>>
    %dma_start3A_811 = tpu.memref_squeeze %dma_start3A_810 : memref<1x!tpu.dma_semaphore, #tpu.memory_space<semaphore_mem>> -> memref<!tpu.dma_semaphore, #tpu.memory_space<semaphore_mem>>
    %dma_start3A_812 = arith.constant 0 : i32
    %dma_start3A_813 = tpu.memref_slice %arg3[%add3A_806, %dma_start3A_812] : memref<4096x12800xf32, #tpu.memory_space<hbm>> -> memref<1x12800xf32, #tpu.memory_space<hbm>>
    tpu.enqueue_dma source(%arg4 : memref<1x12800xf32, #tpu.memory_space<vmem>>) target(%dma_start3A_813 : memref<1x12800xf32, #tpu.memory_space<hbm>>) target_semaphore(%dma_start3A_811 : memref<!tpu.dma_semaphore, #tpu.memory_space<semaphore_mem>>)
    %add3A_814 = arith.constant 89 : i32
    %add3A_815 = arith.addi %mul3A_2, %add3A_814 : i32
    %dma_start3A_816 = arith.constant 1 : i32
    %dma_start3A_817 = arith.constant 0 : i32
    %dma_start3A_818 = tpu.memref_slice %arg3[%add3A_815, %dma_start3A_817] : memref<4096x12800xf32, #tpu.memory_space<hbm>> -> memref<1x12800xf32, #tpu.memory_space<hbm>>
    %dma_start3A_819 = tpu.memref_slice %arg6[%dma_start3A_816] : memref<4x!tpu.dma_semaphore, #tpu.memory_space<semaphore_mem>> -> memref<1x!tpu.dma_semaphore, #tpu.memory_space<semaphore_mem>>
    %dma_start3A_820 = tpu.memref_squeeze %dma_start3A_819 : memref<1x!tpu.dma_semaphore, #tpu.memory_space<semaphore_mem>> -> memref<!tpu.dma_semaphore, #tpu.memory_space<semaphore_mem>>
    %dma_start3A_821 = arith.constant 0 : i32
    %dma_start3A_822 = tpu.memref_slice %arg3[%add3A_815, %dma_start3A_821] : memref<4096x12800xf32, #tpu.memory_space<hbm>> -> memref<1x12800xf32, #tpu.memory_space<hbm>>
    tpu.enqueue_dma source(%arg4 : memref<1x12800xf32, #tpu.memory_space<vmem>>) target(%dma_start3A_822 : memref<1x12800xf32, #tpu.memory_space<hbm>>) target_semaphore(%dma_start3A_820 : memref<!tpu.dma_semaphore, #tpu.memory_space<semaphore_mem>>)
    %add3A_823 = arith.constant 90 : i32
    %add3A_824 = arith.addi %mul3A_2, %add3A_823 : i32
    %dma_start3A_825 = arith.constant 2 : i32
    %dma_start3A_826 = arith.constant 0 : i32
    %dma_start3A_827 = tpu.memref_slice %arg3[%add3A_824, %dma_start3A_826] : memref<4096x12800xf32, #tpu.memory_space<hbm>> -> memref<1x12800xf32, #tpu.memory_space<hbm>>
    %dma_start3A_828 = tpu.memref_slice %arg6[%dma_start3A_825] : memref<4x!tpu.dma_semaphore, #tpu.memory_space<semaphore_mem>> -> memref<1x!tpu.dma_semaphore, #tpu.memory_space<semaphore_mem>>
    %dma_start3A_829 = tpu.memref_squeeze %dma_start3A_828 : memref<1x!tpu.dma_semaphore, #tpu.memory_space<semaphore_mem>> -> memref<!tpu.dma_semaphore, #tpu.memory_space<semaphore_mem>>
    %dma_start3A_830 = arith.constant 0 : i32
    %dma_start3A_831 = tpu.memref_slice %arg3[%add3A_824, %dma_start3A_830] : memref<4096x12800xf32, #tpu.memory_space<hbm>> -> memref<1x12800xf32, #tpu.memory_space<hbm>>
    tpu.enqueue_dma source(%arg4 : memref<1x12800xf32, #tpu.memory_space<vmem>>) target(%dma_start3A_831 : memref<1x12800xf32, #tpu.memory_space<hbm>>) target_semaphore(%dma_start3A_829 : memref<!tpu.dma_semaphore, #tpu.memory_space<semaphore_mem>>)
    %add3A_832 = arith.constant 91 : i32
    %add3A_833 = arith.addi %mul3A_2, %add3A_832 : i32
    %dma_start3A_834 = arith.constant 3 : i32
    %dma_start3A_835 = arith.constant 0 : i32
    %dma_start3A_836 = tpu.memref_slice %arg3[%add3A_833, %dma_start3A_835] : memref<4096x12800xf32, #tpu.memory_space<hbm>> -> memref<1x12800xf32, #tpu.memory_space<hbm>>
    %dma_start3A_837 = tpu.memref_slice %arg6[%dma_start3A_834] : memref<4x!tpu.dma_semaphore, #tpu.memory_space<semaphore_mem>> -> memref<1x!tpu.dma_semaphore, #tpu.memory_space<semaphore_mem>>
    %dma_start3A_838 = tpu.memref_squeeze %dma_start3A_837 : memref<1x!tpu.dma_semaphore, #tpu.memory_space<semaphore_mem>> -> memref<!tpu.dma_semaphore, #tpu.memory_space<semaphore_mem>>
    %dma_start3A_839 = arith.constant 0 : i32
    %dma_start3A_840 = tpu.memref_slice %arg3[%add3A_833, %dma_start3A_839] : memref<4096x12800xf32, #tpu.memory_space<hbm>> -> memref<1x12800xf32, #tpu.memory_space<hbm>>
    tpu.enqueue_dma source(%arg4 : memref<1x12800xf32, #tpu.memory_space<vmem>>) target(%dma_start3A_840 : memref<1x12800xf32, #tpu.memory_space<hbm>>) target_semaphore(%dma_start3A_838 : memref<!tpu.dma_semaphore, #tpu.memory_space<semaphore_mem>>)
    %add3A_841 = arith.constant 92 : i32
    %add3A_842 = arith.addi %mul3A_2, %add3A_841 : i32
    %dma_start3A_843 = arith.constant 0 : i32
    %dma_start3A_844 = arith.constant 0 : i32
    %dma_start3A_845 = tpu.memref_slice %arg3[%add3A_842, %dma_start3A_844] : memref<4096x12800xf32, #tpu.memory_space<hbm>> -> memref<1x12800xf32, #tpu.memory_space<hbm>>
    %dma_start3A_846 = tpu.memref_slice %arg6[%dma_start3A_843] : memref<4x!tpu.dma_semaphore, #tpu.memory_space<semaphore_mem>> -> memref<1x!tpu.dma_semaphore, #tpu.memory_space<semaphore_mem>>
    %dma_start3A_847 = tpu.memref_squeeze %dma_start3A_846 : memref<1x!tpu.dma_semaphore, #tpu.memory_space<semaphore_mem>> -> memref<!tpu.dma_semaphore, #tpu.memory_space<semaphore_mem>>
    %dma_start3A_848 = arith.constant 0 : i32
    %dma_start3A_849 = tpu.memref_slice %arg3[%add3A_842, %dma_start3A_848] : memref<4096x12800xf32, #tpu.memory_space<hbm>> -> memref<1x12800xf32, #tpu.memory_space<hbm>>
    tpu.enqueue_dma source(%arg4 : memref<1x12800xf32, #tpu.memory_space<vmem>>) target(%dma_start3A_849 : memref<1x12800xf32, #tpu.memory_space<hbm>>) target_semaphore(%dma_start3A_847 : memref<!tpu.dma_semaphore, #tpu.memory_space<semaphore_mem>>)
    %add3A_850 = arith.constant 93 : i32
    %add3A_851 = arith.addi %mul3A_2, %add3A_850 : i32
    %dma_start3A_852 = arith.constant 1 : i32
    %dma_start3A_853 = arith.constant 0 : i32
    %dma_start3A_854 = tpu.memref_slice %arg3[%add3A_851, %dma_start3A_853] : memref<4096x12800xf32, #tpu.memory_space<hbm>> -> memref<1x12800xf32, #tpu.memory_space<hbm>>
    %dma_start3A_855 = tpu.memref_slice %arg6[%dma_start3A_852] : memref<4x!tpu.dma_semaphore, #tpu.memory_space<semaphore_mem>> -> memref<1x!tpu.dma_semaphore, #tpu.memory_space<semaphore_mem>>
    %dma_start3A_856 = tpu.memref_squeeze %dma_start3A_855 : memref<1x!tpu.dma_semaphore, #tpu.memory_space<semaphore_mem>> -> memref<!tpu.dma_semaphore, #tpu.memory_space<semaphore_mem>>
    %dma_start3A_857 = arith.constant 0 : i32
    %dma_start3A_858 = tpu.memref_slice %arg3[%add3A_851, %dma_start3A_857] : memref<4096x12800xf32, #tpu.memory_space<hbm>> -> memref<1x12800xf32, #tpu.memory_space<hbm>>
    tpu.enqueue_dma source(%arg4 : memref<1x12800xf32, #tpu.memory_space<vmem>>) target(%dma_start3A_858 : memref<1x12800xf32, #tpu.memory_space<hbm>>) target_semaphore(%dma_start3A_856 : memref<!tpu.dma_semaphore, #tpu.memory_space<semaphore_mem>>)
    %add3A_859 = arith.constant 94 : i32
    %add3A_860 = arith.addi %mul3A_2, %add3A_859 : i32
    %dma_start3A_861 = arith.constant 2 : i32
    %dma_start3A_862 = arith.constant 0 : i32
    %dma_start3A_863 = tpu.memref_slice %arg3[%add3A_860, %dma_start3A_862] : memref<4096x12800xf32, #tpu.memory_space<hbm>> -> memref<1x12800xf32, #tpu.memory_space<hbm>>
    %dma_start3A_864 = tpu.memref_slice %arg6[%dma_start3A_861] : memref<4x!tpu.dma_semaphore, #tpu.memory_space<semaphore_mem>> -> memref<1x!tpu.dma_semaphore, #tpu.memory_space<semaphore_mem>>
    %dma_start3A_865 = tpu.memref_squeeze %dma_start3A_864 : memref<1x!tpu.dma_semaphore, #tpu.memory_space<semaphore_mem>> -> memref<!tpu.dma_semaphore, #tpu.memory_space<semaphore_mem>>
    %dma_start3A_866 = arith.constant 0 : i32
    %dma_start3A_867 = tpu.memref_slice %arg3[%add3A_860, %dma_start3A_866] : memref<4096x12800xf32, #tpu.memory_space<hbm>> -> memref<1x12800xf32, #tpu.memory_space<hbm>>
    tpu.enqueue_dma source(%arg4 : memref<1x12800xf32, #tpu.memory_space<vmem>>) target(%dma_start3A_867 : memref<1x12800xf32, #tpu.memory_space<hbm>>) target_semaphore(%dma_start3A_865 : memref<!tpu.dma_semaphore, #tpu.memory_space<semaphore_mem>>)
    %add3A_868 = arith.constant 95 : i32
    %add3A_869 = arith.addi %mul3A_2, %add3A_868 : i32
    %dma_start3A_870 = arith.constant 3 : i32
    %dma_start3A_871 = arith.constant 0 : i32
    %dma_start3A_872 = tpu.memref_slice %arg3[%add3A_869, %dma_start3A_871] : memref<4096x12800xf32, #tpu.memory_space<hbm>> -> memref<1x12800xf32, #tpu.memory_space<hbm>>
    %dma_start3A_873 = tpu.memref_slice %arg6[%dma_start3A_870] : memref<4x!tpu.dma_semaphore, #tpu.memory_space<semaphore_mem>> -> memref<1x!tpu.dma_semaphore, #tpu.memory_space<semaphore_mem>>
    %dma_start3A_874 = tpu.memref_squeeze %dma_start3A_873 : memref<1x!tpu.dma_semaphore, #tpu.memory_space<semaphore_mem>> -> memref<!tpu.dma_semaphore, #tpu.memory_space<semaphore_mem>>
    %dma_start3A_875 = arith.constant 0 : i32
    %dma_start3A_876 = tpu.memref_slice %arg3[%add3A_869, %dma_start3A_875] : memref<4096x12800xf32, #tpu.memory_space<hbm>> -> memref<1x12800xf32, #tpu.memory_space<hbm>>
    tpu.enqueue_dma source(%arg4 : memref<1x12800xf32, #tpu.memory_space<vmem>>) target(%dma_start3A_876 : memref<1x12800xf32, #tpu.memory_space<hbm>>) target_semaphore(%dma_start3A_874 : memref<!tpu.dma_semaphore, #tpu.memory_space<semaphore_mem>>)
    %add3A_877 = arith.constant 96 : i32
    %add3A_878 = arith.addi %mul3A_2, %add3A_877 : i32
    %dma_start3A_879 = arith.constant 0 : i32
    %dma_start3A_880 = arith.constant 0 : i32
    %dma_start3A_881 = tpu.memref_slice %arg3[%add3A_878, %dma_start3A_880] : memref<4096x12800xf32, #tpu.memory_space<hbm>> -> memref<1x12800xf32, #tpu.memory_space<hbm>>
    %dma_start3A_882 = tpu.memref_slice %arg6[%dma_start3A_879] : memref<4x!tpu.dma_semaphore, #tpu.memory_space<semaphore_mem>> -> memref<1x!tpu.dma_semaphore, #tpu.memory_space<semaphore_mem>>
    %dma_start3A_883 = tpu.memref_squeeze %dma_start3A_882 : memref<1x!tpu.dma_semaphore, #tpu.memory_space<semaphore_mem>> -> memref<!tpu.dma_semaphore, #tpu.memory_space<semaphore_mem>>
    %dma_start3A_884 = arith.constant 0 : i32
    %dma_start3A_885 = tpu.memref_slice %arg3[%add3A_878, %dma_start3A_884] : memref<4096x12800xf32, #tpu.memory_space<hbm>> -> memref<1x12800xf32, #tpu.memory_space<hbm>>
    tpu.enqueue_dma source(%arg4 : memref<1x12800xf32, #tpu.memory_space<vmem>>) target(%dma_start3A_885 : memref<1x12800xf32, #tpu.memory_space<hbm>>) target_semaphore(%dma_start3A_883 : memref<!tpu.dma_semaphore, #tpu.memory_space<semaphore_mem>>)
    %add3A_886 = arith.constant 97 : i32
    %add3A_887 = arith.addi %mul3A_2, %add3A_886 : i32
    %dma_start3A_888 = arith.constant 1 : i32
    %dma_start3A_889 = arith.constant 0 : i32
    %dma_start3A_890 = tpu.memref_slice %arg3[%add3A_887, %dma_start3A_889] : memref<4096x12800xf32, #tpu.memory_space<hbm>> -> memref<1x12800xf32, #tpu.memory_space<hbm>>
    %dma_start3A_891 = tpu.memref_slice %arg6[%dma_start3A_888] : memref<4x!tpu.dma_semaphore, #tpu.memory_space<semaphore_mem>> -> memref<1x!tpu.dma_semaphore, #tpu.memory_space<semaphore_mem>>
    %dma_start3A_892 = tpu.memref_squeeze %dma_start3A_891 : memref<1x!tpu.dma_semaphore, #tpu.memory_space<semaphore_mem>> -> memref<!tpu.dma_semaphore, #tpu.memory_space<semaphore_mem>>
    %dma_start3A_893 = arith.constant 0 : i32
    %dma_start3A_894 = tpu.memref_slice %arg3[%add3A_887, %dma_start3A_893] : memref<4096x12800xf32, #tpu.memory_space<hbm>> -> memref<1x12800xf32, #tpu.memory_space<hbm>>
    tpu.enqueue_dma source(%arg4 : memref<1x12800xf32, #tpu.memory_space<vmem>>) target(%dma_start3A_894 : memref<1x12800xf32, #tpu.memory_space<hbm>>) target_semaphore(%dma_start3A_892 : memref<!tpu.dma_semaphore, #tpu.memory_space<semaphore_mem>>)
    %add3A_895 = arith.constant 98 : i32
    %add3A_896 = arith.addi %mul3A_2, %add3A_895 : i32
    %dma_start3A_897 = arith.constant 2 : i32
    %dma_start3A_898 = arith.constant 0 : i32
    %dma_start3A_899 = tpu.memref_slice %arg3[%add3A_896, %dma_start3A_898] : memref<4096x12800xf32, #tpu.memory_space<hbm>> -> memref<1x12800xf32, #tpu.memory_space<hbm>>
    %dma_start3A_900 = tpu.memref_slice %arg6[%dma_start3A_897] : memref<4x!tpu.dma_semaphore, #tpu.memory_space<semaphore_mem>> -> memref<1x!tpu.dma_semaphore, #tpu.memory_space<semaphore_mem>>
    %dma_start3A_901 = tpu.memref_squeeze %dma_start3A_900 : memref<1x!tpu.dma_semaphore, #tpu.memory_space<semaphore_mem>> -> memref<!tpu.dma_semaphore, #tpu.memory_space<semaphore_mem>>
    %dma_start3A_902 = arith.constant 0 : i32
    %dma_start3A_903 = tpu.memref_slice %arg3[%add3A_896, %dma_start3A_902] : memref<4096x12800xf32, #tpu.memory_space<hbm>> -> memref<1x12800xf32, #tpu.memory_space<hbm>>
    tpu.enqueue_dma source(%arg4 : memref<1x12800xf32, #tpu.memory_space<vmem>>) target(%dma_start3A_903 : memref<1x12800xf32, #tpu.memory_space<hbm>>) target_semaphore(%dma_start3A_901 : memref<!tpu.dma_semaphore, #tpu.memory_space<semaphore_mem>>)
    %add3A_904 = arith.constant 99 : i32
    %add3A_905 = arith.addi %mul3A_2, %add3A_904 : i32
    %dma_start3A_906 = arith.constant 3 : i32
    %dma_start3A_907 = arith.constant 0 : i32
    %dma_start3A_908 = tpu.memref_slice %arg3[%add3A_905, %dma_start3A_907] : memref<4096x12800xf32, #tpu.memory_space<hbm>> -> memref<1x12800xf32, #tpu.memory_space<hbm>>
    %dma_start3A_909 = tpu.memref_slice %arg6[%dma_start3A_906] : memref<4x!tpu.dma_semaphore, #tpu.memory_space<semaphore_mem>> -> memref<1x!tpu.dma_semaphore, #tpu.memory_space<semaphore_mem>>
    %dma_start3A_910 = tpu.memref_squeeze %dma_start3A_909 : memref<1x!tpu.dma_semaphore, #tpu.memory_space<semaphore_mem>> -> memref<!tpu.dma_semaphore, #tpu.memory_space<semaphore_mem>>
    %dma_start3A_911 = arith.constant 0 : i32
    %dma_start3A_912 = tpu.memref_slice %arg3[%add3A_905, %dma_start3A_911] : memref<4096x12800xf32, #tpu.memory_space<hbm>> -> memref<1x12800xf32, #tpu.memory_space<hbm>>
    tpu.enqueue_dma source(%arg4 : memref<1x12800xf32, #tpu.memory_space<vmem>>) target(%dma_start3A_912 : memref<1x12800xf32, #tpu.memory_space<hbm>>) target_semaphore(%dma_start3A_910 : memref<!tpu.dma_semaphore, #tpu.memory_space<semaphore_mem>>)
    %add3A_913 = arith.constant 100 : i32
    %add3A_914 = arith.addi %mul3A_2, %add3A_913 : i32
    %dma_start3A_915 = arith.constant 0 : i32
    %dma_start3A_916 = arith.constant 0 : i32
    %dma_start3A_917 = tpu.memref_slice %arg3[%add3A_914, %dma_start3A_916] : memref<4096x12800xf32, #tpu.memory_space<hbm>> -> memref<1x12800xf32, #tpu.memory_space<hbm>>
    %dma_start3A_918 = tpu.memref_slice %arg6[%dma_start3A_915] : memref<4x!tpu.dma_semaphore, #tpu.memory_space<semaphore_mem>> -> memref<1x!tpu.dma_semaphore, #tpu.memory_space<semaphore_mem>>
    %dma_start3A_919 = tpu.memref_squeeze %dma_start3A_918 : memref<1x!tpu.dma_semaphore, #tpu.memory_space<semaphore_mem>> -> memref<!tpu.dma_semaphore, #tpu.memory_space<semaphore_mem>>
    %dma_start3A_920 = arith.constant 0 : i32
    %dma_start3A_921 = tpu.memref_slice %arg3[%add3A_914, %dma_start3A_920] : memref<4096x12800xf32, #tpu.memory_space<hbm>> -> memref<1x12800xf32, #tpu.memory_space<hbm>>
    tpu.enqueue_dma source(%arg4 : memref<1x12800xf32, #tpu.memory_space<vmem>>) target(%dma_start3A_921 : memref<1x12800xf32, #tpu.memory_space<hbm>>) target_semaphore(%dma_start3A_919 : memref<!tpu.dma_semaphore, #tpu.memory_space<semaphore_mem>>)
    %add3A_922 = arith.constant 101 : i32
    %add3A_923 = arith.addi %mul3A_2, %add3A_922 : i32
    %dma_start3A_924 = arith.constant 1 : i32
    %dma_start3A_925 = arith.constant 0 : i32
    %dma_start3A_926 = tpu.memref_slice %arg3[%add3A_923, %dma_start3A_925] : memref<4096x12800xf32, #tpu.memory_space<hbm>> -> memref<1x12800xf32, #tpu.memory_space<hbm>>
    %dma_start3A_927 = tpu.memref_slice %arg6[%dma_start3A_924] : memref<4x!tpu.dma_semaphore, #tpu.memory_space<semaphore_mem>> -> memref<1x!tpu.dma_semaphore, #tpu.memory_space<semaphore_mem>>
    %dma_start3A_928 = tpu.memref_squeeze %dma_start3A_927 : memref<1x!tpu.dma_semaphore, #tpu.memory_space<semaphore_mem>> -> memref<!tpu.dma_semaphore, #tpu.memory_space<semaphore_mem>>
    %dma_start3A_929 = arith.constant 0 : i32
    %dma_start3A_930 = tpu.memref_slice %arg3[%add3A_923, %dma_start3A_929] : memref<4096x12800xf32, #tpu.memory_space<hbm>> -> memref<1x12800xf32, #tpu.memory_space<hbm>>
    tpu.enqueue_dma source(%arg4 : memref<1x12800xf32, #tpu.memory_space<vmem>>) target(%dma_start3A_930 : memref<1x12800xf32, #tpu.memory_space<hbm>>) target_semaphore(%dma_start3A_928 : memref<!tpu.dma_semaphore, #tpu.memory_space<semaphore_mem>>)
    %add3A_931 = arith.constant 102 : i32
    %add3A_932 = arith.addi %mul3A_2, %add3A_931 : i32
    %dma_start3A_933 = arith.constant 2 : i32
    %dma_start3A_934 = arith.constant 0 : i32
    %dma_start3A_935 = tpu.memref_slice %arg3[%add3A_932, %dma_start3A_934] : memref<4096x12800xf32, #tpu.memory_space<hbm>> -> memref<1x12800xf32, #tpu.memory_space<hbm>>
    %dma_start3A_936 = tpu.memref_slice %arg6[%dma_start3A_933] : memref<4x!tpu.dma_semaphore, #tpu.memory_space<semaphore_mem>> -> memref<1x!tpu.dma_semaphore, #tpu.memory_space<semaphore_mem>>
    %dma_start3A_937 = tpu.memref_squeeze %dma_start3A_936 : memref<1x!tpu.dma_semaphore, #tpu.memory_space<semaphore_mem>> -> memref<!tpu.dma_semaphore, #tpu.memory_space<semaphore_mem>>
    %dma_start3A_938 = arith.constant 0 : i32
    %dma_start3A_939 = tpu.memref_slice %arg3[%add3A_932, %dma_start3A_938] : memref<4096x12800xf32, #tpu.memory_space<hbm>> -> memref<1x12800xf32, #tpu.memory_space<hbm>>
    tpu.enqueue_dma source(%arg4 : memref<1x12800xf32, #tpu.memory_space<vmem>>) target(%dma_start3A_939 : memref<1x12800xf32, #tpu.memory_space<hbm>>) target_semaphore(%dma_start3A_937 : memref<!tpu.dma_semaphore, #tpu.memory_space<semaphore_mem>>)
    %add3A_940 = arith.constant 103 : i32
    %add3A_941 = arith.addi %mul3A_2, %add3A_940 : i32
    %dma_start3A_942 = arith.constant 3 : i32
    %dma_start3A_943 = arith.constant 0 : i32
    %dma_start3A_944 = tpu.memref_slice %arg3[%add3A_941, %dma_start3A_943] : memref<4096x12800xf32, #tpu.memory_space<hbm>> -> memref<1x12800xf32, #tpu.memory_space<hbm>>
    %dma_start3A_945 = tpu.memref_slice %arg6[%dma_start3A_942] : memref<4x!tpu.dma_semaphore, #tpu.memory_space<semaphore_mem>> -> memref<1x!tpu.dma_semaphore, #tpu.memory_space<semaphore_mem>>
    %dma_start3A_946 = tpu.memref_squeeze %dma_start3A_945 : memref<1x!tpu.dma_semaphore, #tpu.memory_space<semaphore_mem>> -> memref<!tpu.dma_semaphore, #tpu.memory_space<semaphore_mem>>
    %dma_start3A_947 = arith.constant 0 : i32
    %dma_start3A_948 = tpu.memref_slice %arg3[%add3A_941, %dma_start3A_947] : memref<4096x12800xf32, #tpu.memory_space<hbm>> -> memref<1x12800xf32, #tpu.memory_space<hbm>>
    tpu.enqueue_dma source(%arg4 : memref<1x12800xf32, #tpu.memory_space<vmem>>) target(%dma_start3A_948 : memref<1x12800xf32, #tpu.memory_space<hbm>>) target_semaphore(%dma_start3A_946 : memref<!tpu.dma_semaphore, #tpu.memory_space<semaphore_mem>>)
    %add3A_949 = arith.constant 104 : i32
    %add3A_950 = arith.addi %mul3A_2, %add3A_949 : i32
    %dma_start3A_951 = arith.constant 0 : i32
    %dma_start3A_952 = arith.constant 0 : i32
    %dma_start3A_953 = tpu.memref_slice %arg3[%add3A_950, %dma_start3A_952] : memref<4096x12800xf32, #tpu.memory_space<hbm>> -> memref<1x12800xf32, #tpu.memory_space<hbm>>
    %dma_start3A_954 = tpu.memref_slice %arg6[%dma_start3A_951] : memref<4x!tpu.dma_semaphore, #tpu.memory_space<semaphore_mem>> -> memref<1x!tpu.dma_semaphore, #tpu.memory_space<semaphore_mem>>
    %dma_start3A_955 = tpu.memref_squeeze %dma_start3A_954 : memref<1x!tpu.dma_semaphore, #tpu.memory_space<semaphore_mem>> -> memref<!tpu.dma_semaphore, #tpu.memory_space<semaphore_mem>>
    %dma_start3A_956 = arith.constant 0 : i32
    %dma_start3A_957 = tpu.memref_slice %arg3[%add3A_950, %dma_start3A_956] : memref<4096x12800xf32, #tpu.memory_space<hbm>> -> memref<1x12800xf32, #tpu.memory_space<hbm>>
    tpu.enqueue_dma source(%arg4 : memref<1x12800xf32, #tpu.memory_space<vmem>>) target(%dma_start3A_957 : memref<1x12800xf32, #tpu.memory_space<hbm>>) target_semaphore(%dma_start3A_955 : memref<!tpu.dma_semaphore, #tpu.memory_space<semaphore_mem>>)
    %add3A_958 = arith.constant 105 : i32
    %add3A_959 = arith.addi %mul3A_2, %add3A_958 : i32
    %dma_start3A_960 = arith.constant 1 : i32
    %dma_start3A_961 = arith.constant 0 : i32
    %dma_start3A_962 = tpu.memref_slice %arg3[%add3A_959, %dma_start3A_961] : memref<4096x12800xf32, #tpu.memory_space<hbm>> -> memref<1x12800xf32, #tpu.memory_space<hbm>>
    %dma_start3A_963 = tpu.memref_slice %arg6[%dma_start3A_960] : memref<4x!tpu.dma_semaphore, #tpu.memory_space<semaphore_mem>> -> memref<1x!tpu.dma_semaphore, #tpu.memory_space<semaphore_mem>>
    %dma_start3A_964 = tpu.memref_squeeze %dma_start3A_963 : memref<1x!tpu.dma_semaphore, #tpu.memory_space<semaphore_mem>> -> memref<!tpu.dma_semaphore, #tpu.memory_space<semaphore_mem>>
    %dma_start3A_965 = arith.constant 0 : i32
    %dma_start3A_966 = tpu.memref_slice %arg3[%add3A_959, %dma_start3A_965] : memref<4096x12800xf32, #tpu.memory_space<hbm>> -> memref<1x12800xf32, #tpu.memory_space<hbm>>
    tpu.enqueue_dma source(%arg4 : memref<1x12800xf32, #tpu.memory_space<vmem>>) target(%dma_start3A_966 : memref<1x12800xf32, #tpu.memory_space<hbm>>) target_semaphore(%dma_start3A_964 : memref<!tpu.dma_semaphore, #tpu.memory_space<semaphore_mem>>)
    %add3A_967 = arith.constant 106 : i32
    %add3A_968 = arith.addi %mul3A_2, %add3A_967 : i32
    %dma_start3A_969 = arith.constant 2 : i32
    %dma_start3A_970 = arith.constant 0 : i32
    %dma_start3A_971 = tpu.memref_slice %arg3[%add3A_968, %dma_start3A_970] : memref<4096x12800xf32, #tpu.memory_space<hbm>> -> memref<1x12800xf32, #tpu.memory_space<hbm>>
    %dma_start3A_972 = tpu.memref_slice %arg6[%dma_start3A_969] : memref<4x!tpu.dma_semaphore, #tpu.memory_space<semaphore_mem>> -> memref<1x!tpu.dma_semaphore, #tpu.memory_space<semaphore_mem>>
    %dma_start3A_973 = tpu.memref_squeeze %dma_start3A_972 : memref<1x!tpu.dma_semaphore, #tpu.memory_space<semaphore_mem>> -> memref<!tpu.dma_semaphore, #tpu.memory_space<semaphore_mem>>
    %dma_start3A_974 = arith.constant 0 : i32
    %dma_start3A_975 = tpu.memref_slice %arg3[%add3A_968, %dma_start3A_974] : memref<4096x12800xf32, #tpu.memory_space<hbm>> -> memref<1x12800xf32, #tpu.memory_space<hbm>>
    tpu.enqueue_dma source(%arg4 : memref<1x12800xf32, #tpu.memory_space<vmem>>) target(%dma_start3A_975 : memref<1x12800xf32, #tpu.memory_space<hbm>>) target_semaphore(%dma_start3A_973 : memref<!tpu.dma_semaphore, #tpu.memory_space<semaphore_mem>>)
    %add3A_976 = arith.constant 107 : i32
    %add3A_977 = arith.addi %mul3A_2, %add3A_976 : i32
    %dma_start3A_978 = arith.constant 3 : i32
    %dma_start3A_979 = arith.constant 0 : i32
    %dma_start3A_980 = tpu.memref_slice %arg3[%add3A_977, %dma_start3A_979] : memref<4096x12800xf32, #tpu.memory_space<hbm>> -> memref<1x12800xf32, #tpu.memory_space<hbm>>
    %dma_start3A_981 = tpu.memref_slice %arg6[%dma_start3A_978] : memref<4x!tpu.dma_semaphore, #tpu.memory_space<semaphore_mem>> -> memref<1x!tpu.dma_semaphore, #tpu.memory_space<semaphore_mem>>
    %dma_start3A_982 = tpu.memref_squeeze %dma_start3A_981 : memref<1x!tpu.dma_semaphore, #tpu.memory_space<semaphore_mem>> -> memref<!tpu.dma_semaphore, #tpu.memory_space<semaphore_mem>>
    %dma_start3A_983 = arith.constant 0 : i32
    %dma_start3A_984 = tpu.memref_slice %arg3[%add3A_977, %dma_start3A_983] : memref<4096x12800xf32, #tpu.memory_space<hbm>> -> memref<1x12800xf32, #tpu.memory_space<hbm>>
    tpu.enqueue_dma source(%arg4 : memref<1x12800xf32, #tpu.memory_space<vmem>>) target(%dma_start3A_984 : memref<1x12800xf32, #tpu.memory_space<hbm>>) target_semaphore(%dma_start3A_982 : memref<!tpu.dma_semaphore, #tpu.memory_space<semaphore_mem>>)
    %add3A_985 = arith.constant 108 : i32
    %add3A_986 = arith.addi %mul3A_2, %add3A_985 : i32
    %dma_start3A_987 = arith.constant 0 : i32
    %dma_start3A_988 = arith.constant 0 : i32
    %dma_start3A_989 = tpu.memref_slice %arg3[%add3A_986, %dma_start3A_988] : memref<4096x12800xf32, #tpu.memory_space<hbm>> -> memref<1x12800xf32, #tpu.memory_space<hbm>>
    %dma_start3A_990 = tpu.memref_slice %arg6[%dma_start3A_987] : memref<4x!tpu.dma_semaphore, #tpu.memory_space<semaphore_mem>> -> memref<1x!tpu.dma_semaphore, #tpu.memory_space<semaphore_mem>>
    %dma_start3A_991 = tpu.memref_squeeze %dma_start3A_990 : memref<1x!tpu.dma_semaphore, #tpu.memory_space<semaphore_mem>> -> memref<!tpu.dma_semaphore, #tpu.memory_space<semaphore_mem>>
    %dma_start3A_992 = arith.constant 0 : i32
    %dma_start3A_993 = tpu.memref_slice %arg3[%add3A_986, %dma_start3A_992] : memref<4096x12800xf32, #tpu.memory_space<hbm>> -> memref<1x12800xf32, #tpu.memory_space<hbm>>
    tpu.enqueue_dma source(%arg4 : memref<1x12800xf32, #tpu.memory_space<vmem>>) target(%dma_start3A_993 : memref<1x12800xf32, #tpu.memory_space<hbm>>) target_semaphore(%dma_start3A_991 : memref<!tpu.dma_semaphore, #tpu.memory_space<semaphore_mem>>)
    %add3A_994 = arith.constant 109 : i32
    %add3A_995 = arith.addi %mul3A_2, %add3A_994 : i32
    %dma_start3A_996 = arith.constant 1 : i32
    %dma_start3A_997 = arith.constant 0 : i32
    %dma_start3A_998 = tpu.memref_slice %arg3[%add3A_995, %dma_start3A_997] : memref<4096x12800xf32, #tpu.memory_space<hbm>> -> memref<1x12800xf32, #tpu.memory_space<hbm>>
    %dma_start3A_999 = tpu.memref_slice %arg6[%dma_start3A_996] : memref<4x!tpu.dma_semaphore, #tpu.memory_space<semaphore_mem>> -> memref<1x!tpu.dma_semaphore, #tpu.memory_space<semaphore_mem>>
    %dma_start3A_1000 = tpu.memref_squeeze %dma_start3A_999 : memref<1x!tpu.dma_semaphore, #tpu.memory_space<semaphore_mem>> -> memref<!tpu.dma_semaphore, #tpu.memory_space<semaphore_mem>>
    %dma_start3A_1001 = arith.constant 0 : i32
    %dma_start3A_1002 = tpu.memref_slice %arg3[%add3A_995, %dma_start3A_1001] : memref<4096x12800xf32, #tpu.memory_space<hbm>> -> memref<1x12800xf32, #tpu.memory_space<hbm>>
    tpu.enqueue_dma source(%arg4 : memref<1x12800xf32, #tpu.memory_space<vmem>>) target(%dma_start3A_1002 : memref<1x12800xf32, #tpu.memory_space<hbm>>) target_semaphore(%dma_start3A_1000 : memref<!tpu.dma_semaphore, #tpu.memory_space<semaphore_mem>>)
    %add3A_1003 = arith.constant 110 : i32
    %add3A_1004 = arith.addi %mul3A_2, %add3A_1003 : i32
    %dma_start3A_1005 = arith.constant 2 : i32
    %dma_start3A_1006 = arith.constant 0 : i32
    %dma_start3A_1007 = tpu.memref_slice %arg3[%add3A_1004, %dma_start3A_1006] : memref<4096x12800xf32, #tpu.memory_space<hbm>> -> memref<1x12800xf32, #tpu.memory_space<hbm>>
    %dma_start3A_1008 = tpu.memref_slice %arg6[%dma_start3A_1005] : memref<4x!tpu.dma_semaphore, #tpu.memory_space<semaphore_mem>> -> memref<1x!tpu.dma_semaphore, #tpu.memory_space<semaphore_mem>>
    %dma_start3A_1009 = tpu.memref_squeeze %dma_start3A_1008 : memref<1x!tpu.dma_semaphore, #tpu.memory_space<semaphore_mem>> -> memref<!tpu.dma_semaphore, #tpu.memory_space<semaphore_mem>>
    %dma_start3A_1010 = arith.constant 0 : i32
    %dma_start3A_1011 = tpu.memref_slice %arg3[%add3A_1004, %dma_start3A_1010] : memref<4096x12800xf32, #tpu.memory_space<hbm>> -> memref<1x12800xf32, #tpu.memory_space<hbm>>
    tpu.enqueue_dma source(%arg4 : memref<1x12800xf32, #tpu.memory_space<vmem>>) target(%dma_start3A_1011 : memref<1x12800xf32, #tpu.memory_space<hbm>>) target_semaphore(%dma_start3A_1009 : memref<!tpu.dma_semaphore, #tpu.memory_space<semaphore_mem>>)
    %add3A_1012 = arith.constant 111 : i32
    %add3A_1013 = arith.addi %mul3A_2, %add3A_1012 : i32
    %dma_start3A_1014 = arith.constant 3 : i32
    %dma_start3A_1015 = arith.constant 0 : i32
    %dma_start3A_1016 = tpu.memref_slice %arg3[%add3A_1013, %dma_start3A_1015] : memref<4096x12800xf32, #tpu.memory_space<hbm>> -> memref<1x12800xf32, #tpu.memory_space<hbm>>
    %dma_start3A_1017 = tpu.memref_slice %arg6[%dma_start3A_1014] : memref<4x!tpu.dma_semaphore, #tpu.memory_space<semaphore_mem>> -> memref<1x!tpu.dma_semaphore, #tpu.memory_space<semaphore_mem>>
    %dma_start3A_1018 = tpu.memref_squeeze %dma_start3A_1017 : memref<1x!tpu.dma_semaphore, #tpu.memory_space<semaphore_mem>> -> memref<!tpu.dma_semaphore, #tpu.memory_space<semaphore_mem>>
    %dma_start3A_1019 = arith.constant 0 : i32
    %dma_start3A_1020 = tpu.memref_slice %arg3[%add3A_1013, %dma_start3A_1019] : memref<4096x12800xf32, #tpu.memory_space<hbm>> -> memref<1x12800xf32, #tpu.memory_space<hbm>>
    tpu.enqueue_dma source(%arg4 : memref<1x12800xf32, #tpu.memory_space<vmem>>) target(%dma_start3A_1020 : memref<1x12800xf32, #tpu.memory_space<hbm>>) target_semaphore(%dma_start3A_1018 : memref<!tpu.dma_semaphore, #tpu.memory_space<semaphore_mem>>)
    %add3A_1021 = arith.constant 112 : i32
    %add3A_1022 = arith.addi %mul3A_2, %add3A_1021 : i32
    %dma_start3A_1023 = arith.constant 0 : i32
    %dma_start3A_1024 = arith.constant 0 : i32
    %dma_start3A_1025 = tpu.memref_slice %arg3[%add3A_1022, %dma_start3A_1024] : memref<4096x12800xf32, #tpu.memory_space<hbm>> -> memref<1x12800xf32, #tpu.memory_space<hbm>>
    %dma_start3A_1026 = tpu.memref_slice %arg6[%dma_start3A_1023] : memref<4x!tpu.dma_semaphore, #tpu.memory_space<semaphore_mem>> -> memref<1x!tpu.dma_semaphore, #tpu.memory_space<semaphore_mem>>
    %dma_start3A_1027 = tpu.memref_squeeze %dma_start3A_1026 : memref<1x!tpu.dma_semaphore, #tpu.memory_space<semaphore_mem>> -> memref<!tpu.dma_semaphore, #tpu.memory_space<semaphore_mem>>
    %dma_start3A_1028 = arith.constant 0 : i32
    %dma_start3A_1029 = tpu.memref_slice %arg3[%add3A_1022, %dma_start3A_1028] : memref<4096x12800xf32, #tpu.memory_space<hbm>> -> memref<1x12800xf32, #tpu.memory_space<hbm>>
    tpu.enqueue_dma source(%arg4 : memref<1x12800xf32, #tpu.memory_space<vmem>>) target(%dma_start3A_1029 : memref<1x12800xf32, #tpu.memory_space<hbm>>) target_semaphore(%dma_start3A_1027 : memref<!tpu.dma_semaphore, #tpu.memory_space<semaphore_mem>>)
    %add3A_1030 = arith.constant 113 : i32
    %add3A_1031 = arith.addi %mul3A_2, %add3A_1030 : i32
    %dma_start3A_1032 = arith.constant 1 : i32
    %dma_start3A_1033 = arith.constant 0 : i32
    %dma_start3A_1034 = tpu.memref_slice %arg3[%add3A_1031, %dma_start3A_1033] : memref<4096x12800xf32, #tpu.memory_space<hbm>> -> memref<1x12800xf32, #tpu.memory_space<hbm>>
    %dma_start3A_1035 = tpu.memref_slice %arg6[%dma_start3A_1032] : memref<4x!tpu.dma_semaphore, #tpu.memory_space<semaphore_mem>> -> memref<1x!tpu.dma_semaphore, #tpu.memory_space<semaphore_mem>>
    %dma_start3A_1036 = tpu.memref_squeeze %dma_start3A_1035 : memref<1x!tpu.dma_semaphore, #tpu.memory_space<semaphore_mem>> -> memref<!tpu.dma_semaphore, #tpu.memory_space<semaphore_mem>>
    %dma_start3A_1037 = arith.constant 0 : i32
    %dma_start3A_1038 = tpu.memref_slice %arg3[%add3A_1031, %dma_start3A_1037] : memref<4096x12800xf32, #tpu.memory_space<hbm>> -> memref<1x12800xf32, #tpu.memory_space<hbm>>
    tpu.enqueue_dma source(%arg4 : memref<1x12800xf32, #tpu.memory_space<vmem>>) target(%dma_start3A_1038 : memref<1x12800xf32, #tpu.memory_space<hbm>>) target_semaphore(%dma_start3A_1036 : memref<!tpu.dma_semaphore, #tpu.memory_space<semaphore_mem>>)
    %add3A_1039 = arith.constant 114 : i32
    %add3A_1040 = arith.addi %mul3A_2, %add3A_1039 : i32
    %dma_start3A_1041 = arith.constant 2 : i32
    %dma_start3A_1042 = arith.constant 0 : i32
    %dma_start3A_1043 = tpu.memref_slice %arg3[%add3A_1040, %dma_start3A_1042] : memref<4096x12800xf32, #tpu.memory_space<hbm>> -> memref<1x12800xf32, #tpu.memory_space<hbm>>
    %dma_start3A_1044 = tpu.memref_slice %arg6[%dma_start3A_1041] : memref<4x!tpu.dma_semaphore, #tpu.memory_space<semaphore_mem>> -> memref<1x!tpu.dma_semaphore, #tpu.memory_space<semaphore_mem>>
    %dma_start3A_1045 = tpu.memref_squeeze %dma_start3A_1044 : memref<1x!tpu.dma_semaphore, #tpu.memory_space<semaphore_mem>> -> memref<!tpu.dma_semaphore, #tpu.memory_space<semaphore_mem>>
    %dma_start3A_1046 = arith.constant 0 : i32
    %dma_start3A_1047 = tpu.memref_slice %arg3[%add3A_1040, %dma_start3A_1046] : memref<4096x12800xf32, #tpu.memory_space<hbm>> -> memref<1x12800xf32, #tpu.memory_space<hbm>>
    tpu.enqueue_dma source(%arg4 : memref<1x12800xf32, #tpu.memory_space<vmem>>) target(%dma_start3A_1047 : memref<1x12800xf32, #tpu.memory_space<hbm>>) target_semaphore(%dma_start3A_1045 : memref<!tpu.dma_semaphore, #tpu.memory_space<semaphore_mem>>)
    %add3A_1048 = arith.constant 115 : i32
    %add3A_1049 = arith.addi %mul3A_2, %add3A_1048 : i32
    %dma_start3A_1050 = arith.constant 3 : i32
    %dma_start3A_1051 = arith.constant 0 : i32
    %dma_start3A_1052 = tpu.memref_slice %arg3[%add3A_1049, %dma_start3A_1051] : memref<4096x12800xf32, #tpu.memory_space<hbm>> -> memref<1x12800xf32, #tpu.memory_space<hbm>>
    %dma_start3A_1053 = tpu.memref_slice %arg6[%dma_start3A_1050] : memref<4x!tpu.dma_semaphore, #tpu.memory_space<semaphore_mem>> -> memref<1x!tpu.dma_semaphore, #tpu.memory_space<semaphore_mem>>
    %dma_start3A_1054 = tpu.memref_squeeze %dma_start3A_1053 : memref<1x!tpu.dma_semaphore, #tpu.memory_space<semaphore_mem>> -> memref<!tpu.dma_semaphore, #tpu.memory_space<semaphore_mem>>
    %dma_start3A_1055 = arith.constant 0 : i32
    %dma_start3A_1056 = tpu.memref_slice %arg3[%add3A_1049, %dma_start3A_1055] : memref<4096x12800xf32, #tpu.memory_space<hbm>> -> memref<1x12800xf32, #tpu.memory_space<hbm>>
    tpu.enqueue_dma source(%arg4 : memref<1x12800xf32, #tpu.memory_space<vmem>>) target(%dma_start3A_1056 : memref<1x12800xf32, #tpu.memory_space<hbm>>) target_semaphore(%dma_start3A_1054 : memref<!tpu.dma_semaphore, #tpu.memory_space<semaphore_mem>>)
    %add3A_1057 = arith.constant 116 : i32
    %add3A_1058 = arith.addi %mul3A_2, %add3A_1057 : i32
    %dma_start3A_1059 = arith.constant 0 : i32
    %dma_start3A_1060 = arith.constant 0 : i32
    %dma_start3A_1061 = tpu.memref_slice %arg3[%add3A_1058, %dma_start3A_1060] : memref<4096x12800xf32, #tpu.memory_space<hbm>> -> memref<1x12800xf32, #tpu.memory_space<hbm>>
    %dma_start3A_1062 = tpu.memref_slice %arg6[%dma_start3A_1059] : memref<4x!tpu.dma_semaphore, #tpu.memory_space<semaphore_mem>> -> memref<1x!tpu.dma_semaphore, #tpu.memory_space<semaphore_mem>>
    %dma_start3A_1063 = tpu.memref_squeeze %dma_start3A_1062 : memref<1x!tpu.dma_semaphore, #tpu.memory_space<semaphore_mem>> -> memref<!tpu.dma_semaphore, #tpu.memory_space<semaphore_mem>>
    %dma_start3A_1064 = arith.constant 0 : i32
    %dma_start3A_1065 = tpu.memref_slice %arg3[%add3A_1058, %dma_start3A_1064] : memref<4096x12800xf32, #tpu.memory_space<hbm>> -> memref<1x12800xf32, #tpu.memory_space<hbm>>
    tpu.enqueue_dma source(%arg4 : memref<1x12800xf32, #tpu.memory_space<vmem>>) target(%dma_start3A_1065 : memref<1x12800xf32, #tpu.memory_space<hbm>>) target_semaphore(%dma_start3A_1063 : memref<!tpu.dma_semaphore, #tpu.memory_space<semaphore_mem>>)
    %add3A_1066 = arith.constant 117 : i32
    %add3A_1067 = arith.addi %mul3A_2, %add3A_1066 : i32
    %dma_start3A_1068 = arith.constant 1 : i32
    %dma_start3A_1069 = arith.constant 0 : i32
    %dma_start3A_1070 = tpu.memref_slice %arg3[%add3A_1067, %dma_start3A_1069] : memref<4096x12800xf32, #tpu.memory_space<hbm>> -> memref<1x12800xf32, #tpu.memory_space<hbm>>
    %dma_start3A_1071 = tpu.memref_slice %arg6[%dma_start3A_1068] : memref<4x!tpu.dma_semaphore, #tpu.memory_space<semaphore_mem>> -> memref<1x!tpu.dma_semaphore, #tpu.memory_space<semaphore_mem>>
    %dma_start3A_1072 = tpu.memref_squeeze %dma_start3A_1071 : memref<1x!tpu.dma_semaphore, #tpu.memory_space<semaphore_mem>> -> memref<!tpu.dma_semaphore, #tpu.memory_space<semaphore_mem>>
    %dma_start3A_1073 = arith.constant 0 : i32
    %dma_start3A_1074 = tpu.memref_slice %arg3[%add3A_1067, %dma_start3A_1073] : memref<4096x12800xf32, #tpu.memory_space<hbm>> -> memref<1x12800xf32, #tpu.memory_space<hbm>>
    tpu.enqueue_dma source(%arg4 : memref<1x12800xf32, #tpu.memory_space<vmem>>) target(%dma_start3A_1074 : memref<1x12800xf32, #tpu.memory_space<hbm>>) target_semaphore(%dma_start3A_1072 : memref<!tpu.dma_semaphore, #tpu.memory_space<semaphore_mem>>)
    %add3A_1075 = arith.constant 118 : i32
    %add3A_1076 = arith.addi %mul3A_2, %add3A_1075 : i32
    %dma_start3A_1077 = arith.constant 2 : i32
    %dma_start3A_1078 = arith.constant 0 : i32
    %dma_start3A_1079 = tpu.memref_slice %arg3[%add3A_1076, %dma_start3A_1078] : memref<4096x12800xf32, #tpu.memory_space<hbm>> -> memref<1x12800xf32, #tpu.memory_space<hbm>>
    %dma_start3A_1080 = tpu.memref_slice %arg6[%dma_start3A_1077] : memref<4x!tpu.dma_semaphore, #tpu.memory_space<semaphore_mem>> -> memref<1x!tpu.dma_semaphore, #tpu.memory_space<semaphore_mem>>
    %dma_start3A_1081 = tpu.memref_squeeze %dma_start3A_1080 : memref<1x!tpu.dma_semaphore, #tpu.memory_space<semaphore_mem>> -> memref<!tpu.dma_semaphore, #tpu.memory_space<semaphore_mem>>
    %dma_start3A_1082 = arith.constant 0 : i32
    %dma_start3A_1083 = tpu.memref_slice %arg3[%add3A_1076, %dma_start3A_1082] : memref<4096x12800xf32, #tpu.memory_space<hbm>> -> memref<1x12800xf32, #tpu.memory_space<hbm>>
    tpu.enqueue_dma source(%arg4 : memref<1x12800xf32, #tpu.memory_space<vmem>>) target(%dma_start3A_1083 : memref<1x12800xf32, #tpu.memory_space<hbm>>) target_semaphore(%dma_start3A_1081 : memref<!tpu.dma_semaphore, #tpu.memory_space<semaphore_mem>>)
    %add3A_1084 = arith.constant 119 : i32
    %add3A_1085 = arith.addi %mul3A_2, %add3A_1084 : i32
    %dma_start3A_1086 = arith.constant 3 : i32
    %dma_start3A_1087 = arith.constant 0 : i32
    %dma_start3A_1088 = tpu.memref_slice %arg3[%add3A_1085, %dma_start3A_1087] : memref<4096x12800xf32, #tpu.memory_space<hbm>> -> memref<1x12800xf32, #tpu.memory_space<hbm>>
    %dma_start3A_1089 = tpu.memref_slice %arg6[%dma_start3A_1086] : memref<4x!tpu.dma_semaphore, #tpu.memory_space<semaphore_mem>> -> memref<1x!tpu.dma_semaphore, #tpu.memory_space<semaphore_mem>>
    %dma_start3A_1090 = tpu.memref_squeeze %dma_start3A_1089 : memref<1x!tpu.dma_semaphore, #tpu.memory_space<semaphore_mem>> -> memref<!tpu.dma_semaphore, #tpu.memory_space<semaphore_mem>>
    %dma_start3A_1091 = arith.constant 0 : i32
    %dma_start3A_1092 = tpu.memref_slice %arg3[%add3A_1085, %dma_start3A_1091] : memref<4096x12800xf32, #tpu.memory_space<hbm>> -> memref<1x12800xf32, #tpu.memory_space<hbm>>
    tpu.enqueue_dma source(%arg4 : memref<1x12800xf32, #tpu.memory_space<vmem>>) target(%dma_start3A_1092 : memref<1x12800xf32, #tpu.memory_space<hbm>>) target_semaphore(%dma_start3A_1090 : memref<!tpu.dma_semaphore, #tpu.memory_space<semaphore_mem>>)
    %add3A_1093 = arith.constant 120 : i32
    %add3A_1094 = arith.addi %mul3A_2, %add3A_1093 : i32
    %dma_start3A_1095 = arith.constant 0 : i32
    %dma_start3A_1096 = arith.constant 0 : i32
    %dma_start3A_1097 = tpu.memref_slice %arg3[%add3A_1094, %dma_start3A_1096] : memref<4096x12800xf32, #tpu.memory_space<hbm>> -> memref<1x12800xf32, #tpu.memory_space<hbm>>
    %dma_start3A_1098 = tpu.memref_slice %arg6[%dma_start3A_1095] : memref<4x!tpu.dma_semaphore, #tpu.memory_space<semaphore_mem>> -> memref<1x!tpu.dma_semaphore, #tpu.memory_space<semaphore_mem>>
    %dma_start3A_1099 = tpu.memref_squeeze %dma_start3A_1098 : memref<1x!tpu.dma_semaphore, #tpu.memory_space<semaphore_mem>> -> memref<!tpu.dma_semaphore, #tpu.memory_space<semaphore_mem>>
    %dma_start3A_1100 = arith.constant 0 : i32
    %dma_start3A_1101 = tpu.memref_slice %arg3[%add3A_1094, %dma_start3A_1100] : memref<4096x12800xf32, #tpu.memory_space<hbm>> -> memref<1x12800xf32, #tpu.memory_space<hbm>>
    tpu.enqueue_dma source(%arg4 : memref<1x12800xf32, #tpu.memory_space<vmem>>) target(%dma_start3A_1101 : memref<1x12800xf32, #tpu.memory_space<hbm>>) target_semaphore(%dma_start3A_1099 : memref<!tpu.dma_semaphore, #tpu.memory_space<semaphore_mem>>)
    %add3A_1102 = arith.constant 121 : i32
    %add3A_1103 = arith.addi %mul3A_2, %add3A_1102 : i32
    %dma_start3A_1104 = arith.constant 1 : i32
    %dma_start3A_1105 = arith.constant 0 : i32
    %dma_start3A_1106 = tpu.memref_slice %arg3[%add3A_1103, %dma_start3A_1105] : memref<4096x12800xf32, #tpu.memory_space<hbm>> -> memref<1x12800xf32, #tpu.memory_space<hbm>>
    %dma_start3A_1107 = tpu.memref_slice %arg6[%dma_start3A_1104] : memref<4x!tpu.dma_semaphore, #tpu.memory_space<semaphore_mem>> -> memref<1x!tpu.dma_semaphore, #tpu.memory_space<semaphore_mem>>
    %dma_start3A_1108 = tpu.memref_squeeze %dma_start3A_1107 : memref<1x!tpu.dma_semaphore, #tpu.memory_space<semaphore_mem>> -> memref<!tpu.dma_semaphore, #tpu.memory_space<semaphore_mem>>
    %dma_start3A_1109 = arith.constant 0 : i32
    %dma_start3A_1110 = tpu.memref_slice %arg3[%add3A_1103, %dma_start3A_1109] : memref<4096x12800xf32, #tpu.memory_space<hbm>> -> memref<1x12800xf32, #tpu.memory_space<hbm>>
    tpu.enqueue_dma source(%arg4 : memref<1x12800xf32, #tpu.memory_space<vmem>>) target(%dma_start3A_1110 : memref<1x12800xf32, #tpu.memory_space<hbm>>) target_semaphore(%dma_start3A_1108 : memref<!tpu.dma_semaphore, #tpu.memory_space<semaphore_mem>>)
    %add3A_1111 = arith.constant 122 : i32
    %add3A_1112 = arith.addi %mul3A_2, %add3A_1111 : i32
    %dma_start3A_1113 = arith.constant 2 : i32
    %dma_start3A_1114 = arith.constant 0 : i32
    %dma_start3A_1115 = tpu.memref_slice %arg3[%add3A_1112, %dma_start3A_1114] : memref<4096x12800xf32, #tpu.memory_space<hbm>> -> memref<1x12800xf32, #tpu.memory_space<hbm>>
    %dma_start3A_1116 = tpu.memref_slice %arg6[%dma_start3A_1113] : memref<4x!tpu.dma_semaphore, #tpu.memory_space<semaphore_mem>> -> memref<1x!tpu.dma_semaphore, #tpu.memory_space<semaphore_mem>>
    %dma_start3A_1117 = tpu.memref_squeeze %dma_start3A_1116 : memref<1x!tpu.dma_semaphore, #tpu.memory_space<semaphore_mem>> -> memref<!tpu.dma_semaphore, #tpu.memory_space<semaphore_mem>>
    %dma_start3A_1118 = arith.constant 0 : i32
    %dma_start3A_1119 = tpu.memref_slice %arg3[%add3A_1112, %dma_start3A_1118] : memref<4096x12800xf32, #tpu.memory_space<hbm>> -> memref<1x12800xf32, #tpu.memory_space<hbm>>
    tpu.enqueue_dma source(%arg4 : memref<1x12800xf32, #tpu.memory_space<vmem>>) target(%dma_start3A_1119 : memref<1x12800xf32, #tpu.memory_space<hbm>>) target_semaphore(%dma_start3A_1117 : memref<!tpu.dma_semaphore, #tpu.memory_space<semaphore_mem>>)
    %add3A_1120 = arith.constant 123 : i32
    %add3A_1121 = arith.addi %mul3A_2, %add3A_1120 : i32
    %dma_start3A_1122 = arith.constant 3 : i32
    %dma_start3A_1123 = arith.constant 0 : i32
    %dma_start3A_1124 = tpu.memref_slice %arg3[%add3A_1121, %dma_start3A_1123] : memref<4096x12800xf32, #tpu.memory_space<hbm>> -> memref<1x12800xf32, #tpu.memory_space<hbm>>
    %dma_start3A_1125 = tpu.memref_slice %arg6[%dma_start3A_1122] : memref<4x!tpu.dma_semaphore, #tpu.memory_space<semaphore_mem>> -> memref<1x!tpu.dma_semaphore, #tpu.memory_space<semaphore_mem>>
    %dma_start3A_1126 = tpu.memref_squeeze %dma_start3A_1125 : memref<1x!tpu.dma_semaphore, #tpu.memory_space<semaphore_mem>> -> memref<!tpu.dma_semaphore, #tpu.memory_space<semaphore_mem>>
    %dma_start3A_1127 = arith.constant 0 : i32
    %dma_start3A_1128 = tpu.memref_slice %arg3[%add3A_1121, %dma_start3A_1127] : memref<4096x12800xf32, #tpu.memory_space<hbm>> -> memref<1x12800xf32, #tpu.memory_space<hbm>>
    tpu.enqueue_dma source(%arg4 : memref<1x12800xf32, #tpu.memory_space<vmem>>) target(%dma_start3A_1128 : memref<1x12800xf32, #tpu.memory_space<hbm>>) target_semaphore(%dma_start3A_1126 : memref<!tpu.dma_semaphore, #tpu.memory_space<semaphore_mem>>)
    %add3A_1129 = arith.constant 124 : i32
    %add3A_1130 = arith.addi %mul3A_2, %add3A_1129 : i32
    %dma_start3A_1131 = arith.constant 0 : i32
    %dma_start3A_1132 = arith.constant 0 : i32
    %dma_start3A_1133 = tpu.memref_slice %arg3[%add3A_1130, %dma_start3A_1132] : memref<4096x12800xf32, #tpu.memory_space<hbm>> -> memref<1x12800xf32, #tpu.memory_space<hbm>>
    %dma_start3A_1134 = tpu.memref_slice %arg6[%dma_start3A_1131] : memref<4x!tpu.dma_semaphore, #tpu.memory_space<semaphore_mem>> -> memref<1x!tpu.dma_semaphore, #tpu.memory_space<semaphore_mem>>
    %dma_start3A_1135 = tpu.memref_squeeze %dma_start3A_1134 : memref<1x!tpu.dma_semaphore, #tpu.memory_space<semaphore_mem>> -> memref<!tpu.dma_semaphore, #tpu.memory_space<semaphore_mem>>
    %dma_start3A_1136 = arith.constant 0 : i32
    %dma_start3A_1137 = tpu.memref_slice %arg3[%add3A_1130, %dma_start3A_1136] : memref<4096x12800xf32, #tpu.memory_space<hbm>> -> memref<1x12800xf32, #tpu.memory_space<hbm>>
    tpu.enqueue_dma source(%arg4 : memref<1x12800xf32, #tpu.memory_space<vmem>>) target(%dma_start3A_1137 : memref<1x12800xf32, #tpu.memory_space<hbm>>) target_semaphore(%dma_start3A_1135 : memref<!tpu.dma_semaphore, #tpu.memory_space<semaphore_mem>>)
    %add3A_1138 = arith.constant 125 : i32
    %add3A_1139 = arith.addi %mul3A_2, %add3A_1138 : i32
    %dma_start3A_1140 = arith.constant 1 : i32
    %dma_start3A_1141 = arith.constant 0 : i32
    %dma_start3A_1142 = tpu.memref_slice %arg3[%add3A_1139, %dma_start3A_1141] : memref<4096x12800xf32, #tpu.memory_space<hbm>> -> memref<1x12800xf32, #tpu.memory_space<hbm>>
    %dma_start3A_1143 = tpu.memref_slice %arg6[%dma_start3A_1140] : memref<4x!tpu.dma_semaphore, #tpu.memory_space<semaphore_mem>> -> memref<1x!tpu.dma_semaphore, #tpu.memory_space<semaphore_mem>>
    %dma_start3A_1144 = tpu.memref_squeeze %dma_start3A_1143 : memref<1x!tpu.dma_semaphore, #tpu.memory_space<semaphore_mem>> -> memref<!tpu.dma_semaphore, #tpu.memory_space<semaphore_mem>>
    %dma_start3A_1145 = arith.constant 0 : i32
    %dma_start3A_1146 = tpu.memref_slice %arg3[%add3A_1139, %dma_start3A_1145] : memref<4096x12800xf32, #tpu.memory_space<hbm>> -> memref<1x12800xf32, #tpu.memory_space<hbm>>
    tpu.enqueue_dma source(%arg4 : memref<1x12800xf32, #tpu.memory_space<vmem>>) target(%dma_start3A_1146 : memref<1x12800xf32, #tpu.memory_space<hbm>>) target_semaphore(%dma_start3A_1144 : memref<!tpu.dma_semaphore, #tpu.memory_space<semaphore_mem>>)
    %add3A_1147 = arith.constant 126 : i32
    %add3A_1148 = arith.addi %mul3A_2, %add3A_1147 : i32
    %dma_start3A_1149 = arith.constant 2 : i32
    %dma_start3A_1150 = arith.constant 0 : i32
    %dma_start3A_1151 = tpu.memref_slice %arg3[%add3A_1148, %dma_start3A_1150] : memref<4096x12800xf32, #tpu.memory_space<hbm>> -> memref<1x12800xf32, #tpu.memory_space<hbm>>
    %dma_start3A_1152 = tpu.memref_slice %arg6[%dma_start3A_1149] : memref<4x!tpu.dma_semaphore, #tpu.memory_space<semaphore_mem>> -> memref<1x!tpu.dma_semaphore, #tpu.memory_space<semaphore_mem>>
    %dma_start3A_1153 = tpu.memref_squeeze %dma_start3A_1152 : memref<1x!tpu.dma_semaphore, #tpu.memory_space<semaphore_mem>> -> memref<!tpu.dma_semaphore, #tpu.memory_space<semaphore_mem>>
    %dma_start3A_1154 = arith.constant 0 : i32
    %dma_start3A_1155 = tpu.memref_slice %arg3[%add3A_1148, %dma_start3A_1154] : memref<4096x12800xf32, #tpu.memory_space<hbm>> -> memref<1x12800xf32, #tpu.memory_space<hbm>>
    tpu.enqueue_dma source(%arg4 : memref<1x12800xf32, #tpu.memory_space<vmem>>) target(%dma_start3A_1155 : memref<1x12800xf32, #tpu.memory_space<hbm>>) target_semaphore(%dma_start3A_1153 : memref<!tpu.dma_semaphore, #tpu.memory_space<semaphore_mem>>)
    %add3A_1156 = arith.constant 127 : i32
    %add3A_1157 = arith.addi %mul3A_2, %add3A_1156 : i32
    %dma_start3A_1158 = arith.constant 3 : i32
    %dma_start3A_1159 = arith.constant 0 : i32
    %dma_start3A_1160 = tpu.memref_slice %arg3[%add3A_1157, %dma_start3A_1159] : memref<4096x12800xf32, #tpu.memory_space<hbm>> -> memref<1x12800xf32, #tpu.memory_space<hbm>>
    %dma_start3A_1161 = tpu.memref_slice %arg6[%dma_start3A_1158] : memref<4x!tpu.dma_semaphore, #tpu.memory_space<semaphore_mem>> -> memref<1x!tpu.dma_semaphore, #tpu.memory_space<semaphore_mem>>
    %dma_start3A_1162 = tpu.memref_squeeze %dma_start3A_1161 : memref<1x!tpu.dma_semaphore, #tpu.memory_space<semaphore_mem>> -> memref<!tpu.dma_semaphore, #tpu.memory_space<semaphore_mem>>
    %dma_start3A_1163 = arith.constant 0 : i32
    %dma_start3A_1164 = tpu.memref_slice %arg3[%add3A_1157, %dma_start3A_1163] : memref<4096x12800xf32, #tpu.memory_space<hbm>> -> memref<1x12800xf32, #tpu.memory_space<hbm>>
    tpu.enqueue_dma source(%arg4 : memref<1x12800xf32, #tpu.memory_space<vmem>>) target(%dma_start3A_1164 : memref<1x12800xf32, #tpu.memory_space<hbm>>) target_semaphore(%dma_start3A_1162 : memref<!tpu.dma_semaphore, #tpu.memory_space<semaphore_mem>>)
    %add3A_1165 = arith.constant 0 : i32
    %add3A_1166 = arith.addi %mul3A_2, %add3A_1165 : i32
    %dma_wait3A_1167 = arith.constant 0 : i32
    %dma_wait3A_1168 = arith.constant 0 : i32
    %dma_wait3A_1169 = tpu.memref_slice %arg3[%add3A_1166, %dma_wait3A_1168] : memref<4096x12800xf32, #tpu.memory_space<hbm>> -> memref<1x12800xf32, #tpu.memory_space<hbm>>
    %dma_wait3A_1170 = tpu.memref_slice %arg6[%dma_wait3A_1167] : memref<4x!tpu.dma_semaphore, #tpu.memory_space<semaphore_mem>> -> memref<1x!tpu.dma_semaphore, #tpu.memory_space<semaphore_mem>>
    %dma_wait3A_1171 = tpu.memref_squeeze %dma_wait3A_1170 : memref<1x!tpu.dma_semaphore, #tpu.memory_space<semaphore_mem>> -> memref<!tpu.dma_semaphore, #tpu.memory_space<semaphore_mem>>
    %dma_wait3A_1172 = arith.constant 0 : i32
    %dma_wait3A_1173 = tpu.memref_slice %arg3[%add3A_1166, %dma_wait3A_1172] : memref<4096x12800xf32, #tpu.memory_space<hbm>> -> memref<1x12800xf32, #tpu.memory_space<hbm>>
    tpu.wait_dma2 semaphore(%dma_wait3A_1171 : memref<!tpu.dma_semaphore, #tpu.memory_space<semaphore_mem>>) src(%arg4 : memref<1x12800xf32, #tpu.memory_space<vmem>>) dst(%dma_wait3A_1173 : memref<1x12800xf32, #tpu.memory_space<hbm>>)
    %add3A_1174 = arith.constant 1 : i32
    %add3A_1175 = arith.addi %mul3A_2, %add3A_1174 : i32
    %dma_wait3A_1176 = arith.constant 1 : i32
    %dma_wait3A_1177 = arith.constant 0 : i32
    %dma_wait3A_1178 = tpu.memref_slice %arg3[%add3A_1175, %dma_wait3A_1177] : memref<4096x12800xf32, #tpu.memory_space<hbm>> -> memref<1x12800xf32, #tpu.memory_space<hbm>>
    %dma_wait3A_1179 = tpu.memref_slice %arg6[%dma_wait3A_1176] : memref<4x!tpu.dma_semaphore, #tpu.memory_space<semaphore_mem>> -> memref<1x!tpu.dma_semaphore, #tpu.memory_space<semaphore_mem>>
    %dma_wait3A_1180 = tpu.memref_squeeze %dma_wait3A_1179 : memref<1x!tpu.dma_semaphore, #tpu.memory_space<semaphore_mem>> -> memref<!tpu.dma_semaphore, #tpu.memory_space<semaphore_mem>>
    %dma_wait3A_1181 = arith.constant 0 : i32
    %dma_wait3A_1182 = tpu.memref_slice %arg3[%add3A_1175, %dma_wait3A_1181] : memref<4096x12800xf32, #tpu.memory_space<hbm>> -> memref<1x12800xf32, #tpu.memory_space<hbm>>
    tpu.wait_dma2 semaphore(%dma_wait3A_1180 : memref<!tpu.dma_semaphore, #tpu.memory_space<semaphore_mem>>) src(%arg4 : memref<1x12800xf32, #tpu.memory_space<vmem>>) dst(%dma_wait3A_1182 : memref<1x12800xf32, #tpu.memory_space<hbm>>)
    %add3A_1183 = arith.constant 2 : i32
    %add3A_1184 = arith.addi %mul3A_2, %add3A_1183 : i32
    %dma_wait3A_1185 = arith.constant 2 : i32
    %dma_wait3A_1186 = arith.constant 0 : i32
    %dma_wait3A_1187 = tpu.memref_slice %arg3[%add3A_1184, %dma_wait3A_1186] : memref<4096x12800xf32, #tpu.memory_space<hbm>> -> memref<1x12800xf32, #tpu.memory_space<hbm>>
    %dma_wait3A_1188 = tpu.memref_slice %arg6[%dma_wait3A_1185] : memref<4x!tpu.dma_semaphore, #tpu.memory_space<semaphore_mem>> -> memref<1x!tpu.dma_semaphore, #tpu.memory_space<semaphore_mem>>
    %dma_wait3A_1189 = tpu.memref_squeeze %dma_wait3A_1188 : memref<1x!tpu.dma_semaphore, #tpu.memory_space<semaphore_mem>> -> memref<!tpu.dma_semaphore, #tpu.memory_space<semaphore_mem>>
    %dma_wait3A_1190 = arith.constant 0 : i32
    %dma_wait3A_1191 = tpu.memref_slice %arg3[%add3A_1184, %dma_wait3A_1190] : memref<4096x12800xf32, #tpu.memory_space<hbm>> -> memref<1x12800xf32, #tpu.memory_space<hbm>>
    tpu.wait_dma2 semaphore(%dma_wait3A_1189 : memref<!tpu.dma_semaphore, #tpu.memory_space<semaphore_mem>>) src(%arg4 : memref<1x12800xf32, #tpu.memory_space<vmem>>) dst(%dma_wait3A_1191 : memref<1x12800xf32, #tpu.memory_space<hbm>>)
    %add3A_1192 = arith.constant 3 : i32
    %add3A_1193 = arith.addi %mul3A_2, %add3A_1192 : i32
    %dma_wait3A_1194 = arith.constant 3 : i32
    %dma_wait3A_1195 = arith.constant 0 : i32
    %dma_wait3A_1196 = tpu.memref_slice %arg3[%add3A_1193, %dma_wait3A_1195] : memref<4096x12800xf32, #tpu.memory_space<hbm>> -> memref<1x12800xf32, #tpu.memory_space<hbm>>
    %dma_wait3A_1197 = tpu.memref_slice %arg6[%dma_wait3A_1194] : memref<4x!tpu.dma_semaphore, #tpu.memory_space<semaphore_mem>> -> memref<1x!tpu.dma_semaphore, #tpu.memory_space<semaphore_mem>>
    %dma_wait3A_1198 = tpu.memref_squeeze %dma_wait3A_1197 : memref<1x!tpu.dma_semaphore, #tpu.memory_space<semaphore_mem>> -> memref<!tpu.dma_semaphore, #tpu.memory_space<semaphore_mem>>
    %dma_wait3A_1199 = arith.constant 0 : i32
    %dma_wait3A_1200 = tpu.memref_slice %arg3[%add3A_1193, %dma_wait3A_1199] : memref<4096x12800xf32, #tpu.memory_space<hbm>> -> memref<1x12800xf32, #tpu.memory_space<hbm>>
    tpu.wait_dma2 semaphore(%dma_wait3A_1198 : memref<!tpu.dma_semaphore, #tpu.memory_space<semaphore_mem>>) src(%arg4 : memref<1x12800xf32, #tpu.memory_space<vmem>>) dst(%dma_wait3A_1200 : memref<1x12800xf32, #tpu.memory_space<hbm>>)
    %add3A_1201 = arith.constant 4 : i32
    %add3A_1202 = arith.addi %mul3A_2, %add3A_1201 : i32
    %dma_wait3A_1203 = arith.constant 0 : i32
    %dma_wait3A_1204 = arith.constant 0 : i32
    %dma_wait3A_1205 = tpu.memref_slice %arg3[%add3A_1202, %dma_wait3A_1204] : memref<4096x12800xf32, #tpu.memory_space<hbm>> -> memref<1x12800xf32, #tpu.memory_space<hbm>>
    %dma_wait3A_1206 = tpu.memref_slice %arg6[%dma_wait3A_1203] : memref<4x!tpu.dma_semaphore, #tpu.memory_space<semaphore_mem>> -> memref<1x!tpu.dma_semaphore, #tpu.memory_space<semaphore_mem>>
    %dma_wait3A_1207 = tpu.memref_squeeze %dma_wait3A_1206 : memref<1x!tpu.dma_semaphore, #tpu.memory_space<semaphore_mem>> -> memref<!tpu.dma_semaphore, #tpu.memory_space<semaphore_mem>>
    %dma_wait3A_1208 = arith.constant 0 : i32
    %dma_wait3A_1209 = tpu.memref_slice %arg3[%add3A_1202, %dma_wait3A_1208] : memref<4096x12800xf32, #tpu.memory_space<hbm>> -> memref<1x12800xf32, #tpu.memory_space<hbm>>
    tpu.wait_dma2 semaphore(%dma_wait3A_1207 : memref<!tpu.dma_semaphore, #tpu.memory_space<semaphore_mem>>) src(%arg4 : memref<1x12800xf32, #tpu.memory_space<vmem>>) dst(%dma_wait3A_1209 : memref<1x12800xf32, #tpu.memory_space<hbm>>)
    %add3A_1210 = arith.constant 5 : i32
    %add3A_1211 = arith.addi %mul3A_2, %add3A_1210 : i32
    %dma_wait3A_1212 = arith.constant 1 : i32
    %dma_wait3A_1213 = arith.constant 0 : i32
    %dma_wait3A_1214 = tpu.memref_slice %arg3[%add3A_1211, %dma_wait3A_1213] : memref<4096x12800xf32, #tpu.memory_space<hbm>> -> memref<1x12800xf32, #tpu.memory_space<hbm>>
    %dma_wait3A_1215 = tpu.memref_slice %arg6[%dma_wait3A_1212] : memref<4x!tpu.dma_semaphore, #tpu.memory_space<semaphore_mem>> -> memref<1x!tpu.dma_semaphore, #tpu.memory_space<semaphore_mem>>
    %dma_wait3A_1216 = tpu.memref_squeeze %dma_wait3A_1215 : memref<1x!tpu.dma_semaphore, #tpu.memory_space<semaphore_mem>> -> memref<!tpu.dma_semaphore, #tpu.memory_space<semaphore_mem>>
    %dma_wait3A_1217 = arith.constant 0 : i32
    %dma_wait3A_1218 = tpu.memref_slice %arg3[%add3A_1211, %dma_wait3A_1217] : memref<4096x12800xf32, #tpu.memory_space<hbm>> -> memref<1x12800xf32, #tpu.memory_space<hbm>>
    tpu.wait_dma2 semaphore(%dma_wait3A_1216 : memref<!tpu.dma_semaphore, #tpu.memory_space<semaphore_mem>>) src(%arg4 : memref<1x12800xf32, #tpu.memory_space<vmem>>) dst(%dma_wait3A_1218 : memref<1x12800xf32, #tpu.memory_space<hbm>>)
    %add3A_1219 = arith.constant 6 : i32
    %add3A_1220 = arith.addi %mul3A_2, %add3A_1219 : i32
    %dma_wait3A_1221 = arith.constant 2 : i32
    %dma_wait3A_1222 = arith.constant 0 : i32
    %dma_wait3A_1223 = tpu.memref_slice %arg3[%add3A_1220, %dma_wait3A_1222] : memref<4096x12800xf32, #tpu.memory_space<hbm>> -> memref<1x12800xf32, #tpu.memory_space<hbm>>
    %dma_wait3A_1224 = tpu.memref_slice %arg6[%dma_wait3A_1221] : memref<4x!tpu.dma_semaphore, #tpu.memory_space<semaphore_mem>> -> memref<1x!tpu.dma_semaphore, #tpu.memory_space<semaphore_mem>>
    %dma_wait3A_1225 = tpu.memref_squeeze %dma_wait3A_1224 : memref<1x!tpu.dma_semaphore, #tpu.memory_space<semaphore_mem>> -> memref<!tpu.dma_semaphore, #tpu.memory_space<semaphore_mem>>
    %dma_wait3A_1226 = arith.constant 0 : i32
    %dma_wait3A_1227 = tpu.memref_slice %arg3[%add3A_1220, %dma_wait3A_1226] : memref<4096x12800xf32, #tpu.memory_space<hbm>> -> memref<1x12800xf32, #tpu.memory_space<hbm>>
    tpu.wait_dma2 semaphore(%dma_wait3A_1225 : memref<!tpu.dma_semaphore, #tpu.memory_space<semaphore_mem>>) src(%arg4 : memref<1x12800xf32, #tpu.memory_space<vmem>>) dst(%dma_wait3A_1227 : memref<1x12800xf32, #tpu.memory_space<hbm>>)
    %add3A_1228 = arith.constant 7 : i32
    %add3A_1229 = arith.addi %mul3A_2, %add3A_1228 : i32
    %dma_wait3A_1230 = arith.constant 3 : i32
    %dma_wait3A_1231 = arith.constant 0 : i32
    %dma_wait3A_1232 = tpu.memref_slice %arg3[%add3A_1229, %dma_wait3A_1231] : memref<4096x12800xf32, #tpu.memory_space<hbm>> -> memref<1x12800xf32, #tpu.memory_space<hbm>>
    %dma_wait3A_1233 = tpu.memref_slice %arg6[%dma_wait3A_1230] : memref<4x!tpu.dma_semaphore, #tpu.memory_space<semaphore_mem>> -> memref<1x!tpu.dma_semaphore, #tpu.memory_space<semaphore_mem>>
    %dma_wait3A_1234 = tpu.memref_squeeze %dma_wait3A_1233 : memref<1x!tpu.dma_semaphore, #tpu.memory_space<semaphore_mem>> -> memref<!tpu.dma_semaphore, #tpu.memory_space<semaphore_mem>>
    %dma_wait3A_1235 = arith.constant 0 : i32
    %dma_wait3A_1236 = tpu.memref_slice %arg3[%add3A_1229, %dma_wait3A_1235] : memref<4096x12800xf32, #tpu.memory_space<hbm>> -> memref<1x12800xf32, #tpu.memory_space<hbm>>
    tpu.wait_dma2 semaphore(%dma_wait3A_1234 : memref<!tpu.dma_semaphore, #tpu.memory_space<semaphore_mem>>) src(%arg4 : memref<1x12800xf32, #tpu.memory_space<vmem>>) dst(%dma_wait3A_1236 : memref<1x12800xf32, #tpu.memory_space<hbm>>)
    %add3A_1237 = arith.constant 8 : i32
    %add3A_1238 = arith.addi %mul3A_2, %add3A_1237 : i32
    %dma_wait3A_1239 = arith.constant 0 : i32
    %dma_wait3A_1240 = arith.constant 0 : i32
    %dma_wait3A_1241 = tpu.memref_slice %arg3[%add3A_1238, %dma_wait3A_1240] : memref<4096x12800xf32, #tpu.memory_space<hbm>> -> memref<1x12800xf32, #tpu.memory_space<hbm>>
    %dma_wait3A_1242 = tpu.memref_slice %arg6[%dma_wait3A_1239] : memref<4x!tpu.dma_semaphore, #tpu.memory_space<semaphore_mem>> -> memref<1x!tpu.dma_semaphore, #tpu.memory_space<semaphore_mem>>
    %dma_wait3A_1243 = tpu.memref_squeeze %dma_wait3A_1242 : memref<1x!tpu.dma_semaphore, #tpu.memory_space<semaphore_mem>> -> memref<!tpu.dma_semaphore, #tpu.memory_space<semaphore_mem>>
    %dma_wait3A_1244 = arith.constant 0 : i32
    %dma_wait3A_1245 = tpu.memref_slice %arg3[%add3A_1238, %dma_wait3A_1244] : memref<4096x12800xf32, #tpu.memory_space<hbm>> -> memref<1x12800xf32, #tpu.memory_space<hbm>>
    tpu.wait_dma2 semaphore(%dma_wait3A_1243 : memref<!tpu.dma_semaphore, #tpu.memory_space<semaphore_mem>>) src(%arg4 : memref<1x12800xf32, #tpu.memory_space<vmem>>) dst(%dma_wait3A_1245 : memref<1x12800xf32, #tpu.memory_space<hbm>>)
    %add3A_1246 = arith.constant 9 : i32
    %add3A_1247 = arith.addi %mul3A_2, %add3A_1246 : i32
    %dma_wait3A_1248 = arith.constant 1 : i32
    %dma_wait3A_1249 = arith.constant 0 : i32
    %dma_wait3A_1250 = tpu.memref_slice %arg3[%add3A_1247, %dma_wait3A_1249] : memref<4096x12800xf32, #tpu.memory_space<hbm>> -> memref<1x12800xf32, #tpu.memory_space<hbm>>
    %dma_wait3A_1251 = tpu.memref_slice %arg6[%dma_wait3A_1248] : memref<4x!tpu.dma_semaphore, #tpu.memory_space<semaphore_mem>> -> memref<1x!tpu.dma_semaphore, #tpu.memory_space<semaphore_mem>>
    %dma_wait3A_1252 = tpu.memref_squeeze %dma_wait3A_1251 : memref<1x!tpu.dma_semaphore, #tpu.memory_space<semaphore_mem>> -> memref<!tpu.dma_semaphore, #tpu.memory_space<semaphore_mem>>
    %dma_wait3A_1253 = arith.constant 0 : i32
    %dma_wait3A_1254 = tpu.memref_slice %arg3[%add3A_1247, %dma_wait3A_1253] : memref<4096x12800xf32, #tpu.memory_space<hbm>> -> memref<1x12800xf32, #tpu.memory_space<hbm>>
    tpu.wait_dma2 semaphore(%dma_wait3A_1252 : memref<!tpu.dma_semaphore, #tpu.memory_space<semaphore_mem>>) src(%arg4 : memref<1x12800xf32, #tpu.memory_space<vmem>>) dst(%dma_wait3A_1254 : memref<1x12800xf32, #tpu.memory_space<hbm>>)
    %add3A_1255 = arith.constant 10 : i32
    %add3A_1256 = arith.addi %mul3A_2, %add3A_1255 : i32
    %dma_wait3A_1257 = arith.constant 2 : i32
    %dma_wait3A_1258 = arith.constant 0 : i32
    %dma_wait3A_1259 = tpu.memref_slice %arg3[%add3A_1256, %dma_wait3A_1258] : memref<4096x12800xf32, #tpu.memory_space<hbm>> -> memref<1x12800xf32, #tpu.memory_space<hbm>>
    %dma_wait3A_1260 = tpu.memref_slice %arg6[%dma_wait3A_1257] : memref<4x!tpu.dma_semaphore, #tpu.memory_space<semaphore_mem>> -> memref<1x!tpu.dma_semaphore, #tpu.memory_space<semaphore_mem>>
    %dma_wait3A_1261 = tpu.memref_squeeze %dma_wait3A_1260 : memref<1x!tpu.dma_semaphore, #tpu.memory_space<semaphore_mem>> -> memref<!tpu.dma_semaphore, #tpu.memory_space<semaphore_mem>>
    %dma_wait3A_1262 = arith.constant 0 : i32
    %dma_wait3A_1263 = tpu.memref_slice %arg3[%add3A_1256, %dma_wait3A_1262] : memref<4096x12800xf32, #tpu.memory_space<hbm>> -> memref<1x12800xf32, #tpu.memory_space<hbm>>
    tpu.wait_dma2 semaphore(%dma_wait3A_1261 : memref<!tpu.dma_semaphore, #tpu.memory_space<semaphore_mem>>) src(%arg4 : memref<1x12800xf32, #tpu.memory_space<vmem>>) dst(%dma_wait3A_1263 : memref<1x12800xf32, #tpu.memory_space<hbm>>)
    %add3A_1264 = arith.constant 11 : i32
    %add3A_1265 = arith.addi %mul3A_2, %add3A_1264 : i32
    %dma_wait3A_1266 = arith.constant 3 : i32
    %dma_wait3A_1267 = arith.constant 0 : i32
    %dma_wait3A_1268 = tpu.memref_slice %arg3[%add3A_1265, %dma_wait3A_1267] : memref<4096x12800xf32, #tpu.memory_space<hbm>> -> memref<1x12800xf32, #tpu.memory_space<hbm>>
    %dma_wait3A_1269 = tpu.memref_slice %arg6[%dma_wait3A_1266] : memref<4x!tpu.dma_semaphore, #tpu.memory_space<semaphore_mem>> -> memref<1x!tpu.dma_semaphore, #tpu.memory_space<semaphore_mem>>
    %dma_wait3A_1270 = tpu.memref_squeeze %dma_wait3A_1269 : memref<1x!tpu.dma_semaphore, #tpu.memory_space<semaphore_mem>> -> memref<!tpu.dma_semaphore, #tpu.memory_space<semaphore_mem>>
    %dma_wait3A_1271 = arith.constant 0 : i32
    %dma_wait3A_1272 = tpu.memref_slice %arg3[%add3A_1265, %dma_wait3A_1271] : memref<4096x12800xf32, #tpu.memory_space<hbm>> -> memref<1x12800xf32, #tpu.memory_space<hbm>>
    tpu.wait_dma2 semaphore(%dma_wait3A_1270 : memref<!tpu.dma_semaphore, #tpu.memory_space<semaphore_mem>>) src(%arg4 : memref<1x12800xf32, #tpu.memory_space<vmem>>) dst(%dma_wait3A_1272 : memref<1x12800xf32, #tpu.memory_space<hbm>>)
    %add3A_1273 = arith.constant 12 : i32
    %add3A_1274 = arith.addi %mul3A_2, %add3A_1273 : i32
    %dma_wait3A_1275 = arith.constant 0 : i32
    %dma_wait3A_1276 = arith.constant 0 : i32
    %dma_wait3A_1277 = tpu.memref_slice %arg3[%add3A_1274, %dma_wait3A_1276] : memref<4096x12800xf32, #tpu.memory_space<hbm>> -> memref<1x12800xf32, #tpu.memory_space<hbm>>
    %dma_wait3A_1278 = tpu.memref_slice %arg6[%dma_wait3A_1275] : memref<4x!tpu.dma_semaphore, #tpu.memory_space<semaphore_mem>> -> memref<1x!tpu.dma_semaphore, #tpu.memory_space<semaphore_mem>>
    %dma_wait3A_1279 = tpu.memref_squeeze %dma_wait3A_1278 : memref<1x!tpu.dma_semaphore, #tpu.memory_space<semaphore_mem>> -> memref<!tpu.dma_semaphore, #tpu.memory_space<semaphore_mem>>
    %dma_wait3A_1280 = arith.constant 0 : i32
    %dma_wait3A_1281 = tpu.memref_slice %arg3[%add3A_1274, %dma_wait3A_1280] : memref<4096x12800xf32, #tpu.memory_space<hbm>> -> memref<1x12800xf32, #tpu.memory_space<hbm>>
    tpu.wait_dma2 semaphore(%dma_wait3A_1279 : memref<!tpu.dma_semaphore, #tpu.memory_space<semaphore_mem>>) src(%arg4 : memref<1x12800xf32, #tpu.memory_space<vmem>>) dst(%dma_wait3A_1281 : memref<1x12800xf32, #tpu.memory_space<hbm>>)
    %add3A_1282 = arith.constant 13 : i32
    %add3A_1283 = arith.addi %mul3A_2, %add3A_1282 : i32
    %dma_wait3A_1284 = arith.constant 1 : i32
    %dma_wait3A_1285 = arith.constant 0 : i32
    %dma_wait3A_1286 = tpu.memref_slice %arg3[%add3A_1283, %dma_wait3A_1285] : memref<4096x12800xf32, #tpu.memory_space<hbm>> -> memref<1x12800xf32, #tpu.memory_space<hbm>>
    %dma_wait3A_1287 = tpu.memref_slice %arg6[%dma_wait3A_1284] : memref<4x!tpu.dma_semaphore, #tpu.memory_space<semaphore_mem>> -> memref<1x!tpu.dma_semaphore, #tpu.memory_space<semaphore_mem>>
    %dma_wait3A_1288 = tpu.memref_squeeze %dma_wait3A_1287 : memref<1x!tpu.dma_semaphore, #tpu.memory_space<semaphore_mem>> -> memref<!tpu.dma_semaphore, #tpu.memory_space<semaphore_mem>>
    %dma_wait3A_1289 = arith.constant 0 : i32
    %dma_wait3A_1290 = tpu.memref_slice %arg3[%add3A_1283, %dma_wait3A_1289] : memref<4096x12800xf32, #tpu.memory_space<hbm>> -> memref<1x12800xf32, #tpu.memory_space<hbm>>
    tpu.wait_dma2 semaphore(%dma_wait3A_1288 : memref<!tpu.dma_semaphore, #tpu.memory_space<semaphore_mem>>) src(%arg4 : memref<1x12800xf32, #tpu.memory_space<vmem>>) dst(%dma_wait3A_1290 : memref<1x12800xf32, #tpu.memory_space<hbm>>)
    %add3A_1291 = arith.constant 14 : i32
    %add3A_1292 = arith.addi %mul3A_2, %add3A_1291 : i32
    %dma_wait3A_1293 = arith.constant 2 : i32
    %dma_wait3A_1294 = arith.constant 0 : i32
    %dma_wait3A_1295 = tpu.memref_slice %arg3[%add3A_1292, %dma_wait3A_1294] : memref<4096x12800xf32, #tpu.memory_space<hbm>> -> memref<1x12800xf32, #tpu.memory_space<hbm>>
    %dma_wait3A_1296 = tpu.memref_slice %arg6[%dma_wait3A_1293] : memref<4x!tpu.dma_semaphore, #tpu.memory_space<semaphore_mem>> -> memref<1x!tpu.dma_semaphore, #tpu.memory_space<semaphore_mem>>
    %dma_wait3A_1297 = tpu.memref_squeeze %dma_wait3A_1296 : memref<1x!tpu.dma_semaphore, #tpu.memory_space<semaphore_mem>> -> memref<!tpu.dma_semaphore, #tpu.memory_space<semaphore_mem>>
    %dma_wait3A_1298 = arith.constant 0 : i32
    %dma_wait3A_1299 = tpu.memref_slice %arg3[%add3A_1292, %dma_wait3A_1298] : memref<4096x12800xf32, #tpu.memory_space<hbm>> -> memref<1x12800xf32, #tpu.memory_space<hbm>>
    tpu.wait_dma2 semaphore(%dma_wait3A_1297 : memref<!tpu.dma_semaphore, #tpu.memory_space<semaphore_mem>>) src(%arg4 : memref<1x12800xf32, #tpu.memory_space<vmem>>) dst(%dma_wait3A_1299 : memref<1x12800xf32, #tpu.memory_space<hbm>>)
    %add3A_1300 = arith.constant 15 : i32
    %add3A_1301 = arith.addi %mul3A_2, %add3A_1300 : i32
    %dma_wait3A_1302 = arith.constant 3 : i32
    %dma_wait3A_1303 = arith.constant 0 : i32
    %dma_wait3A_1304 = tpu.memref_slice %arg3[%add3A_1301, %dma_wait3A_1303] : memref<4096x12800xf32, #tpu.memory_space<hbm>> -> memref<1x12800xf32, #tpu.memory_space<hbm>>
    %dma_wait3A_1305 = tpu.memref_slice %arg6[%dma_wait3A_1302] : memref<4x!tpu.dma_semaphore, #tpu.memory_space<semaphore_mem>> -> memref<1x!tpu.dma_semaphore, #tpu.memory_space<semaphore_mem>>
    %dma_wait3A_1306 = tpu.memref_squeeze %dma_wait3A_1305 : memref<1x!tpu.dma_semaphore, #tpu.memory_space<semaphore_mem>> -> memref<!tpu.dma_semaphore, #tpu.memory_space<semaphore_mem>>
    %dma_wait3A_1307 = arith.constant 0 : i32
    %dma_wait3A_1308 = tpu.memref_slice %arg3[%add3A_1301, %dma_wait3A_1307] : memref<4096x12800xf32, #tpu.memory_space<hbm>> -> memref<1x12800xf32, #tpu.memory_space<hbm>>
    tpu.wait_dma2 semaphore(%dma_wait3A_1306 : memref<!tpu.dma_semaphore, #tpu.memory_space<semaphore_mem>>) src(%arg4 : memref<1x12800xf32, #tpu.memory_space<vmem>>) dst(%dma_wait3A_1308 : memref<1x12800xf32, #tpu.memory_space<hbm>>)
    %add3A_1309 = arith.constant 16 : i32
    %add3A_1310 = arith.addi %mul3A_2, %add3A_1309 : i32
    %dma_wait3A_1311 = arith.constant 0 : i32
    %dma_wait3A_1312 = arith.constant 0 : i32
    %dma_wait3A_1313 = tpu.memref_slice %arg3[%add3A_1310, %dma_wait3A_1312] : memref<4096x12800xf32, #tpu.memory_space<hbm>> -> memref<1x12800xf32, #tpu.memory_space<hbm>>
    %dma_wait3A_1314 = tpu.memref_slice %arg6[%dma_wait3A_1311] : memref<4x!tpu.dma_semaphore, #tpu.memory_space<semaphore_mem>> -> memref<1x!tpu.dma_semaphore, #tpu.memory_space<semaphore_mem>>
    %dma_wait3A_1315 = tpu.memref_squeeze %dma_wait3A_1314 : memref<1x!tpu.dma_semaphore, #tpu.memory_space<semaphore_mem>> -> memref<!tpu.dma_semaphore, #tpu.memory_space<semaphore_mem>>
    %dma_wait3A_1316 = arith.constant 0 : i32
    %dma_wait3A_1317 = tpu.memref_slice %arg3[%add3A_1310, %dma_wait3A_1316] : memref<4096x12800xf32, #tpu.memory_space<hbm>> -> memref<1x12800xf32, #tpu.memory_space<hbm>>
    tpu.wait_dma2 semaphore(%dma_wait3A_1315 : memref<!tpu.dma_semaphore, #tpu.memory_space<semaphore_mem>>) src(%arg4 : memref<1x12800xf32, #tpu.memory_space<vmem>>) dst(%dma_wait3A_1317 : memref<1x12800xf32, #tpu.memory_space<hbm>>)
    %add3A_1318 = arith.constant 17 : i32
    %add3A_1319 = arith.addi %mul3A_2, %add3A_1318 : i32
    %dma_wait3A_1320 = arith.constant 1 : i32
    %dma_wait3A_1321 = arith.constant 0 : i32
    %dma_wait3A_1322 = tpu.memref_slice %arg3[%add3A_1319, %dma_wait3A_1321] : memref<4096x12800xf32, #tpu.memory_space<hbm>> -> memref<1x12800xf32, #tpu.memory_space<hbm>>
    %dma_wait3A_1323 = tpu.memref_slice %arg6[%dma_wait3A_1320] : memref<4x!tpu.dma_semaphore, #tpu.memory_space<semaphore_mem>> -> memref<1x!tpu.dma_semaphore, #tpu.memory_space<semaphore_mem>>
    %dma_wait3A_1324 = tpu.memref_squeeze %dma_wait3A_1323 : memref<1x!tpu.dma_semaphore, #tpu.memory_space<semaphore_mem>> -> memref<!tpu.dma_semaphore, #tpu.memory_space<semaphore_mem>>
    %dma_wait3A_1325 = arith.constant 0 : i32
    %dma_wait3A_1326 = tpu.memref_slice %arg3[%add3A_1319, %dma_wait3A_1325] : memref<4096x12800xf32, #tpu.memory_space<hbm>> -> memref<1x12800xf32, #tpu.memory_space<hbm>>
    tpu.wait_dma2 semaphore(%dma_wait3A_1324 : memref<!tpu.dma_semaphore, #tpu.memory_space<semaphore_mem>>) src(%arg4 : memref<1x12800xf32, #tpu.memory_space<vmem>>) dst(%dma_wait3A_1326 : memref<1x12800xf32, #tpu.memory_space<hbm>>)
    %add3A_1327 = arith.constant 18 : i32
    %add3A_1328 = arith.addi %mul3A_2, %add3A_1327 : i32
    %dma_wait3A_1329 = arith.constant 2 : i32
    %dma_wait3A_1330 = arith.constant 0 : i32
    %dma_wait3A_1331 = tpu.memref_slice %arg3[%add3A_1328, %dma_wait3A_1330] : memref<4096x12800xf32, #tpu.memory_space<hbm>> -> memref<1x12800xf32, #tpu.memory_space<hbm>>
    %dma_wait3A_1332 = tpu.memref_slice %arg6[%dma_wait3A_1329] : memref<4x!tpu.dma_semaphore, #tpu.memory_space<semaphore_mem>> -> memref<1x!tpu.dma_semaphore, #tpu.memory_space<semaphore_mem>>
    %dma_wait3A_1333 = tpu.memref_squeeze %dma_wait3A_1332 : memref<1x!tpu.dma_semaphore, #tpu.memory_space<semaphore_mem>> -> memref<!tpu.dma_semaphore, #tpu.memory_space<semaphore_mem>>
    %dma_wait3A_1334 = arith.constant 0 : i32
    %dma_wait3A_1335 = tpu.memref_slice %arg3[%add3A_1328, %dma_wait3A_1334] : memref<4096x12800xf32, #tpu.memory_space<hbm>> -> memref<1x12800xf32, #tpu.memory_space<hbm>>
    tpu.wait_dma2 semaphore(%dma_wait3A_1333 : memref<!tpu.dma_semaphore, #tpu.memory_space<semaphore_mem>>) src(%arg4 : memref<1x12800xf32, #tpu.memory_space<vmem>>) dst(%dma_wait3A_1335 : memref<1x12800xf32, #tpu.memory_space<hbm>>)
    %add3A_1336 = arith.constant 19 : i32
    %add3A_1337 = arith.addi %mul3A_2, %add3A_1336 : i32
    %dma_wait3A_1338 = arith.constant 3 : i32
    %dma_wait3A_1339 = arith.constant 0 : i32
    %dma_wait3A_1340 = tpu.memref_slice %arg3[%add3A_1337, %dma_wait3A_1339] : memref<4096x12800xf32, #tpu.memory_space<hbm>> -> memref<1x12800xf32, #tpu.memory_space<hbm>>
    %dma_wait3A_1341 = tpu.memref_slice %arg6[%dma_wait3A_1338] : memref<4x!tpu.dma_semaphore, #tpu.memory_space<semaphore_mem>> -> memref<1x!tpu.dma_semaphore, #tpu.memory_space<semaphore_mem>>
    %dma_wait3A_1342 = tpu.memref_squeeze %dma_wait3A_1341 : memref<1x!tpu.dma_semaphore, #tpu.memory_space<semaphore_mem>> -> memref<!tpu.dma_semaphore, #tpu.memory_space<semaphore_mem>>
    %dma_wait3A_1343 = arith.constant 0 : i32
    %dma_wait3A_1344 = tpu.memref_slice %arg3[%add3A_1337, %dma_wait3A_1343] : memref<4096x12800xf32, #tpu.memory_space<hbm>> -> memref<1x12800xf32, #tpu.memory_space<hbm>>
    tpu.wait_dma2 semaphore(%dma_wait3A_1342 : memref<!tpu.dma_semaphore, #tpu.memory_space<semaphore_mem>>) src(%arg4 : memref<1x12800xf32, #tpu.memory_space<vmem>>) dst(%dma_wait3A_1344 : memref<1x12800xf32, #tpu.memory_space<hbm>>)
    %add3A_1345 = arith.constant 20 : i32
    %add3A_1346 = arith.addi %mul3A_2, %add3A_1345 : i32
    %dma_wait3A_1347 = arith.constant 0 : i32
    %dma_wait3A_1348 = arith.constant 0 : i32
    %dma_wait3A_1349 = tpu.memref_slice %arg3[%add3A_1346, %dma_wait3A_1348] : memref<4096x12800xf32, #tpu.memory_space<hbm>> -> memref<1x12800xf32, #tpu.memory_space<hbm>>
    %dma_wait3A_1350 = tpu.memref_slice %arg6[%dma_wait3A_1347] : memref<4x!tpu.dma_semaphore, #tpu.memory_space<semaphore_mem>> -> memref<1x!tpu.dma_semaphore, #tpu.memory_space<semaphore_mem>>
    %dma_wait3A_1351 = tpu.memref_squeeze %dma_wait3A_1350 : memref<1x!tpu.dma_semaphore, #tpu.memory_space<semaphore_mem>> -> memref<!tpu.dma_semaphore, #tpu.memory_space<semaphore_mem>>
    %dma_wait3A_1352 = arith.constant 0 : i32
    %dma_wait3A_1353 = tpu.memref_slice %arg3[%add3A_1346, %dma_wait3A_1352] : memref<4096x12800xf32, #tpu.memory_space<hbm>> -> memref<1x12800xf32, #tpu.memory_space<hbm>>
    tpu.wait_dma2 semaphore(%dma_wait3A_1351 : memref<!tpu.dma_semaphore, #tpu.memory_space<semaphore_mem>>) src(%arg4 : memref<1x12800xf32, #tpu.memory_space<vmem>>) dst(%dma_wait3A_1353 : memref<1x12800xf32, #tpu.memory_space<hbm>>)
    %add3A_1354 = arith.constant 21 : i32
    %add3A_1355 = arith.addi %mul3A_2, %add3A_1354 : i32
    %dma_wait3A_1356 = arith.constant 1 : i32
    %dma_wait3A_1357 = arith.constant 0 : i32
    %dma_wait3A_1358 = tpu.memref_slice %arg3[%add3A_1355, %dma_wait3A_1357] : memref<4096x12800xf32, #tpu.memory_space<hbm>> -> memref<1x12800xf32, #tpu.memory_space<hbm>>
    %dma_wait3A_1359 = tpu.memref_slice %arg6[%dma_wait3A_1356] : memref<4x!tpu.dma_semaphore, #tpu.memory_space<semaphore_mem>> -> memref<1x!tpu.dma_semaphore, #tpu.memory_space<semaphore_mem>>
    %dma_wait3A_1360 = tpu.memref_squeeze %dma_wait3A_1359 : memref<1x!tpu.dma_semaphore, #tpu.memory_space<semaphore_mem>> -> memref<!tpu.dma_semaphore, #tpu.memory_space<semaphore_mem>>
    %dma_wait3A_1361 = arith.constant 0 : i32
    %dma_wait3A_1362 = tpu.memref_slice %arg3[%add3A_1355, %dma_wait3A_1361] : memref<4096x12800xf32, #tpu.memory_space<hbm>> -> memref<1x12800xf32, #tpu.memory_space<hbm>>
    tpu.wait_dma2 semaphore(%dma_wait3A_1360 : memref<!tpu.dma_semaphore, #tpu.memory_space<semaphore_mem>>) src(%arg4 : memref<1x12800xf32, #tpu.memory_space<vmem>>) dst(%dma_wait3A_1362 : memref<1x12800xf32, #tpu.memory_space<hbm>>)
    %add3A_1363 = arith.constant 22 : i32
    %add3A_1364 = arith.addi %mul3A_2, %add3A_1363 : i32
    %dma_wait3A_1365 = arith.constant 2 : i32
    %dma_wait3A_1366 = arith.constant 0 : i32
    %dma_wait3A_1367 = tpu.memref_slice %arg3[%add3A_1364, %dma_wait3A_1366] : memref<4096x12800xf32, #tpu.memory_space<hbm>> -> memref<1x12800xf32, #tpu.memory_space<hbm>>
    %dma_wait3A_1368 = tpu.memref_slice %arg6[%dma_wait3A_1365] : memref<4x!tpu.dma_semaphore, #tpu.memory_space<semaphore_mem>> -> memref<1x!tpu.dma_semaphore, #tpu.memory_space<semaphore_mem>>
    %dma_wait3A_1369 = tpu.memref_squeeze %dma_wait3A_1368 : memref<1x!tpu.dma_semaphore, #tpu.memory_space<semaphore_mem>> -> memref<!tpu.dma_semaphore, #tpu.memory_space<semaphore_mem>>
    %dma_wait3A_1370 = arith.constant 0 : i32
    %dma_wait3A_1371 = tpu.memref_slice %arg3[%add3A_1364, %dma_wait3A_1370] : memref<4096x12800xf32, #tpu.memory_space<hbm>> -> memref<1x12800xf32, #tpu.memory_space<hbm>>
    tpu.wait_dma2 semaphore(%dma_wait3A_1369 : memref<!tpu.dma_semaphore, #tpu.memory_space<semaphore_mem>>) src(%arg4 : memref<1x12800xf32, #tpu.memory_space<vmem>>) dst(%dma_wait3A_1371 : memref<1x12800xf32, #tpu.memory_space<hbm>>)
    %add3A_1372 = arith.constant 23 : i32
    %add3A_1373 = arith.addi %mul3A_2, %add3A_1372 : i32
    %dma_wait3A_1374 = arith.constant 3 : i32
    %dma_wait3A_1375 = arith.constant 0 : i32
    %dma_wait3A_1376 = tpu.memref_slice %arg3[%add3A_1373, %dma_wait3A_1375] : memref<4096x12800xf32, #tpu.memory_space<hbm>> -> memref<1x12800xf32, #tpu.memory_space<hbm>>
    %dma_wait3A_1377 = tpu.memref_slice %arg6[%dma_wait3A_1374] : memref<4x!tpu.dma_semaphore, #tpu.memory_space<semaphore_mem>> -> memref<1x!tpu.dma_semaphore, #tpu.memory_space<semaphore_mem>>
    %dma_wait3A_1378 = tpu.memref_squeeze %dma_wait3A_1377 : memref<1x!tpu.dma_semaphore, #tpu.memory_space<semaphore_mem>> -> memref<!tpu.dma_semaphore, #tpu.memory_space<semaphore_mem>>
    %dma_wait3A_1379 = arith.constant 0 : i32
    %dma_wait3A_1380 = tpu.memref_slice %arg3[%add3A_1373, %dma_wait3A_1379] : memref<4096x12800xf32, #tpu.memory_space<hbm>> -> memref<1x12800xf32, #tpu.memory_space<hbm>>
    tpu.wait_dma2 semaphore(%dma_wait3A_1378 : memref<!tpu.dma_semaphore, #tpu.memory_space<semaphore_mem>>) src(%arg4 : memref<1x12800xf32, #tpu.memory_space<vmem>>) dst(%dma_wait3A_1380 : memref<1x12800xf32, #tpu.memory_space<hbm>>)
    %add3A_1381 = arith.constant 24 : i32
    %add3A_1382 = arith.addi %mul3A_2, %add3A_1381 : i32
    %dma_wait3A_1383 = arith.constant 0 : i32
    %dma_wait3A_1384 = arith.constant 0 : i32
    %dma_wait3A_1385 = tpu.memref_slice %arg3[%add3A_1382, %dma_wait3A_1384] : memref<4096x12800xf32, #tpu.memory_space<hbm>> -> memref<1x12800xf32, #tpu.memory_space<hbm>>
    %dma_wait3A_1386 = tpu.memref_slice %arg6[%dma_wait3A_1383] : memref<4x!tpu.dma_semaphore, #tpu.memory_space<semaphore_mem>> -> memref<1x!tpu.dma_semaphore, #tpu.memory_space<semaphore_mem>>
    %dma_wait3A_1387 = tpu.memref_squeeze %dma_wait3A_1386 : memref<1x!tpu.dma_semaphore, #tpu.memory_space<semaphore_mem>> -> memref<!tpu.dma_semaphore, #tpu.memory_space<semaphore_mem>>
    %dma_wait3A_1388 = arith.constant 0 : i32
    %dma_wait3A_1389 = tpu.memref_slice %arg3[%add3A_1382, %dma_wait3A_1388] : memref<4096x12800xf32, #tpu.memory_space<hbm>> -> memref<1x12800xf32, #tpu.memory_space<hbm>>
    tpu.wait_dma2 semaphore(%dma_wait3A_1387 : memref<!tpu.dma_semaphore, #tpu.memory_space<semaphore_mem>>) src(%arg4 : memref<1x12800xf32, #tpu.memory_space<vmem>>) dst(%dma_wait3A_1389 : memref<1x12800xf32, #tpu.memory_space<hbm>>)
    %add3A_1390 = arith.constant 25 : i32
    %add3A_1391 = arith.addi %mul3A_2, %add3A_1390 : i32
    %dma_wait3A_1392 = arith.constant 1 : i32
    %dma_wait3A_1393 = arith.constant 0 : i32
    %dma_wait3A_1394 = tpu.memref_slice %arg3[%add3A_1391, %dma_wait3A_1393] : memref<4096x12800xf32, #tpu.memory_space<hbm>> -> memref<1x12800xf32, #tpu.memory_space<hbm>>
    %dma_wait3A_1395 = tpu.memref_slice %arg6[%dma_wait3A_1392] : memref<4x!tpu.dma_semaphore, #tpu.memory_space<semaphore_mem>> -> memref<1x!tpu.dma_semaphore, #tpu.memory_space<semaphore_mem>>
    %dma_wait3A_1396 = tpu.memref_squeeze %dma_wait3A_1395 : memref<1x!tpu.dma_semaphore, #tpu.memory_space<semaphore_mem>> -> memref<!tpu.dma_semaphore, #tpu.memory_space<semaphore_mem>>
    %dma_wait3A_1397 = arith.constant 0 : i32
    %dma_wait3A_1398 = tpu.memref_slice %arg3[%add3A_1391, %dma_wait3A_1397] : memref<4096x12800xf32, #tpu.memory_space<hbm>> -> memref<1x12800xf32, #tpu.memory_space<hbm>>
    tpu.wait_dma2 semaphore(%dma_wait3A_1396 : memref<!tpu.dma_semaphore, #tpu.memory_space<semaphore_mem>>) src(%arg4 : memref<1x12800xf32, #tpu.memory_space<vmem>>) dst(%dma_wait3A_1398 : memref<1x12800xf32, #tpu.memory_space<hbm>>)
    %add3A_1399 = arith.constant 26 : i32
    %add3A_1400 = arith.addi %mul3A_2, %add3A_1399 : i32
    %dma_wait3A_1401 = arith.constant 2 : i32
    %dma_wait3A_1402 = arith.constant 0 : i32
    %dma_wait3A_1403 = tpu.memref_slice %arg3[%add3A_1400, %dma_wait3A_1402] : memref<4096x12800xf32, #tpu.memory_space<hbm>> -> memref<1x12800xf32, #tpu.memory_space<hbm>>
    %dma_wait3A_1404 = tpu.memref_slice %arg6[%dma_wait3A_1401] : memref<4x!tpu.dma_semaphore, #tpu.memory_space<semaphore_mem>> -> memref<1x!tpu.dma_semaphore, #tpu.memory_space<semaphore_mem>>
    %dma_wait3A_1405 = tpu.memref_squeeze %dma_wait3A_1404 : memref<1x!tpu.dma_semaphore, #tpu.memory_space<semaphore_mem>> -> memref<!tpu.dma_semaphore, #tpu.memory_space<semaphore_mem>>
    %dma_wait3A_1406 = arith.constant 0 : i32
    %dma_wait3A_1407 = tpu.memref_slice %arg3[%add3A_1400, %dma_wait3A_1406] : memref<4096x12800xf32, #tpu.memory_space<hbm>> -> memref<1x12800xf32, #tpu.memory_space<hbm>>
    tpu.wait_dma2 semaphore(%dma_wait3A_1405 : memref<!tpu.dma_semaphore, #tpu.memory_space<semaphore_mem>>) src(%arg4 : memref<1x12800xf32, #tpu.memory_space<vmem>>) dst(%dma_wait3A_1407 : memref<1x12800xf32, #tpu.memory_space<hbm>>)
    %add3A_1408 = arith.constant 27 : i32
    %add3A_1409 = arith.addi %mul3A_2, %add3A_1408 : i32
    %dma_wait3A_1410 = arith.constant 3 : i32
    %dma_wait3A_1411 = arith.constant 0 : i32
    %dma_wait3A_1412 = tpu.memref_slice %arg3[%add3A_1409, %dma_wait3A_1411] : memref<4096x12800xf32, #tpu.memory_space<hbm>> -> memref<1x12800xf32, #tpu.memory_space<hbm>>
    %dma_wait3A_1413 = tpu.memref_slice %arg6[%dma_wait3A_1410] : memref<4x!tpu.dma_semaphore, #tpu.memory_space<semaphore_mem>> -> memref<1x!tpu.dma_semaphore, #tpu.memory_space<semaphore_mem>>
    %dma_wait3A_1414 = tpu.memref_squeeze %dma_wait3A_1413 : memref<1x!tpu.dma_semaphore, #tpu.memory_space<semaphore_mem>> -> memref<!tpu.dma_semaphore, #tpu.memory_space<semaphore_mem>>
    %dma_wait3A_1415 = arith.constant 0 : i32
    %dma_wait3A_1416 = tpu.memref_slice %arg3[%add3A_1409, %dma_wait3A_1415] : memref<4096x12800xf32, #tpu.memory_space<hbm>> -> memref<1x12800xf32, #tpu.memory_space<hbm>>
    tpu.wait_dma2 semaphore(%dma_wait3A_1414 : memref<!tpu.dma_semaphore, #tpu.memory_space<semaphore_mem>>) src(%arg4 : memref<1x12800xf32, #tpu.memory_space<vmem>>) dst(%dma_wait3A_1416 : memref<1x12800xf32, #tpu.memory_space<hbm>>)
    %add3A_1417 = arith.constant 28 : i32
    %add3A_1418 = arith.addi %mul3A_2, %add3A_1417 : i32
    %dma_wait3A_1419 = arith.constant 0 : i32
    %dma_wait3A_1420 = arith.constant 0 : i32
    %dma_wait3A_1421 = tpu.memref_slice %arg3[%add3A_1418, %dma_wait3A_1420] : memref<4096x12800xf32, #tpu.memory_space<hbm>> -> memref<1x12800xf32, #tpu.memory_space<hbm>>
    %dma_wait3A_1422 = tpu.memref_slice %arg6[%dma_wait3A_1419] : memref<4x!tpu.dma_semaphore, #tpu.memory_space<semaphore_mem>> -> memref<1x!tpu.dma_semaphore, #tpu.memory_space<semaphore_mem>>
    %dma_wait3A_1423 = tpu.memref_squeeze %dma_wait3A_1422 : memref<1x!tpu.dma_semaphore, #tpu.memory_space<semaphore_mem>> -> memref<!tpu.dma_semaphore, #tpu.memory_space<semaphore_mem>>
    %dma_wait3A_1424 = arith.constant 0 : i32
    %dma_wait3A_1425 = tpu.memref_slice %arg3[%add3A_1418, %dma_wait3A_1424] : memref<4096x12800xf32, #tpu.memory_space<hbm>> -> memref<1x12800xf32, #tpu.memory_space<hbm>>
    tpu.wait_dma2 semaphore(%dma_wait3A_1423 : memref<!tpu.dma_semaphore, #tpu.memory_space<semaphore_mem>>) src(%arg4 : memref<1x12800xf32, #tpu.memory_space<vmem>>) dst(%dma_wait3A_1425 : memref<1x12800xf32, #tpu.memory_space<hbm>>)
    %add3A_1426 = arith.constant 29 : i32
    %add3A_1427 = arith.addi %mul3A_2, %add3A_1426 : i32
    %dma_wait3A_1428 = arith.constant 1 : i32
    %dma_wait3A_1429 = arith.constant 0 : i32
    %dma_wait3A_1430 = tpu.memref_slice %arg3[%add3A_1427, %dma_wait3A_1429] : memref<4096x12800xf32, #tpu.memory_space<hbm>> -> memref<1x12800xf32, #tpu.memory_space<hbm>>
    %dma_wait3A_1431 = tpu.memref_slice %arg6[%dma_wait3A_1428] : memref<4x!tpu.dma_semaphore, #tpu.memory_space<semaphore_mem>> -> memref<1x!tpu.dma_semaphore, #tpu.memory_space<semaphore_mem>>
    %dma_wait3A_1432 = tpu.memref_squeeze %dma_wait3A_1431 : memref<1x!tpu.dma_semaphore, #tpu.memory_space<semaphore_mem>> -> memref<!tpu.dma_semaphore, #tpu.memory_space<semaphore_mem>>
    %dma_wait3A_1433 = arith.constant 0 : i32
    %dma_wait3A_1434 = tpu.memref_slice %arg3[%add3A_1427, %dma_wait3A_1433] : memref<4096x12800xf32, #tpu.memory_space<hbm>> -> memref<1x12800xf32, #tpu.memory_space<hbm>>
    tpu.wait_dma2 semaphore(%dma_wait3A_1432 : memref<!tpu.dma_semaphore, #tpu.memory_space<semaphore_mem>>) src(%arg4 : memref<1x12800xf32, #tpu.memory_space<vmem>>) dst(%dma_wait3A_1434 : memref<1x12800xf32, #tpu.memory_space<hbm>>)
    %add3A_1435 = arith.constant 30 : i32
    %add3A_1436 = arith.addi %mul3A_2, %add3A_1435 : i32
    %dma_wait3A_1437 = arith.constant 2 : i32
    %dma_wait3A_1438 = arith.constant 0 : i32
    %dma_wait3A_1439 = tpu.memref_slice %arg3[%add3A_1436, %dma_wait3A_1438] : memref<4096x12800xf32, #tpu.memory_space<hbm>> -> memref<1x12800xf32, #tpu.memory_space<hbm>>
    %dma_wait3A_1440 = tpu.memref_slice %arg6[%dma_wait3A_1437] : memref<4x!tpu.dma_semaphore, #tpu.memory_space<semaphore_mem>> -> memref<1x!tpu.dma_semaphore, #tpu.memory_space<semaphore_mem>>
    %dma_wait3A_1441 = tpu.memref_squeeze %dma_wait3A_1440 : memref<1x!tpu.dma_semaphore, #tpu.memory_space<semaphore_mem>> -> memref<!tpu.dma_semaphore, #tpu.memory_space<semaphore_mem>>
    %dma_wait3A_1442 = arith.constant 0 : i32
    %dma_wait3A_1443 = tpu.memref_slice %arg3[%add3A_1436, %dma_wait3A_1442] : memref<4096x12800xf32, #tpu.memory_space<hbm>> -> memref<1x12800xf32, #tpu.memory_space<hbm>>
    tpu.wait_dma2 semaphore(%dma_wait3A_1441 : memref<!tpu.dma_semaphore, #tpu.memory_space<semaphore_mem>>) src(%arg4 : memref<1x12800xf32, #tpu.memory_space<vmem>>) dst(%dma_wait3A_1443 : memref<1x12800xf32, #tpu.memory_space<hbm>>)
    %add3A_1444 = arith.constant 31 : i32
    %add3A_1445 = arith.addi %mul3A_2, %add3A_1444 : i32
    %dma_wait3A_1446 = arith.constant 3 : i32
    %dma_wait3A_1447 = arith.constant 0 : i32
    %dma_wait3A_1448 = tpu.memref_slice %arg3[%add3A_1445, %dma_wait3A_1447] : memref<4096x12800xf32, #tpu.memory_space<hbm>> -> memref<1x12800xf32, #tpu.memory_space<hbm>>
    %dma_wait3A_1449 = tpu.memref_slice %arg6[%dma_wait3A_1446] : memref<4x!tpu.dma_semaphore, #tpu.memory_space<semaphore_mem>> -> memref<1x!tpu.dma_semaphore, #tpu.memory_space<semaphore_mem>>
    %dma_wait3A_1450 = tpu.memref_squeeze %dma_wait3A_1449 : memref<1x!tpu.dma_semaphore, #tpu.memory_space<semaphore_mem>> -> memref<!tpu.dma_semaphore, #tpu.memory_space<semaphore_mem>>
    %dma_wait3A_1451 = arith.constant 0 : i32
    %dma_wait3A_1452 = tpu.memref_slice %arg3[%add3A_1445, %dma_wait3A_1451] : memref<4096x12800xf32, #tpu.memory_space<hbm>> -> memref<1x12800xf32, #tpu.memory_space<hbm>>
    tpu.wait_dma2 semaphore(%dma_wait3A_1450 : memref<!tpu.dma_semaphore, #tpu.memory_space<semaphore_mem>>) src(%arg4 : memref<1x12800xf32, #tpu.memory_space<vmem>>) dst(%dma_wait3A_1452 : memref<1x12800xf32, #tpu.memory_space<hbm>>)
    %add3A_1453 = arith.constant 32 : i32
    %add3A_1454 = arith.addi %mul3A_2, %add3A_1453 : i32
    %dma_wait3A_1455 = arith.constant 0 : i32
    %dma_wait3A_1456 = arith.constant 0 : i32
    %dma_wait3A_1457 = tpu.memref_slice %arg3[%add3A_1454, %dma_wait3A_1456] : memref<4096x12800xf32, #tpu.memory_space<hbm>> -> memref<1x12800xf32, #tpu.memory_space<hbm>>
    %dma_wait3A_1458 = tpu.memref_slice %arg6[%dma_wait3A_1455] : memref<4x!tpu.dma_semaphore, #tpu.memory_space<semaphore_mem>> -> memref<1x!tpu.dma_semaphore, #tpu.memory_space<semaphore_mem>>
    %dma_wait3A_1459 = tpu.memref_squeeze %dma_wait3A_1458 : memref<1x!tpu.dma_semaphore, #tpu.memory_space<semaphore_mem>> -> memref<!tpu.dma_semaphore, #tpu.memory_space<semaphore_mem>>
    %dma_wait3A_1460 = arith.constant 0 : i32
    %dma_wait3A_1461 = tpu.memref_slice %arg3[%add3A_1454, %dma_wait3A_1460] : memref<4096x12800xf32, #tpu.memory_space<hbm>> -> memref<1x12800xf32, #tpu.memory_space<hbm>>
    tpu.wait_dma2 semaphore(%dma_wait3A_1459 : memref<!tpu.dma_semaphore, #tpu.memory_space<semaphore_mem>>) src(%arg4 : memref<1x12800xf32, #tpu.memory_space<vmem>>) dst(%dma_wait3A_1461 : memref<1x12800xf32, #tpu.memory_space<hbm>>)
    %add3A_1462 = arith.constant 33 : i32
    %add3A_1463 = arith.addi %mul3A_2, %add3A_1462 : i32
    %dma_wait3A_1464 = arith.constant 1 : i32
    %dma_wait3A_1465 = arith.constant 0 : i32
    %dma_wait3A_1466 = tpu.memref_slice %arg3[%add3A_1463, %dma_wait3A_1465] : memref<4096x12800xf32, #tpu.memory_space<hbm>> -> memref<1x12800xf32, #tpu.memory_space<hbm>>
    %dma_wait3A_1467 = tpu.memref_slice %arg6[%dma_wait3A_1464] : memref<4x!tpu.dma_semaphore, #tpu.memory_space<semaphore_mem>> -> memref<1x!tpu.dma_semaphore, #tpu.memory_space<semaphore_mem>>
    %dma_wait3A_1468 = tpu.memref_squeeze %dma_wait3A_1467 : memref<1x!tpu.dma_semaphore, #tpu.memory_space<semaphore_mem>> -> memref<!tpu.dma_semaphore, #tpu.memory_space<semaphore_mem>>
    %dma_wait3A_1469 = arith.constant 0 : i32
    %dma_wait3A_1470 = tpu.memref_slice %arg3[%add3A_1463, %dma_wait3A_1469] : memref<4096x12800xf32, #tpu.memory_space<hbm>> -> memref<1x12800xf32, #tpu.memory_space<hbm>>
    tpu.wait_dma2 semaphore(%dma_wait3A_1468 : memref<!tpu.dma_semaphore, #tpu.memory_space<semaphore_mem>>) src(%arg4 : memref<1x12800xf32, #tpu.memory_space<vmem>>) dst(%dma_wait3A_1470 : memref<1x12800xf32, #tpu.memory_space<hbm>>)
    %add3A_1471 = arith.constant 34 : i32
    %add3A_1472 = arith.addi %mul3A_2, %add3A_1471 : i32
    %dma_wait3A_1473 = arith.constant 2 : i32
    %dma_wait3A_1474 = arith.constant 0 : i32
    %dma_wait3A_1475 = tpu.memref_slice %arg3[%add3A_1472, %dma_wait3A_1474] : memref<4096x12800xf32, #tpu.memory_space<hbm>> -> memref<1x12800xf32, #tpu.memory_space<hbm>>
    %dma_wait3A_1476 = tpu.memref_slice %arg6[%dma_wait3A_1473] : memref<4x!tpu.dma_semaphore, #tpu.memory_space<semaphore_mem>> -> memref<1x!tpu.dma_semaphore, #tpu.memory_space<semaphore_mem>>
    %dma_wait3A_1477 = tpu.memref_squeeze %dma_wait3A_1476 : memref<1x!tpu.dma_semaphore, #tpu.memory_space<semaphore_mem>> -> memref<!tpu.dma_semaphore, #tpu.memory_space<semaphore_mem>>
    %dma_wait3A_1478 = arith.constant 0 : i32
    %dma_wait3A_1479 = tpu.memref_slice %arg3[%add3A_1472, %dma_wait3A_1478] : memref<4096x12800xf32, #tpu.memory_space<hbm>> -> memref<1x12800xf32, #tpu.memory_space<hbm>>
    tpu.wait_dma2 semaphore(%dma_wait3A_1477 : memref<!tpu.dma_semaphore, #tpu.memory_space<semaphore_mem>>) src(%arg4 : memref<1x12800xf32, #tpu.memory_space<vmem>>) dst(%dma_wait3A_1479 : memref<1x12800xf32, #tpu.memory_space<hbm>>)
    %add3A_1480 = arith.constant 35 : i32
    %add3A_1481 = arith.addi %mul3A_2, %add3A_1480 : i32
    %dma_wait3A_1482 = arith.constant 3 : i32
    %dma_wait3A_1483 = arith.constant 0 : i32
    %dma_wait3A_1484 = tpu.memref_slice %arg3[%add3A_1481, %dma_wait3A_1483] : memref<4096x12800xf32, #tpu.memory_space<hbm>> -> memref<1x12800xf32, #tpu.memory_space<hbm>>
    %dma_wait3A_1485 = tpu.memref_slice %arg6[%dma_wait3A_1482] : memref<4x!tpu.dma_semaphore, #tpu.memory_space<semaphore_mem>> -> memref<1x!tpu.dma_semaphore, #tpu.memory_space<semaphore_mem>>
    %dma_wait3A_1486 = tpu.memref_squeeze %dma_wait3A_1485 : memref<1x!tpu.dma_semaphore, #tpu.memory_space<semaphore_mem>> -> memref<!tpu.dma_semaphore, #tpu.memory_space<semaphore_mem>>
    %dma_wait3A_1487 = arith.constant 0 : i32
    %dma_wait3A_1488 = tpu.memref_slice %arg3[%add3A_1481, %dma_wait3A_1487] : memref<4096x12800xf32, #tpu.memory_space<hbm>> -> memref<1x12800xf32, #tpu.memory_space<hbm>>
    tpu.wait_dma2 semaphore(%dma_wait3A_1486 : memref<!tpu.dma_semaphore, #tpu.memory_space<semaphore_mem>>) src(%arg4 : memref<1x12800xf32, #tpu.memory_space<vmem>>) dst(%dma_wait3A_1488 : memref<1x12800xf32, #tpu.memory_space<hbm>>)
    %add3A_1489 = arith.constant 36 : i32
    %add3A_1490 = arith.addi %mul3A_2, %add3A_1489 : i32
    %dma_wait3A_1491 = arith.constant 0 : i32
    %dma_wait3A_1492 = arith.constant 0 : i32
    %dma_wait3A_1493 = tpu.memref_slice %arg3[%add3A_1490, %dma_wait3A_1492] : memref<4096x12800xf32, #tpu.memory_space<hbm>> -> memref<1x12800xf32, #tpu.memory_space<hbm>>
    %dma_wait3A_1494 = tpu.memref_slice %arg6[%dma_wait3A_1491] : memref<4x!tpu.dma_semaphore, #tpu.memory_space<semaphore_mem>> -> memref<1x!tpu.dma_semaphore, #tpu.memory_space<semaphore_mem>>
    %dma_wait3A_1495 = tpu.memref_squeeze %dma_wait3A_1494 : memref<1x!tpu.dma_semaphore, #tpu.memory_space<semaphore_mem>> -> memref<!tpu.dma_semaphore, #tpu.memory_space<semaphore_mem>>
    %dma_wait3A_1496 = arith.constant 0 : i32
    %dma_wait3A_1497 = tpu.memref_slice %arg3[%add3A_1490, %dma_wait3A_1496] : memref<4096x12800xf32, #tpu.memory_space<hbm>> -> memref<1x12800xf32, #tpu.memory_space<hbm>>
    tpu.wait_dma2 semaphore(%dma_wait3A_1495 : memref<!tpu.dma_semaphore, #tpu.memory_space<semaphore_mem>>) src(%arg4 : memref<1x12800xf32, #tpu.memory_space<vmem>>) dst(%dma_wait3A_1497 : memref<1x12800xf32, #tpu.memory_space<hbm>>)
    %add3A_1498 = arith.constant 37 : i32
    %add3A_1499 = arith.addi %mul3A_2, %add3A_1498 : i32
    %dma_wait3A_1500 = arith.constant 1 : i32
    %dma_wait3A_1501 = arith.constant 0 : i32
    %dma_wait3A_1502 = tpu.memref_slice %arg3[%add3A_1499, %dma_wait3A_1501] : memref<4096x12800xf32, #tpu.memory_space<hbm>> -> memref<1x12800xf32, #tpu.memory_space<hbm>>
    %dma_wait3A_1503 = tpu.memref_slice %arg6[%dma_wait3A_1500] : memref<4x!tpu.dma_semaphore, #tpu.memory_space<semaphore_mem>> -> memref<1x!tpu.dma_semaphore, #tpu.memory_space<semaphore_mem>>
    %dma_wait3A_1504 = tpu.memref_squeeze %dma_wait3A_1503 : memref<1x!tpu.dma_semaphore, #tpu.memory_space<semaphore_mem>> -> memref<!tpu.dma_semaphore, #tpu.memory_space<semaphore_mem>>
    %dma_wait3A_1505 = arith.constant 0 : i32
    %dma_wait3A_1506 = tpu.memref_slice %arg3[%add3A_1499, %dma_wait3A_1505] : memref<4096x12800xf32, #tpu.memory_space<hbm>> -> memref<1x12800xf32, #tpu.memory_space<hbm>>
    tpu.wait_dma2 semaphore(%dma_wait3A_1504 : memref<!tpu.dma_semaphore, #tpu.memory_space<semaphore_mem>>) src(%arg4 : memref<1x12800xf32, #tpu.memory_space<vmem>>) dst(%dma_wait3A_1506 : memref<1x12800xf32, #tpu.memory_space<hbm>>)
    %add3A_1507 = arith.constant 38 : i32
    %add3A_1508 = arith.addi %mul3A_2, %add3A_1507 : i32
    %dma_wait3A_1509 = arith.constant 2 : i32
    %dma_wait3A_1510 = arith.constant 0 : i32
    %dma_wait3A_1511 = tpu.memref_slice %arg3[%add3A_1508, %dma_wait3A_1510] : memref<4096x12800xf32, #tpu.memory_space<hbm>> -> memref<1x12800xf32, #tpu.memory_space<hbm>>
    %dma_wait3A_1512 = tpu.memref_slice %arg6[%dma_wait3A_1509] : memref<4x!tpu.dma_semaphore, #tpu.memory_space<semaphore_mem>> -> memref<1x!tpu.dma_semaphore, #tpu.memory_space<semaphore_mem>>
    %dma_wait3A_1513 = tpu.memref_squeeze %dma_wait3A_1512 : memref<1x!tpu.dma_semaphore, #tpu.memory_space<semaphore_mem>> -> memref<!tpu.dma_semaphore, #tpu.memory_space<semaphore_mem>>
    %dma_wait3A_1514 = arith.constant 0 : i32
    %dma_wait3A_1515 = tpu.memref_slice %arg3[%add3A_1508, %dma_wait3A_1514] : memref<4096x12800xf32, #tpu.memory_space<hbm>> -> memref<1x12800xf32, #tpu.memory_space<hbm>>
    tpu.wait_dma2 semaphore(%dma_wait3A_1513 : memref<!tpu.dma_semaphore, #tpu.memory_space<semaphore_mem>>) src(%arg4 : memref<1x12800xf32, #tpu.memory_space<vmem>>) dst(%dma_wait3A_1515 : memref<1x12800xf32, #tpu.memory_space<hbm>>)
    %add3A_1516 = arith.constant 39 : i32
    %add3A_1517 = arith.addi %mul3A_2, %add3A_1516 : i32
    %dma_wait3A_1518 = arith.constant 3 : i32
    %dma_wait3A_1519 = arith.constant 0 : i32
    %dma_wait3A_1520 = tpu.memref_slice %arg3[%add3A_1517, %dma_wait3A_1519] : memref<4096x12800xf32, #tpu.memory_space<hbm>> -> memref<1x12800xf32, #tpu.memory_space<hbm>>
    %dma_wait3A_1521 = tpu.memref_slice %arg6[%dma_wait3A_1518] : memref<4x!tpu.dma_semaphore, #tpu.memory_space<semaphore_mem>> -> memref<1x!tpu.dma_semaphore, #tpu.memory_space<semaphore_mem>>
    %dma_wait3A_1522 = tpu.memref_squeeze %dma_wait3A_1521 : memref<1x!tpu.dma_semaphore, #tpu.memory_space<semaphore_mem>> -> memref<!tpu.dma_semaphore, #tpu.memory_space<semaphore_mem>>
    %dma_wait3A_1523 = arith.constant 0 : i32
    %dma_wait3A_1524 = tpu.memref_slice %arg3[%add3A_1517, %dma_wait3A_1523] : memref<4096x12800xf32, #tpu.memory_space<hbm>> -> memref<1x12800xf32, #tpu.memory_space<hbm>>
    tpu.wait_dma2 semaphore(%dma_wait3A_1522 : memref<!tpu.dma_semaphore, #tpu.memory_space<semaphore_mem>>) src(%arg4 : memref<1x12800xf32, #tpu.memory_space<vmem>>) dst(%dma_wait3A_1524 : memref<1x12800xf32, #tpu.memory_space<hbm>>)
    %add3A_1525 = arith.constant 40 : i32
    %add3A_1526 = arith.addi %mul3A_2, %add3A_1525 : i32
    %dma_wait3A_1527 = arith.constant 0 : i32
    %dma_wait3A_1528 = arith.constant 0 : i32
    %dma_wait3A_1529 = tpu.memref_slice %arg3[%add3A_1526, %dma_wait3A_1528] : memref<4096x12800xf32, #tpu.memory_space<hbm>> -> memref<1x12800xf32, #tpu.memory_space<hbm>>
    %dma_wait3A_1530 = tpu.memref_slice %arg6[%dma_wait3A_1527] : memref<4x!tpu.dma_semaphore, #tpu.memory_space<semaphore_mem>> -> memref<1x!tpu.dma_semaphore, #tpu.memory_space<semaphore_mem>>
    %dma_wait3A_1531 = tpu.memref_squeeze %dma_wait3A_1530 : memref<1x!tpu.dma_semaphore, #tpu.memory_space<semaphore_mem>> -> memref<!tpu.dma_semaphore, #tpu.memory_space<semaphore_mem>>
    %dma_wait3A_1532 = arith.constant 0 : i32
    %dma_wait3A_1533 = tpu.memref_slice %arg3[%add3A_1526, %dma_wait3A_1532] : memref<4096x12800xf32, #tpu.memory_space<hbm>> -> memref<1x12800xf32, #tpu.memory_space<hbm>>
    tpu.wait_dma2 semaphore(%dma_wait3A_1531 : memref<!tpu.dma_semaphore, #tpu.memory_space<semaphore_mem>>) src(%arg4 : memref<1x12800xf32, #tpu.memory_space<vmem>>) dst(%dma_wait3A_1533 : memref<1x12800xf32, #tpu.memory_space<hbm>>)
    %add3A_1534 = arith.constant 41 : i32
    %add3A_1535 = arith.addi %mul3A_2, %add3A_1534 : i32
    %dma_wait3A_1536 = arith.constant 1 : i32
    %dma_wait3A_1537 = arith.constant 0 : i32
    %dma_wait3A_1538 = tpu.memref_slice %arg3[%add3A_1535, %dma_wait3A_1537] : memref<4096x12800xf32, #tpu.memory_space<hbm>> -> memref<1x12800xf32, #tpu.memory_space<hbm>>
    %dma_wait3A_1539 = tpu.memref_slice %arg6[%dma_wait3A_1536] : memref<4x!tpu.dma_semaphore, #tpu.memory_space<semaphore_mem>> -> memref<1x!tpu.dma_semaphore, #tpu.memory_space<semaphore_mem>>
    %dma_wait3A_1540 = tpu.memref_squeeze %dma_wait3A_1539 : memref<1x!tpu.dma_semaphore, #tpu.memory_space<semaphore_mem>> -> memref<!tpu.dma_semaphore, #tpu.memory_space<semaphore_mem>>
    %dma_wait3A_1541 = arith.constant 0 : i32
    %dma_wait3A_1542 = tpu.memref_slice %arg3[%add3A_1535, %dma_wait3A_1541] : memref<4096x12800xf32, #tpu.memory_space<hbm>> -> memref<1x12800xf32, #tpu.memory_space<hbm>>
    tpu.wait_dma2 semaphore(%dma_wait3A_1540 : memref<!tpu.dma_semaphore, #tpu.memory_space<semaphore_mem>>) src(%arg4 : memref<1x12800xf32, #tpu.memory_space<vmem>>) dst(%dma_wait3A_1542 : memref<1x12800xf32, #tpu.memory_space<hbm>>)
    %add3A_1543 = arith.constant 42 : i32
    %add3A_1544 = arith.addi %mul3A_2, %add3A_1543 : i32
    %dma_wait3A_1545 = arith.constant 2 : i32
    %dma_wait3A_1546 = arith.constant 0 : i32
    %dma_wait3A_1547 = tpu.memref_slice %arg3[%add3A_1544, %dma_wait3A_1546] : memref<4096x12800xf32, #tpu.memory_space<hbm>> -> memref<1x12800xf32, #tpu.memory_space<hbm>>
    %dma_wait3A_1548 = tpu.memref_slice %arg6[%dma_wait3A_1545] : memref<4x!tpu.dma_semaphore, #tpu.memory_space<semaphore_mem>> -> memref<1x!tpu.dma_semaphore, #tpu.memory_space<semaphore_mem>>
    %dma_wait3A_1549 = tpu.memref_squeeze %dma_wait3A_1548 : memref<1x!tpu.dma_semaphore, #tpu.memory_space<semaphore_mem>> -> memref<!tpu.dma_semaphore, #tpu.memory_space<semaphore_mem>>
    %dma_wait3A_1550 = arith.constant 0 : i32
    %dma_wait3A_1551 = tpu.memref_slice %arg3[%add3A_1544, %dma_wait3A_1550] : memref<4096x12800xf32, #tpu.memory_space<hbm>> -> memref<1x12800xf32, #tpu.memory_space<hbm>>
    tpu.wait_dma2 semaphore(%dma_wait3A_1549 : memref<!tpu.dma_semaphore, #tpu.memory_space<semaphore_mem>>) src(%arg4 : memref<1x12800xf32, #tpu.memory_space<vmem>>) dst(%dma_wait3A_1551 : memref<1x12800xf32, #tpu.memory_space<hbm>>)
    %add3A_1552 = arith.constant 43 : i32
    %add3A_1553 = arith.addi %mul3A_2, %add3A_1552 : i32
    %dma_wait3A_1554 = arith.constant 3 : i32
    %dma_wait3A_1555 = arith.constant 0 : i32
    %dma_wait3A_1556 = tpu.memref_slice %arg3[%add3A_1553, %dma_wait3A_1555] : memref<4096x12800xf32, #tpu.memory_space<hbm>> -> memref<1x12800xf32, #tpu.memory_space<hbm>>
    %dma_wait3A_1557 = tpu.memref_slice %arg6[%dma_wait3A_1554] : memref<4x!tpu.dma_semaphore, #tpu.memory_space<semaphore_mem>> -> memref<1x!tpu.dma_semaphore, #tpu.memory_space<semaphore_mem>>
    %dma_wait3A_1558 = tpu.memref_squeeze %dma_wait3A_1557 : memref<1x!tpu.dma_semaphore, #tpu.memory_space<semaphore_mem>> -> memref<!tpu.dma_semaphore, #tpu.memory_space<semaphore_mem>>
    %dma_wait3A_1559 = arith.constant 0 : i32
    %dma_wait3A_1560 = tpu.memref_slice %arg3[%add3A_1553, %dma_wait3A_1559] : memref<4096x12800xf32, #tpu.memory_space<hbm>> -> memref<1x12800xf32, #tpu.memory_space<hbm>>
    tpu.wait_dma2 semaphore(%dma_wait3A_1558 : memref<!tpu.dma_semaphore, #tpu.memory_space<semaphore_mem>>) src(%arg4 : memref<1x12800xf32, #tpu.memory_space<vmem>>) dst(%dma_wait3A_1560 : memref<1x12800xf32, #tpu.memory_space<hbm>>)
    %add3A_1561 = arith.constant 44 : i32
    %add3A_1562 = arith.addi %mul3A_2, %add3A_1561 : i32
    %dma_wait3A_1563 = arith.constant 0 : i32
    %dma_wait3A_1564 = arith.constant 0 : i32
    %dma_wait3A_1565 = tpu.memref_slice %arg3[%add3A_1562, %dma_wait3A_1564] : memref<4096x12800xf32, #tpu.memory_space<hbm>> -> memref<1x12800xf32, #tpu.memory_space<hbm>>
    %dma_wait3A_1566 = tpu.memref_slice %arg6[%dma_wait3A_1563] : memref<4x!tpu.dma_semaphore, #tpu.memory_space<semaphore_mem>> -> memref<1x!tpu.dma_semaphore, #tpu.memory_space<semaphore_mem>>
    %dma_wait3A_1567 = tpu.memref_squeeze %dma_wait3A_1566 : memref<1x!tpu.dma_semaphore, #tpu.memory_space<semaphore_mem>> -> memref<!tpu.dma_semaphore, #tpu.memory_space<semaphore_mem>>
    %dma_wait3A_1568 = arith.constant 0 : i32
    %dma_wait3A_1569 = tpu.memref_slice %arg3[%add3A_1562, %dma_wait3A_1568] : memref<4096x12800xf32, #tpu.memory_space<hbm>> -> memref<1x12800xf32, #tpu.memory_space<hbm>>
    tpu.wait_dma2 semaphore(%dma_wait3A_1567 : memref<!tpu.dma_semaphore, #tpu.memory_space<semaphore_mem>>) src(%arg4 : memref<1x12800xf32, #tpu.memory_space<vmem>>) dst(%dma_wait3A_1569 : memref<1x12800xf32, #tpu.memory_space<hbm>>)
    %add3A_1570 = arith.constant 45 : i32
    %add3A_1571 = arith.addi %mul3A_2, %add3A_1570 : i32
    %dma_wait3A_1572 = arith.constant 1 : i32
    %dma_wait3A_1573 = arith.constant 0 : i32
    %dma_wait3A_1574 = tpu.memref_slice %arg3[%add3A_1571, %dma_wait3A_1573] : memref<4096x12800xf32, #tpu.memory_space<hbm>> -> memref<1x12800xf32, #tpu.memory_space<hbm>>
    %dma_wait3A_1575 = tpu.memref_slice %arg6[%dma_wait3A_1572] : memref<4x!tpu.dma_semaphore, #tpu.memory_space<semaphore_mem>> -> memref<1x!tpu.dma_semaphore, #tpu.memory_space<semaphore_mem>>
    %dma_wait3A_1576 = tpu.memref_squeeze %dma_wait3A_1575 : memref<1x!tpu.dma_semaphore, #tpu.memory_space<semaphore_mem>> -> memref<!tpu.dma_semaphore, #tpu.memory_space<semaphore_mem>>
    %dma_wait3A_1577 = arith.constant 0 : i32
    %dma_wait3A_1578 = tpu.memref_slice %arg3[%add3A_1571, %dma_wait3A_1577] : memref<4096x12800xf32, #tpu.memory_space<hbm>> -> memref<1x12800xf32, #tpu.memory_space<hbm>>
    tpu.wait_dma2 semaphore(%dma_wait3A_1576 : memref<!tpu.dma_semaphore, #tpu.memory_space<semaphore_mem>>) src(%arg4 : memref<1x12800xf32, #tpu.memory_space<vmem>>) dst(%dma_wait3A_1578 : memref<1x12800xf32, #tpu.memory_space<hbm>>)
    %add3A_1579 = arith.constant 46 : i32
    %add3A_1580 = arith.addi %mul3A_2, %add3A_1579 : i32
    %dma_wait3A_1581 = arith.constant 2 : i32
    %dma_wait3A_1582 = arith.constant 0 : i32
    %dma_wait3A_1583 = tpu.memref_slice %arg3[%add3A_1580, %dma_wait3A_1582] : memref<4096x12800xf32, #tpu.memory_space<hbm>> -> memref<1x12800xf32, #tpu.memory_space<hbm>>
    %dma_wait3A_1584 = tpu.memref_slice %arg6[%dma_wait3A_1581] : memref<4x!tpu.dma_semaphore, #tpu.memory_space<semaphore_mem>> -> memref<1x!tpu.dma_semaphore, #tpu.memory_space<semaphore_mem>>
    %dma_wait3A_1585 = tpu.memref_squeeze %dma_wait3A_1584 : memref<1x!tpu.dma_semaphore, #tpu.memory_space<semaphore_mem>> -> memref<!tpu.dma_semaphore, #tpu.memory_space<semaphore_mem>>
    %dma_wait3A_1586 = arith.constant 0 : i32
    %dma_wait3A_1587 = tpu.memref_slice %arg3[%add3A_1580, %dma_wait3A_1586] : memref<4096x12800xf32, #tpu.memory_space<hbm>> -> memref<1x12800xf32, #tpu.memory_space<hbm>>
    tpu.wait_dma2 semaphore(%dma_wait3A_1585 : memref<!tpu.dma_semaphore, #tpu.memory_space<semaphore_mem>>) src(%arg4 : memref<1x12800xf32, #tpu.memory_space<vmem>>) dst(%dma_wait3A_1587 : memref<1x12800xf32, #tpu.memory_space<hbm>>)
    %add3A_1588 = arith.constant 47 : i32
    %add3A_1589 = arith.addi %mul3A_2, %add3A_1588 : i32
    %dma_wait3A_1590 = arith.constant 3 : i32
    %dma_wait3A_1591 = arith.constant 0 : i32
    %dma_wait3A_1592 = tpu.memref_slice %arg3[%add3A_1589, %dma_wait3A_1591] : memref<4096x12800xf32, #tpu.memory_space<hbm>> -> memref<1x12800xf32, #tpu.memory_space<hbm>>
    %dma_wait3A_1593 = tpu.memref_slice %arg6[%dma_wait3A_1590] : memref<4x!tpu.dma_semaphore, #tpu.memory_space<semaphore_mem>> -> memref<1x!tpu.dma_semaphore, #tpu.memory_space<semaphore_mem>>
    %dma_wait3A_1594 = tpu.memref_squeeze %dma_wait3A_1593 : memref<1x!tpu.dma_semaphore, #tpu.memory_space<semaphore_mem>> -> memref<!tpu.dma_semaphore, #tpu.memory_space<semaphore_mem>>
    %dma_wait3A_1595 = arith.constant 0 : i32
    %dma_wait3A_1596 = tpu.memref_slice %arg3[%add3A_1589, %dma_wait3A_1595] : memref<4096x12800xf32, #tpu.memory_space<hbm>> -> memref<1x12800xf32, #tpu.memory_space<hbm>>
    tpu.wait_dma2 semaphore(%dma_wait3A_1594 : memref<!tpu.dma_semaphore, #tpu.memory_space<semaphore_mem>>) src(%arg4 : memref<1x12800xf32, #tpu.memory_space<vmem>>) dst(%dma_wait3A_1596 : memref<1x12800xf32, #tpu.memory_space<hbm>>)
    %add3A_1597 = arith.constant 48 : i32
    %add3A_1598 = arith.addi %mul3A_2, %add3A_1597 : i32
    %dma_wait3A_1599 = arith.constant 0 : i32
    %dma_wait3A_1600 = arith.constant 0 : i32
    %dma_wait3A_1601 = tpu.memref_slice %arg3[%add3A_1598, %dma_wait3A_1600] : memref<4096x12800xf32, #tpu.memory_space<hbm>> -> memref<1x12800xf32, #tpu.memory_space<hbm>>
    %dma_wait3A_1602 = tpu.memref_slice %arg6[%dma_wait3A_1599] : memref<4x!tpu.dma_semaphore, #tpu.memory_space<semaphore_mem>> -> memref<1x!tpu.dma_semaphore, #tpu.memory_space<semaphore_mem>>
    %dma_wait3A_1603 = tpu.memref_squeeze %dma_wait3A_1602 : memref<1x!tpu.dma_semaphore, #tpu.memory_space<semaphore_mem>> -> memref<!tpu.dma_semaphore, #tpu.memory_space<semaphore_mem>>
    %dma_wait3A_1604 = arith.constant 0 : i32
    %dma_wait3A_1605 = tpu.memref_slice %arg3[%add3A_1598, %dma_wait3A_1604] : memref<4096x12800xf32, #tpu.memory_space<hbm>> -> memref<1x12800xf32, #tpu.memory_space<hbm>>
    tpu.wait_dma2 semaphore(%dma_wait3A_1603 : memref<!tpu.dma_semaphore, #tpu.memory_space<semaphore_mem>>) src(%arg4 : memref<1x12800xf32, #tpu.memory_space<vmem>>) dst(%dma_wait3A_1605 : memref<1x12800xf32, #tpu.memory_space<hbm>>)
    %add3A_1606 = arith.constant 49 : i32
    %add3A_1607 = arith.addi %mul3A_2, %add3A_1606 : i32
    %dma_wait3A_1608 = arith.constant 1 : i32
    %dma_wait3A_1609 = arith.constant 0 : i32
    %dma_wait3A_1610 = tpu.memref_slice %arg3[%add3A_1607, %dma_wait3A_1609] : memref<4096x12800xf32, #tpu.memory_space<hbm>> -> memref<1x12800xf32, #tpu.memory_space<hbm>>
    %dma_wait3A_1611 = tpu.memref_slice %arg6[%dma_wait3A_1608] : memref<4x!tpu.dma_semaphore, #tpu.memory_space<semaphore_mem>> -> memref<1x!tpu.dma_semaphore, #tpu.memory_space<semaphore_mem>>
    %dma_wait3A_1612 = tpu.memref_squeeze %dma_wait3A_1611 : memref<1x!tpu.dma_semaphore, #tpu.memory_space<semaphore_mem>> -> memref<!tpu.dma_semaphore, #tpu.memory_space<semaphore_mem>>
    %dma_wait3A_1613 = arith.constant 0 : i32
    %dma_wait3A_1614 = tpu.memref_slice %arg3[%add3A_1607, %dma_wait3A_1613] : memref<4096x12800xf32, #tpu.memory_space<hbm>> -> memref<1x12800xf32, #tpu.memory_space<hbm>>
    tpu.wait_dma2 semaphore(%dma_wait3A_1612 : memref<!tpu.dma_semaphore, #tpu.memory_space<semaphore_mem>>) src(%arg4 : memref<1x12800xf32, #tpu.memory_space<vmem>>) dst(%dma_wait3A_1614 : memref<1x12800xf32, #tpu.memory_space<hbm>>)
    %add3A_1615 = arith.constant 50 : i32
    %add3A_1616 = arith.addi %mul3A_2, %add3A_1615 : i32
    %dma_wait3A_1617 = arith.constant 2 : i32
    %dma_wait3A_1618 = arith.constant 0 : i32
    %dma_wait3A_1619 = tpu.memref_slice %arg3[%add3A_1616, %dma_wait3A_1618] : memref<4096x12800xf32, #tpu.memory_space<hbm>> -> memref<1x12800xf32, #tpu.memory_space<hbm>>
    %dma_wait3A_1620 = tpu.memref_slice %arg6[%dma_wait3A_1617] : memref<4x!tpu.dma_semaphore, #tpu.memory_space<semaphore_mem>> -> memref<1x!tpu.dma_semaphore, #tpu.memory_space<semaphore_mem>>
    %dma_wait3A_1621 = tpu.memref_squeeze %dma_wait3A_1620 : memref<1x!tpu.dma_semaphore, #tpu.memory_space<semaphore_mem>> -> memref<!tpu.dma_semaphore, #tpu.memory_space<semaphore_mem>>
    %dma_wait3A_1622 = arith.constant 0 : i32
    %dma_wait3A_1623 = tpu.memref_slice %arg3[%add3A_1616, %dma_wait3A_1622] : memref<4096x12800xf32, #tpu.memory_space<hbm>> -> memref<1x12800xf32, #tpu.memory_space<hbm>>
    tpu.wait_dma2 semaphore(%dma_wait3A_1621 : memref<!tpu.dma_semaphore, #tpu.memory_space<semaphore_mem>>) src(%arg4 : memref<1x12800xf32, #tpu.memory_space<vmem>>) dst(%dma_wait3A_1623 : memref<1x12800xf32, #tpu.memory_space<hbm>>)
    %add3A_1624 = arith.constant 51 : i32
    %add3A_1625 = arith.addi %mul3A_2, %add3A_1624 : i32
    %dma_wait3A_1626 = arith.constant 3 : i32
    %dma_wait3A_1627 = arith.constant 0 : i32
    %dma_wait3A_1628 = tpu.memref_slice %arg3[%add3A_1625, %dma_wait3A_1627] : memref<4096x12800xf32, #tpu.memory_space<hbm>> -> memref<1x12800xf32, #tpu.memory_space<hbm>>
    %dma_wait3A_1629 = tpu.memref_slice %arg6[%dma_wait3A_1626] : memref<4x!tpu.dma_semaphore, #tpu.memory_space<semaphore_mem>> -> memref<1x!tpu.dma_semaphore, #tpu.memory_space<semaphore_mem>>
    %dma_wait3A_1630 = tpu.memref_squeeze %dma_wait3A_1629 : memref<1x!tpu.dma_semaphore, #tpu.memory_space<semaphore_mem>> -> memref<!tpu.dma_semaphore, #tpu.memory_space<semaphore_mem>>
    %dma_wait3A_1631 = arith.constant 0 : i32
    %dma_wait3A_1632 = tpu.memref_slice %arg3[%add3A_1625, %dma_wait3A_1631] : memref<4096x12800xf32, #tpu.memory_space<hbm>> -> memref<1x12800xf32, #tpu.memory_space<hbm>>
    tpu.wait_dma2 semaphore(%dma_wait3A_1630 : memref<!tpu.dma_semaphore, #tpu.memory_space<semaphore_mem>>) src(%arg4 : memref<1x12800xf32, #tpu.memory_space<vmem>>) dst(%dma_wait3A_1632 : memref<1x12800xf32, #tpu.memory_space<hbm>>)
    %add3A_1633 = arith.constant 52 : i32
    %add3A_1634 = arith.addi %mul3A_2, %add3A_1633 : i32
    %dma_wait3A_1635 = arith.constant 0 : i32
    %dma_wait3A_1636 = arith.constant 0 : i32
    %dma_wait3A_1637 = tpu.memref_slice %arg3[%add3A_1634, %dma_wait3A_1636] : memref<4096x12800xf32, #tpu.memory_space<hbm>> -> memref<1x12800xf32, #tpu.memory_space<hbm>>
    %dma_wait3A_1638 = tpu.memref_slice %arg6[%dma_wait3A_1635] : memref<4x!tpu.dma_semaphore, #tpu.memory_space<semaphore_mem>> -> memref<1x!tpu.dma_semaphore, #tpu.memory_space<semaphore_mem>>
    %dma_wait3A_1639 = tpu.memref_squeeze %dma_wait3A_1638 : memref<1x!tpu.dma_semaphore, #tpu.memory_space<semaphore_mem>> -> memref<!tpu.dma_semaphore, #tpu.memory_space<semaphore_mem>>
    %dma_wait3A_1640 = arith.constant 0 : i32
    %dma_wait3A_1641 = tpu.memref_slice %arg3[%add3A_1634, %dma_wait3A_1640] : memref<4096x12800xf32, #tpu.memory_space<hbm>> -> memref<1x12800xf32, #tpu.memory_space<hbm>>
    tpu.wait_dma2 semaphore(%dma_wait3A_1639 : memref<!tpu.dma_semaphore, #tpu.memory_space<semaphore_mem>>) src(%arg4 : memref<1x12800xf32, #tpu.memory_space<vmem>>) dst(%dma_wait3A_1641 : memref<1x12800xf32, #tpu.memory_space<hbm>>)
    %add3A_1642 = arith.constant 53 : i32
    %add3A_1643 = arith.addi %mul3A_2, %add3A_1642 : i32
    %dma_wait3A_1644 = arith.constant 1 : i32
    %dma_wait3A_1645 = arith.constant 0 : i32
    %dma_wait3A_1646 = tpu.memref_slice %arg3[%add3A_1643, %dma_wait3A_1645] : memref<4096x12800xf32, #tpu.memory_space<hbm>> -> memref<1x12800xf32, #tpu.memory_space<hbm>>
    %dma_wait3A_1647 = tpu.memref_slice %arg6[%dma_wait3A_1644] : memref<4x!tpu.dma_semaphore, #tpu.memory_space<semaphore_mem>> -> memref<1x!tpu.dma_semaphore, #tpu.memory_space<semaphore_mem>>
    %dma_wait3A_1648 = tpu.memref_squeeze %dma_wait3A_1647 : memref<1x!tpu.dma_semaphore, #tpu.memory_space<semaphore_mem>> -> memref<!tpu.dma_semaphore, #tpu.memory_space<semaphore_mem>>
    %dma_wait3A_1649 = arith.constant 0 : i32
    %dma_wait3A_1650 = tpu.memref_slice %arg3[%add3A_1643, %dma_wait3A_1649] : memref<4096x12800xf32, #tpu.memory_space<hbm>> -> memref<1x12800xf32, #tpu.memory_space<hbm>>
    tpu.wait_dma2 semaphore(%dma_wait3A_1648 : memref<!tpu.dma_semaphore, #tpu.memory_space<semaphore_mem>>) src(%arg4 : memref<1x12800xf32, #tpu.memory_space<vmem>>) dst(%dma_wait3A_1650 : memref<1x12800xf32, #tpu.memory_space<hbm>>)
    %add3A_1651 = arith.constant 54 : i32
    %add3A_1652 = arith.addi %mul3A_2, %add3A_1651 : i32
    %dma_wait3A_1653 = arith.constant 2 : i32
    %dma_wait3A_1654 = arith.constant 0 : i32
    %dma_wait3A_1655 = tpu.memref_slice %arg3[%add3A_1652, %dma_wait3A_1654] : memref<4096x12800xf32, #tpu.memory_space<hbm>> -> memref<1x12800xf32, #tpu.memory_space<hbm>>
    %dma_wait3A_1656 = tpu.memref_slice %arg6[%dma_wait3A_1653] : memref<4x!tpu.dma_semaphore, #tpu.memory_space<semaphore_mem>> -> memref<1x!tpu.dma_semaphore, #tpu.memory_space<semaphore_mem>>
    %dma_wait3A_1657 = tpu.memref_squeeze %dma_wait3A_1656 : memref<1x!tpu.dma_semaphore, #tpu.memory_space<semaphore_mem>> -> memref<!tpu.dma_semaphore, #tpu.memory_space<semaphore_mem>>
    %dma_wait3A_1658 = arith.constant 0 : i32
    %dma_wait3A_1659 = tpu.memref_slice %arg3[%add3A_1652, %dma_wait3A_1658] : memref<4096x12800xf32, #tpu.memory_space<hbm>> -> memref<1x12800xf32, #tpu.memory_space<hbm>>
    tpu.wait_dma2 semaphore(%dma_wait3A_1657 : memref<!tpu.dma_semaphore, #tpu.memory_space<semaphore_mem>>) src(%arg4 : memref<1x12800xf32, #tpu.memory_space<vmem>>) dst(%dma_wait3A_1659 : memref<1x12800xf32, #tpu.memory_space<hbm>>)
    %add3A_1660 = arith.constant 55 : i32
    %add3A_1661 = arith.addi %mul3A_2, %add3A_1660 : i32
    %dma_wait3A_1662 = arith.constant 3 : i32
    %dma_wait3A_1663 = arith.constant 0 : i32
    %dma_wait3A_1664 = tpu.memref_slice %arg3[%add3A_1661, %dma_wait3A_1663] : memref<4096x12800xf32, #tpu.memory_space<hbm>> -> memref<1x12800xf32, #tpu.memory_space<hbm>>
    %dma_wait3A_1665 = tpu.memref_slice %arg6[%dma_wait3A_1662] : memref<4x!tpu.dma_semaphore, #tpu.memory_space<semaphore_mem>> -> memref<1x!tpu.dma_semaphore, #tpu.memory_space<semaphore_mem>>
    %dma_wait3A_1666 = tpu.memref_squeeze %dma_wait3A_1665 : memref<1x!tpu.dma_semaphore, #tpu.memory_space<semaphore_mem>> -> memref<!tpu.dma_semaphore, #tpu.memory_space<semaphore_mem>>
    %dma_wait3A_1667 = arith.constant 0 : i32
    %dma_wait3A_1668 = tpu.memref_slice %arg3[%add3A_1661, %dma_wait3A_1667] : memref<4096x12800xf32, #tpu.memory_space<hbm>> -> memref<1x12800xf32, #tpu.memory_space<hbm>>
    tpu.wait_dma2 semaphore(%dma_wait3A_1666 : memref<!tpu.dma_semaphore, #tpu.memory_space<semaphore_mem>>) src(%arg4 : memref<1x12800xf32, #tpu.memory_space<vmem>>) dst(%dma_wait3A_1668 : memref<1x12800xf32, #tpu.memory_space<hbm>>)
    %add3A_1669 = arith.constant 56 : i32
    %add3A_1670 = arith.addi %mul3A_2, %add3A_1669 : i32
    %dma_wait3A_1671 = arith.constant 0 : i32
    %dma_wait3A_1672 = arith.constant 0 : i32
    %dma_wait3A_1673 = tpu.memref_slice %arg3[%add3A_1670, %dma_wait3A_1672] : memref<4096x12800xf32, #tpu.memory_space<hbm>> -> memref<1x12800xf32, #tpu.memory_space<hbm>>
    %dma_wait3A_1674 = tpu.memref_slice %arg6[%dma_wait3A_1671] : memref<4x!tpu.dma_semaphore, #tpu.memory_space<semaphore_mem>> -> memref<1x!tpu.dma_semaphore, #tpu.memory_space<semaphore_mem>>
    %dma_wait3A_1675 = tpu.memref_squeeze %dma_wait3A_1674 : memref<1x!tpu.dma_semaphore, #tpu.memory_space<semaphore_mem>> -> memref<!tpu.dma_semaphore, #tpu.memory_space<semaphore_mem>>
    %dma_wait3A_1676 = arith.constant 0 : i32
    %dma_wait3A_1677 = tpu.memref_slice %arg3[%add3A_1670, %dma_wait3A_1676] : memref<4096x12800xf32, #tpu.memory_space<hbm>> -> memref<1x12800xf32, #tpu.memory_space<hbm>>
    tpu.wait_dma2 semaphore(%dma_wait3A_1675 : memref<!tpu.dma_semaphore, #tpu.memory_space<semaphore_mem>>) src(%arg4 : memref<1x12800xf32, #tpu.memory_space<vmem>>) dst(%dma_wait3A_1677 : memref<1x12800xf32, #tpu.memory_space<hbm>>)
    %add3A_1678 = arith.constant 57 : i32
    %add3A_1679 = arith.addi %mul3A_2, %add3A_1678 : i32
    %dma_wait3A_1680 = arith.constant 1 : i32
    %dma_wait3A_1681 = arith.constant 0 : i32
    %dma_wait3A_1682 = tpu.memref_slice %arg3[%add3A_1679, %dma_wait3A_1681] : memref<4096x12800xf32, #tpu.memory_space<hbm>> -> memref<1x12800xf32, #tpu.memory_space<hbm>>
    %dma_wait3A_1683 = tpu.memref_slice %arg6[%dma_wait3A_1680] : memref<4x!tpu.dma_semaphore, #tpu.memory_space<semaphore_mem>> -> memref<1x!tpu.dma_semaphore, #tpu.memory_space<semaphore_mem>>
    %dma_wait3A_1684 = tpu.memref_squeeze %dma_wait3A_1683 : memref<1x!tpu.dma_semaphore, #tpu.memory_space<semaphore_mem>> -> memref<!tpu.dma_semaphore, #tpu.memory_space<semaphore_mem>>
    %dma_wait3A_1685 = arith.constant 0 : i32
    %dma_wait3A_1686 = tpu.memref_slice %arg3[%add3A_1679, %dma_wait3A_1685] : memref<4096x12800xf32, #tpu.memory_space<hbm>> -> memref<1x12800xf32, #tpu.memory_space<hbm>>
    tpu.wait_dma2 semaphore(%dma_wait3A_1684 : memref<!tpu.dma_semaphore, #tpu.memory_space<semaphore_mem>>) src(%arg4 : memref<1x12800xf32, #tpu.memory_space<vmem>>) dst(%dma_wait3A_1686 : memref<1x12800xf32, #tpu.memory_space<hbm>>)
    %add3A_1687 = arith.constant 58 : i32
    %add3A_1688 = arith.addi %mul3A_2, %add3A_1687 : i32
    %dma_wait3A_1689 = arith.constant 2 : i32
    %dma_wait3A_1690 = arith.constant 0 : i32
    %dma_wait3A_1691 = tpu.memref_slice %arg3[%add3A_1688, %dma_wait3A_1690] : memref<4096x12800xf32, #tpu.memory_space<hbm>> -> memref<1x12800xf32, #tpu.memory_space<hbm>>
    %dma_wait3A_1692 = tpu.memref_slice %arg6[%dma_wait3A_1689] : memref<4x!tpu.dma_semaphore, #tpu.memory_space<semaphore_mem>> -> memref<1x!tpu.dma_semaphore, #tpu.memory_space<semaphore_mem>>
    %dma_wait3A_1693 = tpu.memref_squeeze %dma_wait3A_1692 : memref<1x!tpu.dma_semaphore, #tpu.memory_space<semaphore_mem>> -> memref<!tpu.dma_semaphore, #tpu.memory_space<semaphore_mem>>
    %dma_wait3A_1694 = arith.constant 0 : i32
    %dma_wait3A_1695 = tpu.memref_slice %arg3[%add3A_1688, %dma_wait3A_1694] : memref<4096x12800xf32, #tpu.memory_space<hbm>> -> memref<1x12800xf32, #tpu.memory_space<hbm>>
    tpu.wait_dma2 semaphore(%dma_wait3A_1693 : memref<!tpu.dma_semaphore, #tpu.memory_space<semaphore_mem>>) src(%arg4 : memref<1x12800xf32, #tpu.memory_space<vmem>>) dst(%dma_wait3A_1695 : memref<1x12800xf32, #tpu.memory_space<hbm>>)
    %add3A_1696 = arith.constant 59 : i32
    %add3A_1697 = arith.addi %mul3A_2, %add3A_1696 : i32
    %dma_wait3A_1698 = arith.constant 3 : i32
    %dma_wait3A_1699 = arith.constant 0 : i32
    %dma_wait3A_1700 = tpu.memref_slice %arg3[%add3A_1697, %dma_wait3A_1699] : memref<4096x12800xf32, #tpu.memory_space<hbm>> -> memref<1x12800xf32, #tpu.memory_space<hbm>>
    %dma_wait3A_1701 = tpu.memref_slice %arg6[%dma_wait3A_1698] : memref<4x!tpu.dma_semaphore, #tpu.memory_space<semaphore_mem>> -> memref<1x!tpu.dma_semaphore, #tpu.memory_space<semaphore_mem>>
    %dma_wait3A_1702 = tpu.memref_squeeze %dma_wait3A_1701 : memref<1x!tpu.dma_semaphore, #tpu.memory_space<semaphore_mem>> -> memref<!tpu.dma_semaphore, #tpu.memory_space<semaphore_mem>>
    %dma_wait3A_1703 = arith.constant 0 : i32
    %dma_wait3A_1704 = tpu.memref_slice %arg3[%add3A_1697, %dma_wait3A_1703] : memref<4096x12800xf32, #tpu.memory_space<hbm>> -> memref<1x12800xf32, #tpu.memory_space<hbm>>
    tpu.wait_dma2 semaphore(%dma_wait3A_1702 : memref<!tpu.dma_semaphore, #tpu.memory_space<semaphore_mem>>) src(%arg4 : memref<1x12800xf32, #tpu.memory_space<vmem>>) dst(%dma_wait3A_1704 : memref<1x12800xf32, #tpu.memory_space<hbm>>)
    %add3A_1705 = arith.constant 60 : i32
    %add3A_1706 = arith.addi %mul3A_2, %add3A_1705 : i32
    %dma_wait3A_1707 = arith.constant 0 : i32
    %dma_wait3A_1708 = arith.constant 0 : i32
    %dma_wait3A_1709 = tpu.memref_slice %arg3[%add3A_1706, %dma_wait3A_1708] : memref<4096x12800xf32, #tpu.memory_space<hbm>> -> memref<1x12800xf32, #tpu.memory_space<hbm>>
    %dma_wait3A_1710 = tpu.memref_slice %arg6[%dma_wait3A_1707] : memref<4x!tpu.dma_semaphore, #tpu.memory_space<semaphore_mem>> -> memref<1x!tpu.dma_semaphore, #tpu.memory_space<semaphore_mem>>
    %dma_wait3A_1711 = tpu.memref_squeeze %dma_wait3A_1710 : memref<1x!tpu.dma_semaphore, #tpu.memory_space<semaphore_mem>> -> memref<!tpu.dma_semaphore, #tpu.memory_space<semaphore_mem>>
    %dma_wait3A_1712 = arith.constant 0 : i32
    %dma_wait3A_1713 = tpu.memref_slice %arg3[%add3A_1706, %dma_wait3A_1712] : memref<4096x12800xf32, #tpu.memory_space<hbm>> -> memref<1x12800xf32, #tpu.memory_space<hbm>>
    tpu.wait_dma2 semaphore(%dma_wait3A_1711 : memref<!tpu.dma_semaphore, #tpu.memory_space<semaphore_mem>>) src(%arg4 : memref<1x12800xf32, #tpu.memory_space<vmem>>) dst(%dma_wait3A_1713 : memref<1x12800xf32, #tpu.memory_space<hbm>>)
    %add3A_1714 = arith.constant 61 : i32
    %add3A_1715 = arith.addi %mul3A_2, %add3A_1714 : i32
    %dma_wait3A_1716 = arith.constant 1 : i32
    %dma_wait3A_1717 = arith.constant 0 : i32
    %dma_wait3A_1718 = tpu.memref_slice %arg3[%add3A_1715, %dma_wait3A_1717] : memref<4096x12800xf32, #tpu.memory_space<hbm>> -> memref<1x12800xf32, #tpu.memory_space<hbm>>
    %dma_wait3A_1719 = tpu.memref_slice %arg6[%dma_wait3A_1716] : memref<4x!tpu.dma_semaphore, #tpu.memory_space<semaphore_mem>> -> memref<1x!tpu.dma_semaphore, #tpu.memory_space<semaphore_mem>>
    %dma_wait3A_1720 = tpu.memref_squeeze %dma_wait3A_1719 : memref<1x!tpu.dma_semaphore, #tpu.memory_space<semaphore_mem>> -> memref<!tpu.dma_semaphore, #tpu.memory_space<semaphore_mem>>
    %dma_wait3A_1721 = arith.constant 0 : i32
    %dma_wait3A_1722 = tpu.memref_slice %arg3[%add3A_1715, %dma_wait3A_1721] : memref<4096x12800xf32, #tpu.memory_space<hbm>> -> memref<1x12800xf32, #tpu.memory_space<hbm>>
    tpu.wait_dma2 semaphore(%dma_wait3A_1720 : memref<!tpu.dma_semaphore, #tpu.memory_space<semaphore_mem>>) src(%arg4 : memref<1x12800xf32, #tpu.memory_space<vmem>>) dst(%dma_wait3A_1722 : memref<1x12800xf32, #tpu.memory_space<hbm>>)
    %add3A_1723 = arith.constant 62 : i32
    %add3A_1724 = arith.addi %mul3A_2, %add3A_1723 : i32
    %dma_wait3A_1725 = arith.constant 2 : i32
    %dma_wait3A_1726 = arith.constant 0 : i32
    %dma_wait3A_1727 = tpu.memref_slice %arg3[%add3A_1724, %dma_wait3A_1726] : memref<4096x12800xf32, #tpu.memory_space<hbm>> -> memref<1x12800xf32, #tpu.memory_space<hbm>>
    %dma_wait3A_1728 = tpu.memref_slice %arg6[%dma_wait3A_1725] : memref<4x!tpu.dma_semaphore, #tpu.memory_space<semaphore_mem>> -> memref<1x!tpu.dma_semaphore, #tpu.memory_space<semaphore_mem>>
    %dma_wait3A_1729 = tpu.memref_squeeze %dma_wait3A_1728 : memref<1x!tpu.dma_semaphore, #tpu.memory_space<semaphore_mem>> -> memref<!tpu.dma_semaphore, #tpu.memory_space<semaphore_mem>>
    %dma_wait3A_1730 = arith.constant 0 : i32
    %dma_wait3A_1731 = tpu.memref_slice %arg3[%add3A_1724, %dma_wait3A_1730] : memref<4096x12800xf32, #tpu.memory_space<hbm>> -> memref<1x12800xf32, #tpu.memory_space<hbm>>
    tpu.wait_dma2 semaphore(%dma_wait3A_1729 : memref<!tpu.dma_semaphore, #tpu.memory_space<semaphore_mem>>) src(%arg4 : memref<1x12800xf32, #tpu.memory_space<vmem>>) dst(%dma_wait3A_1731 : memref<1x12800xf32, #tpu.memory_space<hbm>>)
    %add3A_1732 = arith.constant 63 : i32
    %add3A_1733 = arith.addi %mul3A_2, %add3A_1732 : i32
    %dma_wait3A_1734 = arith.constant 3 : i32
    %dma_wait3A_1735 = arith.constant 0 : i32
    %dma_wait3A_1736 = tpu.memref_slice %arg3[%add3A_1733, %dma_wait3A_1735] : memref<4096x12800xf32, #tpu.memory_space<hbm>> -> memref<1x12800xf32, #tpu.memory_space<hbm>>
    %dma_wait3A_1737 = tpu.memref_slice %arg6[%dma_wait3A_1734] : memref<4x!tpu.dma_semaphore, #tpu.memory_space<semaphore_mem>> -> memref<1x!tpu.dma_semaphore, #tpu.memory_space<semaphore_mem>>
    %dma_wait3A_1738 = tpu.memref_squeeze %dma_wait3A_1737 : memref<1x!tpu.dma_semaphore, #tpu.memory_space<semaphore_mem>> -> memref<!tpu.dma_semaphore, #tpu.memory_space<semaphore_mem>>
    %dma_wait3A_1739 = arith.constant 0 : i32
    %dma_wait3A_1740 = tpu.memref_slice %arg3[%add3A_1733, %dma_wait3A_1739] : memref<4096x12800xf32, #tpu.memory_space<hbm>> -> memref<1x12800xf32, #tpu.memory_space<hbm>>
    tpu.wait_dma2 semaphore(%dma_wait3A_1738 : memref<!tpu.dma_semaphore, #tpu.memory_space<semaphore_mem>>) src(%arg4 : memref<1x12800xf32, #tpu.memory_space<vmem>>) dst(%dma_wait3A_1740 : memref<1x12800xf32, #tpu.memory_space<hbm>>)
    %add3A_1741 = arith.constant 64 : i32
    %add3A_1742 = arith.addi %mul3A_2, %add3A_1741 : i32
    %dma_wait3A_1743 = arith.constant 0 : i32
    %dma_wait3A_1744 = arith.constant 0 : i32
    %dma_wait3A_1745 = tpu.memref_slice %arg3[%add3A_1742, %dma_wait3A_1744] : memref<4096x12800xf32, #tpu.memory_space<hbm>> -> memref<1x12800xf32, #tpu.memory_space<hbm>>
    %dma_wait3A_1746 = tpu.memref_slice %arg6[%dma_wait3A_1743] : memref<4x!tpu.dma_semaphore, #tpu.memory_space<semaphore_mem>> -> memref<1x!tpu.dma_semaphore, #tpu.memory_space<semaphore_mem>>
    %dma_wait3A_1747 = tpu.memref_squeeze %dma_wait3A_1746 : memref<1x!tpu.dma_semaphore, #tpu.memory_space<semaphore_mem>> -> memref<!tpu.dma_semaphore, #tpu.memory_space<semaphore_mem>>
    %dma_wait3A_1748 = arith.constant 0 : i32
    %dma_wait3A_1749 = tpu.memref_slice %arg3[%add3A_1742, %dma_wait3A_1748] : memref<4096x12800xf32, #tpu.memory_space<hbm>> -> memref<1x12800xf32, #tpu.memory_space<hbm>>
    tpu.wait_dma2 semaphore(%dma_wait3A_1747 : memref<!tpu.dma_semaphore, #tpu.memory_space<semaphore_mem>>) src(%arg4 : memref<1x12800xf32, #tpu.memory_space<vmem>>) dst(%dma_wait3A_1749 : memref<1x12800xf32, #tpu.memory_space<hbm>>)
    %add3A_1750 = arith.constant 65 : i32
    %add3A_1751 = arith.addi %mul3A_2, %add3A_1750 : i32
    %dma_wait3A_1752 = arith.constant 1 : i32
    %dma_wait3A_1753 = arith.constant 0 : i32
    %dma_wait3A_1754 = tpu.memref_slice %arg3[%add3A_1751, %dma_wait3A_1753] : memref<4096x12800xf32, #tpu.memory_space<hbm>> -> memref<1x12800xf32, #tpu.memory_space<hbm>>
    %dma_wait3A_1755 = tpu.memref_slice %arg6[%dma_wait3A_1752] : memref<4x!tpu.dma_semaphore, #tpu.memory_space<semaphore_mem>> -> memref<1x!tpu.dma_semaphore, #tpu.memory_space<semaphore_mem>>
    %dma_wait3A_1756 = tpu.memref_squeeze %dma_wait3A_1755 : memref<1x!tpu.dma_semaphore, #tpu.memory_space<semaphore_mem>> -> memref<!tpu.dma_semaphore, #tpu.memory_space<semaphore_mem>>
    %dma_wait3A_1757 = arith.constant 0 : i32
    %dma_wait3A_1758 = tpu.memref_slice %arg3[%add3A_1751, %dma_wait3A_1757] : memref<4096x12800xf32, #tpu.memory_space<hbm>> -> memref<1x12800xf32, #tpu.memory_space<hbm>>
    tpu.wait_dma2 semaphore(%dma_wait3A_1756 : memref<!tpu.dma_semaphore, #tpu.memory_space<semaphore_mem>>) src(%arg4 : memref<1x12800xf32, #tpu.memory_space<vmem>>) dst(%dma_wait3A_1758 : memref<1x12800xf32, #tpu.memory_space<hbm>>)
    %add3A_1759 = arith.constant 66 : i32
    %add3A_1760 = arith.addi %mul3A_2, %add3A_1759 : i32
    %dma_wait3A_1761 = arith.constant 2 : i32
    %dma_wait3A_1762 = arith.constant 0 : i32
    %dma_wait3A_1763 = tpu.memref_slice %arg3[%add3A_1760, %dma_wait3A_1762] : memref<4096x12800xf32, #tpu.memory_space<hbm>> -> memref<1x12800xf32, #tpu.memory_space<hbm>>
    %dma_wait3A_1764 = tpu.memref_slice %arg6[%dma_wait3A_1761] : memref<4x!tpu.dma_semaphore, #tpu.memory_space<semaphore_mem>> -> memref<1x!tpu.dma_semaphore, #tpu.memory_space<semaphore_mem>>
    %dma_wait3A_1765 = tpu.memref_squeeze %dma_wait3A_1764 : memref<1x!tpu.dma_semaphore, #tpu.memory_space<semaphore_mem>> -> memref<!tpu.dma_semaphore, #tpu.memory_space<semaphore_mem>>
    %dma_wait3A_1766 = arith.constant 0 : i32
    %dma_wait3A_1767 = tpu.memref_slice %arg3[%add3A_1760, %dma_wait3A_1766] : memref<4096x12800xf32, #tpu.memory_space<hbm>> -> memref<1x12800xf32, #tpu.memory_space<hbm>>
    tpu.wait_dma2 semaphore(%dma_wait3A_1765 : memref<!tpu.dma_semaphore, #tpu.memory_space<semaphore_mem>>) src(%arg4 : memref<1x12800xf32, #tpu.memory_space<vmem>>) dst(%dma_wait3A_1767 : memref<1x12800xf32, #tpu.memory_space<hbm>>)
    %add3A_1768 = arith.constant 67 : i32
    %add3A_1769 = arith.addi %mul3A_2, %add3A_1768 : i32
    %dma_wait3A_1770 = arith.constant 3 : i32
    %dma_wait3A_1771 = arith.constant 0 : i32
    %dma_wait3A_1772 = tpu.memref_slice %arg3[%add3A_1769, %dma_wait3A_1771] : memref<4096x12800xf32, #tpu.memory_space<hbm>> -> memref<1x12800xf32, #tpu.memory_space<hbm>>
    %dma_wait3A_1773 = tpu.memref_slice %arg6[%dma_wait3A_1770] : memref<4x!tpu.dma_semaphore, #tpu.memory_space<semaphore_mem>> -> memref<1x!tpu.dma_semaphore, #tpu.memory_space<semaphore_mem>>
    %dma_wait3A_1774 = tpu.memref_squeeze %dma_wait3A_1773 : memref<1x!tpu.dma_semaphore, #tpu.memory_space<semaphore_mem>> -> memref<!tpu.dma_semaphore, #tpu.memory_space<semaphore_mem>>
    %dma_wait3A_1775 = arith.constant 0 : i32
    %dma_wait3A_1776 = tpu.memref_slice %arg3[%add3A_1769, %dma_wait3A_1775] : memref<4096x12800xf32, #tpu.memory_space<hbm>> -> memref<1x12800xf32, #tpu.memory_space<hbm>>
    tpu.wait_dma2 semaphore(%dma_wait3A_1774 : memref<!tpu.dma_semaphore, #tpu.memory_space<semaphore_mem>>) src(%arg4 : memref<1x12800xf32, #tpu.memory_space<vmem>>) dst(%dma_wait3A_1776 : memref<1x12800xf32, #tpu.memory_space<hbm>>)
    %add3A_1777 = arith.constant 68 : i32
    %add3A_1778 = arith.addi %mul3A_2, %add3A_1777 : i32
    %dma_wait3A_1779 = arith.constant 0 : i32
    %dma_wait3A_1780 = arith.constant 0 : i32
    %dma_wait3A_1781 = tpu.memref_slice %arg3[%add3A_1778, %dma_wait3A_1780] : memref<4096x12800xf32, #tpu.memory_space<hbm>> -> memref<1x12800xf32, #tpu.memory_space<hbm>>
    %dma_wait3A_1782 = tpu.memref_slice %arg6[%dma_wait3A_1779] : memref<4x!tpu.dma_semaphore, #tpu.memory_space<semaphore_mem>> -> memref<1x!tpu.dma_semaphore, #tpu.memory_space<semaphore_mem>>
    %dma_wait3A_1783 = tpu.memref_squeeze %dma_wait3A_1782 : memref<1x!tpu.dma_semaphore, #tpu.memory_space<semaphore_mem>> -> memref<!tpu.dma_semaphore, #tpu.memory_space<semaphore_mem>>
    %dma_wait3A_1784 = arith.constant 0 : i32
    %dma_wait3A_1785 = tpu.memref_slice %arg3[%add3A_1778, %dma_wait3A_1784] : memref<4096x12800xf32, #tpu.memory_space<hbm>> -> memref<1x12800xf32, #tpu.memory_space<hbm>>
    tpu.wait_dma2 semaphore(%dma_wait3A_1783 : memref<!tpu.dma_semaphore, #tpu.memory_space<semaphore_mem>>) src(%arg4 : memref<1x12800xf32, #tpu.memory_space<vmem>>) dst(%dma_wait3A_1785 : memref<1x12800xf32, #tpu.memory_space<hbm>>)
    %add3A_1786 = arith.constant 69 : i32
    %add3A_1787 = arith.addi %mul3A_2, %add3A_1786 : i32
    %dma_wait3A_1788 = arith.constant 1 : i32
    %dma_wait3A_1789 = arith.constant 0 : i32
    %dma_wait3A_1790 = tpu.memref_slice %arg3[%add3A_1787, %dma_wait3A_1789] : memref<4096x12800xf32, #tpu.memory_space<hbm>> -> memref<1x12800xf32, #tpu.memory_space<hbm>>
    %dma_wait3A_1791 = tpu.memref_slice %arg6[%dma_wait3A_1788] : memref<4x!tpu.dma_semaphore, #tpu.memory_space<semaphore_mem>> -> memref<1x!tpu.dma_semaphore, #tpu.memory_space<semaphore_mem>>
    %dma_wait3A_1792 = tpu.memref_squeeze %dma_wait3A_1791 : memref<1x!tpu.dma_semaphore, #tpu.memory_space<semaphore_mem>> -> memref<!tpu.dma_semaphore, #tpu.memory_space<semaphore_mem>>
    %dma_wait3A_1793 = arith.constant 0 : i32
    %dma_wait3A_1794 = tpu.memref_slice %arg3[%add3A_1787, %dma_wait3A_1793] : memref<4096x12800xf32, #tpu.memory_space<hbm>> -> memref<1x12800xf32, #tpu.memory_space<hbm>>
    tpu.wait_dma2 semaphore(%dma_wait3A_1792 : memref<!tpu.dma_semaphore, #tpu.memory_space<semaphore_mem>>) src(%arg4 : memref<1x12800xf32, #tpu.memory_space<vmem>>) dst(%dma_wait3A_1794 : memref<1x12800xf32, #tpu.memory_space<hbm>>)
    %add3A_1795 = arith.constant 70 : i32
    %add3A_1796 = arith.addi %mul3A_2, %add3A_1795 : i32
    %dma_wait3A_1797 = arith.constant 2 : i32
    %dma_wait3A_1798 = arith.constant 0 : i32
    %dma_wait3A_1799 = tpu.memref_slice %arg3[%add3A_1796, %dma_wait3A_1798] : memref<4096x12800xf32, #tpu.memory_space<hbm>> -> memref<1x12800xf32, #tpu.memory_space<hbm>>
    %dma_wait3A_1800 = tpu.memref_slice %arg6[%dma_wait3A_1797] : memref<4x!tpu.dma_semaphore, #tpu.memory_space<semaphore_mem>> -> memref<1x!tpu.dma_semaphore, #tpu.memory_space<semaphore_mem>>
    %dma_wait3A_1801 = tpu.memref_squeeze %dma_wait3A_1800 : memref<1x!tpu.dma_semaphore, #tpu.memory_space<semaphore_mem>> -> memref<!tpu.dma_semaphore, #tpu.memory_space<semaphore_mem>>
    %dma_wait3A_1802 = arith.constant 0 : i32
    %dma_wait3A_1803 = tpu.memref_slice %arg3[%add3A_1796, %dma_wait3A_1802] : memref<4096x12800xf32, #tpu.memory_space<hbm>> -> memref<1x12800xf32, #tpu.memory_space<hbm>>
    tpu.wait_dma2 semaphore(%dma_wait3A_1801 : memref<!tpu.dma_semaphore, #tpu.memory_space<semaphore_mem>>) src(%arg4 : memref<1x12800xf32, #tpu.memory_space<vmem>>) dst(%dma_wait3A_1803 : memref<1x12800xf32, #tpu.memory_space<hbm>>)
    %add3A_1804 = arith.constant 71 : i32
    %add3A_1805 = arith.addi %mul3A_2, %add3A_1804 : i32
    %dma_wait3A_1806 = arith.constant 3 : i32
    %dma_wait3A_1807 = arith.constant 0 : i32
    %dma_wait3A_1808 = tpu.memref_slice %arg3[%add3A_1805, %dma_wait3A_1807] : memref<4096x12800xf32, #tpu.memory_space<hbm>> -> memref<1x12800xf32, #tpu.memory_space<hbm>>
    %dma_wait3A_1809 = tpu.memref_slice %arg6[%dma_wait3A_1806] : memref<4x!tpu.dma_semaphore, #tpu.memory_space<semaphore_mem>> -> memref<1x!tpu.dma_semaphore, #tpu.memory_space<semaphore_mem>>
    %dma_wait3A_1810 = tpu.memref_squeeze %dma_wait3A_1809 : memref<1x!tpu.dma_semaphore, #tpu.memory_space<semaphore_mem>> -> memref<!tpu.dma_semaphore, #tpu.memory_space<semaphore_mem>>
    %dma_wait3A_1811 = arith.constant 0 : i32
    %dma_wait3A_1812 = tpu.memref_slice %arg3[%add3A_1805, %dma_wait3A_1811] : memref<4096x12800xf32, #tpu.memory_space<hbm>> -> memref<1x12800xf32, #tpu.memory_space<hbm>>
    tpu.wait_dma2 semaphore(%dma_wait3A_1810 : memref<!tpu.dma_semaphore, #tpu.memory_space<semaphore_mem>>) src(%arg4 : memref<1x12800xf32, #tpu.memory_space<vmem>>) dst(%dma_wait3A_1812 : memref<1x12800xf32, #tpu.memory_space<hbm>>)
    %add3A_1813 = arith.constant 72 : i32
    %add3A_1814 = arith.addi %mul3A_2, %add3A_1813 : i32
    %dma_wait3A_1815 = arith.constant 0 : i32
    %dma_wait3A_1816 = arith.constant 0 : i32
    %dma_wait3A_1817 = tpu.memref_slice %arg3[%add3A_1814, %dma_wait3A_1816] : memref<4096x12800xf32, #tpu.memory_space<hbm>> -> memref<1x12800xf32, #tpu.memory_space<hbm>>
    %dma_wait3A_1818 = tpu.memref_slice %arg6[%dma_wait3A_1815] : memref<4x!tpu.dma_semaphore, #tpu.memory_space<semaphore_mem>> -> memref<1x!tpu.dma_semaphore, #tpu.memory_space<semaphore_mem>>
    %dma_wait3A_1819 = tpu.memref_squeeze %dma_wait3A_1818 : memref<1x!tpu.dma_semaphore, #tpu.memory_space<semaphore_mem>> -> memref<!tpu.dma_semaphore, #tpu.memory_space<semaphore_mem>>
    %dma_wait3A_1820 = arith.constant 0 : i32
    %dma_wait3A_1821 = tpu.memref_slice %arg3[%add3A_1814, %dma_wait3A_1820] : memref<4096x12800xf32, #tpu.memory_space<hbm>> -> memref<1x12800xf32, #tpu.memory_space<hbm>>
    tpu.wait_dma2 semaphore(%dma_wait3A_1819 : memref<!tpu.dma_semaphore, #tpu.memory_space<semaphore_mem>>) src(%arg4 : memref<1x12800xf32, #tpu.memory_space<vmem>>) dst(%dma_wait3A_1821 : memref<1x12800xf32, #tpu.memory_space<hbm>>)
    %add3A_1822 = arith.constant 73 : i32
    %add3A_1823 = arith.addi %mul3A_2, %add3A_1822 : i32
    %dma_wait3A_1824 = arith.constant 1 : i32
    %dma_wait3A_1825 = arith.constant 0 : i32
    %dma_wait3A_1826 = tpu.memref_slice %arg3[%add3A_1823, %dma_wait3A_1825] : memref<4096x12800xf32, #tpu.memory_space<hbm>> -> memref<1x12800xf32, #tpu.memory_space<hbm>>
    %dma_wait3A_1827 = tpu.memref_slice %arg6[%dma_wait3A_1824] : memref<4x!tpu.dma_semaphore, #tpu.memory_space<semaphore_mem>> -> memref<1x!tpu.dma_semaphore, #tpu.memory_space<semaphore_mem>>
    %dma_wait3A_1828 = tpu.memref_squeeze %dma_wait3A_1827 : memref<1x!tpu.dma_semaphore, #tpu.memory_space<semaphore_mem>> -> memref<!tpu.dma_semaphore, #tpu.memory_space<semaphore_mem>>
    %dma_wait3A_1829 = arith.constant 0 : i32
    %dma_wait3A_1830 = tpu.memref_slice %arg3[%add3A_1823, %dma_wait3A_1829] : memref<4096x12800xf32, #tpu.memory_space<hbm>> -> memref<1x12800xf32, #tpu.memory_space<hbm>>
    tpu.wait_dma2 semaphore(%dma_wait3A_1828 : memref<!tpu.dma_semaphore, #tpu.memory_space<semaphore_mem>>) src(%arg4 : memref<1x12800xf32, #tpu.memory_space<vmem>>) dst(%dma_wait3A_1830 : memref<1x12800xf32, #tpu.memory_space<hbm>>)
    %add3A_1831 = arith.constant 74 : i32
    %add3A_1832 = arith.addi %mul3A_2, %add3A_1831 : i32
    %dma_wait3A_1833 = arith.constant 2 : i32
    %dma_wait3A_1834 = arith.constant 0 : i32
    %dma_wait3A_1835 = tpu.memref_slice %arg3[%add3A_1832, %dma_wait3A_1834] : memref<4096x12800xf32, #tpu.memory_space<hbm>> -> memref<1x12800xf32, #tpu.memory_space<hbm>>
    %dma_wait3A_1836 = tpu.memref_slice %arg6[%dma_wait3A_1833] : memref<4x!tpu.dma_semaphore, #tpu.memory_space<semaphore_mem>> -> memref<1x!tpu.dma_semaphore, #tpu.memory_space<semaphore_mem>>
    %dma_wait3A_1837 = tpu.memref_squeeze %dma_wait3A_1836 : memref<1x!tpu.dma_semaphore, #tpu.memory_space<semaphore_mem>> -> memref<!tpu.dma_semaphore, #tpu.memory_space<semaphore_mem>>
    %dma_wait3A_1838 = arith.constant 0 : i32
    %dma_wait3A_1839 = tpu.memref_slice %arg3[%add3A_1832, %dma_wait3A_1838] : memref<4096x12800xf32, #tpu.memory_space<hbm>> -> memref<1x12800xf32, #tpu.memory_space<hbm>>
    tpu.wait_dma2 semaphore(%dma_wait3A_1837 : memref<!tpu.dma_semaphore, #tpu.memory_space<semaphore_mem>>) src(%arg4 : memref<1x12800xf32, #tpu.memory_space<vmem>>) dst(%dma_wait3A_1839 : memref<1x12800xf32, #tpu.memory_space<hbm>>)
    %add3A_1840 = arith.constant 75 : i32
    %add3A_1841 = arith.addi %mul3A_2, %add3A_1840 : i32
    %dma_wait3A_1842 = arith.constant 3 : i32
    %dma_wait3A_1843 = arith.constant 0 : i32
    %dma_wait3A_1844 = tpu.memref_slice %arg3[%add3A_1841, %dma_wait3A_1843] : memref<4096x12800xf32, #tpu.memory_space<hbm>> -> memref<1x12800xf32, #tpu.memory_space<hbm>>
    %dma_wait3A_1845 = tpu.memref_slice %arg6[%dma_wait3A_1842] : memref<4x!tpu.dma_semaphore, #tpu.memory_space<semaphore_mem>> -> memref<1x!tpu.dma_semaphore, #tpu.memory_space<semaphore_mem>>
    %dma_wait3A_1846 = tpu.memref_squeeze %dma_wait3A_1845 : memref<1x!tpu.dma_semaphore, #tpu.memory_space<semaphore_mem>> -> memref<!tpu.dma_semaphore, #tpu.memory_space<semaphore_mem>>
    %dma_wait3A_1847 = arith.constant 0 : i32
    %dma_wait3A_1848 = tpu.memref_slice %arg3[%add3A_1841, %dma_wait3A_1847] : memref<4096x12800xf32, #tpu.memory_space<hbm>> -> memref<1x12800xf32, #tpu.memory_space<hbm>>
    tpu.wait_dma2 semaphore(%dma_wait3A_1846 : memref<!tpu.dma_semaphore, #tpu.memory_space<semaphore_mem>>) src(%arg4 : memref<1x12800xf32, #tpu.memory_space<vmem>>) dst(%dma_wait3A_1848 : memref<1x12800xf32, #tpu.memory_space<hbm>>)
    %add3A_1849 = arith.constant 76 : i32
    %add3A_1850 = arith.addi %mul3A_2, %add3A_1849 : i32
    %dma_wait3A_1851 = arith.constant 0 : i32
    %dma_wait3A_1852 = arith.constant 0 : i32
    %dma_wait3A_1853 = tpu.memref_slice %arg3[%add3A_1850, %dma_wait3A_1852] : memref<4096x12800xf32, #tpu.memory_space<hbm>> -> memref<1x12800xf32, #tpu.memory_space<hbm>>
    %dma_wait3A_1854 = tpu.memref_slice %arg6[%dma_wait3A_1851] : memref<4x!tpu.dma_semaphore, #tpu.memory_space<semaphore_mem>> -> memref<1x!tpu.dma_semaphore, #tpu.memory_space<semaphore_mem>>
    %dma_wait3A_1855 = tpu.memref_squeeze %dma_wait3A_1854 : memref<1x!tpu.dma_semaphore, #tpu.memory_space<semaphore_mem>> -> memref<!tpu.dma_semaphore, #tpu.memory_space<semaphore_mem>>
    %dma_wait3A_1856 = arith.constant 0 : i32
    %dma_wait3A_1857 = tpu.memref_slice %arg3[%add3A_1850, %dma_wait3A_1856] : memref<4096x12800xf32, #tpu.memory_space<hbm>> -> memref<1x12800xf32, #tpu.memory_space<hbm>>
    tpu.wait_dma2 semaphore(%dma_wait3A_1855 : memref<!tpu.dma_semaphore, #tpu.memory_space<semaphore_mem>>) src(%arg4 : memref<1x12800xf32, #tpu.memory_space<vmem>>) dst(%dma_wait3A_1857 : memref<1x12800xf32, #tpu.memory_space<hbm>>)
    %add3A_1858 = arith.constant 77 : i32
    %add3A_1859 = arith.addi %mul3A_2, %add3A_1858 : i32
    %dma_wait3A_1860 = arith.constant 1 : i32
    %dma_wait3A_1861 = arith.constant 0 : i32
    %dma_wait3A_1862 = tpu.memref_slice %arg3[%add3A_1859, %dma_wait3A_1861] : memref<4096x12800xf32, #tpu.memory_space<hbm>> -> memref<1x12800xf32, #tpu.memory_space<hbm>>
    %dma_wait3A_1863 = tpu.memref_slice %arg6[%dma_wait3A_1860] : memref<4x!tpu.dma_semaphore, #tpu.memory_space<semaphore_mem>> -> memref<1x!tpu.dma_semaphore, #tpu.memory_space<semaphore_mem>>
    %dma_wait3A_1864 = tpu.memref_squeeze %dma_wait3A_1863 : memref<1x!tpu.dma_semaphore, #tpu.memory_space<semaphore_mem>> -> memref<!tpu.dma_semaphore, #tpu.memory_space<semaphore_mem>>
    %dma_wait3A_1865 = arith.constant 0 : i32
    %dma_wait3A_1866 = tpu.memref_slice %arg3[%add3A_1859, %dma_wait3A_1865] : memref<4096x12800xf32, #tpu.memory_space<hbm>> -> memref<1x12800xf32, #tpu.memory_space<hbm>>
    tpu.wait_dma2 semaphore(%dma_wait3A_1864 : memref<!tpu.dma_semaphore, #tpu.memory_space<semaphore_mem>>) src(%arg4 : memref<1x12800xf32, #tpu.memory_space<vmem>>) dst(%dma_wait3A_1866 : memref<1x12800xf32, #tpu.memory_space<hbm>>)
    %add3A_1867 = arith.constant 78 : i32
    %add3A_1868 = arith.addi %mul3A_2, %add3A_1867 : i32
    %dma_wait3A_1869 = arith.constant 2 : i32
    %dma_wait3A_1870 = arith.constant 0 : i32
    %dma_wait3A_1871 = tpu.memref_slice %arg3[%add3A_1868, %dma_wait3A_1870] : memref<4096x12800xf32, #tpu.memory_space<hbm>> -> memref<1x12800xf32, #tpu.memory_space<hbm>>
    %dma_wait3A_1872 = tpu.memref_slice %arg6[%dma_wait3A_1869] : memref<4x!tpu.dma_semaphore, #tpu.memory_space<semaphore_mem>> -> memref<1x!tpu.dma_semaphore, #tpu.memory_space<semaphore_mem>>
    %dma_wait3A_1873 = tpu.memref_squeeze %dma_wait3A_1872 : memref<1x!tpu.dma_semaphore, #tpu.memory_space<semaphore_mem>> -> memref<!tpu.dma_semaphore, #tpu.memory_space<semaphore_mem>>
    %dma_wait3A_1874 = arith.constant 0 : i32
    %dma_wait3A_1875 = tpu.memref_slice %arg3[%add3A_1868, %dma_wait3A_1874] : memref<4096x12800xf32, #tpu.memory_space<hbm>> -> memref<1x12800xf32, #tpu.memory_space<hbm>>
    tpu.wait_dma2 semaphore(%dma_wait3A_1873 : memref<!tpu.dma_semaphore, #tpu.memory_space<semaphore_mem>>) src(%arg4 : memref<1x12800xf32, #tpu.memory_space<vmem>>) dst(%dma_wait3A_1875 : memref<1x12800xf32, #tpu.memory_space<hbm>>)
    %add3A_1876 = arith.constant 79 : i32
    %add3A_1877 = arith.addi %mul3A_2, %add3A_1876 : i32
    %dma_wait3A_1878 = arith.constant 3 : i32
    %dma_wait3A_1879 = arith.constant 0 : i32
    %dma_wait3A_1880 = tpu.memref_slice %arg3[%add3A_1877, %dma_wait3A_1879] : memref<4096x12800xf32, #tpu.memory_space<hbm>> -> memref<1x12800xf32, #tpu.memory_space<hbm>>
    %dma_wait3A_1881 = tpu.memref_slice %arg6[%dma_wait3A_1878] : memref<4x!tpu.dma_semaphore, #tpu.memory_space<semaphore_mem>> -> memref<1x!tpu.dma_semaphore, #tpu.memory_space<semaphore_mem>>
    %dma_wait3A_1882 = tpu.memref_squeeze %dma_wait3A_1881 : memref<1x!tpu.dma_semaphore, #tpu.memory_space<semaphore_mem>> -> memref<!tpu.dma_semaphore, #tpu.memory_space<semaphore_mem>>
    %dma_wait3A_1883 = arith.constant 0 : i32
    %dma_wait3A_1884 = tpu.memref_slice %arg3[%add3A_1877, %dma_wait3A_1883] : memref<4096x12800xf32, #tpu.memory_space<hbm>> -> memref<1x12800xf32, #tpu.memory_space<hbm>>
    tpu.wait_dma2 semaphore(%dma_wait3A_1882 : memref<!tpu.dma_semaphore, #tpu.memory_space<semaphore_mem>>) src(%arg4 : memref<1x12800xf32, #tpu.memory_space<vmem>>) dst(%dma_wait3A_1884 : memref<1x12800xf32, #tpu.memory_space<hbm>>)
    %add3A_1885 = arith.constant 80 : i32
    %add3A_1886 = arith.addi %mul3A_2, %add3A_1885 : i32
    %dma_wait3A_1887 = arith.constant 0 : i32
    %dma_wait3A_1888 = arith.constant 0 : i32
    %dma_wait3A_1889 = tpu.memref_slice %arg3[%add3A_1886, %dma_wait3A_1888] : memref<4096x12800xf32, #tpu.memory_space<hbm>> -> memref<1x12800xf32, #tpu.memory_space<hbm>>
    %dma_wait3A_1890 = tpu.memref_slice %arg6[%dma_wait3A_1887] : memref<4x!tpu.dma_semaphore, #tpu.memory_space<semaphore_mem>> -> memref<1x!tpu.dma_semaphore, #tpu.memory_space<semaphore_mem>>
    %dma_wait3A_1891 = tpu.memref_squeeze %dma_wait3A_1890 : memref<1x!tpu.dma_semaphore, #tpu.memory_space<semaphore_mem>> -> memref<!tpu.dma_semaphore, #tpu.memory_space<semaphore_mem>>
    %dma_wait3A_1892 = arith.constant 0 : i32
    %dma_wait3A_1893 = tpu.memref_slice %arg3[%add3A_1886, %dma_wait3A_1892] : memref<4096x12800xf32, #tpu.memory_space<hbm>> -> memref<1x12800xf32, #tpu.memory_space<hbm>>
    tpu.wait_dma2 semaphore(%dma_wait3A_1891 : memref<!tpu.dma_semaphore, #tpu.memory_space<semaphore_mem>>) src(%arg4 : memref<1x12800xf32, #tpu.memory_space<vmem>>) dst(%dma_wait3A_1893 : memref<1x12800xf32, #tpu.memory_space<hbm>>)
    %add3A_1894 = arith.constant 81 : i32
    %add3A_1895 = arith.addi %mul3A_2, %add3A_1894 : i32
    %dma_wait3A_1896 = arith.constant 1 : i32
    %dma_wait3A_1897 = arith.constant 0 : i32
    %dma_wait3A_1898 = tpu.memref_slice %arg3[%add3A_1895, %dma_wait3A_1897] : memref<4096x12800xf32, #tpu.memory_space<hbm>> -> memref<1x12800xf32, #tpu.memory_space<hbm>>
    %dma_wait3A_1899 = tpu.memref_slice %arg6[%dma_wait3A_1896] : memref<4x!tpu.dma_semaphore, #tpu.memory_space<semaphore_mem>> -> memref<1x!tpu.dma_semaphore, #tpu.memory_space<semaphore_mem>>
    %dma_wait3A_1900 = tpu.memref_squeeze %dma_wait3A_1899 : memref<1x!tpu.dma_semaphore, #tpu.memory_space<semaphore_mem>> -> memref<!tpu.dma_semaphore, #tpu.memory_space<semaphore_mem>>
    %dma_wait3A_1901 = arith.constant 0 : i32
    %dma_wait3A_1902 = tpu.memref_slice %arg3[%add3A_1895, %dma_wait3A_1901] : memref<4096x12800xf32, #tpu.memory_space<hbm>> -> memref<1x12800xf32, #tpu.memory_space<hbm>>
    tpu.wait_dma2 semaphore(%dma_wait3A_1900 : memref<!tpu.dma_semaphore, #tpu.memory_space<semaphore_mem>>) src(%arg4 : memref<1x12800xf32, #tpu.memory_space<vmem>>) dst(%dma_wait3A_1902 : memref<1x12800xf32, #tpu.memory_space<hbm>>)
    %add3A_1903 = arith.constant 82 : i32
    %add3A_1904 = arith.addi %mul3A_2, %add3A_1903 : i32
    %dma_wait3A_1905 = arith.constant 2 : i32
    %dma_wait3A_1906 = arith.constant 0 : i32
    %dma_wait3A_1907 = tpu.memref_slice %arg3[%add3A_1904, %dma_wait3A_1906] : memref<4096x12800xf32, #tpu.memory_space<hbm>> -> memref<1x12800xf32, #tpu.memory_space<hbm>>
    %dma_wait3A_1908 = tpu.memref_slice %arg6[%dma_wait3A_1905] : memref<4x!tpu.dma_semaphore, #tpu.memory_space<semaphore_mem>> -> memref<1x!tpu.dma_semaphore, #tpu.memory_space<semaphore_mem>>
    %dma_wait3A_1909 = tpu.memref_squeeze %dma_wait3A_1908 : memref<1x!tpu.dma_semaphore, #tpu.memory_space<semaphore_mem>> -> memref<!tpu.dma_semaphore, #tpu.memory_space<semaphore_mem>>
    %dma_wait3A_1910 = arith.constant 0 : i32
    %dma_wait3A_1911 = tpu.memref_slice %arg3[%add3A_1904, %dma_wait3A_1910] : memref<4096x12800xf32, #tpu.memory_space<hbm>> -> memref<1x12800xf32, #tpu.memory_space<hbm>>
    tpu.wait_dma2 semaphore(%dma_wait3A_1909 : memref<!tpu.dma_semaphore, #tpu.memory_space<semaphore_mem>>) src(%arg4 : memref<1x12800xf32, #tpu.memory_space<vmem>>) dst(%dma_wait3A_1911 : memref<1x12800xf32, #tpu.memory_space<hbm>>)
    %add3A_1912 = arith.constant 83 : i32
    %add3A_1913 = arith.addi %mul3A_2, %add3A_1912 : i32
    %dma_wait3A_1914 = arith.constant 3 : i32
    %dma_wait3A_1915 = arith.constant 0 : i32
    %dma_wait3A_1916 = tpu.memref_slice %arg3[%add3A_1913, %dma_wait3A_1915] : memref<4096x12800xf32, #tpu.memory_space<hbm>> -> memref<1x12800xf32, #tpu.memory_space<hbm>>
    %dma_wait3A_1917 = tpu.memref_slice %arg6[%dma_wait3A_1914] : memref<4x!tpu.dma_semaphore, #tpu.memory_space<semaphore_mem>> -> memref<1x!tpu.dma_semaphore, #tpu.memory_space<semaphore_mem>>
    %dma_wait3A_1918 = tpu.memref_squeeze %dma_wait3A_1917 : memref<1x!tpu.dma_semaphore, #tpu.memory_space<semaphore_mem>> -> memref<!tpu.dma_semaphore, #tpu.memory_space<semaphore_mem>>
    %dma_wait3A_1919 = arith.constant 0 : i32
    %dma_wait3A_1920 = tpu.memref_slice %arg3[%add3A_1913, %dma_wait3A_1919] : memref<4096x12800xf32, #tpu.memory_space<hbm>> -> memref<1x12800xf32, #tpu.memory_space<hbm>>
    tpu.wait_dma2 semaphore(%dma_wait3A_1918 : memref<!tpu.dma_semaphore, #tpu.memory_space<semaphore_mem>>) src(%arg4 : memref<1x12800xf32, #tpu.memory_space<vmem>>) dst(%dma_wait3A_1920 : memref<1x12800xf32, #tpu.memory_space<hbm>>)
    %add3A_1921 = arith.constant 84 : i32
    %add3A_1922 = arith.addi %mul3A_2, %add3A_1921 : i32
    %dma_wait3A_1923 = arith.constant 0 : i32
    %dma_wait3A_1924 = arith.constant 0 : i32
    %dma_wait3A_1925 = tpu.memref_slice %arg3[%add3A_1922, %dma_wait3A_1924] : memref<4096x12800xf32, #tpu.memory_space<hbm>> -> memref<1x12800xf32, #tpu.memory_space<hbm>>
    %dma_wait3A_1926 = tpu.memref_slice %arg6[%dma_wait3A_1923] : memref<4x!tpu.dma_semaphore, #tpu.memory_space<semaphore_mem>> -> memref<1x!tpu.dma_semaphore, #tpu.memory_space<semaphore_mem>>
    %dma_wait3A_1927 = tpu.memref_squeeze %dma_wait3A_1926 : memref<1x!tpu.dma_semaphore, #tpu.memory_space<semaphore_mem>> -> memref<!tpu.dma_semaphore, #tpu.memory_space<semaphore_mem>>
    %dma_wait3A_1928 = arith.constant 0 : i32
    %dma_wait3A_1929 = tpu.memref_slice %arg3[%add3A_1922, %dma_wait3A_1928] : memref<4096x12800xf32, #tpu.memory_space<hbm>> -> memref<1x12800xf32, #tpu.memory_space<hbm>>
    tpu.wait_dma2 semaphore(%dma_wait3A_1927 : memref<!tpu.dma_semaphore, #tpu.memory_space<semaphore_mem>>) src(%arg4 : memref<1x12800xf32, #tpu.memory_space<vmem>>) dst(%dma_wait3A_1929 : memref<1x12800xf32, #tpu.memory_space<hbm>>)
    %add3A_1930 = arith.constant 85 : i32
    %add3A_1931 = arith.addi %mul3A_2, %add3A_1930 : i32
    %dma_wait3A_1932 = arith.constant 1 : i32
    %dma_wait3A_1933 = arith.constant 0 : i32
    %dma_wait3A_1934 = tpu.memref_slice %arg3[%add3A_1931, %dma_wait3A_1933] : memref<4096x12800xf32, #tpu.memory_space<hbm>> -> memref<1x12800xf32, #tpu.memory_space<hbm>>
    %dma_wait3A_1935 = tpu.memref_slice %arg6[%dma_wait3A_1932] : memref<4x!tpu.dma_semaphore, #tpu.memory_space<semaphore_mem>> -> memref<1x!tpu.dma_semaphore, #tpu.memory_space<semaphore_mem>>
    %dma_wait3A_1936 = tpu.memref_squeeze %dma_wait3A_1935 : memref<1x!tpu.dma_semaphore, #tpu.memory_space<semaphore_mem>> -> memref<!tpu.dma_semaphore, #tpu.memory_space<semaphore_mem>>
    %dma_wait3A_1937 = arith.constant 0 : i32
    %dma_wait3A_1938 = tpu.memref_slice %arg3[%add3A_1931, %dma_wait3A_1937] : memref<4096x12800xf32, #tpu.memory_space<hbm>> -> memref<1x12800xf32, #tpu.memory_space<hbm>>
    tpu.wait_dma2 semaphore(%dma_wait3A_1936 : memref<!tpu.dma_semaphore, #tpu.memory_space<semaphore_mem>>) src(%arg4 : memref<1x12800xf32, #tpu.memory_space<vmem>>) dst(%dma_wait3A_1938 : memref<1x12800xf32, #tpu.memory_space<hbm>>)
    %add3A_1939 = arith.constant 86 : i32
    %add3A_1940 = arith.addi %mul3A_2, %add3A_1939 : i32
    %dma_wait3A_1941 = arith.constant 2 : i32
    %dma_wait3A_1942 = arith.constant 0 : i32
    %dma_wait3A_1943 = tpu.memref_slice %arg3[%add3A_1940, %dma_wait3A_1942] : memref<4096x12800xf32, #tpu.memory_space<hbm>> -> memref<1x12800xf32, #tpu.memory_space<hbm>>
    %dma_wait3A_1944 = tpu.memref_slice %arg6[%dma_wait3A_1941] : memref<4x!tpu.dma_semaphore, #tpu.memory_space<semaphore_mem>> -> memref<1x!tpu.dma_semaphore, #tpu.memory_space<semaphore_mem>>
    %dma_wait3A_1945 = tpu.memref_squeeze %dma_wait3A_1944 : memref<1x!tpu.dma_semaphore, #tpu.memory_space<semaphore_mem>> -> memref<!tpu.dma_semaphore, #tpu.memory_space<semaphore_mem>>
    %dma_wait3A_1946 = arith.constant 0 : i32
    %dma_wait3A_1947 = tpu.memref_slice %arg3[%add3A_1940, %dma_wait3A_1946] : memref<4096x12800xf32, #tpu.memory_space<hbm>> -> memref<1x12800xf32, #tpu.memory_space<hbm>>
    tpu.wait_dma2 semaphore(%dma_wait3A_1945 : memref<!tpu.dma_semaphore, #tpu.memory_space<semaphore_mem>>) src(%arg4 : memref<1x12800xf32, #tpu.memory_space<vmem>>) dst(%dma_wait3A_1947 : memref<1x12800xf32, #tpu.memory_space<hbm>>)
    %add3A_1948 = arith.constant 87 : i32
    %add3A_1949 = arith.addi %mul3A_2, %add3A_1948 : i32
    %dma_wait3A_1950 = arith.constant 3 : i32
    %dma_wait3A_1951 = arith.constant 0 : i32
    %dma_wait3A_1952 = tpu.memref_slice %arg3[%add3A_1949, %dma_wait3A_1951] : memref<4096x12800xf32, #tpu.memory_space<hbm>> -> memref<1x12800xf32, #tpu.memory_space<hbm>>
    %dma_wait3A_1953 = tpu.memref_slice %arg6[%dma_wait3A_1950] : memref<4x!tpu.dma_semaphore, #tpu.memory_space<semaphore_mem>> -> memref<1x!tpu.dma_semaphore, #tpu.memory_space<semaphore_mem>>
    %dma_wait3A_1954 = tpu.memref_squeeze %dma_wait3A_1953 : memref<1x!tpu.dma_semaphore, #tpu.memory_space<semaphore_mem>> -> memref<!tpu.dma_semaphore, #tpu.memory_space<semaphore_mem>>
    %dma_wait3A_1955 = arith.constant 0 : i32
    %dma_wait3A_1956 = tpu.memref_slice %arg3[%add3A_1949, %dma_wait3A_1955] : memref<4096x12800xf32, #tpu.memory_space<hbm>> -> memref<1x12800xf32, #tpu.memory_space<hbm>>
    tpu.wait_dma2 semaphore(%dma_wait3A_1954 : memref<!tpu.dma_semaphore, #tpu.memory_space<semaphore_mem>>) src(%arg4 : memref<1x12800xf32, #tpu.memory_space<vmem>>) dst(%dma_wait3A_1956 : memref<1x12800xf32, #tpu.memory_space<hbm>>)
    %add3A_1957 = arith.constant 88 : i32
    %add3A_1958 = arith.addi %mul3A_2, %add3A_1957 : i32
    %dma_wait3A_1959 = arith.constant 0 : i32
    %dma_wait3A_1960 = arith.constant 0 : i32
    %dma_wait3A_1961 = tpu.memref_slice %arg3[%add3A_1958, %dma_wait3A_1960] : memref<4096x12800xf32, #tpu.memory_space<hbm>> -> memref<1x12800xf32, #tpu.memory_space<hbm>>
    %dma_wait3A_1962 = tpu.memref_slice %arg6[%dma_wait3A_1959] : memref<4x!tpu.dma_semaphore, #tpu.memory_space<semaphore_mem>> -> memref<1x!tpu.dma_semaphore, #tpu.memory_space<semaphore_mem>>
    %dma_wait3A_1963 = tpu.memref_squeeze %dma_wait3A_1962 : memref<1x!tpu.dma_semaphore, #tpu.memory_space<semaphore_mem>> -> memref<!tpu.dma_semaphore, #tpu.memory_space<semaphore_mem>>
    %dma_wait3A_1964 = arith.constant 0 : i32
    %dma_wait3A_1965 = tpu.memref_slice %arg3[%add3A_1958, %dma_wait3A_1964] : memref<4096x12800xf32, #tpu.memory_space<hbm>> -> memref<1x12800xf32, #tpu.memory_space<hbm>>
    tpu.wait_dma2 semaphore(%dma_wait3A_1963 : memref<!tpu.dma_semaphore, #tpu.memory_space<semaphore_mem>>) src(%arg4 : memref<1x12800xf32, #tpu.memory_space<vmem>>) dst(%dma_wait3A_1965 : memref<1x12800xf32, #tpu.memory_space<hbm>>)
    %add3A_1966 = arith.constant 89 : i32
    %add3A_1967 = arith.addi %mul3A_2, %add3A_1966 : i32
    %dma_wait3A_1968 = arith.constant 1 : i32
    %dma_wait3A_1969 = arith.constant 0 : i32
    %dma_wait3A_1970 = tpu.memref_slice %arg3[%add3A_1967, %dma_wait3A_1969] : memref<4096x12800xf32, #tpu.memory_space<hbm>> -> memref<1x12800xf32, #tpu.memory_space<hbm>>
    %dma_wait3A_1971 = tpu.memref_slice %arg6[%dma_wait3A_1968] : memref<4x!tpu.dma_semaphore, #tpu.memory_space<semaphore_mem>> -> memref<1x!tpu.dma_semaphore, #tpu.memory_space<semaphore_mem>>
    %dma_wait3A_1972 = tpu.memref_squeeze %dma_wait3A_1971 : memref<1x!tpu.dma_semaphore, #tpu.memory_space<semaphore_mem>> -> memref<!tpu.dma_semaphore, #tpu.memory_space<semaphore_mem>>
    %dma_wait3A_1973 = arith.constant 0 : i32
    %dma_wait3A_1974 = tpu.memref_slice %arg3[%add3A_1967, %dma_wait3A_1973] : memref<4096x12800xf32, #tpu.memory_space<hbm>> -> memref<1x12800xf32, #tpu.memory_space<hbm>>
    tpu.wait_dma2 semaphore(%dma_wait3A_1972 : memref<!tpu.dma_semaphore, #tpu.memory_space<semaphore_mem>>) src(%arg4 : memref<1x12800xf32, #tpu.memory_space<vmem>>) dst(%dma_wait3A_1974 : memref<1x12800xf32, #tpu.memory_space<hbm>>)
    %add3A_1975 = arith.constant 90 : i32
    %add3A_1976 = arith.addi %mul3A_2, %add3A_1975 : i32
    %dma_wait3A_1977 = arith.constant 2 : i32
    %dma_wait3A_1978 = arith.constant 0 : i32
    %dma_wait3A_1979 = tpu.memref_slice %arg3[%add3A_1976, %dma_wait3A_1978] : memref<4096x12800xf32, #tpu.memory_space<hbm>> -> memref<1x12800xf32, #tpu.memory_space<hbm>>
    %dma_wait3A_1980 = tpu.memref_slice %arg6[%dma_wait3A_1977] : memref<4x!tpu.dma_semaphore, #tpu.memory_space<semaphore_mem>> -> memref<1x!tpu.dma_semaphore, #tpu.memory_space<semaphore_mem>>
    %dma_wait3A_1981 = tpu.memref_squeeze %dma_wait3A_1980 : memref<1x!tpu.dma_semaphore, #tpu.memory_space<semaphore_mem>> -> memref<!tpu.dma_semaphore, #tpu.memory_space<semaphore_mem>>
    %dma_wait3A_1982 = arith.constant 0 : i32
    %dma_wait3A_1983 = tpu.memref_slice %arg3[%add3A_1976, %dma_wait3A_1982] : memref<4096x12800xf32, #tpu.memory_space<hbm>> -> memref<1x12800xf32, #tpu.memory_space<hbm>>
    tpu.wait_dma2 semaphore(%dma_wait3A_1981 : memref<!tpu.dma_semaphore, #tpu.memory_space<semaphore_mem>>) src(%arg4 : memref<1x12800xf32, #tpu.memory_space<vmem>>) dst(%dma_wait3A_1983 : memref<1x12800xf32, #tpu.memory_space<hbm>>)
    %add3A_1984 = arith.constant 91 : i32
    %add3A_1985 = arith.addi %mul3A_2, %add3A_1984 : i32
    %dma_wait3A_1986 = arith.constant 3 : i32
    %dma_wait3A_1987 = arith.constant 0 : i32
    %dma_wait3A_1988 = tpu.memref_slice %arg3[%add3A_1985, %dma_wait3A_1987] : memref<4096x12800xf32, #tpu.memory_space<hbm>> -> memref<1x12800xf32, #tpu.memory_space<hbm>>
    %dma_wait3A_1989 = tpu.memref_slice %arg6[%dma_wait3A_1986] : memref<4x!tpu.dma_semaphore, #tpu.memory_space<semaphore_mem>> -> memref<1x!tpu.dma_semaphore, #tpu.memory_space<semaphore_mem>>
    %dma_wait3A_1990 = tpu.memref_squeeze %dma_wait3A_1989 : memref<1x!tpu.dma_semaphore, #tpu.memory_space<semaphore_mem>> -> memref<!tpu.dma_semaphore, #tpu.memory_space<semaphore_mem>>
    %dma_wait3A_1991 = arith.constant 0 : i32
    %dma_wait3A_1992 = tpu.memref_slice %arg3[%add3A_1985, %dma_wait3A_1991] : memref<4096x12800xf32, #tpu.memory_space<hbm>> -> memref<1x12800xf32, #tpu.memory_space<hbm>>
    tpu.wait_dma2 semaphore(%dma_wait3A_1990 : memref<!tpu.dma_semaphore, #tpu.memory_space<semaphore_mem>>) src(%arg4 : memref<1x12800xf32, #tpu.memory_space<vmem>>) dst(%dma_wait3A_1992 : memref<1x12800xf32, #tpu.memory_space<hbm>>)
    %add3A_1993 = arith.constant 92 : i32
    %add3A_1994 = arith.addi %mul3A_2, %add3A_1993 : i32
    %dma_wait3A_1995 = arith.constant 0 : i32
    %dma_wait3A_1996 = arith.constant 0 : i32
    %dma_wait3A_1997 = tpu.memref_slice %arg3[%add3A_1994, %dma_wait3A_1996] : memref<4096x12800xf32, #tpu.memory_space<hbm>> -> memref<1x12800xf32, #tpu.memory_space<hbm>>
    %dma_wait3A_1998 = tpu.memref_slice %arg6[%dma_wait3A_1995] : memref<4x!tpu.dma_semaphore, #tpu.memory_space<semaphore_mem>> -> memref<1x!tpu.dma_semaphore, #tpu.memory_space<semaphore_mem>>
    %dma_wait3A_1999 = tpu.memref_squeeze %dma_wait3A_1998 : memref<1x!tpu.dma_semaphore, #tpu.memory_space<semaphore_mem>> -> memref<!tpu.dma_semaphore, #tpu.memory_space<semaphore_mem>>
    %dma_wait3A_2000 = arith.constant 0 : i32
    %dma_wait3A_2001 = tpu.memref_slice %arg3[%add3A_1994, %dma_wait3A_2000] : memref<4096x12800xf32, #tpu.memory_space<hbm>> -> memref<1x12800xf32, #tpu.memory_space<hbm>>
    tpu.wait_dma2 semaphore(%dma_wait3A_1999 : memref<!tpu.dma_semaphore, #tpu.memory_space<semaphore_mem>>) src(%arg4 : memref<1x12800xf32, #tpu.memory_space<vmem>>) dst(%dma_wait3A_2001 : memref<1x12800xf32, #tpu.memory_space<hbm>>)
    %add3A_2002 = arith.constant 93 : i32
    %add3A_2003 = arith.addi %mul3A_2, %add3A_2002 : i32
    %dma_wait3A_2004 = arith.constant 1 : i32
    %dma_wait3A_2005 = arith.constant 0 : i32
    %dma_wait3A_2006 = tpu.memref_slice %arg3[%add3A_2003, %dma_wait3A_2005] : memref<4096x12800xf32, #tpu.memory_space<hbm>> -> memref<1x12800xf32, #tpu.memory_space<hbm>>
    %dma_wait3A_2007 = tpu.memref_slice %arg6[%dma_wait3A_2004] : memref<4x!tpu.dma_semaphore, #tpu.memory_space<semaphore_mem>> -> memref<1x!tpu.dma_semaphore, #tpu.memory_space<semaphore_mem>>
    %dma_wait3A_2008 = tpu.memref_squeeze %dma_wait3A_2007 : memref<1x!tpu.dma_semaphore, #tpu.memory_space<semaphore_mem>> -> memref<!tpu.dma_semaphore, #tpu.memory_space<semaphore_mem>>
    %dma_wait3A_2009 = arith.constant 0 : i32
    %dma_wait3A_2010 = tpu.memref_slice %arg3[%add3A_2003, %dma_wait3A_2009] : memref<4096x12800xf32, #tpu.memory_space<hbm>> -> memref<1x12800xf32, #tpu.memory_space<hbm>>
    tpu.wait_dma2 semaphore(%dma_wait3A_2008 : memref<!tpu.dma_semaphore, #tpu.memory_space<semaphore_mem>>) src(%arg4 : memref<1x12800xf32, #tpu.memory_space<vmem>>) dst(%dma_wait3A_2010 : memref<1x12800xf32, #tpu.memory_space<hbm>>)
    %add3A_2011 = arith.constant 94 : i32
    %add3A_2012 = arith.addi %mul3A_2, %add3A_2011 : i32
    %dma_wait3A_2013 = arith.constant 2 : i32
    %dma_wait3A_2014 = arith.constant 0 : i32
    %dma_wait3A_2015 = tpu.memref_slice %arg3[%add3A_2012, %dma_wait3A_2014] : memref<4096x12800xf32, #tpu.memory_space<hbm>> -> memref<1x12800xf32, #tpu.memory_space<hbm>>
    %dma_wait3A_2016 = tpu.memref_slice %arg6[%dma_wait3A_2013] : memref<4x!tpu.dma_semaphore, #tpu.memory_space<semaphore_mem>> -> memref<1x!tpu.dma_semaphore, #tpu.memory_space<semaphore_mem>>
    %dma_wait3A_2017 = tpu.memref_squeeze %dma_wait3A_2016 : memref<1x!tpu.dma_semaphore, #tpu.memory_space<semaphore_mem>> -> memref<!tpu.dma_semaphore, #tpu.memory_space<semaphore_mem>>
    %dma_wait3A_2018 = arith.constant 0 : i32
    %dma_wait3A_2019 = tpu.memref_slice %arg3[%add3A_2012, %dma_wait3A_2018] : memref<4096x12800xf32, #tpu.memory_space<hbm>> -> memref<1x12800xf32, #tpu.memory_space<hbm>>
    tpu.wait_dma2 semaphore(%dma_wait3A_2017 : memref<!tpu.dma_semaphore, #tpu.memory_space<semaphore_mem>>) src(%arg4 : memref<1x12800xf32, #tpu.memory_space<vmem>>) dst(%dma_wait3A_2019 : memref<1x12800xf32, #tpu.memory_space<hbm>>)
    %add3A_2020 = arith.constant 95 : i32
    %add3A_2021 = arith.addi %mul3A_2, %add3A_2020 : i32
    %dma_wait3A_2022 = arith.constant 3 : i32
    %dma_wait3A_2023 = arith.constant 0 : i32
    %dma_wait3A_2024 = tpu.memref_slice %arg3[%add3A_2021, %dma_wait3A_2023] : memref<4096x12800xf32, #tpu.memory_space<hbm>> -> memref<1x12800xf32, #tpu.memory_space<hbm>>
    %dma_wait3A_2025 = tpu.memref_slice %arg6[%dma_wait3A_2022] : memref<4x!tpu.dma_semaphore, #tpu.memory_space<semaphore_mem>> -> memref<1x!tpu.dma_semaphore, #tpu.memory_space<semaphore_mem>>
    %dma_wait3A_2026 = tpu.memref_squeeze %dma_wait3A_2025 : memref<1x!tpu.dma_semaphore, #tpu.memory_space<semaphore_mem>> -> memref<!tpu.dma_semaphore, #tpu.memory_space<semaphore_mem>>
    %dma_wait3A_2027 = arith.constant 0 : i32
    %dma_wait3A_2028 = tpu.memref_slice %arg3[%add3A_2021, %dma_wait3A_2027] : memref<4096x12800xf32, #tpu.memory_space<hbm>> -> memref<1x12800xf32, #tpu.memory_space<hbm>>
    tpu.wait_dma2 semaphore(%dma_wait3A_2026 : memref<!tpu.dma_semaphore, #tpu.memory_space<semaphore_mem>>) src(%arg4 : memref<1x12800xf32, #tpu.memory_space<vmem>>) dst(%dma_wait3A_2028 : memref<1x12800xf32, #tpu.memory_space<hbm>>)
    %add3A_2029 = arith.constant 96 : i32
    %add3A_2030 = arith.addi %mul3A_2, %add3A_2029 : i32
    %dma_wait3A_2031 = arith.constant 0 : i32
    %dma_wait3A_2032 = arith.constant 0 : i32
    %dma_wait3A_2033 = tpu.memref_slice %arg3[%add3A_2030, %dma_wait3A_2032] : memref<4096x12800xf32, #tpu.memory_space<hbm>> -> memref<1x12800xf32, #tpu.memory_space<hbm>>
    %dma_wait3A_2034 = tpu.memref_slice %arg6[%dma_wait3A_2031] : memref<4x!tpu.dma_semaphore, #tpu.memory_space<semaphore_mem>> -> memref<1x!tpu.dma_semaphore, #tpu.memory_space<semaphore_mem>>
    %dma_wait3A_2035 = tpu.memref_squeeze %dma_wait3A_2034 : memref<1x!tpu.dma_semaphore, #tpu.memory_space<semaphore_mem>> -> memref<!tpu.dma_semaphore, #tpu.memory_space<semaphore_mem>>
    %dma_wait3A_2036 = arith.constant 0 : i32
    %dma_wait3A_2037 = tpu.memref_slice %arg3[%add3A_2030, %dma_wait3A_2036] : memref<4096x12800xf32, #tpu.memory_space<hbm>> -> memref<1x12800xf32, #tpu.memory_space<hbm>>
    tpu.wait_dma2 semaphore(%dma_wait3A_2035 : memref<!tpu.dma_semaphore, #tpu.memory_space<semaphore_mem>>) src(%arg4 : memref<1x12800xf32, #tpu.memory_space<vmem>>) dst(%dma_wait3A_2037 : memref<1x12800xf32, #tpu.memory_space<hbm>>)
    %add3A_2038 = arith.constant 97 : i32
    %add3A_2039 = arith.addi %mul3A_2, %add3A_2038 : i32
    %dma_wait3A_2040 = arith.constant 1 : i32
    %dma_wait3A_2041 = arith.constant 0 : i32
    %dma_wait3A_2042 = tpu.memref_slice %arg3[%add3A_2039, %dma_wait3A_2041] : memref<4096x12800xf32, #tpu.memory_space<hbm>> -> memref<1x12800xf32, #tpu.memory_space<hbm>>
    %dma_wait3A_2043 = tpu.memref_slice %arg6[%dma_wait3A_2040] : memref<4x!tpu.dma_semaphore, #tpu.memory_space<semaphore_mem>> -> memref<1x!tpu.dma_semaphore, #tpu.memory_space<semaphore_mem>>
    %dma_wait3A_2044 = tpu.memref_squeeze %dma_wait3A_2043 : memref<1x!tpu.dma_semaphore, #tpu.memory_space<semaphore_mem>> -> memref<!tpu.dma_semaphore, #tpu.memory_space<semaphore_mem>>
    %dma_wait3A_2045 = arith.constant 0 : i32
    %dma_wait3A_2046 = tpu.memref_slice %arg3[%add3A_2039, %dma_wait3A_2045] : memref<4096x12800xf32, #tpu.memory_space<hbm>> -> memref<1x12800xf32, #tpu.memory_space<hbm>>
    tpu.wait_dma2 semaphore(%dma_wait3A_2044 : memref<!tpu.dma_semaphore, #tpu.memory_space<semaphore_mem>>) src(%arg4 : memref<1x12800xf32, #tpu.memory_space<vmem>>) dst(%dma_wait3A_2046 : memref<1x12800xf32, #tpu.memory_space<hbm>>)
    %add3A_2047 = arith.constant 98 : i32
    %add3A_2048 = arith.addi %mul3A_2, %add3A_2047 : i32
    %dma_wait3A_2049 = arith.constant 2 : i32
    %dma_wait3A_2050 = arith.constant 0 : i32
    %dma_wait3A_2051 = tpu.memref_slice %arg3[%add3A_2048, %dma_wait3A_2050] : memref<4096x12800xf32, #tpu.memory_space<hbm>> -> memref<1x12800xf32, #tpu.memory_space<hbm>>
    %dma_wait3A_2052 = tpu.memref_slice %arg6[%dma_wait3A_2049] : memref<4x!tpu.dma_semaphore, #tpu.memory_space<semaphore_mem>> -> memref<1x!tpu.dma_semaphore, #tpu.memory_space<semaphore_mem>>
    %dma_wait3A_2053 = tpu.memref_squeeze %dma_wait3A_2052 : memref<1x!tpu.dma_semaphore, #tpu.memory_space<semaphore_mem>> -> memref<!tpu.dma_semaphore, #tpu.memory_space<semaphore_mem>>
    %dma_wait3A_2054 = arith.constant 0 : i32
    %dma_wait3A_2055 = tpu.memref_slice %arg3[%add3A_2048, %dma_wait3A_2054] : memref<4096x12800xf32, #tpu.memory_space<hbm>> -> memref<1x12800xf32, #tpu.memory_space<hbm>>
    tpu.wait_dma2 semaphore(%dma_wait3A_2053 : memref<!tpu.dma_semaphore, #tpu.memory_space<semaphore_mem>>) src(%arg4 : memref<1x12800xf32, #tpu.memory_space<vmem>>) dst(%dma_wait3A_2055 : memref<1x12800xf32, #tpu.memory_space<hbm>>)
    %add3A_2056 = arith.constant 99 : i32
    %add3A_2057 = arith.addi %mul3A_2, %add3A_2056 : i32
    %dma_wait3A_2058 = arith.constant 3 : i32
    %dma_wait3A_2059 = arith.constant 0 : i32
    %dma_wait3A_2060 = tpu.memref_slice %arg3[%add3A_2057, %dma_wait3A_2059] : memref<4096x12800xf32, #tpu.memory_space<hbm>> -> memref<1x12800xf32, #tpu.memory_space<hbm>>
    %dma_wait3A_2061 = tpu.memref_slice %arg6[%dma_wait3A_2058] : memref<4x!tpu.dma_semaphore, #tpu.memory_space<semaphore_mem>> -> memref<1x!tpu.dma_semaphore, #tpu.memory_space<semaphore_mem>>
    %dma_wait3A_2062 = tpu.memref_squeeze %dma_wait3A_2061 : memref<1x!tpu.dma_semaphore, #tpu.memory_space<semaphore_mem>> -> memref<!tpu.dma_semaphore, #tpu.memory_space<semaphore_mem>>
    %dma_wait3A_2063 = arith.constant 0 : i32
    %dma_wait3A_2064 = tpu.memref_slice %arg3[%add3A_2057, %dma_wait3A_2063] : memref<4096x12800xf32, #tpu.memory_space<hbm>> -> memref<1x12800xf32, #tpu.memory_space<hbm>>
    tpu.wait_dma2 semaphore(%dma_wait3A_2062 : memref<!tpu.dma_semaphore, #tpu.memory_space<semaphore_mem>>) src(%arg4 : memref<1x12800xf32, #tpu.memory_space<vmem>>) dst(%dma_wait3A_2064 : memref<1x12800xf32, #tpu.memory_space<hbm>>)
    %add3A_2065 = arith.constant 100 : i32
    %add3A_2066 = arith.addi %mul3A_2, %add3A_2065 : i32
    %dma_wait3A_2067 = arith.constant 0 : i32
    %dma_wait3A_2068 = arith.constant 0 : i32
    %dma_wait3A_2069 = tpu.memref_slice %arg3[%add3A_2066, %dma_wait3A_2068] : memref<4096x12800xf32, #tpu.memory_space<hbm>> -> memref<1x12800xf32, #tpu.memory_space<hbm>>
    %dma_wait3A_2070 = tpu.memref_slice %arg6[%dma_wait3A_2067] : memref<4x!tpu.dma_semaphore, #tpu.memory_space<semaphore_mem>> -> memref<1x!tpu.dma_semaphore, #tpu.memory_space<semaphore_mem>>
    %dma_wait3A_2071 = tpu.memref_squeeze %dma_wait3A_2070 : memref<1x!tpu.dma_semaphore, #tpu.memory_space<semaphore_mem>> -> memref<!tpu.dma_semaphore, #tpu.memory_space<semaphore_mem>>
    %dma_wait3A_2072 = arith.constant 0 : i32
    %dma_wait3A_2073 = tpu.memref_slice %arg3[%add3A_2066, %dma_wait3A_2072] : memref<4096x12800xf32, #tpu.memory_space<hbm>> -> memref<1x12800xf32, #tpu.memory_space<hbm>>
    tpu.wait_dma2 semaphore(%dma_wait3A_2071 : memref<!tpu.dma_semaphore, #tpu.memory_space<semaphore_mem>>) src(%arg4 : memref<1x12800xf32, #tpu.memory_space<vmem>>) dst(%dma_wait3A_2073 : memref<1x12800xf32, #tpu.memory_space<hbm>>)
    %add3A_2074 = arith.constant 101 : i32
    %add3A_2075 = arith.addi %mul3A_2, %add3A_2074 : i32
    %dma_wait3A_2076 = arith.constant 1 : i32
    %dma_wait3A_2077 = arith.constant 0 : i32
    %dma_wait3A_2078 = tpu.memref_slice %arg3[%add3A_2075, %dma_wait3A_2077] : memref<4096x12800xf32, #tpu.memory_space<hbm>> -> memref<1x12800xf32, #tpu.memory_space<hbm>>
    %dma_wait3A_2079 = tpu.memref_slice %arg6[%dma_wait3A_2076] : memref<4x!tpu.dma_semaphore, #tpu.memory_space<semaphore_mem>> -> memref<1x!tpu.dma_semaphore, #tpu.memory_space<semaphore_mem>>
    %dma_wait3A_2080 = tpu.memref_squeeze %dma_wait3A_2079 : memref<1x!tpu.dma_semaphore, #tpu.memory_space<semaphore_mem>> -> memref<!tpu.dma_semaphore, #tpu.memory_space<semaphore_mem>>
    %dma_wait3A_2081 = arith.constant 0 : i32
    %dma_wait3A_2082 = tpu.memref_slice %arg3[%add3A_2075, %dma_wait3A_2081] : memref<4096x12800xf32, #tpu.memory_space<hbm>> -> memref<1x12800xf32, #tpu.memory_space<hbm>>
    tpu.wait_dma2 semaphore(%dma_wait3A_2080 : memref<!tpu.dma_semaphore, #tpu.memory_space<semaphore_mem>>) src(%arg4 : memref<1x12800xf32, #tpu.memory_space<vmem>>) dst(%dma_wait3A_2082 : memref<1x12800xf32, #tpu.memory_space<hbm>>)
    %add3A_2083 = arith.constant 102 : i32
    %add3A_2084 = arith.addi %mul3A_2, %add3A_2083 : i32
    %dma_wait3A_2085 = arith.constant 2 : i32
    %dma_wait3A_2086 = arith.constant 0 : i32
    %dma_wait3A_2087 = tpu.memref_slice %arg3[%add3A_2084, %dma_wait3A_2086] : memref<4096x12800xf32, #tpu.memory_space<hbm>> -> memref<1x12800xf32, #tpu.memory_space<hbm>>
    %dma_wait3A_2088 = tpu.memref_slice %arg6[%dma_wait3A_2085] : memref<4x!tpu.dma_semaphore, #tpu.memory_space<semaphore_mem>> -> memref<1x!tpu.dma_semaphore, #tpu.memory_space<semaphore_mem>>
    %dma_wait3A_2089 = tpu.memref_squeeze %dma_wait3A_2088 : memref<1x!tpu.dma_semaphore, #tpu.memory_space<semaphore_mem>> -> memref<!tpu.dma_semaphore, #tpu.memory_space<semaphore_mem>>
    %dma_wait3A_2090 = arith.constant 0 : i32
    %dma_wait3A_2091 = tpu.memref_slice %arg3[%add3A_2084, %dma_wait3A_2090] : memref<4096x12800xf32, #tpu.memory_space<hbm>> -> memref<1x12800xf32, #tpu.memory_space<hbm>>
    tpu.wait_dma2 semaphore(%dma_wait3A_2089 : memref<!tpu.dma_semaphore, #tpu.memory_space<semaphore_mem>>) src(%arg4 : memref<1x12800xf32, #tpu.memory_space<vmem>>) dst(%dma_wait3A_2091 : memref<1x12800xf32, #tpu.memory_space<hbm>>)
    %add3A_2092 = arith.constant 103 : i32
    %add3A_2093 = arith.addi %mul3A_2, %add3A_2092 : i32
    %dma_wait3A_2094 = arith.constant 3 : i32
    %dma_wait3A_2095 = arith.constant 0 : i32
    %dma_wait3A_2096 = tpu.memref_slice %arg3[%add3A_2093, %dma_wait3A_2095] : memref<4096x12800xf32, #tpu.memory_space<hbm>> -> memref<1x12800xf32, #tpu.memory_space<hbm>>
    %dma_wait3A_2097 = tpu.memref_slice %arg6[%dma_wait3A_2094] : memref<4x!tpu.dma_semaphore, #tpu.memory_space<semaphore_mem>> -> memref<1x!tpu.dma_semaphore, #tpu.memory_space<semaphore_mem>>
    %dma_wait3A_2098 = tpu.memref_squeeze %dma_wait3A_2097 : memref<1x!tpu.dma_semaphore, #tpu.memory_space<semaphore_mem>> -> memref<!tpu.dma_semaphore, #tpu.memory_space<semaphore_mem>>
    %dma_wait3A_2099 = arith.constant 0 : i32
    %dma_wait3A_2100 = tpu.memref_slice %arg3[%add3A_2093, %dma_wait3A_2099] : memref<4096x12800xf32, #tpu.memory_space<hbm>> -> memref<1x12800xf32, #tpu.memory_space<hbm>>
    tpu.wait_dma2 semaphore(%dma_wait3A_2098 : memref<!tpu.dma_semaphore, #tpu.memory_space<semaphore_mem>>) src(%arg4 : memref<1x12800xf32, #tpu.memory_space<vmem>>) dst(%dma_wait3A_2100 : memref<1x12800xf32, #tpu.memory_space<hbm>>)
    %add3A_2101 = arith.constant 104 : i32
    %add3A_2102 = arith.addi %mul3A_2, %add3A_2101 : i32
    %dma_wait3A_2103 = arith.constant 0 : i32
    %dma_wait3A_2104 = arith.constant 0 : i32
    %dma_wait3A_2105 = tpu.memref_slice %arg3[%add3A_2102, %dma_wait3A_2104] : memref<4096x12800xf32, #tpu.memory_space<hbm>> -> memref<1x12800xf32, #tpu.memory_space<hbm>>
    %dma_wait3A_2106 = tpu.memref_slice %arg6[%dma_wait3A_2103] : memref<4x!tpu.dma_semaphore, #tpu.memory_space<semaphore_mem>> -> memref<1x!tpu.dma_semaphore, #tpu.memory_space<semaphore_mem>>
    %dma_wait3A_2107 = tpu.memref_squeeze %dma_wait3A_2106 : memref<1x!tpu.dma_semaphore, #tpu.memory_space<semaphore_mem>> -> memref<!tpu.dma_semaphore, #tpu.memory_space<semaphore_mem>>
    %dma_wait3A_2108 = arith.constant 0 : i32
    %dma_wait3A_2109 = tpu.memref_slice %arg3[%add3A_2102, %dma_wait3A_2108] : memref<4096x12800xf32, #tpu.memory_space<hbm>> -> memref<1x12800xf32, #tpu.memory_space<hbm>>
    tpu.wait_dma2 semaphore(%dma_wait3A_2107 : memref<!tpu.dma_semaphore, #tpu.memory_space<semaphore_mem>>) src(%arg4 : memref<1x12800xf32, #tpu.memory_space<vmem>>) dst(%dma_wait3A_2109 : memref<1x12800xf32, #tpu.memory_space<hbm>>)
    %add3A_2110 = arith.constant 105 : i32
    %add3A_2111 = arith.addi %mul3A_2, %add3A_2110 : i32
    %dma_wait3A_2112 = arith.constant 1 : i32
    %dma_wait3A_2113 = arith.constant 0 : i32
    %dma_wait3A_2114 = tpu.memref_slice %arg3[%add3A_2111, %dma_wait3A_2113] : memref<4096x12800xf32, #tpu.memory_space<hbm>> -> memref<1x12800xf32, #tpu.memory_space<hbm>>
    %dma_wait3A_2115 = tpu.memref_slice %arg6[%dma_wait3A_2112] : memref<4x!tpu.dma_semaphore, #tpu.memory_space<semaphore_mem>> -> memref<1x!tpu.dma_semaphore, #tpu.memory_space<semaphore_mem>>
    %dma_wait3A_2116 = tpu.memref_squeeze %dma_wait3A_2115 : memref<1x!tpu.dma_semaphore, #tpu.memory_space<semaphore_mem>> -> memref<!tpu.dma_semaphore, #tpu.memory_space<semaphore_mem>>
    %dma_wait3A_2117 = arith.constant 0 : i32
    %dma_wait3A_2118 = tpu.memref_slice %arg3[%add3A_2111, %dma_wait3A_2117] : memref<4096x12800xf32, #tpu.memory_space<hbm>> -> memref<1x12800xf32, #tpu.memory_space<hbm>>
    tpu.wait_dma2 semaphore(%dma_wait3A_2116 : memref<!tpu.dma_semaphore, #tpu.memory_space<semaphore_mem>>) src(%arg4 : memref<1x12800xf32, #tpu.memory_space<vmem>>) dst(%dma_wait3A_2118 : memref<1x12800xf32, #tpu.memory_space<hbm>>)
    %add3A_2119 = arith.constant 106 : i32
    %add3A_2120 = arith.addi %mul3A_2, %add3A_2119 : i32
    %dma_wait3A_2121 = arith.constant 2 : i32
    %dma_wait3A_2122 = arith.constant 0 : i32
    %dma_wait3A_2123 = tpu.memref_slice %arg3[%add3A_2120, %dma_wait3A_2122] : memref<4096x12800xf32, #tpu.memory_space<hbm>> -> memref<1x12800xf32, #tpu.memory_space<hbm>>
    %dma_wait3A_2124 = tpu.memref_slice %arg6[%dma_wait3A_2121] : memref<4x!tpu.dma_semaphore, #tpu.memory_space<semaphore_mem>> -> memref<1x!tpu.dma_semaphore, #tpu.memory_space<semaphore_mem>>
    %dma_wait3A_2125 = tpu.memref_squeeze %dma_wait3A_2124 : memref<1x!tpu.dma_semaphore, #tpu.memory_space<semaphore_mem>> -> memref<!tpu.dma_semaphore, #tpu.memory_space<semaphore_mem>>
    %dma_wait3A_2126 = arith.constant 0 : i32
    %dma_wait3A_2127 = tpu.memref_slice %arg3[%add3A_2120, %dma_wait3A_2126] : memref<4096x12800xf32, #tpu.memory_space<hbm>> -> memref<1x12800xf32, #tpu.memory_space<hbm>>
    tpu.wait_dma2 semaphore(%dma_wait3A_2125 : memref<!tpu.dma_semaphore, #tpu.memory_space<semaphore_mem>>) src(%arg4 : memref<1x12800xf32, #tpu.memory_space<vmem>>) dst(%dma_wait3A_2127 : memref<1x12800xf32, #tpu.memory_space<hbm>>)
    %add3A_2128 = arith.constant 107 : i32
    %add3A_2129 = arith.addi %mul3A_2, %add3A_2128 : i32
    %dma_wait3A_2130 = arith.constant 3 : i32
    %dma_wait3A_2131 = arith.constant 0 : i32
    %dma_wait3A_2132 = tpu.memref_slice %arg3[%add3A_2129, %dma_wait3A_2131] : memref<4096x12800xf32, #tpu.memory_space<hbm>> -> memref<1x12800xf32, #tpu.memory_space<hbm>>
    %dma_wait3A_2133 = tpu.memref_slice %arg6[%dma_wait3A_2130] : memref<4x!tpu.dma_semaphore, #tpu.memory_space<semaphore_mem>> -> memref<1x!tpu.dma_semaphore, #tpu.memory_space<semaphore_mem>>
    %dma_wait3A_2134 = tpu.memref_squeeze %dma_wait3A_2133 : memref<1x!tpu.dma_semaphore, #tpu.memory_space<semaphore_mem>> -> memref<!tpu.dma_semaphore, #tpu.memory_space<semaphore_mem>>
    %dma_wait3A_2135 = arith.constant 0 : i32
    %dma_wait3A_2136 = tpu.memref_slice %arg3[%add3A_2129, %dma_wait3A_2135] : memref<4096x12800xf32, #tpu.memory_space<hbm>> -> memref<1x12800xf32, #tpu.memory_space<hbm>>
    tpu.wait_dma2 semaphore(%dma_wait3A_2134 : memref<!tpu.dma_semaphore, #tpu.memory_space<semaphore_mem>>) src(%arg4 : memref<1x12800xf32, #tpu.memory_space<vmem>>) dst(%dma_wait3A_2136 : memref<1x12800xf32, #tpu.memory_space<hbm>>)
    %add3A_2137 = arith.constant 108 : i32
    %add3A_2138 = arith.addi %mul3A_2, %add3A_2137 : i32
    %dma_wait3A_2139 = arith.constant 0 : i32
    %dma_wait3A_2140 = arith.constant 0 : i32
    %dma_wait3A_2141 = tpu.memref_slice %arg3[%add3A_2138, %dma_wait3A_2140] : memref<4096x12800xf32, #tpu.memory_space<hbm>> -> memref<1x12800xf32, #tpu.memory_space<hbm>>
    %dma_wait3A_2142 = tpu.memref_slice %arg6[%dma_wait3A_2139] : memref<4x!tpu.dma_semaphore, #tpu.memory_space<semaphore_mem>> -> memref<1x!tpu.dma_semaphore, #tpu.memory_space<semaphore_mem>>
    %dma_wait3A_2143 = tpu.memref_squeeze %dma_wait3A_2142 : memref<1x!tpu.dma_semaphore, #tpu.memory_space<semaphore_mem>> -> memref<!tpu.dma_semaphore, #tpu.memory_space<semaphore_mem>>
    %dma_wait3A_2144 = arith.constant 0 : i32
    %dma_wait3A_2145 = tpu.memref_slice %arg3[%add3A_2138, %dma_wait3A_2144] : memref<4096x12800xf32, #tpu.memory_space<hbm>> -> memref<1x12800xf32, #tpu.memory_space<hbm>>
    tpu.wait_dma2 semaphore(%dma_wait3A_2143 : memref<!tpu.dma_semaphore, #tpu.memory_space<semaphore_mem>>) src(%arg4 : memref<1x12800xf32, #tpu.memory_space<vmem>>) dst(%dma_wait3A_2145 : memref<1x12800xf32, #tpu.memory_space<hbm>>)
    %add3A_2146 = arith.constant 109 : i32
    %add3A_2147 = arith.addi %mul3A_2, %add3A_2146 : i32
    %dma_wait3A_2148 = arith.constant 1 : i32
    %dma_wait3A_2149 = arith.constant 0 : i32
    %dma_wait3A_2150 = tpu.memref_slice %arg3[%add3A_2147, %dma_wait3A_2149] : memref<4096x12800xf32, #tpu.memory_space<hbm>> -> memref<1x12800xf32, #tpu.memory_space<hbm>>
    %dma_wait3A_2151 = tpu.memref_slice %arg6[%dma_wait3A_2148] : memref<4x!tpu.dma_semaphore, #tpu.memory_space<semaphore_mem>> -> memref<1x!tpu.dma_semaphore, #tpu.memory_space<semaphore_mem>>
    %dma_wait3A_2152 = tpu.memref_squeeze %dma_wait3A_2151 : memref<1x!tpu.dma_semaphore, #tpu.memory_space<semaphore_mem>> -> memref<!tpu.dma_semaphore, #tpu.memory_space<semaphore_mem>>
    %dma_wait3A_2153 = arith.constant 0 : i32
    %dma_wait3A_2154 = tpu.memref_slice %arg3[%add3A_2147, %dma_wait3A_2153] : memref<4096x12800xf32, #tpu.memory_space<hbm>> -> memref<1x12800xf32, #tpu.memory_space<hbm>>
    tpu.wait_dma2 semaphore(%dma_wait3A_2152 : memref<!tpu.dma_semaphore, #tpu.memory_space<semaphore_mem>>) src(%arg4 : memref<1x12800xf32, #tpu.memory_space<vmem>>) dst(%dma_wait3A_2154 : memref<1x12800xf32, #tpu.memory_space<hbm>>)
    %add3A_2155 = arith.constant 110 : i32
    %add3A_2156 = arith.addi %mul3A_2, %add3A_2155 : i32
    %dma_wait3A_2157 = arith.constant 2 : i32
    %dma_wait3A_2158 = arith.constant 0 : i32
    %dma_wait3A_2159 = tpu.memref_slice %arg3[%add3A_2156, %dma_wait3A_2158] : memref<4096x12800xf32, #tpu.memory_space<hbm>> -> memref<1x12800xf32, #tpu.memory_space<hbm>>
    %dma_wait3A_2160 = tpu.memref_slice %arg6[%dma_wait3A_2157] : memref<4x!tpu.dma_semaphore, #tpu.memory_space<semaphore_mem>> -> memref<1x!tpu.dma_semaphore, #tpu.memory_space<semaphore_mem>>
    %dma_wait3A_2161 = tpu.memref_squeeze %dma_wait3A_2160 : memref<1x!tpu.dma_semaphore, #tpu.memory_space<semaphore_mem>> -> memref<!tpu.dma_semaphore, #tpu.memory_space<semaphore_mem>>
    %dma_wait3A_2162 = arith.constant 0 : i32
    %dma_wait3A_2163 = tpu.memref_slice %arg3[%add3A_2156, %dma_wait3A_2162] : memref<4096x12800xf32, #tpu.memory_space<hbm>> -> memref<1x12800xf32, #tpu.memory_space<hbm>>
    tpu.wait_dma2 semaphore(%dma_wait3A_2161 : memref<!tpu.dma_semaphore, #tpu.memory_space<semaphore_mem>>) src(%arg4 : memref<1x12800xf32, #tpu.memory_space<vmem>>) dst(%dma_wait3A_2163 : memref<1x12800xf32, #tpu.memory_space<hbm>>)
    %add3A_2164 = arith.constant 111 : i32
    %add3A_2165 = arith.addi %mul3A_2, %add3A_2164 : i32
    %dma_wait3A_2166 = arith.constant 3 : i32
    %dma_wait3A_2167 = arith.constant 0 : i32
    %dma_wait3A_2168 = tpu.memref_slice %arg3[%add3A_2165, %dma_wait3A_2167] : memref<4096x12800xf32, #tpu.memory_space<hbm>> -> memref<1x12800xf32, #tpu.memory_space<hbm>>
    %dma_wait3A_2169 = tpu.memref_slice %arg6[%dma_wait3A_2166] : memref<4x!tpu.dma_semaphore, #tpu.memory_space<semaphore_mem>> -> memref<1x!tpu.dma_semaphore, #tpu.memory_space<semaphore_mem>>
    %dma_wait3A_2170 = tpu.memref_squeeze %dma_wait3A_2169 : memref<1x!tpu.dma_semaphore, #tpu.memory_space<semaphore_mem>> -> memref<!tpu.dma_semaphore, #tpu.memory_space<semaphore_mem>>
    %dma_wait3A_2171 = arith.constant 0 : i32
    %dma_wait3A_2172 = tpu.memref_slice %arg3[%add3A_2165, %dma_wait3A_2171] : memref<4096x12800xf32, #tpu.memory_space<hbm>> -> memref<1x12800xf32, #tpu.memory_space<hbm>>
    tpu.wait_dma2 semaphore(%dma_wait3A_2170 : memref<!tpu.dma_semaphore, #tpu.memory_space<semaphore_mem>>) src(%arg4 : memref<1x12800xf32, #tpu.memory_space<vmem>>) dst(%dma_wait3A_2172 : memref<1x12800xf32, #tpu.memory_space<hbm>>)
    %add3A_2173 = arith.constant 112 : i32
    %add3A_2174 = arith.addi %mul3A_2, %add3A_2173 : i32
    %dma_wait3A_2175 = arith.constant 0 : i32
    %dma_wait3A_2176 = arith.constant 0 : i32
    %dma_wait3A_2177 = tpu.memref_slice %arg3[%add3A_2174, %dma_wait3A_2176] : memref<4096x12800xf32, #tpu.memory_space<hbm>> -> memref<1x12800xf32, #tpu.memory_space<hbm>>
    %dma_wait3A_2178 = tpu.memref_slice %arg6[%dma_wait3A_2175] : memref<4x!tpu.dma_semaphore, #tpu.memory_space<semaphore_mem>> -> memref<1x!tpu.dma_semaphore, #tpu.memory_space<semaphore_mem>>
    %dma_wait3A_2179 = tpu.memref_squeeze %dma_wait3A_2178 : memref<1x!tpu.dma_semaphore, #tpu.memory_space<semaphore_mem>> -> memref<!tpu.dma_semaphore, #tpu.memory_space<semaphore_mem>>
    %dma_wait3A_2180 = arith.constant 0 : i32
    %dma_wait3A_2181 = tpu.memref_slice %arg3[%add3A_2174, %dma_wait3A_2180] : memref<4096x12800xf32, #tpu.memory_space<hbm>> -> memref<1x12800xf32, #tpu.memory_space<hbm>>
    tpu.wait_dma2 semaphore(%dma_wait3A_2179 : memref<!tpu.dma_semaphore, #tpu.memory_space<semaphore_mem>>) src(%arg4 : memref<1x12800xf32, #tpu.memory_space<vmem>>) dst(%dma_wait3A_2181 : memref<1x12800xf32, #tpu.memory_space<hbm>>)
    %add3A_2182 = arith.constant 113 : i32
    %add3A_2183 = arith.addi %mul3A_2, %add3A_2182 : i32
    %dma_wait3A_2184 = arith.constant 1 : i32
    %dma_wait3A_2185 = arith.constant 0 : i32
    %dma_wait3A_2186 = tpu.memref_slice %arg3[%add3A_2183, %dma_wait3A_2185] : memref<4096x12800xf32, #tpu.memory_space<hbm>> -> memref<1x12800xf32, #tpu.memory_space<hbm>>
    %dma_wait3A_2187 = tpu.memref_slice %arg6[%dma_wait3A_2184] : memref<4x!tpu.dma_semaphore, #tpu.memory_space<semaphore_mem>> -> memref<1x!tpu.dma_semaphore, #tpu.memory_space<semaphore_mem>>
    %dma_wait3A_2188 = tpu.memref_squeeze %dma_wait3A_2187 : memref<1x!tpu.dma_semaphore, #tpu.memory_space<semaphore_mem>> -> memref<!tpu.dma_semaphore, #tpu.memory_space<semaphore_mem>>
    %dma_wait3A_2189 = arith.constant 0 : i32
    %dma_wait3A_2190 = tpu.memref_slice %arg3[%add3A_2183, %dma_wait3A_2189] : memref<4096x12800xf32, #tpu.memory_space<hbm>> -> memref<1x12800xf32, #tpu.memory_space<hbm>>
    tpu.wait_dma2 semaphore(%dma_wait3A_2188 : memref<!tpu.dma_semaphore, #tpu.memory_space<semaphore_mem>>) src(%arg4 : memref<1x12800xf32, #tpu.memory_space<vmem>>) dst(%dma_wait3A_2190 : memref<1x12800xf32, #tpu.memory_space<hbm>>)
    %add3A_2191 = arith.constant 114 : i32
    %add3A_2192 = arith.addi %mul3A_2, %add3A_2191 : i32
    %dma_wait3A_2193 = arith.constant 2 : i32
    %dma_wait3A_2194 = arith.constant 0 : i32
    %dma_wait3A_2195 = tpu.memref_slice %arg3[%add3A_2192, %dma_wait3A_2194] : memref<4096x12800xf32, #tpu.memory_space<hbm>> -> memref<1x12800xf32, #tpu.memory_space<hbm>>
    %dma_wait3A_2196 = tpu.memref_slice %arg6[%dma_wait3A_2193] : memref<4x!tpu.dma_semaphore, #tpu.memory_space<semaphore_mem>> -> memref<1x!tpu.dma_semaphore, #tpu.memory_space<semaphore_mem>>
    %dma_wait3A_2197 = tpu.memref_squeeze %dma_wait3A_2196 : memref<1x!tpu.dma_semaphore, #tpu.memory_space<semaphore_mem>> -> memref<!tpu.dma_semaphore, #tpu.memory_space<semaphore_mem>>
    %dma_wait3A_2198 = arith.constant 0 : i32
    %dma_wait3A_2199 = tpu.memref_slice %arg3[%add3A_2192, %dma_wait3A_2198] : memref<4096x12800xf32, #tpu.memory_space<hbm>> -> memref<1x12800xf32, #tpu.memory_space<hbm>>
    tpu.wait_dma2 semaphore(%dma_wait3A_2197 : memref<!tpu.dma_semaphore, #tpu.memory_space<semaphore_mem>>) src(%arg4 : memref<1x12800xf32, #tpu.memory_space<vmem>>) dst(%dma_wait3A_2199 : memref<1x12800xf32, #tpu.memory_space<hbm>>)
    %add3A_2200 = arith.constant 115 : i32
    %add3A_2201 = arith.addi %mul3A_2, %add3A_2200 : i32
    %dma_wait3A_2202 = arith.constant 3 : i32
    %dma_wait3A_2203 = arith.constant 0 : i32
    %dma_wait3A_2204 = tpu.memref_slice %arg3[%add3A_2201, %dma_wait3A_2203] : memref<4096x12800xf32, #tpu.memory_space<hbm>> -> memref<1x12800xf32, #tpu.memory_space<hbm>>
    %dma_wait3A_2205 = tpu.memref_slice %arg6[%dma_wait3A_2202] : memref<4x!tpu.dma_semaphore, #tpu.memory_space<semaphore_mem>> -> memref<1x!tpu.dma_semaphore, #tpu.memory_space<semaphore_mem>>
    %dma_wait3A_2206 = tpu.memref_squeeze %dma_wait3A_2205 : memref<1x!tpu.dma_semaphore, #tpu.memory_space<semaphore_mem>> -> memref<!tpu.dma_semaphore, #tpu.memory_space<semaphore_mem>>
    %dma_wait3A_2207 = arith.constant 0 : i32
    %dma_wait3A_2208 = tpu.memref_slice %arg3[%add3A_2201, %dma_wait3A_2207] : memref<4096x12800xf32, #tpu.memory_space<hbm>> -> memref<1x12800xf32, #tpu.memory_space<hbm>>
    tpu.wait_dma2 semaphore(%dma_wait3A_2206 : memref<!tpu.dma_semaphore, #tpu.memory_space<semaphore_mem>>) src(%arg4 : memref<1x12800xf32, #tpu.memory_space<vmem>>) dst(%dma_wait3A_2208 : memref<1x12800xf32, #tpu.memory_space<hbm>>)
    %add3A_2209 = arith.constant 116 : i32
    %add3A_2210 = arith.addi %mul3A_2, %add3A_2209 : i32
    %dma_wait3A_2211 = arith.constant 0 : i32
    %dma_wait3A_2212 = arith.constant 0 : i32
    %dma_wait3A_2213 = tpu.memref_slice %arg3[%add3A_2210, %dma_wait3A_2212] : memref<4096x12800xf32, #tpu.memory_space<hbm>> -> memref<1x12800xf32, #tpu.memory_space<hbm>>
    %dma_wait3A_2214 = tpu.memref_slice %arg6[%dma_wait3A_2211] : memref<4x!tpu.dma_semaphore, #tpu.memory_space<semaphore_mem>> -> memref<1x!tpu.dma_semaphore, #tpu.memory_space<semaphore_mem>>
    %dma_wait3A_2215 = tpu.memref_squeeze %dma_wait3A_2214 : memref<1x!tpu.dma_semaphore, #tpu.memory_space<semaphore_mem>> -> memref<!tpu.dma_semaphore, #tpu.memory_space<semaphore_mem>>
    %dma_wait3A_2216 = arith.constant 0 : i32
    %dma_wait3A_2217 = tpu.memref_slice %arg3[%add3A_2210, %dma_wait3A_2216] : memref<4096x12800xf32, #tpu.memory_space<hbm>> -> memref<1x12800xf32, #tpu.memory_space<hbm>>
    tpu.wait_dma2 semaphore(%dma_wait3A_2215 : memref<!tpu.dma_semaphore, #tpu.memory_space<semaphore_mem>>) src(%arg4 : memref<1x12800xf32, #tpu.memory_space<vmem>>) dst(%dma_wait3A_2217 : memref<1x12800xf32, #tpu.memory_space<hbm>>)
    %add3A_2218 = arith.constant 117 : i32
    %add3A_2219 = arith.addi %mul3A_2, %add3A_2218 : i32
    %dma_wait3A_2220 = arith.constant 1 : i32
    %dma_wait3A_2221 = arith.constant 0 : i32
    %dma_wait3A_2222 = tpu.memref_slice %arg3[%add3A_2219, %dma_wait3A_2221] : memref<4096x12800xf32, #tpu.memory_space<hbm>> -> memref<1x12800xf32, #tpu.memory_space<hbm>>
    %dma_wait3A_2223 = tpu.memref_slice %arg6[%dma_wait3A_2220] : memref<4x!tpu.dma_semaphore, #tpu.memory_space<semaphore_mem>> -> memref<1x!tpu.dma_semaphore, #tpu.memory_space<semaphore_mem>>
    %dma_wait3A_2224 = tpu.memref_squeeze %dma_wait3A_2223 : memref<1x!tpu.dma_semaphore, #tpu.memory_space<semaphore_mem>> -> memref<!tpu.dma_semaphore, #tpu.memory_space<semaphore_mem>>
    %dma_wait3A_2225 = arith.constant 0 : i32
    %dma_wait3A_2226 = tpu.memref_slice %arg3[%add3A_2219, %dma_wait3A_2225] : memref<4096x12800xf32, #tpu.memory_space<hbm>> -> memref<1x12800xf32, #tpu.memory_space<hbm>>
    tpu.wait_dma2 semaphore(%dma_wait3A_2224 : memref<!tpu.dma_semaphore, #tpu.memory_space<semaphore_mem>>) src(%arg4 : memref<1x12800xf32, #tpu.memory_space<vmem>>) dst(%dma_wait3A_2226 : memref<1x12800xf32, #tpu.memory_space<hbm>>)
    %add3A_2227 = arith.constant 118 : i32
    %add3A_2228 = arith.addi %mul3A_2, %add3A_2227 : i32
    %dma_wait3A_2229 = arith.constant 2 : i32
    %dma_wait3A_2230 = arith.constant 0 : i32
    %dma_wait3A_2231 = tpu.memref_slice %arg3[%add3A_2228, %dma_wait3A_2230] : memref<4096x12800xf32, #tpu.memory_space<hbm>> -> memref<1x12800xf32, #tpu.memory_space<hbm>>
    %dma_wait3A_2232 = tpu.memref_slice %arg6[%dma_wait3A_2229] : memref<4x!tpu.dma_semaphore, #tpu.memory_space<semaphore_mem>> -> memref<1x!tpu.dma_semaphore, #tpu.memory_space<semaphore_mem>>
    %dma_wait3A_2233 = tpu.memref_squeeze %dma_wait3A_2232 : memref<1x!tpu.dma_semaphore, #tpu.memory_space<semaphore_mem>> -> memref<!tpu.dma_semaphore, #tpu.memory_space<semaphore_mem>>
    %dma_wait3A_2234 = arith.constant 0 : i32
    %dma_wait3A_2235 = tpu.memref_slice %arg3[%add3A_2228, %dma_wait3A_2234] : memref<4096x12800xf32, #tpu.memory_space<hbm>> -> memref<1x12800xf32, #tpu.memory_space<hbm>>
    tpu.wait_dma2 semaphore(%dma_wait3A_2233 : memref<!tpu.dma_semaphore, #tpu.memory_space<semaphore_mem>>) src(%arg4 : memref<1x12800xf32, #tpu.memory_space<vmem>>) dst(%dma_wait3A_2235 : memref<1x12800xf32, #tpu.memory_space<hbm>>)
    %add3A_2236 = arith.constant 119 : i32
    %add3A_2237 = arith.addi %mul3A_2, %add3A_2236 : i32
    %dma_wait3A_2238 = arith.constant 3 : i32
    %dma_wait3A_2239 = arith.constant 0 : i32
    %dma_wait3A_2240 = tpu.memref_slice %arg3[%add3A_2237, %dma_wait3A_2239] : memref<4096x12800xf32, #tpu.memory_space<hbm>> -> memref<1x12800xf32, #tpu.memory_space<hbm>>
    %dma_wait3A_2241 = tpu.memref_slice %arg6[%dma_wait3A_2238] : memref<4x!tpu.dma_semaphore, #tpu.memory_space<semaphore_mem>> -> memref<1x!tpu.dma_semaphore, #tpu.memory_space<semaphore_mem>>
    %dma_wait3A_2242 = tpu.memref_squeeze %dma_wait3A_2241 : memref<1x!tpu.dma_semaphore, #tpu.memory_space<semaphore_mem>> -> memref<!tpu.dma_semaphore, #tpu.memory_space<semaphore_mem>>
    %dma_wait3A_2243 = arith.constant 0 : i32
    %dma_wait3A_2244 = tpu.memref_slice %arg3[%add3A_2237, %dma_wait3A_2243] : memref<4096x12800xf32, #tpu.memory_space<hbm>> -> memref<1x12800xf32, #tpu.memory_space<hbm>>
    tpu.wait_dma2 semaphore(%dma_wait3A_2242 : memref<!tpu.dma_semaphore, #tpu.memory_space<semaphore_mem>>) src(%arg4 : memref<1x12800xf32, #tpu.memory_space<vmem>>) dst(%dma_wait3A_2244 : memref<1x12800xf32, #tpu.memory_space<hbm>>)
    %add3A_2245 = arith.constant 120 : i32
    %add3A_2246 = arith.addi %mul3A_2, %add3A_2245 : i32
    %dma_wait3A_2247 = arith.constant 0 : i32
    %dma_wait3A_2248 = arith.constant 0 : i32
    %dma_wait3A_2249 = tpu.memref_slice %arg3[%add3A_2246, %dma_wait3A_2248] : memref<4096x12800xf32, #tpu.memory_space<hbm>> -> memref<1x12800xf32, #tpu.memory_space<hbm>>
    %dma_wait3A_2250 = tpu.memref_slice %arg6[%dma_wait3A_2247] : memref<4x!tpu.dma_semaphore, #tpu.memory_space<semaphore_mem>> -> memref<1x!tpu.dma_semaphore, #tpu.memory_space<semaphore_mem>>
    %dma_wait3A_2251 = tpu.memref_squeeze %dma_wait3A_2250 : memref<1x!tpu.dma_semaphore, #tpu.memory_space<semaphore_mem>> -> memref<!tpu.dma_semaphore, #tpu.memory_space<semaphore_mem>>
    %dma_wait3A_2252 = arith.constant 0 : i32
    %dma_wait3A_2253 = tpu.memref_slice %arg3[%add3A_2246, %dma_wait3A_2252] : memref<4096x12800xf32, #tpu.memory_space<hbm>> -> memref<1x12800xf32, #tpu.memory_space<hbm>>
    tpu.wait_dma2 semaphore(%dma_wait3A_2251 : memref<!tpu.dma_semaphore, #tpu.memory_space<semaphore_mem>>) src(%arg4 : memref<1x12800xf32, #tpu.memory_space<vmem>>) dst(%dma_wait3A_2253 : memref<1x12800xf32, #tpu.memory_space<hbm>>)
    %add3A_2254 = arith.constant 121 : i32
    %add3A_2255 = arith.addi %mul3A_2, %add3A_2254 : i32
    %dma_wait3A_2256 = arith.constant 1 : i32
    %dma_wait3A_2257 = arith.constant 0 : i32
    %dma_wait3A_2258 = tpu.memref_slice %arg3[%add3A_2255, %dma_wait3A_2257] : memref<4096x12800xf32, #tpu.memory_space<hbm>> -> memref<1x12800xf32, #tpu.memory_space<hbm>>
    %dma_wait3A_2259 = tpu.memref_slice %arg6[%dma_wait3A_2256] : memref<4x!tpu.dma_semaphore, #tpu.memory_space<semaphore_mem>> -> memref<1x!tpu.dma_semaphore, #tpu.memory_space<semaphore_mem>>
    %dma_wait3A_2260 = tpu.memref_squeeze %dma_wait3A_2259 : memref<1x!tpu.dma_semaphore, #tpu.memory_space<semaphore_mem>> -> memref<!tpu.dma_semaphore, #tpu.memory_space<semaphore_mem>>
    %dma_wait3A_2261 = arith.constant 0 : i32
    %dma_wait3A_2262 = tpu.memref_slice %arg3[%add3A_2255, %dma_wait3A_2261] : memref<4096x12800xf32, #tpu.memory_space<hbm>> -> memref<1x12800xf32, #tpu.memory_space<hbm>>
    tpu.wait_dma2 semaphore(%dma_wait3A_2260 : memref<!tpu.dma_semaphore, #tpu.memory_space<semaphore_mem>>) src(%arg4 : memref<1x12800xf32, #tpu.memory_space<vmem>>) dst(%dma_wait3A_2262 : memref<1x12800xf32, #tpu.memory_space<hbm>>)
    %add3A_2263 = arith.constant 122 : i32
    %add3A_2264 = arith.addi %mul3A_2, %add3A_2263 : i32
    %dma_wait3A_2265 = arith.constant 2 : i32
    %dma_wait3A_2266 = arith.constant 0 : i32
    %dma_wait3A_2267 = tpu.memref_slice %arg3[%add3A_2264, %dma_wait3A_2266] : memref<4096x12800xf32, #tpu.memory_space<hbm>> -> memref<1x12800xf32, #tpu.memory_space<hbm>>
    %dma_wait3A_2268 = tpu.memref_slice %arg6[%dma_wait3A_2265] : memref<4x!tpu.dma_semaphore, #tpu.memory_space<semaphore_mem>> -> memref<1x!tpu.dma_semaphore, #tpu.memory_space<semaphore_mem>>
    %dma_wait3A_2269 = tpu.memref_squeeze %dma_wait3A_2268 : memref<1x!tpu.dma_semaphore, #tpu.memory_space<semaphore_mem>> -> memref<!tpu.dma_semaphore, #tpu.memory_space<semaphore_mem>>
    %dma_wait3A_2270 = arith.constant 0 : i32
    %dma_wait3A_2271 = tpu.memref_slice %arg3[%add3A_2264, %dma_wait3A_2270] : memref<4096x12800xf32, #tpu.memory_space<hbm>> -> memref<1x12800xf32, #tpu.memory_space<hbm>>
    tpu.wait_dma2 semaphore(%dma_wait3A_2269 : memref<!tpu.dma_semaphore, #tpu.memory_space<semaphore_mem>>) src(%arg4 : memref<1x12800xf32, #tpu.memory_space<vmem>>) dst(%dma_wait3A_2271 : memref<1x12800xf32, #tpu.memory_space<hbm>>)
    %add3A_2272 = arith.constant 123 : i32
    %add3A_2273 = arith.addi %mul3A_2, %add3A_2272 : i32
    %dma_wait3A_2274 = arith.constant 3 : i32
    %dma_wait3A_2275 = arith.constant 0 : i32
    %dma_wait3A_2276 = tpu.memref_slice %arg3[%add3A_2273, %dma_wait3A_2275] : memref<4096x12800xf32, #tpu.memory_space<hbm>> -> memref<1x12800xf32, #tpu.memory_space<hbm>>
    %dma_wait3A_2277 = tpu.memref_slice %arg6[%dma_wait3A_2274] : memref<4x!tpu.dma_semaphore, #tpu.memory_space<semaphore_mem>> -> memref<1x!tpu.dma_semaphore, #tpu.memory_space<semaphore_mem>>
    %dma_wait3A_2278 = tpu.memref_squeeze %dma_wait3A_2277 : memref<1x!tpu.dma_semaphore, #tpu.memory_space<semaphore_mem>> -> memref<!tpu.dma_semaphore, #tpu.memory_space<semaphore_mem>>
    %dma_wait3A_2279 = arith.constant 0 : i32
    %dma_wait3A_2280 = tpu.memref_slice %arg3[%add3A_2273, %dma_wait3A_2279] : memref<4096x12800xf32, #tpu.memory_space<hbm>> -> memref<1x12800xf32, #tpu.memory_space<hbm>>
    tpu.wait_dma2 semaphore(%dma_wait3A_2278 : memref<!tpu.dma_semaphore, #tpu.memory_space<semaphore_mem>>) src(%arg4 : memref<1x12800xf32, #tpu.memory_space<vmem>>) dst(%dma_wait3A_2280 : memref<1x12800xf32, #tpu.memory_space<hbm>>)
    %add3A_2281 = arith.constant 124 : i32
    %add3A_2282 = arith.addi %mul3A_2, %add3A_2281 : i32
    %dma_wait3A_2283 = arith.constant 0 : i32
    %dma_wait3A_2284 = arith.constant 0 : i32
    %dma_wait3A_2285 = tpu.memref_slice %arg3[%add3A_2282, %dma_wait3A_2284] : memref<4096x12800xf32, #tpu.memory_space<hbm>> -> memref<1x12800xf32, #tpu.memory_space<hbm>>
    %dma_wait3A_2286 = tpu.memref_slice %arg6[%dma_wait3A_2283] : memref<4x!tpu.dma_semaphore, #tpu.memory_space<semaphore_mem>> -> memref<1x!tpu.dma_semaphore, #tpu.memory_space<semaphore_mem>>
    %dma_wait3A_2287 = tpu.memref_squeeze %dma_wait3A_2286 : memref<1x!tpu.dma_semaphore, #tpu.memory_space<semaphore_mem>> -> memref<!tpu.dma_semaphore, #tpu.memory_space<semaphore_mem>>
    %dma_wait3A_2288 = arith.constant 0 : i32
    %dma_wait3A_2289 = tpu.memref_slice %arg3[%add3A_2282, %dma_wait3A_2288] : memref<4096x12800xf32, #tpu.memory_space<hbm>> -> memref<1x12800xf32, #tpu.memory_space<hbm>>
    tpu.wait_dma2 semaphore(%dma_wait3A_2287 : memref<!tpu.dma_semaphore, #tpu.memory_space<semaphore_mem>>) src(%arg4 : memref<1x12800xf32, #tpu.memory_space<vmem>>) dst(%dma_wait3A_2289 : memref<1x12800xf32, #tpu.memory_space<hbm>>)
    %add3A_2290 = arith.constant 125 : i32
    %add3A_2291 = arith.addi %mul3A_2, %add3A_2290 : i32
    %dma_wait3A_2292 = arith.constant 1 : i32
    %dma_wait3A_2293 = arith.constant 0 : i32
    %dma_wait3A_2294 = tpu.memref_slice %arg3[%add3A_2291, %dma_wait3A_2293] : memref<4096x12800xf32, #tpu.memory_space<hbm>> -> memref<1x12800xf32, #tpu.memory_space<hbm>>
    %dma_wait3A_2295 = tpu.memref_slice %arg6[%dma_wait3A_2292] : memref<4x!tpu.dma_semaphore, #tpu.memory_space<semaphore_mem>> -> memref<1x!tpu.dma_semaphore, #tpu.memory_space<semaphore_mem>>
    %dma_wait3A_2296 = tpu.memref_squeeze %dma_wait3A_2295 : memref<1x!tpu.dma_semaphore, #tpu.memory_space<semaphore_mem>> -> memref<!tpu.dma_semaphore, #tpu.memory_space<semaphore_mem>>
    %dma_wait3A_2297 = arith.constant 0 : i32
    %dma_wait3A_2298 = tpu.memref_slice %arg3[%add3A_2291, %dma_wait3A_2297] : memref<4096x12800xf32, #tpu.memory_space<hbm>> -> memref<1x12800xf32, #tpu.memory_space<hbm>>
    tpu.wait_dma2 semaphore(%dma_wait3A_2296 : memref<!tpu.dma_semaphore, #tpu.memory_space<semaphore_mem>>) src(%arg4 : memref<1x12800xf32, #tpu.memory_space<vmem>>) dst(%dma_wait3A_2298 : memref<1x12800xf32, #tpu.memory_space<hbm>>)
    %add3A_2299 = arith.constant 126 : i32
    %add3A_2300 = arith.addi %mul3A_2, %add3A_2299 : i32
    %dma_wait3A_2301 = arith.constant 2 : i32
    %dma_wait3A_2302 = arith.constant 0 : i32
    %dma_wait3A_2303 = tpu.memref_slice %arg3[%add3A_2300, %dma_wait3A_2302] : memref<4096x12800xf32, #tpu.memory_space<hbm>> -> memref<1x12800xf32, #tpu.memory_space<hbm>>
    %dma_wait3A_2304 = tpu.memref_slice %arg6[%dma_wait3A_2301] : memref<4x!tpu.dma_semaphore, #tpu.memory_space<semaphore_mem>> -> memref<1x!tpu.dma_semaphore, #tpu.memory_space<semaphore_mem>>
    %dma_wait3A_2305 = tpu.memref_squeeze %dma_wait3A_2304 : memref<1x!tpu.dma_semaphore, #tpu.memory_space<semaphore_mem>> -> memref<!tpu.dma_semaphore, #tpu.memory_space<semaphore_mem>>
    %dma_wait3A_2306 = arith.constant 0 : i32
    %dma_wait3A_2307 = tpu.memref_slice %arg3[%add3A_2300, %dma_wait3A_2306] : memref<4096x12800xf32, #tpu.memory_space<hbm>> -> memref<1x12800xf32, #tpu.memory_space<hbm>>
    tpu.wait_dma2 semaphore(%dma_wait3A_2305 : memref<!tpu.dma_semaphore, #tpu.memory_space<semaphore_mem>>) src(%arg4 : memref<1x12800xf32, #tpu.memory_space<vmem>>) dst(%dma_wait3A_2307 : memref<1x12800xf32, #tpu.memory_space<hbm>>)
    %add3A_2308 = arith.constant 127 : i32
    %add3A_2309 = arith.addi %mul3A_2, %add3A_2308 : i32
    %dma_wait3A_2310 = arith.constant 3 : i32
    %dma_wait3A_2311 = arith.constant 0 : i32
    %dma_wait3A_2312 = tpu.memref_slice %arg3[%add3A_2309, %dma_wait3A_2311] : memref<4096x12800xf32, #tpu.memory_space<hbm>> -> memref<1x12800xf32, #tpu.memory_space<hbm>>
    %dma_wait3A_2313 = tpu.memref_slice %arg6[%dma_wait3A_2310] : memref<4x!tpu.dma_semaphore, #tpu.memory_space<semaphore_mem>> -> memref<1x!tpu.dma_semaphore, #tpu.memory_space<semaphore_mem>>
    %dma_wait3A_2314 = tpu.memref_squeeze %dma_wait3A_2313 : memref<1x!tpu.dma_semaphore, #tpu.memory_space<semaphore_mem>> -> memref<!tpu.dma_semaphore, #tpu.memory_space<semaphore_mem>>
    %dma_wait3A_2315 = arith.constant 0 : i32
    %dma_wait3A_2316 = tpu.memref_slice %arg3[%add3A_2309, %dma_wait3A_2315] : memref<4096x12800xf32, #tpu.memory_space<hbm>> -> memref<1x12800xf32, #tpu.memory_space<hbm>>
    tpu.wait_dma2 semaphore(%dma_wait3A_2314 : memref<!tpu.dma_semaphore, #tpu.memory_space<semaphore_mem>>) src(%arg4 : memref<1x12800xf32, #tpu.memory_space<vmem>>) dst(%dma_wait3A_2316 : memref<1x12800xf32, #tpu.memory_space<hbm>>)
    return
  }
}

</mosaic_0001>

<sc_bundles>
// kernel: kernel.3.cloned.1.call-start
scs
__scs_entry_jumppad:
0x0: {  	(pc) =	sbr.rel $0x88, $3  }
0x1: {  	(tag) =	ssettag $0x0;
	lr =	simm.s32 $0x1  }
0x2: {  	[smem:$0x3FA0] =	sst lr;
	_ =	strace $0xD0000000  }
0x3: {  	_ = 	snop  }
0x4: {  	_ = 	snop  }
0x5: {  	_ = 	snop  }
0x6: {  	_ = 	snop  }
0x7: {  	_ = 	snop  }
__scs_overlays_trampoline_lowered:
0x8: {  	[smem:$0x3FAF] =	sst s0  }
0x9: {  	[smem:$0x3FB0] =	sst s1  }
0xa: {  	[smem:$0x3FB1] =	sst s2  }
0xb: {  	[smem:$0x3FB2] =	sst s3  }
0xc: {  	[smem:$0x3FB3] =	sst s4  }
0xd: {  	[smem:$0x3FB4] =	sst s5  }
0xe: {  	[smem:$0x3FB5] =	sst s6  }
0xf: {  	[smem:$0x3FB6] =	sst s7  }
0x10: {  	[smem:$0x3FB7] =	sst s8  }
0x11: {  	[smem:$0x3FB8] =	sst s9;
	s0 =	simm.s32 @!p0 $0x0  }
0x12: {  	s1 =	sld [smem:$0x3F9E];
	s0 =	simm.s32 @p0 $0x1  }
0x13: {  	[smem:$0x3FB9] =	sst s0;
	s0 =	simm.s32 @!p1 $0x0  }
0x14: {  	s2 =	sld [smem:$0x3F9D];
	s0 =	simm.s32 @p1 $0x1  }
0x15: {  	[smem:$0x3FBA] =	sst s0;
	s0 =	simm.s32 @!p2 $0x0  }
0x16: {  	s3 =	sld [smem:$0x3FDB];
	s0 =	simm.s32 @p2 $0x1  }
0x17: {  	s4 =	simm.s32 $0x1BF5;
	[smem:$0x3FBC] =	sst s0  }
0x18: {  	s0 =	sld [smem:$0x3F9F];
	_ =	swait.ge [sflag:s4], $0x0  }
0x19: {  	s7 =	sld [smem:$0x3FA0]  }
0x1a: {  	s8 =	sadd.s32 $0xFFFFE003, lr  }
0x1b: {  	s9 =	sadd.s32 $0xFFFFFEF7, lr;
	s5 =	simm.s32 $0xFFFFFFFF;
	p2 =	slt.u32 s8, $0xFFFFF086  }
0x1c: {  	p1 =	slt.u32 s9, $0xF7A;
	s5 =	simm.s32 @!p2 $0x0  }
0x1d: {  	s5 =	simm.s32 @p1 $0x1;
	p0 =	seq.s32 s7, s2  }
0x1e: {  	s7 =	smul.u32 @!p0 $0xF7A, s2;
	p2 =	seq.s32 @!p0 s5, $0x0  }
0x1f: {  	s9 =	smul.u32 $0xF7A, s1;
	s8 =	simm.s32 @!p0 $0x1BF5;
	p2 =	por !p2, p0  }
0x20: {  	[sflag:s8] =	ssyncset.s32 @!p0 $0xFFFFF086;
	s6 =	sadd.s32 @!p0 s3, s7;
	s7 =	simm.s32 @!p0 $0x108  }
0x21: {  	s3 =	sadd.s32 s3, s9;
	s6 =	sadd.s32 @!p0 $0x88, s6;
	s7 =	simm.s32 @p2 $0x1082  }
0x22: {  	[simem:s7], [sflag:s8] =	dma.local @!p0 [hbm:s6], $0xF7A  }
0x23: {  	s9 =	sor.u32 $0xD0000000, s2;
	s6 =	simm.s32 $0x108;
	_ =	swait.ge @!p0 [sflag:s8], $0x0  }
0x24: {  	s3 =	sadd.s32 $0x88, s3;
	s6 =	simm.s32 @!p1 $0x1082;
	[sflag:s4] =	ssyncset.s32 $0xFFFFF086  }
0x25: {  	[simem:s6], [sflag:s4] =	dma.local [hbm:s3], $0xF7A  }
0x26: {  	[smem:$0x3FA0] =	sst s1;
	(tag) =	ssettag s2;
	_ =	strace s9  }
0x27: {  	s1 =	sld [smem:$0x3FB0]  }
0x28: {  	s2 =	sld [smem:$0x3FB1]  }
0x29: {  	s4 =	sld [smem:$0x3FB3]  }
0x2a: {  	p0 =	seq.s32 s5, $0x0;
	s5 =	sld [smem:$0x3FB4]  }
0x2b: {  	s6 =	sld [smem:$0x3FB5]  }
0x2c: {  	s7 =	sld [smem:$0x3FB6]  }
0x2d: {  	s3 =	simm.s32 $0x108;
	s8 =	sld [smem:$0x3FB7]  }
0x2e: {  	s3 =	simm.s32 @!p0 $0x1082;
	s9 =	sld [smem:$0x3FB8]  }
0x2f: {  	lr =	sadd.s32 s0, s3;
	s0 =	sld [smem:$0x3FAF]  }
0x30: {  	s3 =	sld [smem:$0x3FB2]  }
0x31: {  	[smem:$0x3FBB] =	sst s10  }
0x32: {  	s10 =	sld [smem:$0x3FB9];
	_ =	sdelay $0x3  }
0x33: {  	p0 =	seq.s32 s10, $0x1;
	s10 =	sld [smem:$0x3FBB];
	_ =	sdelay $0x3  }
0x34: {  	[smem:$0x3FBB] =	sst s10  }
0x35: {  	s10 =	sld [smem:$0x3FBA];
	_ =	sdelay $0x3  }
0x36: {  	p1 =	seq.s32 s10, $0x1;
	s10 =	sld [smem:$0x3FBB];
	_ =	sdelay $0x3  }
0x37: {  	[smem:$0x3FBB] =	sst s10  }
0x38: {  	s10 =	sld [smem:$0x3FBC]  }
0x39: {  	_ = 	snop;
	(pc) =	sbr.ind lr, $3  }
0x3a: {  	_ = 	snop  }
0x3b: {  	_ = 	snop  }
0x3c: {  	p2 =	seq.s32 s10, $0x1;
	s10 =	sld [smem:$0x3FBB]  }
0x3d: {  	_ =	shalt  }
0x3e: {  	_ =	shalt  }
0x3f: {  	_ =	shalt  }
0x40: {  	_ =	shalt  }
0x41: {  	_ =	shalt  }
0x42: {  	_ =	shalt  }
0x43: {  	_ =	shalt  }
0x44: {  	_ =	shalt  }
0x45: {  	_ =	shalt  }
0x46: {  	_ =	shalt  }
0x47: {  	_ =	shalt  }
0x48: {  	_ =	shalt  }
0x49: {  	_ =	shalt  }
0x4a: {  	_ =	shalt  }
0x4b: {  	_ =	shalt  }
0x4c: {  	_ =	shalt  }
0x4d: {  	_ =	shalt  }
0x4e: {  	_ =	shalt  }
0x4f: {  	_ =	shalt  }
0x50: {  	_ =	shalt  }
0x51: {  	_ =	shalt  }
0x52: {  	_ =	shalt  }
0x53: {  	_ =	shalt  }
0x54: {  	_ =	shalt  }
0x55: {  	_ =	shalt  }
0x56: {  	_ =	shalt  }
0x57: {  	_ =	shalt  }
0x58: {  	_ =	shalt  }
0x59: {  	_ =	shalt  }
0x5a: {  	_ =	shalt  }
0x5b: {  	_ =	shalt  }
0x5c: {  	_ =	shalt  }
0x5d: {  	_ =	shalt  }
0x5e: {  	_ =	shalt  }
0x5f: {  	_ =	shalt  }
0x60: {  	_ =	shalt  }
0x61: {  	_ =	shalt  }
0x62: {  	_ =	shalt  }
0x63: {  	_ =	shalt  }
0x64: {  	_ =	shalt  }
0x65: {  	_ =	shalt  }
0x66: {  	_ =	shalt  }
0x67: {  	_ =	shalt  }
0x68: {  	_ =	shalt  }
0x69: {  	_ =	shalt  }
0x6a: {  	_ =	shalt  }
0x6b: {  	_ =	shalt  }
0x6c: {  	_ =	shalt  }
0x6d: {  	_ =	shalt  }
0x6e: {  	_ =	shalt  }
0x6f: {  	_ =	shalt  }
0x70: {  	_ =	shalt  }
0x71: {  	_ =	shalt  }
0x72: {  	_ =	shalt  }
0x73: {  	_ =	shalt  }
0x74: {  	_ =	shalt  }
0x75: {  	_ =	shalt  }
0x76: {  	_ =	shalt  }
0x77: {  	_ =	shalt  }
0x78: {  	_ =	shalt  }
0x79: {  	_ =	shalt  }
0x7a: {  	_ =	shalt  }
0x7b: {  	_ =	shalt  }
0x7c: {  	_ =	shalt  }
0x7d: {  	_ =	shalt  }
0x7e: {  	_ =	shalt  }
0x7f: {  	_ =	shalt  }
0x80: {  	_ =	shalt  }
0x81: {  	_ =	shalt  }
0x82: {  	_ =	shalt  }
0x83: {  	_ =	shalt  }
0x84: {  	_ =	shalt  }
0x85: {  	_ =	shalt  }
0x86: {  	_ =	shalt  }
0x87: {  	_ =	shalt  }
.Lfunc_end0:
.L_simem_size_0:
called_computation_lowered:
.L_overlay_start_0:
0x88: {  	s2 =	sld [smem:$0x3FD9]  }
0x89: {  	s3 =	sld [smem:$0x3FFE];
	_ =	sdelay $0x1  }
0x8a: {  	s1 =	srdreg.scid  }
0x8b: {  	s0 =	sand.u32 $0x1, s1  }
0x8c: {  	s17 =	sshll.u32 s0, $0xA;
	s2 =	sadd.s32 s3, s2  }
0x8d: {  	s2 =	sadd.s32 s2, s17  }
0x8e: {  	[smem:$0x3FC7] =	sst s2  }
0x8f: {  	_ = 	snop  }
0x90: {  	s2 =	sld [smem:$0x3FD0];
	(tm) =	ssettm $0x1  }
0x91: {  	s18 =	sld [smem:$0x3FFB];
	_ =	sdelay $0x3  }
0x92: {  	_ =	strace s18  }
0x93: {  	s3 =	sld [smem:$0x3FFC];
	_ =	sdelay $0x3  }
0x94: {  	_ =	strace s3  }
0x95: {  	s3 =	sld [smem:$0x3FFD];
	_ =	sdelay $0x3  }
0x96: {  	_ =	strace s3  }
0x97: {  	_ =	strace $0x8FFFFFFF  }
0x98: {  	s19 =	sld [smem:$0x3FDB];
	_ =	sdelay $0x1  }
0x99: {  	s4 =	simm.s32 $_scs_section_size  }
0x9a: {  	s5 =	simm.s32 $_size__tile_overlayer_lowered;
	s6 =	simm.s32 $_tile_overlayer_lowered  }
0x9b: {  	s22 =	simm.s32 $0x1BFF;
	s21 =	sshll.u32 s6, $0x1;
	s3 =	sadd.s32 s4, s19  }
0x9c: {  	s7 =	simm.s32 $0x0;
	s20 =	sshll.u32 s5, $0x1;
	s5 =	sadd.s32 s21, s3  }
0x9d: {  	[timem:s7], [sflag:s22] =	dma.local [hbm:s5], s20  }
0x9e: {  	_ =	swait.ge [sflag:s22], s20  }
0x9f: {  	s4 =	ssub.s32 $0x0, s20;
	[sflag:s22] =	ssyncset.done $0x0  }
0xa0: {  	[sflag:s22] =	ssyncadd.s32 s4;
	_ =	sdelay $0x1  }
0xa1: {  	s23 =	simm.s32 $0x1B8B  }
0xa2: {  	_ =	swait.ge [sflag:s23], $0x1  }
0xa3: {  	[sflag:s23] =	ssyncset.done $0x0  }
0xa4: {  	s25 =	simm.s32 $0x1B8E;
	s24 =	sld [smem:$0x3FFE];
	[sflag:s23] =	ssyncadd.s32 $0xFFFFFFFF  }
0xa5: {  	s26 =	simm.s32 $execute0_lowered;
	[smem:$0x3FD2] =	sst s25  }
0xa6: {  	s5 =	sshll.u32 s26, $0x1;
	_ =	strace $0x80000046;
	[dreg:$0x1] =	wrdreg $0xFFFFFFFF  }
0xa7: {  	s28 =	simm.s32 $_size_execute0_lowered;
	s3 =	sadd.s32 s3, s5;
	[dreg:$0x0] =	wrdreg $0x0  }
0xa8: {  	s5 =	sshll.u32 s28, $0x1;
	[dreg:$0x2] =	wrdreg s3  }
0xa9: {  	[dreg:$0x3] =	wrdreg s5  }
0xaa: {  	[dreg:$0x4] =	wrdreg $0xC0  }
0xab: {  	_ =	task [dreg:s7], $0x5FFFF  }
0xac: {  	[dreg:$0x1] =	wrdreg $0xFFFFFFFF  }
0xad: {  	[dreg:$0x0] =	wrdreg $0x60  }
0xae: {  	[dreg:$0x2] =	wrdreg s2  }
0xaf: {  	[dreg:$0x3] =	wrdreg s24  }
0xb0: {  	[dreg:$0x4] =	wrdreg $0x9  }
0xb1: {  	_ =	task.clear_ibuf [dreg:s7], $0x5FFFF;
	_ =	strace $0x90000046  }
0xb2: {  	s29 =	simm.s32 $0x9;
	_ =	strace $0x80000048  }
0xb3: {  	_ =	swait.ge [sflag:s29], $0x1  }
0xb4: {  	[sflag:s29] =	ssyncadd.s32 $0xFFFFFFFF  }
0xb5: {  	_ =	strace $0x90000048  }
0xb6: {  	_ =	sfence  }
0xb7: {  	s30 =	sld [smem:$0x0];
	_ =	sdelay $0x2  }
0xb8: {  	s31 =	sshll.u32 s1, $0xD;
	s1 =	sshrl.u32 s1, $0x2  }
0xb9: {  	s3 =	sand.u32 $0x4000, s31;
	s1 =	sadd.s32 s1, s30  }
0xba: {  	s0 =	sor.u32 s3, s0;
	s1 =	sshll.u32 s1, $0x11  }
0xbb: {  	s0 =	sor.u32 s1, s0  }
0xbc: {  	s0 =	sadd.s32 $0x8F2B, s0  }
0xbd: {  	[sflag:s0] =	ssyncadd.remote.s32 $0x1  }
0xbe: {  	_ =	sfence.sel $0xFFFF  }
0xbf: {  	[dreg:$0x0] =	wrdreg $0xFFFFFFFF;
	(pc) =	sbr.abs _section_cstart, $3  }
0xc0: {  	[dreg:$0x1] =	wrdreg $0xFFFFFFFF  }
0xc1: {  	_ =	task.clear_ibuf [dreg:s7], $0x2FFFF;
	_ =	strace $0x9FFFFFFF  }
0xc2: {  	(tm) =	ssettm $0x7FFFFFFF  }
0xc3: {  	_ =	shalt  }
tec
execute0_lowered:
.L_overlay_start_1:
0x0: {  	(tag) =	ssettag $0x1  }
0x1: {  	s0 =	srdreg.scid  }
0x2: {  	s8 =	stileid.u32;
	s2 =	sand.u32 $0x1, s0  }
0x3: {  	s1 =	sshll.u32 s8, $0x5;
	s3 =	sshll.u32 s2, $0x4  }
0x4: {  	s6 =	rddreg [dreg:$0x0];
	s7 =	sor.u32 s3, s1  }
0x5: {  	s9 =	rddreg [dreg:$0x1];
	s3 =	smul.u32 $0x3200, s7  }
0x6: {  	[dreg:$0x3] =	wrdreg s6;
	s6 =	simm.s32 $0x0;
	s1 =	sadd.s32 $0x400, s9  }
0x7: {  	[smem:$0x7FF] =	sst s6;
	s4 =	sadd.s32 s1, s3  }
0x8: {  	_ =	strace $0x80000047;
	s3 =	sadd.s32 $0x10, s4;
	[smem:$0x7AE] =	sst s4  }
0x9: {  	s10 =	sadd.s32 $0x20, s4;
	[dreg:$0x4] =	wrdreg s3  }
0xa: {  	s11 =	sadd.s32 $0x30, s4;
	[dreg:$0x5] =	wrdreg s10  }
0xb: {  	s0 =	smul.u32 $0x19000, s7;
	s12 =	sadd.s32 $0x40, s4;
	[dreg:$0x6] =	wrdreg s11  }
0xc: {  	s13 =	sadd.s32 $0x50, s4;
	[dreg:$0x7] =	wrdreg s12  }
0xd: {  	s0 =	sshrl.u32 s0, $0x3;
	s14 =	sadd.s32 $0x60, s4;
	[dreg:$0x8] =	wrdreg s13  }
0xe: {  	s15 =	sadd.s32 $0x70, s4;
	s1 =	sadd.s32 s1, s0;
	[dreg:$0x9] =	wrdreg s14  }
0xf: {  	[dreg:$0xa] =	wrdreg s15;
	s0 =	sadd.s32 $0x3200, s1  }
0x10: {  	s16 =	sadd.s32 $0x3210, s1;
	[dreg:$0xb] =	wrdreg s0  }
0x11: {  	s17 =	sadd.s32 $0x3220, s1;
	[dreg:$0xc] =	wrdreg s16  }
0x12: {  	s18 =	sadd.s32 $0x3230, s1;
	[dreg:$0xd] =	wrdreg s17  }
0x13: {  	s19 =	sadd.s32 $0x3240, s1;
	[dreg:$0xe] =	wrdreg s18  }
0x14: {  	s20 =	sadd.s32 $0x3250, s1;
	[dreg:$0xf] =	wrdreg s19  }
0x15: {  	s21 =	sadd.s32 $0x3260, s1;
	[dreg:$0x10] =	wrdreg s20  }
0x16: {  	s22 =	sadd.s32 $0x3270, s1;
	[dreg:$0x11] =	wrdreg s21  }
0x17: {  	s23 =	sadd.s32 $0x6400, s1;
	[dreg:$0x12] =	wrdreg s22  }
0x18: {  	s24 =	sadd.s32 $0x6410, s1;
	[dreg:$0x13] =	wrdreg s23  }
0x19: {  	s25 =	sadd.s32 $0x6420, s1;
	[dreg:$0x14] =	wrdreg s24  }
0x1a: {  	s26 =	sadd.s32 $0x6430, s1;
	[dreg:$0x15] =	wrdreg s25  }
0x1b: {  	s3 =	sadd.s32 $0x6440, s1;
	[dreg:$0x16] =	wrdreg s26  }
0x1c: {  	s4 =	sadd.s32 $0x6450, s1;
	[dreg:$0x17] =	wrdreg s3  }
0x1d: {  	s5 =	sadd.s32 $0x6460, s1;
	[dreg:$0x18] =	wrdreg s4  }
0x1e: {  	s7 =	sadd.s32 $0x6470, s1;
	[dreg:$0x19] =	wrdreg s5  }
0x1f: {  	s9 =	sadd.s32 $0x9600, s1;
	[dreg:$0x1a] =	wrdreg s7  }
0x20: {  	s10 =	sadd.s32 $0x9610, s1;
	[dreg:$0x1b] =	wrdreg s9  }
0x21: {  	s11 =	sadd.s32 $0x9620, s1;
	[dreg:$0x1c] =	wrdreg s10  }
0x22: {  	s12 =	sadd.s32 $0x9630, s1;
	[dreg:$0x1d] =	wrdreg s11  }
0x23: {  	s13 =	sadd.s32 $0x9640, s1;
	[dreg:$0x1e] =	wrdreg s12  }
0x24: {  	s14 =	sadd.s32 $0x9650, s1;
	[dreg:$0x1f] =	wrdreg s13  }
0x25: {  	s15 =	sadd.s32 $0x9660, s1;
	[smem:$0x7AF] =	sst s14  }
0x26: {  	[smem:$0x7B0] =	sst s15  }
0x27: {  	s16 =	sadd.s32 $0x9670, s1;
	s0 =	rddreg [dreg:$0x3]  }
0x28: {  	s17 =	sadd.s32 $0xC800, s1;
	[smem:$0x7B1] =	sst s16  }
0x29: {  	s18 =	sadd.s32 $0xC810, s1;
	[smem:$0x7B2] =	sst s17  }
0x2a: {  	s19 =	sadd.s32 $0xC820, s1;
	[smem:$0x7B3] =	sst s18  }
0x2b: {  	s20 =	sadd.s32 $0xC830, s1;
	[smem:$0x7B4] =	sst s19  }
0x2c: {  	s21 =	sadd.s32 $0xC840, s1;
	[smem:$0x7B5] =	sst s20  }
0x2d: {  	s22 =	sadd.s32 $0xC850, s1;
	[smem:$0x7B6] =	sst s21  }
0x2e: {  	s23 =	sadd.s32 $0xC860, s1;
	[smem:$0x7B7] =	sst s22  }
0x2f: {  	s24 =	sadd.s32 $0xC870, s1;
	[smem:$0x7B8] =	sst s23  }
0x30: {  	s25 =	sadd.s32 $0xFA00, s1;
	[smem:$0x7B9] =	sst s24  }
0x31: {  	s26 =	sadd.s32 $0xFA10, s1;
	[smem:$0x7BA] =	sst s25  }
0x32: {  	s3 =	sadd.s32 $0xFA20, s1;
	[smem:$0x7BB] =	sst s26  }
0x33: {  	s4 =	sadd.s32 $0xFA30, s1;
	[smem:$0x7BC] =	sst s3  }
0x34: {  	s5 =	sadd.s32 $0xFA40, s1;
	[smem:$0x7BD] =	sst s4  }
0x35: {  	s7 =	sadd.s32 $0xFA50, s1;
	[smem:$0x7BE] =	sst s5  }
0x36: {  	s9 =	sadd.s32 $0xFA60, s1;
	[smem:$0x7BF] =	sst s7  }
0x37: {  	s10 =	sadd.s32 $0xFA70, s1;
	[smem:$0x7C0] =	sst s9  }
0x38: {  	s11 =	sadd.s32 $0x12C00, s1;
	[smem:$0x7C1] =	sst s10  }
0x39: {  	s12 =	sadd.s32 $0x12C10, s1;
	[smem:$0x7C2] =	sst s11  }
0x3a: {  	s13 =	sadd.s32 $0x12C20, s1;
	[smem:$0x7C3] =	sst s12  }
0x3b: {  	s14 =	sadd.s32 $0x12C30, s1;
	[smem:$0x7C4] =	sst s13  }
0x3c: {  	s15 =	sadd.s32 $0x12C40, s1;
	[smem:$0x7C5] =	sst s14  }
0x3d: {  	[smem:$0x7C6] =	sst s15;
	s16 =	sadd.s32 $0x12C50, s1  }
0x3e: {  	s17 =	sadd.s32 $0x12C60, s1;
	[smem:$0x7C7] =	sst s16  }
0x3f: {  	s18 =	sadd.s32 $0x12C70, s1;
	[smem:$0x7C8] =	sst s17  }
0x40: {  	s19 =	sadd.s32 $0x15E00, s1;
	[smem:$0x7C9] =	sst s18  }
0x41: {  	s20 =	sadd.s32 $0x15E10, s1;
	[smem:$0x7CA] =	sst s19  }
0x42: {  	s21 =	sadd.s32 $0x15E20, s1;
	[smem:$0x7CB] =	sst s20  }
0x43: {  	s22 =	sadd.s32 $0x15E30, s1;
	[smem:$0x7CC] =	sst s21  }
0x44: {  	s23 =	sadd.s32 $0x15E40, s1;
	[smem:$0x7CD] =	sst s22  }
0x45: {  	s24 =	sadd.s32 $0x15E50, s1;
	[smem:$0x7CE] =	sst s23  }
0x46: {  	s25 =	sadd.s32 $0x15E60, s1;
	[smem:$0x7CF] =	sst s24  }
0x47: {  	s26 =	sadd.s32 $0x15E70, s1;
	[smem:$0x7D0] =	sst s25  }
0x48: {  	s3 =	sadd.s32 $0x19000, s1;
	[smem:$0x7D1] =	sst s26  }
0x49: {  	s4 =	sadd.s32 $0x19010, s1;
	[smem:$0x7D2] =	sst s3  }
0x4a: {  	s5 =	sadd.s32 $0x19020, s1;
	[smem:$0x7D3] =	sst s4  }
0x4b: {  	s7 =	sadd.s32 $0x19030, s1;
	[smem:$0x7D4] =	sst s5  }
0x4c: {  	s9 =	sadd.s32 $0x19040, s1;
	[smem:$0x7D5] =	sst s7  }
0x4d: {  	s10 =	sadd.s32 $0x19050, s1;
	[smem:$0x7D6] =	sst s9  }
0x4e: {  	s11 =	sadd.s32 $0x19060, s1;
	[smem:$0x7D7] =	sst s10  }
0x4f: {  	s12 =	sadd.s32 $0x19070, s1;
	[smem:$0x7D8] =	sst s11  }
0x50: {  	s13 =	sadd.s32 $0x1C200, s1;
	[smem:$0x7D9] =	sst s12  }
0x51: {  	s14 =	sadd.s32 $0x1C210, s1;
	[smem:$0x7DA] =	sst s13  }
0x52: {  	s15 =	sadd.s32 $0x1C220, s1;
	[smem:$0x7DB] =	sst s14  }
0x53: {  	[smem:$0x7DC] =	sst s15;
	s16 =	sadd.s32 $0x1C230, s1  }
0x54: {  	s17 =	sadd.s32 $0x1C240, s1;
	[smem:$0x7DD] =	sst s16  }
0x55: {  	s18 =	sadd.s32 $0x1C250, s1;
	[smem:$0x7DE] =	sst s17  }
0x56: {  	s19 =	sadd.s32 $0x1C260, s1;
	[smem:$0x7DF] =	sst s18  }
0x57: {  	s20 =	sadd.s32 $0x1C270, s1;
	[smem:$0x7E0] =	sst s19  }
0x58: {  	s21 =	sadd.s32 $0x1F400, s1;
	[smem:$0x7E1] =	sst s20  }
0x59: {  	s22 =	sadd.s32 $0x1F410, s1;
	[smem:$0x7E2] =	sst s21  }
0x5a: {  	s23 =	sadd.s32 $0x1F420, s1;
	[smem:$0x7E3] =	sst s22  }
0x5b: {  	s24 =	sadd.s32 $0x1F430, s1;
	[smem:$0x7E4] =	sst s23  }
0x5c: {  	s25 =	sadd.s32 $0x1F440, s1;
	[smem:$0x7E5] =	sst s24  }
0x5d: {  	s26 =	sadd.s32 $0x1F450, s1;
	[smem:$0x7E6] =	sst s25  }
0x5e: {  	s3 =	sadd.s32 $0x1F460, s1;
	[smem:$0x7E7] =	sst s26  }
0x5f: {  	s4 =	sadd.s32 $0x1F470, s1;
	[smem:$0x7E8] =	sst s3  }
0x60: {  	s5 =	sadd.s32 $0x22600, s1;
	[smem:$0x7E9] =	sst s4  }
0x61: {  	s7 =	sadd.s32 $0x22610, s1;
	[smem:$0x7EA] =	sst s5  }
0x62: {  	s9 =	sadd.s32 $0x22620, s1;
	[smem:$0x7EB] =	sst s7  }
0x63: {  	s10 =	sadd.s32 $0x22630, s1;
	[smem:$0x7EC] =	sst s9  }
0x64: {  	s11 =	sadd.s32 $0x22640, s1;
	[smem:$0x7ED] =	sst s10  }
0x65: {  	s31 =	simm.s32 $0x1;
	s12 =	sadd.s32 $0x22650, s1;
	[smem:$0x7EE] =	sst s11  }
0x66: {  	p0 =	por $0x0, $0x0;
	s13 =	sadd.s32 $0x22660, s1;
	[smem:$0x7EF] =	sst s12  }
0x67: {  	s29 =	simm.s32 $0x80;
	s14 =	sadd.s32 $0x22670, s1;
	[smem:$0x7F0] =	sst s13  }
0x68: {  	s30 =	simm.s32 $0x400;
	s15 =	sadd.s32 $0x25800, s1;
	[smem:$0x7F1] =	sst s14  }
0x69: {  	s2 =	ssub.s32 $0x2, s2;
	s28 =	sadd.s32 $0x2EE60, s1;
	[smem:$0x7F2] =	sst s15  }
0x6a: {  	s16 =	sadd.s32 $0x25810, s1;
	s17 =	sadd.s32 $0x25820, s1;
	s18 =	sadd.s32 $0x25830, s1  }
0x6b: {  	s19 =	sadd.s32 $0x25840, s1;
	s20 =	sadd.s32 $0x25850, s1;
	[smem:$0x7F3] =	sst s16  }
0x6c: {  	s21 =	sadd.s32 $0x25860, s1;
	s22 =	sadd.s32 $0x25870, s1;
	[smem:$0x7F4] =	sst s17  }
0x6d: {  	s23 =	sadd.s32 $0x28A00, s1;
	s24 =	sadd.s32 $0x28A10, s1;
	[smem:$0x7F5] =	sst s18  }
0x6e: {  	s25 =	sshrl.u32 s2, $0x1;
	s26 =	sadd.s32 $0x28A20, s1;
	[smem:$0x7F6] =	sst s19  }
0x6f: {  	s4 =	sadd.s32 $0x28A30, s1;
	s9 =	sadd.s32 $0x28A40, s1;
	[smem:$0x7F7] =	sst s20  }
0x70: {  	s10 =	sadd.s32 $0x28A50, s1;
	s11 =	sadd.s32 $0x28A60, s1;
	[smem:$0x7F8] =	sst s21  }
0x71: {  	s12 =	sadd.s32 $0x28A70, s1;
	s13 =	sadd.s32 $0x2BC00, s1;
	[smem:$0x7F9] =	sst s22  }
0x72: {  	s14 =	sadd.s32 $0x2BC10, s1;
	s15 =	sadd.s32 $0x2BC20, s1;
	[smem:$0x7FA] =	sst s23  }
0x73: {  	s7 =	sadd.s32 $0x2EE70, s1;
	[smem:$0x7FB] =	sst s24;
	s2 =	ssub.s32 s2, s25  }
0x74: {  	s3 =	simm.s32 $0x4;
	[smem:$0x7FC] =	sst s26;
	s5 =	smax.u32 s2, $0x1  }
0x75: {  	[smem:$0x7FD] =	sst s4;
	s16 =	sadd.s32 $0x2BC30, s1;
	p1 =	sne.s32 s5, $0x1  }
.Ltmp0:
0x76: {  	s17 =	sadd.s32 $0x2BC40, s1;
	s18 =	sadd.s32 $0x2BC50, s1;
	(pc) =	sbr.rel @!p1 .LBB2_1-.Ltmp0, $4  }
0x77: {  	s19 =	sadd.s32 $0x2BC60, s1;
	s20 =	sadd.s32 $0x2BC70, s1;
	s21 =	sadd.s32 $0x2EE00, s1  }
0x78: {  	s22 =	sadd.s32 $0x2EE10, s1;
	s23 =	sadd.s32 $0x2EE20, s1;
	s24 =	sadd.s32 $0x2EE30, s1  }
0x79: {  	s25 =	sadd.s32 $0x2EE40, s1;
	s26 =	sadd.s32 $0x2EE50, s1;
	s4 =	simm.s32 $0x3  }
0x7a: {  	s2 =	simm.s32 $0x5;
	s1 =	sadd.s32 $0xFFFFFFFF, s5;
	s5 =	simm.s32 $0x2  }
0x7b: {  	[tilespmem:s6], [sflag:$0x1] =	stream.linear.gather [hbm4b:s0+s6], $0x3200, $0x38;
	[tilespmem:$0x3200] =	vst v63  }
0x7c: {  	_ =	swait.ge [sflag:s31], $0x3200  }
0x7d: {  	s8 =	smov.u32 s1;
	s1 =	sld [smem:$0x7AE]  }
0x7e: {  	[sflag:s31] =	ssyncset.done $0x0  }
0x7f: {  	s0 =	rddreg [dreg:$0x4];
	[sflag:s31] =	ssyncadd.s32 $0xFFFFCE00  }
0x80: {  	[hbm4b:s1+s29] =	stream.strided.scatter [tilespmem:s6], [sflag:$0x2], $0x3200, s30, s29, $0x38;
	[tilespmem:$0x3200] =	vst v63  }
0x81: {  	s1 =	rddreg [dreg:$0x5]  }
0x82: {  	[hbm4b:s0+s29] =	stream.strided.scatter [tilespmem:s6], [sflag:$0x3], $0x3200, s30, s29, $0x38;
	[tilespmem:$0x3200] =	vst v63  }
0x83: {  	s0 =	rddreg [dreg:$0x6]  }
0x84: {  	[hbm4b:s1+s29] =	stream.strided.scatter [tilespmem:s6], [sflag:$0x4], $0x3200, s30, s29, $0x38;
	[tilespmem:$0x3200] =	vst v63  }
0x85: {  	s1 =	rddreg [dreg:$0x7]  }
0x86: {  	[hbm4b:s0+s29] =	stream.strided.scatter [tilespmem:s6], [sflag:$0x5], $0x3200, s30, s29, $0x38;
	[tilespmem:$0x3200] =	vst v63  }
0x87: {  	s0 =	rddreg [dreg:$0x8]  }
0x88: {  	[hbm4b:s1+s29] =	stream.strided.scatter [tilespmem:s6], [sflag:$0x2], $0x3200, s30, s29, $0x38;
	[tilespmem:$0x3200] =	vst v63  }
0x89: {  	s1 =	rddreg [dreg:$0x9]  }
0x8a: {  	[hbm4b:s0+s29] =	stream.strided.scatter [tilespmem:s6], [sflag:$0x3], $0x3200, s30, s29, $0x38;
	[tilespmem:$0x3200] =	vst v63  }
0x8b: {  	s0 =	rddreg [dreg:$0xa]  }
0x8c: {  	[hbm4b:s1+s29] =	stream.strided.scatter [tilespmem:s6], [sflag:$0x4], $0x3200, s30, s29, $0x38;
	[tilespmem:$0x3200] =	vst v63  }
0x8d: {  	s1 =	rddreg [dreg:$0xb]  }
0x8e: {  	[hbm4b:s0+s29] =	stream.strided.scatter [tilespmem:s6], [sflag:$0x5], $0x3200, s30, s29, $0x38;
	[tilespmem:$0x3200] =	vst v63  }
0x8f: {  	s0 =	rddreg [dreg:$0xc]  }
0x90: {  	[hbm4b:s1+s29] =	stream.strided.scatter [tilespmem:s6], [sflag:$0x2], $0x3200, s30, s29, $0x38;
	[tilespmem:$0x3200] =	vst v63  }
0x91: {  	s1 =	rddreg [dreg:$0xd]  }
0x92: {  	[hbm4b:s0+s29] =	stream.strided.scatter [tilespmem:s6], [sflag:$0x3], $0x3200, s30, s29, $0x38;
	[tilespmem:$0x3200] =	vst v63  }
0x93: {  	s0 =	rddreg [dreg:$0xe]  }
0x94: {  	[hbm4b:s1+s29] =	stream.strided.scatter [tilespmem:s6], [sflag:$0x4], $0x3200, s30, s29, $0x38;
	[tilespmem:$0x3200] =	vst v63  }
0x95: {  	s1 =	rddreg [dreg:$0xf]  }
0x96: {  	[hbm4b:s0+s29] =	stream.strided.scatter [tilespmem:s6], [sflag:$0x5], $0x3200, s30, s29, $0x38;
	[tilespmem:$0x3200] =	vst v63  }
0x97: {  	s0 =	rddreg [dreg:$0x10]  }
0x98: {  	[hbm4b:s1+s29] =	stream.strided.scatter [tilespmem:s6], [sflag:$0x2], $0x3200, s30, s29, $0x38;
	[tilespmem:$0x3200] =	vst v63  }
0x99: {  	s1 =	rddreg [dreg:$0x11]  }
0x9a: {  	[hbm4b:s0+s29] =	stream.strided.scatter [tilespmem:s6], [sflag:$0x3], $0x3200, s30, s29, $0x38;
	[tilespmem:$0x3200] =	vst v63  }
0x9b: {  	s0 =	rddreg [dreg:$0x12]  }
0x9c: {  	[hbm4b:s1+s29] =	stream.strided.scatter [tilespmem:s6], [sflag:$0x4], $0x3200, s30, s29, $0x38;
	[tilespmem:$0x3200] =	vst v63  }
0x9d: {  	s1 =	rddreg [dreg:$0x13]  }
0x9e: {  	[hbm4b:s0+s29] =	stream.strided.scatter [tilespmem:s6], [sflag:$0x5], $0x3200, s30, s29, $0x38;
	[tilespmem:$0x3200] =	vst v63  }
0x9f: {  	s0 =	rddreg [dreg:$0x14]  }
0xa0: {  	[hbm4b:s1+s29] =	stream.strided.scatter [tilespmem:s6], [sflag:$0x2], $0x3200, s30, s29, $0x38;
	[tilespmem:$0x3200] =	vst v63  }
0xa1: {  	s1 =	rddreg [dreg:$0x15]  }
0xa2: {  	[hbm4b:s0+s29] =	stream.strided.scatter [tilespmem:s6], [sflag:$0x3], $0x3200, s30, s29, $0x38;
	[tilespmem:$0x3200] =	vst v63  }
0xa3: {  	s0 =	rddreg [dreg:$0x16]  }
0xa4: {  	[hbm4b:s1+s29] =	stream.strided.scatter [tilespmem:s6], [sflag:$0x4], $0x3200, s30, s29, $0x38;
	[tilespmem:$0x3200] =	vst v63  }
0xa5: {  	s1 =	rddreg [dreg:$0x17]  }
0xa6: {  	[hbm4b:s0+s29] =	stream.strided.scatter [tilespmem:s6], [sflag:$0x5], $0x3200, s30, s29, $0x38;
	[tilespmem:$0x3200] =	vst v63  }
0xa7: {  	s0 =	rddreg [dreg:$0x18]  }
0xa8: {  	[hbm4b:s1+s29] =	stream.strided.scatter [tilespmem:s6], [sflag:$0x2], $0x3200, s30, s29, $0x38;
	[tilespmem:$0x3200] =	vst v63  }
0xa9: {  	s1 =	rddreg [dreg:$0x19]  }
0xaa: {  	[hbm4b:s0+s29] =	stream.strided.scatter [tilespmem:s6], [sflag:$0x3], $0x3200, s30, s29, $0x38;
	[tilespmem:$0x3200] =	vst v63  }
0xab: {  	s0 =	rddreg [dreg:$0x1a]  }
0xac: {  	[hbm4b:s1+s29] =	stream.strided.scatter [tilespmem:s6], [sflag:$0x4], $0x3200, s30, s29, $0x38;
	[tilespmem:$0x3200] =	vst v63  }
0xad: {  	s1 =	rddreg [dreg:$0x1b]  }
0xae: {  	[hbm4b:s0+s29] =	stream.strided.scatter [tilespmem:s6], [sflag:$0x5], $0x3200, s30, s29, $0x38;
	[tilespmem:$0x3200] =	vst v63  }
0xaf: {  	s0 =	rddreg [dreg:$0x1c]  }
0xb0: {  	[hbm4b:s1+s29] =	stream.strided.scatter [tilespmem:s6], [sflag:$0x2], $0x3200, s30, s29, $0x38;
	[tilespmem:$0x3200] =	vst v63  }
0xb1: {  	s1 =	rddreg [dreg:$0x1d]  }
0xb2: {  	[hbm4b:s0+s29] =	stream.strided.scatter [tilespmem:s6], [sflag:$0x3], $0x3200, s30, s29, $0x38;
	[tilespmem:$0x3200] =	vst v63  }
0xb3: {  	s0 =	rddreg [dreg:$0x1e]  }
0xb4: {  	[hbm4b:s1+s29] =	stream.strided.scatter [tilespmem:s6], [sflag:$0x4], $0x3200, s30, s29, $0x38;
	[tilespmem:$0x3200] =	vst v63  }
0xb5: {  	s1 =	rddreg [dreg:$0x1f]  }
0xb6: {  	[hbm4b:s0+s29] =	stream.strided.scatter [tilespmem:s6], [sflag:$0x5], $0x3200, s30, s29, $0x38;
	[tilespmem:$0x3200] =	vst v63  }
0xb7: {  	s0 =	sld [smem:$0x7AF]  }
0xb8: {  	[hbm4b:s1+s29] =	stream.strided.scatter [tilespmem:s6], [sflag:$0x2], $0x3200, s30, s29, $0x38;
	[tilespmem:$0x3200] =	vst v63  }
0xb9: {  	s1 =	sld [smem:$0x7B0]  }
0xba: {  	[hbm4b:s0+s29] =	stream.strided.scatter [tilespmem:s6], [sflag:$0x3], $0x3200, s30, s29, $0x38;
	[tilespmem:$0x3200] =	vst v63  }
0xbb: {  	s0 =	sld [smem:$0x7B1]  }
0xbc: {  	[hbm4b:s1+s29] =	stream.strided.scatter [tilespmem:s6], [sflag:$0x4], $0x3200, s30, s29, $0x38;
	[tilespmem:$0x3200] =	vst v63  }
0xbd: {  	s1 =	sld [smem:$0x7B2]  }
0xbe: {  	[hbm4b:s0+s29] =	stream.strided.scatter [tilespmem:s6], [sflag:$0x5], $0x3200, s30, s29, $0x38;
	[tilespmem:$0x3200] =	vst v63  }
0xbf: {  	s0 =	sld [smem:$0x7B3]  }
0xc0: {  	[hbm4b:s1+s29] =	stream.strided.scatter [tilespmem:s6], [sflag:$0x2], $0x3200, s30, s29, $0x38;
	[tilespmem:$0x3200] =	vst v63  }
0xc1: {  	s1 =	sld [smem:$0x7B4]  }
0xc2: {  	[hbm4b:s0+s29] =	stream.strided.scatter [tilespmem:s6], [sflag:$0x3], $0x3200, s30, s29, $0x38;
	[tilespmem:$0x3200] =	vst v63  }
0xc3: {  	s0 =	sld [smem:$0x7B5]  }
0xc4: {  	[hbm4b:s1+s29] =	stream.strided.scatter [tilespmem:s6], [sflag:$0x4], $0x3200, s30, s29, $0x38;
	[tilespmem:$0x3200] =	vst v63  }
0xc5: {  	s1 =	sld [smem:$0x7B6]  }
0xc6: {  	[hbm4b:s0+s29] =	stream.strided.scatter [tilespmem:s6], [sflag:$0x5], $0x3200, s30, s29, $0x38;
	[tilespmem:$0x3200] =	vst v63  }
0xc7: {  	s0 =	sld [smem:$0x7B7]  }
0xc8: {  	[hbm4b:s1+s29] =	stream.strided.scatter [tilespmem:s6], [sflag:$0x2], $0x3200, s30, s29, $0x38;
	[tilespmem:$0x3200] =	vst v63  }
0xc9: {  	s1 =	sld [smem:$0x7B8]  }
0xca: {  	[hbm4b:s0+s29] =	stream.strided.scatter [tilespmem:s6], [sflag:$0x3], $0x3200, s30, s29, $0x38;
	[tilespmem:$0x3200] =	vst v63  }
0xcb: {  	s0 =	sld [smem:$0x7B9]  }
0xcc: {  	[hbm4b:s1+s29] =	stream.strided.scatter [tilespmem:s6], [sflag:$0x4], $0x3200, s30, s29, $0x38;
	[tilespmem:$0x3200] =	vst v63  }
0xcd: {  	s1 =	sld [smem:$0x7BA]  }
0xce: {  	[hbm4b:s0+s29] =	stream.strided.scatter [tilespmem:s6], [sflag:$0x5], $0x3200, s30, s29, $0x38;
	[tilespmem:$0x3200] =	vst v63  }
0xcf: {  	s0 =	sld [smem:$0x7BB]  }
0xd0: {  	[hbm4b:s1+s29] =	stream.strided.scatter [tilespmem:s6], [sflag:$0x2], $0x3200, s30, s29, $0x38;
	[tilespmem:$0x3200] =	vst v63  }
0xd1: {  	s1 =	sld [smem:$0x7BC]  }
0xd2: {  	[hbm4b:s0+s29] =	stream.strided.scatter [tilespmem:s6], [sflag:$0x3], $0x3200, s30, s29, $0x38;
	[tilespmem:$0x3200] =	vst v63  }
0xd3: {  	s0 =	sld [smem:$0x7BD]  }
0xd4: {  	[hbm4b:s1+s29] =	stream.strided.scatter [tilespmem:s6], [sflag:$0x4], $0x3200, s30, s29, $0x38;
	[tilespmem:$0x3200] =	vst v63  }
0xd5: {  	s1 =	sld [smem:$0x7BE]  }
0xd6: {  	[hbm4b:s0+s29] =	stream.strided.scatter [tilespmem:s6], [sflag:$0x5], $0x3200, s30, s29, $0x38;
	[tilespmem:$0x3200] =	vst v63  }
0xd7: {  	s0 =	sld [smem:$0x7BF]  }
0xd8: {  	[hbm4b:s1+s29] =	stream.strided.scatter [tilespmem:s6], [sflag:$0x2], $0x3200, s30, s29, $0x38;
	[tilespmem:$0x3200] =	vst v63  }
0xd9: {  	s1 =	sld [smem:$0x7C0]  }
0xda: {  	[hbm4b:s0+s29] =	stream.strided.scatter [tilespmem:s6], [sflag:$0x3], $0x3200, s30, s29, $0x38;
	[tilespmem:$0x3200] =	vst v63  }
0xdb: {  	s0 =	sld [smem:$0x7C1]  }
0xdc: {  	[hbm4b:s1+s29] =	stream.strided.scatter [tilespmem:s6], [sflag:$0x4], $0x3200, s30, s29, $0x38;
	[tilespmem:$0x3200] =	vst v63  }
0xdd: {  	s1 =	sld [smem:$0x7C2]  }
0xde: {  	[hbm4b:s0+s29] =	stream.strided.scatter [tilespmem:s6], [sflag:$0x5], $0x3200, s30, s29, $0x38;
	[tilespmem:$0x3200] =	vst v63  }
0xdf: {  	s0 =	sld [smem:$0x7C3]  }
0xe0: {  	[hbm4b:s1+s29] =	stream.strided.scatter [tilespmem:s6], [sflag:$0x2], $0x3200, s30, s29, $0x38;
	[tilespmem:$0x3200] =	vst v63  }
0xe1: {  	s1 =	sld [smem:$0x7C4]  }
0xe2: {  	[hbm4b:s0+s29] =	stream.strided.scatter [tilespmem:s6], [sflag:$0x3], $0x3200, s30, s29, $0x38;
	[tilespmem:$0x3200] =	vst v63  }
0xe3: {  	s0 =	sld [smem:$0x7C5]  }
0xe4: {  	[hbm4b:s1+s29] =	stream.strided.scatter [tilespmem:s6], [sflag:$0x4], $0x3200, s30, s29, $0x38;
	[tilespmem:$0x3200] =	vst v63  }
0xe5: {  	s1 =	sld [smem:$0x7C6]  }
0xe6: {  	[hbm4b:s0+s29] =	stream.strided.scatter [tilespmem:s6], [sflag:$0x5], $0x3200, s30, s29, $0x38;
	[tilespmem:$0x3200] =	vst v63  }
0xe7: {  	s0 =	sld [smem:$0x7C7]  }
0xe8: {  	[hbm4b:s1+s29] =	stream.strided.scatter [tilespmem:s6], [sflag:$0x2], $0x3200, s30, s29, $0x38;
	[tilespmem:$0x3200] =	vst v63  }
0xe9: {  	s1 =	sld [smem:$0x7C8]  }
0xea: {  	[hbm4b:s0+s29] =	stream.strided.scatter [tilespmem:s6], [sflag:$0x3], $0x3200, s30, s29, $0x38;
	[tilespmem:$0x3200] =	vst v63  }
0xeb: {  	s0 =	sld [smem:$0x7C9]  }
0xec: {  	[hbm4b:s1+s29] =	stream.strided.scatter [tilespmem:s6], [sflag:$0x4], $0x3200, s30, s29, $0x38;
	[tilespmem:$0x3200] =	vst v63  }
0xed: {  	s1 =	sld [smem:$0x7CA]  }
0xee: {  	[hbm4b:s0+s29] =	stream.strided.scatter [tilespmem:s6], [sflag:$0x5], $0x3200, s30, s29, $0x38;
	[tilespmem:$0x3200] =	vst v63  }
0xef: {  	s0 =	sld [smem:$0x7CB]  }
0xf0: {  	[hbm4b:s1+s29] =	stream.strided.scatter [tilespmem:s6], [sflag:$0x2], $0x3200, s30, s29, $0x38;
	[tilespmem:$0x3200] =	vst v63  }
0xf1: {  	s1 =	sld [smem:$0x7CC]  }
0xf2: {  	[hbm4b:s0+s29] =	stream.strided.scatter [tilespmem:s6], [sflag:$0x3], $0x3200, s30, s29, $0x38;
	[tilespmem:$0x3200] =	vst v63  }
0xf3: {  	s0 =	sld [smem:$0x7CD]  }
0xf4: {  	[hbm4b:s1+s29] =	stream.strided.scatter [tilespmem:s6], [sflag:$0x4], $0x3200, s30, s29, $0x38;
	[tilespmem:$0x3200] =	vst v63  }
0xf5: {  	s1 =	sld [smem:$0x7CE]  }
0xf6: {  	[hbm4b:s0+s29] =	stream.strided.scatter [tilespmem:s6], [sflag:$0x5], $0x3200, s30, s29, $0x38;
	[tilespmem:$0x3200] =	vst v63  }
0xf7: {  	s0 =	sld [smem:$0x7CF]  }
0xf8: {  	[hbm4b:s1+s29] =	stream.strided.scatter [tilespmem:s6], [sflag:$0x2], $0x3200, s30, s29, $0x38;
	[tilespmem:$0x3200] =	vst v63  }
0xf9: {  	s1 =	sld [smem:$0x7D0]  }
0xfa: {  	[hbm4b:s0+s29] =	stream.strided.scatter [tilespmem:s6], [sflag:$0x3], $0x3200, s30, s29, $0x38;
	[tilespmem:$0x3200] =	vst v63  }
0xfb: {  	s0 =	sld [smem:$0x7D1]  }
0xfc: {  	[hbm4b:s1+s29] =	stream.strided.scatter [tilespmem:s6], [sflag:$0x4], $0x3200, s30, s29, $0x38;
	[tilespmem:$0x3200] =	vst v63  }
0xfd: {  	s1 =	sld [smem:$0x7D2]  }
0xfe: {  	[hbm4b:s0+s29] =	stream.strided.scatter [tilespmem:s6], [sflag:$0x5], $0x3200, s30, s29, $0x38;
	[tilespmem:$0x3200] =	vst v63  }
0xff: {  	s0 =	sld [smem:$0x7D3]  }
0x100: {  	[hbm4b:s1+s29] =	stream.strided.scatter [tilespmem:s6], [sflag:$0x2], $0x3200, s30, s29, $0x38;
	[tilespmem:$0x3200] =	vst v63  }
0x101: {  	s1 =	sld [smem:$0x7D4]  }
0x102: {  	[hbm4b:s0+s29] =	stream.strided.scatter [tilespmem:s6], [sflag:$0x3], $0x3200, s30, s29, $0x38;
	[tilespmem:$0x3200] =	vst v63  }
0x103: {  	s0 =	sld [smem:$0x7D5]  }
0x104: {  	[hbm4b:s1+s29] =	stream.strided.scatter [tilespmem:s6], [sflag:$0x4], $0x3200, s30, s29, $0x38;
	[tilespmem:$0x3200] =	vst v63  }
0x105: {  	s1 =	sld [smem:$0x7D6]  }
0x106: {  	[hbm4b:s0+s29] =	stream.strided.scatter [tilespmem:s6], [sflag:$0x5], $0x3200, s30, s29, $0x38;
	[tilespmem:$0x3200] =	vst v63  }
0x107: {  	s0 =	sld [smem:$0x7D7]  }
0x108: {  	[hbm4b:s1+s29] =	stream.strided.scatter [tilespmem:s6], [sflag:$0x2], $0x3200, s30, s29, $0x38;
	[tilespmem:$0x3200] =	vst v63  }
0x109: {  	s1 =	sld [smem:$0x7D8]  }
0x10a: {  	[hbm4b:s0+s29] =	stream.strided.scatter [tilespmem:s6], [sflag:$0x3], $0x3200, s30, s29, $0x38;
	[tilespmem:$0x3200] =	vst v63  }
0x10b: {  	s0 =	sld [smem:$0x7D9]  }
0x10c: {  	[hbm4b:s1+s29] =	stream.strided.scatter [tilespmem:s6], [sflag:$0x4], $0x3200, s30, s29, $0x38;
	[tilespmem:$0x3200] =	vst v63  }
0x10d: {  	s1 =	sld [smem:$0x7DA]  }
0x10e: {  	[hbm4b:s0+s29] =	stream.strided.scatter [tilespmem:s6], [sflag:$0x5], $0x3200, s30, s29, $0x38;
	[tilespmem:$0x3200] =	vst v63  }
0x10f: {  	s0 =	sld [smem:$0x7DB]  }
0x110: {  	[hbm4b:s1+s29] =	stream.strided.scatter [tilespmem:s6], [sflag:$0x2], $0x3200, s30, s29, $0x38;
	[tilespmem:$0x3200] =	vst v63  }
0x111: {  	s1 =	sld [smem:$0x7DC]  }
0x112: {  	[hbm4b:s0+s29] =	stream.strided.scatter [tilespmem:s6], [sflag:$0x3], $0x3200, s30, s29, $0x38;
	[tilespmem:$0x3200] =	vst v63  }
0x113: {  	s0 =	sld [smem:$0x7DD]  }
0x114: {  	[hbm4b:s1+s29] =	stream.strided.scatter [tilespmem:s6], [sflag:$0x4], $0x3200, s30, s29, $0x38;
	[tilespmem:$0x3200] =	vst v63  }
0x115: {  	s1 =	sld [smem:$0x7DE]  }
0x116: {  	[hbm4b:s0+s29] =	stream.strided.scatter [tilespmem:s6], [sflag:$0x5], $0x3200, s30, s29, $0x38;
	[tilespmem:$0x3200] =	vst v63  }
0x117: {  	s0 =	sld [smem:$0x7DF]  }
0x118: {  	[hbm4b:s1+s29] =	stream.strided.scatter [tilespmem:s6], [sflag:$0x2], $0x3200, s30, s29, $0x38;
	[tilespmem:$0x3200] =	vst v63  }
0x119: {  	s1 =	sld [smem:$0x7E0]  }
0x11a: {  	[hbm4b:s0+s29] =	stream.strided.scatter [tilespmem:s6], [sflag:$0x3], $0x3200, s30, s29, $0x38;
	[tilespmem:$0x3200] =	vst v63  }
0x11b: {  	s0 =	sld [smem:$0x7E1]  }
0x11c: {  	[hbm4b:s1+s29] =	stream.strided.scatter [tilespmem:s6], [sflag:$0x4], $0x3200, s30, s29, $0x38;
	[tilespmem:$0x3200] =	vst v63  }
0x11d: {  	s1 =	sld [smem:$0x7E2]  }
0x11e: {  	[hbm4b:s0+s29] =	stream.strided.scatter [tilespmem:s6], [sflag:$0x5], $0x3200, s30, s29, $0x38;
	[tilespmem:$0x3200] =	vst v63  }
0x11f: {  	s0 =	sld [smem:$0x7E3]  }
0x120: {  	[hbm4b:s1+s29] =	stream.strided.scatter [tilespmem:s6], [sflag:$0x2], $0x3200, s30, s29, $0x38;
	[tilespmem:$0x3200] =	vst v63  }
0x121: {  	s1 =	sld [smem:$0x7E4]  }
0x122: {  	[hbm4b:s0+s29] =	stream.strided.scatter [tilespmem:s6], [sflag:$0x3], $0x3200, s30, s29, $0x38;
	[tilespmem:$0x3200] =	vst v63  }
0x123: {  	s0 =	sld [smem:$0x7E5]  }
0x124: {  	[hbm4b:s1+s29] =	stream.strided.scatter [tilespmem:s6], [sflag:$0x4], $0x3200, s30, s29, $0x38;
	[tilespmem:$0x3200] =	vst v63  }
0x125: {  	s1 =	sld [smem:$0x7E6]  }
0x126: {  	[hbm4b:s0+s29] =	stream.strided.scatter [tilespmem:s6], [sflag:$0x5], $0x3200, s30, s29, $0x38;
	[tilespmem:$0x3200] =	vst v63  }
0x127: {  	s0 =	sld [smem:$0x7E7]  }
0x128: {  	[hbm4b:s1+s29] =	stream.strided.scatter [tilespmem:s6], [sflag:$0x2], $0x3200, s30, s29, $0x38;
	[tilespmem:$0x3200] =	vst v63  }
0x129: {  	s1 =	sld [smem:$0x7E8]  }
0x12a: {  	[hbm4b:s0+s29] =	stream.strided.scatter [tilespmem:s6], [sflag:$0x3], $0x3200, s30, s29, $0x38;
	[tilespmem:$0x3200] =	vst v63  }
0x12b: {  	s0 =	sld [smem:$0x7E9]  }
0x12c: {  	[hbm4b:s1+s29] =	stream.strided.scatter [tilespmem:s6], [sflag:$0x4], $0x3200, s30, s29, $0x38;
	[tilespmem:$0x3200] =	vst v63  }
0x12d: {  	s1 =	sld [smem:$0x7EA]  }
0x12e: {  	[hbm4b:s0+s29] =	stream.strided.scatter [tilespmem:s6], [sflag:$0x5], $0x3200, s30, s29, $0x38;
	[tilespmem:$0x3200] =	vst v63  }
0x12f: {  	s0 =	sld [smem:$0x7EB]  }
0x130: {  	[hbm4b:s1+s29] =	stream.strided.scatter [tilespmem:s6], [sflag:$0x2], $0x3200, s30, s29, $0x38;
	[tilespmem:$0x3200] =	vst v63  }
0x131: {  	s1 =	sld [smem:$0x7EC]  }
0x132: {  	[hbm4b:s0+s29] =	stream.strided.scatter [tilespmem:s6], [sflag:$0x3], $0x3200, s30, s29, $0x38;
	[tilespmem:$0x3200] =	vst v63  }
0x133: {  	s0 =	sld [smem:$0x7ED]  }
0x134: {  	[hbm4b:s1+s29] =	stream.strided.scatter [tilespmem:s6], [sflag:$0x4], $0x3200, s30, s29, $0x38;
	[tilespmem:$0x3200] =	vst v63  }
0x135: {  	s1 =	sld [smem:$0x7EE]  }
0x136: {  	[hbm4b:s0+s29] =	stream.strided.scatter [tilespmem:s6], [sflag:$0x5], $0x3200, s30, s29, $0x38;
	[tilespmem:$0x3200] =	vst v63  }
0x137: {  	s0 =	sld [smem:$0x7EF]  }
0x138: {  	[hbm4b:s1+s29] =	stream.strided.scatter [tilespmem:s6], [sflag:$0x2], $0x3200, s30, s29, $0x38;
	[tilespmem:$0x3200] =	vst v63  }
0x139: {  	s1 =	sld [smem:$0x7F0]  }
0x13a: {  	[hbm4b:s0+s29] =	stream.strided.scatter [tilespmem:s6], [sflag:$0x3], $0x3200, s30, s29, $0x38;
	[tilespmem:$0x3200] =	vst v63  }
0x13b: {  	s0 =	sld [smem:$0x7F1]  }
0x13c: {  	[hbm4b:s1+s29] =	stream.strided.scatter [tilespmem:s6], [sflag:$0x4], $0x3200, s30, s29, $0x38;
	[tilespmem:$0x3200] =	vst v63  }
0x13d: {  	s1 =	sld [smem:$0x7F2]  }
0x13e: {  	[hbm4b:s0+s29] =	stream.strided.scatter [tilespmem:s6], [sflag:$0x5], $0x3200, s30, s29, $0x38;
	[tilespmem:$0x3200] =	vst v63  }
0x13f: {  	s0 =	sld [smem:$0x7F3]  }
0x140: {  	[hbm4b:s1+s29] =	stream.strided.scatter [tilespmem:s6], [sflag:$0x2], $0x3200, s30, s29, $0x38;
	[tilespmem:$0x3200] =	vst v63  }
0x141: {  	s1 =	sld [smem:$0x7F4]  }
0x142: {  	[hbm4b:s0+s29] =	stream.strided.scatter [tilespmem:s6], [sflag:$0x3], $0x3200, s30, s29, $0x38;
	[tilespmem:$0x3200] =	vst v63  }
0x143: {  	s0 =	sld [smem:$0x7F5]  }
0x144: {  	[hbm4b:s1+s29] =	stream.strided.scatter [tilespmem:s6], [sflag:$0x4], $0x3200, s30, s29, $0x38;
	[tilespmem:$0x3200] =	vst v63  }
0x145: {  	s1 =	sld [smem:$0x7F6]  }
0x146: {  	[hbm4b:s0+s29] =	stream.strided.scatter [tilespmem:s6], [sflag:$0x5], $0x3200, s30, s29, $0x38;
	[tilespmem:$0x3200] =	vst v63  }
0x147: {  	s0 =	sld [smem:$0x7F7]  }
0x148: {  	[hbm4b:s1+s29] =	stream.strided.scatter [tilespmem:s6], [sflag:$0x2], $0x3200, s30, s29, $0x38;
	[tilespmem:$0x3200] =	vst v63  }
0x149: {  	s1 =	sld [smem:$0x7F8]  }
0x14a: {  	[hbm4b:s0+s29] =	stream.strided.scatter [tilespmem:s6], [sflag:$0x3], $0x3200, s30, s29, $0x38;
	[tilespmem:$0x3200] =	vst v63  }
0x14b: {  	s0 =	sld [smem:$0x7F9]  }
0x14c: {  	[hbm4b:s1+s29] =	stream.strided.scatter [tilespmem:s6], [sflag:$0x4], $0x3200, s30, s29, $0x38;
	[tilespmem:$0x3200] =	vst v63  }
0x14d: {  	s1 =	sld [smem:$0x7FA]  }
0x14e: {  	[hbm4b:s0+s29] =	stream.strided.scatter [tilespmem:s6], [sflag:$0x5], $0x3200, s30, s29, $0x38;
	[tilespmem:$0x3200] =	vst v63  }
0x14f: {  	s0 =	sld [smem:$0x7FB]  }
0x150: {  	[hbm4b:s1+s29] =	stream.strided.scatter [tilespmem:s6], [sflag:$0x2], $0x3200, s30, s29, $0x38;
	[tilespmem:$0x3200] =	vst v63  }
0x151: {  	s1 =	sld [smem:$0x7FC]  }
0x152: {  	[hbm4b:s0+s29] =	stream.strided.scatter [tilespmem:s6], [sflag:$0x3], $0x3200, s30, s29, $0x38;
	[tilespmem:$0x3200] =	vst v63  }
0x153: {  	s0 =	sld [smem:$0x7FD]  }
0x154: {  	[hbm4b:s1+s29] =	stream.strided.scatter [tilespmem:s6], [sflag:$0x4], $0x3200, s30, s29, $0x38;
	[tilespmem:$0x3200] =	vst v63  }
0x155: {  	_ = 	snop  }
0x156: {  	[hbm4b:s0+s29] =	stream.strided.scatter [tilespmem:s6], [sflag:$0x5], $0x3200, s30, s29, $0x38;
	[tilespmem:$0x3200] =	vst v63  }
0x157: {  	_ = 	snop  }
0x158: {  	[hbm4b:s9+s29] =	stream.strided.scatter [tilespmem:s6], [sflag:$0x2], $0x3200, s30, s29, $0x38;
	[tilespmem:$0x3200] =	vst v63  }
0x159: {  	_ = 	snop  }
0x15a: {  	[hbm4b:s10+s29] =	stream.strided.scatter [tilespmem:s6], [sflag:$0x3], $0x3200, s30, s29, $0x38;
	[tilespmem:$0x3200] =	vst v63  }
0x15b: {  	_ = 	snop  }
0x15c: {  	[hbm4b:s11+s29] =	stream.strided.scatter [tilespmem:s6], [sflag:$0x4], $0x3200, s30, s29, $0x38;
	[tilespmem:$0x3200] =	vst v63  }
0x15d: {  	_ = 	snop  }
0x15e: {  	[hbm4b:s12+s29] =	stream.strided.scatter [tilespmem:s6], [sflag:$0x5], $0x3200, s30, s29, $0x38;
	[tilespmem:$0x3200] =	vst v63  }
0x15f: {  	_ = 	snop  }
0x160: {  	[hbm4b:s13+s29] =	stream.strided.scatter [tilespmem:s6], [sflag:$0x2], $0x3200, s30, s29, $0x38;
	[tilespmem:$0x3200] =	vst v63  }
0x161: {  	_ = 	snop  }
0x162: {  	[hbm4b:s14+s29] =	stream.strided.scatter [tilespmem:s6], [sflag:$0x3], $0x3200, s30, s29, $0x38;
	[tilespmem:$0x3200] =	vst v63  }
0x163: {  	_ = 	snop  }
0x164: {  	[hbm4b:s15+s29] =	stream.strided.scatter [tilespmem:s6], [sflag:$0x4], $0x3200, s30, s29, $0x38;
	[tilespmem:$0x3200] =	vst v63  }
0x165: {  	_ = 	snop  }
0x166: {  	[hbm4b:s16+s29] =	stream.strided.scatter [tilespmem:s6], [sflag:$0x5], $0x3200, s30, s29, $0x38;
	[tilespmem:$0x3200] =	vst v63  }
0x167: {  	_ = 	snop  }
0x168: {  	[hbm4b:s17+s29] =	stream.strided.scatter [tilespmem:s6], [sflag:$0x2], $0x3200, s30, s29, $0x38;
	[tilespmem:$0x3200] =	vst v63  }
0x169: {  	_ = 	snop  }
0x16a: {  	[hbm4b:s18+s29] =	stream.strided.scatter [tilespmem:s6], [sflag:$0x3], $0x3200, s30, s29, $0x38;
	[tilespmem:$0x3200] =	vst v63  }
0x16b: {  	_ = 	snop  }
0x16c: {  	[hbm4b:s19+s29] =	stream.strided.scatter [tilespmem:s6], [sflag:$0x4], $0x3200, s30, s29, $0x38;
	[tilespmem:$0x3200] =	vst v63  }
0x16d: {  	_ = 	snop  }
0x16e: {  	[hbm4b:s20+s29] =	stream.strided.scatter [tilespmem:s6], [sflag:$0x5], $0x3200, s30, s29, $0x38;
	[tilespmem:$0x3200] =	vst v63  }
0x16f: {  	_ = 	snop  }
0x170: {  	[hbm4b:s21+s29] =	stream.strided.scatter [tilespmem:s6], [sflag:$0x2], $0x3200, s30, s29, $0x38;
	[tilespmem:$0x3200] =	vst v63  }
0x171: {  	_ = 	snop  }
0x172: {  	[hbm4b:s22+s29] =	stream.strided.scatter [tilespmem:s6], [sflag:$0x3], $0x3200, s30, s29, $0x38;
	[tilespmem:$0x3200] =	vst v63  }
0x173: {  	_ = 	snop  }
0x174: {  	[hbm4b:s23+s29] =	stream.strided.scatter [tilespmem:s6], [sflag:$0x4], $0x3200, s30, s29, $0x38;
	[tilespmem:$0x3200] =	vst v63  }
0x175: {  	_ = 	snop  }
0x176: {  	[hbm4b:s24+s29] =	stream.strided.scatter [tilespmem:s6], [sflag:$0x5], $0x3200, s30, s29, $0x38;
	[tilespmem:$0x3200] =	vst v63  }
0x177: {  	_ = 	snop  }
0x178: {  	[hbm4b:s25+s29] =	stream.strided.scatter [tilespmem:s6], [sflag:$0x2], $0x3200, s30, s29, $0x38;
	[tilespmem:$0x3200] =	vst v63  }
0x179: {  	_ = 	snop  }
0x17a: {  	[hbm4b:s26+s29] =	stream.strided.scatter [tilespmem:s6], [sflag:$0x3], $0x3200, s30, s29, $0x38;
	[tilespmem:$0x3200] =	vst v63  }
0x17b: {  	_ = 	snop  }
0x17c: {  	[hbm4b:s28+s29] =	stream.strided.scatter [tilespmem:s6], [sflag:$0x4], $0x3200, s30, s29, $0x38;
	[tilespmem:$0x3200] =	vst v63  }
0x17d: {  	_ = 	snop  }
0x17e: {  	[hbm4b:s7+s29] =	stream.strided.scatter [tilespmem:s6], [sflag:$0x5], $0x3200, s30, s29, $0x38;
	[tilespmem:$0x3200] =	vst v63  }
0x17f: {  	_ =	swait.ge [sflag:s5], $0x3200  }
0x180: {  	[sflag:s5] =	ssyncset.done $0x0  }
0x181: {  	[sflag:s5] =	ssyncadd.s32 $0xFFFFCE00  }
0x182: {  	_ =	swait.ge [sflag:s4], $0x3200  }
0x183: {  	[sflag:s4] =	ssyncset.done $0x0  }
0x184: {  	[sflag:s4] =	ssyncadd.s32 $0xFFFFCE00  }
0x185: {  	_ =	swait.ge [sflag:s3], $0x3200  }
0x186: {  	[sflag:s3] =	ssyncset.done $0x0  }
0x187: {  	[sflag:s3] =	ssyncadd.s32 $0xFFFFCE00  }
0x188: {  	_ =	swait.ge [sflag:s2], $0x3200  }
0x189: {  	[sflag:s2] =	ssyncset.done $0x0  }
0x18a: {  	[sflag:s2] =	ssyncadd.s32 $0xFFFFCE00  }
0x18b: {  	_ =	swait.ge [sflag:s5], $0x3200  }
0x18c: {  	[sflag:s5] =	ssyncset.done $0x0  }
0x18d: {  	[sflag:s5] =	ssyncadd.s32 $0xFFFFCE00  }
0x18e: {  	_ =	swait.ge [sflag:s4], $0x3200  }
0x18f: {  	[sflag:s4] =	ssyncset.done $0x0  }
0x190: {  	[sflag:s4] =	ssyncadd.s32 $0xFFFFCE00  }
0x191: {  	_ =	swait.ge [sflag:s3], $0x3200  }
0x192: {  	[sflag:s3] =	ssyncset.done $0x0  }
0x193: {  	[sflag:s3] =	ssyncadd.s32 $0xFFFFCE00  }
0x194: {  	_ =	swait.ge [sflag:s2], $0x3200  }
0x195: {  	[sflag:s2] =	ssyncset.done $0x0  }
0x196: {  	[sflag:s2] =	ssyncadd.s32 $0xFFFFCE00  }
0x197: {  	_ =	swait.ge [sflag:s5], $0x3200  }
0x198: {  	[sflag:s5] =	ssyncset.done $0x0  }
0x199: {  	[sflag:s5] =	ssyncadd.s32 $0xFFFFCE00  }
0x19a: {  	_ =	swait.ge [sflag:s4], $0x3200  }
0x19b: {  	[sflag:s4] =	ssyncset.done $0x0  }
0x19c: {  	[sflag:s4] =	ssyncadd.s32 $0xFFFFCE00  }
0x19d: {  	_ =	swait.ge [sflag:s3], $0x3200  }
0x19e: {  	[sflag:s3] =	ssyncset.done $0x0  }
0x19f: {  	[sflag:s3] =	ssyncadd.s32 $0xFFFFCE00  }
0x1a0: {  	_ =	swait.ge [sflag:s2], $0x3200  }
0x1a1: {  	[sflag:s2] =	ssyncset.done $0x0  }
0x1a2: {  	[sflag:s2] =	ssyncadd.s32 $0xFFFFCE00  }
0x1a3: {  	_ =	swait.ge [sflag:s5], $0x3200  }
0x1a4: {  	[sflag:s5] =	ssyncset.done $0x0  }
0x1a5: {  	[sflag:s5] =	ssyncadd.s32 $0xFFFFCE00  }
0x1a6: {  	_ =	swait.ge [sflag:s4], $0x3200  }
0x1a7: {  	[sflag:s4] =	ssyncset.done $0x0  }
0x1a8: {  	[sflag:s4] =	ssyncadd.s32 $0xFFFFCE00  }
0x1a9: {  	_ =	swait.ge [sflag:s3], $0x3200  }
0x1aa: {  	[sflag:s3] =	ssyncset.done $0x0  }
0x1ab: {  	[sflag:s3] =	ssyncadd.s32 $0xFFFFCE00  }
0x1ac: {  	_ =	swait.ge [sflag:s2], $0x3200  }
0x1ad: {  	[sflag:s2] =	ssyncset.done $0x0  }
0x1ae: {  	[sflag:s2] =	ssyncadd.s32 $0xFFFFCE00  }
0x1af: {  	_ =	swait.ge [sflag:s5], $0x3200  }
0x1b0: {  	[sflag:s5] =	ssyncset.done $0x0  }
0x1b1: {  	[sflag:s5] =	ssyncadd.s32 $0xFFFFCE00  }
0x1b2: {  	_ =	swait.ge [sflag:s4], $0x3200  }
0x1b3: {  	[sflag:s4] =	ssyncset.done $0x0  }
0x1b4: {  	[sflag:s4] =	ssyncadd.s32 $0xFFFFCE00  }
0x1b5: {  	_ =	swait.ge [sflag:s3], $0x3200  }
0x1b6: {  	[sflag:s3] =	ssyncset.done $0x0  }
0x1b7: {  	[sflag:s3] =	ssyncadd.s32 $0xFFFFCE00  }
0x1b8: {  	_ =	swait.ge [sflag:s2], $0x3200  }
0x1b9: {  	[sflag:s2] =	ssyncset.done $0x0  }
0x1ba: {  	[sflag:s2] =	ssyncadd.s32 $0xFFFFCE00  }
0x1bb: {  	_ =	swait.ge [sflag:s5], $0x3200  }
0x1bc: {  	[sflag:s5] =	ssyncset.done $0x0  }
0x1bd: {  	[sflag:s5] =	ssyncadd.s32 $0xFFFFCE00  }
0x1be: {  	_ =	swait.ge [sflag:s4], $0x3200  }
0x1bf: {  	[sflag:s4] =	ssyncset.done $0x0  }
0x1c0: {  	[sflag:s4] =	ssyncadd.s32 $0xFFFFCE00  }
0x1c1: {  	_ =	swait.ge [sflag:s3], $0x3200  }
0x1c2: {  	[sflag:s3] =	ssyncset.done $0x0  }
0x1c3: {  	[sflag:s3] =	ssyncadd.s32 $0xFFFFCE00  }
0x1c4: {  	_ =	swait.ge [sflag:s2], $0x3200  }
0x1c5: {  	[sflag:s2] =	ssyncset.done $0x0  }
0x1c6: {  	[sflag:s2] =	ssyncadd.s32 $0xFFFFCE00  }
0x1c7: {  	_ =	swait.ge [sflag:s5], $0x3200  }
0x1c8: {  	[sflag:s5] =	ssyncset.done $0x0  }
0x1c9: {  	[sflag:s5] =	ssyncadd.s32 $0xFFFFCE00  }
0x1ca: {  	_ =	swait.ge [sflag:s4], $0x3200  }
0x1cb: {  	[sflag:s4] =	ssyncset.done $0x0  }
0x1cc: {  	[sflag:s4] =	ssyncadd.s32 $0xFFFFCE00  }
0x1cd: {  	_ =	swait.ge [sflag:s3], $0x3200  }
0x1ce: {  	[sflag:s3] =	ssyncset.done $0x0  }
0x1cf: {  	[sflag:s3] =	ssyncadd.s32 $0xFFFFCE00  }
0x1d0: {  	_ =	swait.ge [sflag:s2], $0x3200  }
0x1d1: {  	[sflag:s2] =	ssyncset.done $0x0  }
0x1d2: {  	[sflag:s2] =	ssyncadd.s32 $0xFFFFCE00  }
0x1d3: {  	_ =	swait.ge [sflag:s5], $0x3200  }
0x1d4: {  	[sflag:s5] =	ssyncset.done $0x0  }
0x1d5: {  	[sflag:s5] =	ssyncadd.s32 $0xFFFFCE00  }
0x1d6: {  	_ =	swait.ge [sflag:s4], $0x3200  }
0x1d7: {  	[sflag:s4] =	ssyncset.done $0x0  }
0x1d8: {  	[sflag:s4] =	ssyncadd.s32 $0xFFFFCE00  }
0x1d9: {  	_ =	swait.ge [sflag:s3], $0x3200  }
0x1da: {  	[sflag:s3] =	ssyncset.done $0x0  }
0x1db: {  	[sflag:s3] =	ssyncadd.s32 $0xFFFFCE00  }
0x1dc: {  	_ =	swait.ge [sflag:s2], $0x3200  }
0x1dd: {  	[sflag:s2] =	ssyncset.done $0x0  }
0x1de: {  	[sflag:s2] =	ssyncadd.s32 $0xFFFFCE00  }
0x1df: {  	_ =	swait.ge [sflag:s5], $0x3200  }
0x1e0: {  	[sflag:s5] =	ssyncset.done $0x0  }
0x1e1: {  	[sflag:s5] =	ssyncadd.s32 $0xFFFFCE00  }
0x1e2: {  	_ =	swait.ge [sflag:s4], $0x3200  }
0x1e3: {  	[sflag:s4] =	ssyncset.done $0x0  }
0x1e4: {  	[sflag:s4] =	ssyncadd.s32 $0xFFFFCE00  }
0x1e5: {  	_ =	swait.ge [sflag:s3], $0x3200  }
0x1e6: {  	[sflag:s3] =	ssyncset.done $0x0  }
0x1e7: {  	[sflag:s3] =	ssyncadd.s32 $0xFFFFCE00  }
0x1e8: {  	_ =	swait.ge [sflag:s2], $0x3200  }
0x1e9: {  	[sflag:s2] =	ssyncset.done $0x0  }
0x1ea: {  	[sflag:s2] =	ssyncadd.s32 $0xFFFFCE00  }
0x1eb: {  	_ =	swait.ge [sflag:s5], $0x3200  }
0x1ec: {  	[sflag:s5] =	ssyncset.done $0x0  }
0x1ed: {  	[sflag:s5] =	ssyncadd.s32 $0xFFFFCE00  }
0x1ee: {  	_ =	swait.ge [sflag:s4], $0x3200  }
0x1ef: {  	[sflag:s4] =	ssyncset.done $0x0  }
0x1f0: {  	[sflag:s4] =	ssyncadd.s32 $0xFFFFCE00  }
0x1f1: {  	_ =	swait.ge [sflag:s3], $0x3200  }
0x1f2: {  	[sflag:s3] =	ssyncset.done $0x0  }
0x1f3: {  	[sflag:s3] =	ssyncadd.s32 $0xFFFFCE00  }
0x1f4: {  	_ =	swait.ge [sflag:s2], $0x3200  }
0x1f5: {  	[sflag:s2] =	ssyncset.done $0x0  }
0x1f6: {  	[sflag:s2] =	ssyncadd.s32 $0xFFFFCE00  }
0x1f7: {  	_ =	swait.ge [sflag:s5], $0x3200  }
0x1f8: {  	[sflag:s5] =	ssyncset.done $0x0  }
0x1f9: {  	[sflag:s5] =	ssyncadd.s32 $0xFFFFCE00  }
0x1fa: {  	_ =	swait.ge [sflag:s4], $0x3200  }
0x1fb: {  	[sflag:s4] =	ssyncset.done $0x0  }
0x1fc: {  	[sflag:s4] =	ssyncadd.s32 $0xFFFFCE00  }
0x1fd: {  	_ =	swait.ge [sflag:s3], $0x3200  }
0x1fe: {  	[sflag:s3] =	ssyncset.done $0x0  }
0x1ff: {  	[sflag:s3] =	ssyncadd.s32 $0xFFFFCE00  }
0x200: {  	_ =	swait.ge [sflag:s2], $0x3200  }
0x201: {  	[sflag:s2] =	ssyncset.done $0x0  }
0x202: {  	[sflag:s2] =	ssyncadd.s32 $0xFFFFCE00  }
0x203: {  	_ =	swait.ge [sflag:s5], $0x3200  }
0x204: {  	[sflag:s5] =	ssyncset.done $0x0  }
0x205: {  	[sflag:s5] =	ssyncadd.s32 $0xFFFFCE00  }
0x206: {  	_ =	swait.ge [sflag:s4], $0x3200  }
0x207: {  	[sflag:s4] =	ssyncset.done $0x0  }
0x208: {  	[sflag:s4] =	ssyncadd.s32 $0xFFFFCE00  }
0x209: {  	_ =	swait.ge [sflag:s3], $0x3200  }
0x20a: {  	[sflag:s3] =	ssyncset.done $0x0  }
0x20b: {  	[sflag:s3] =	ssyncadd.s32 $0xFFFFCE00  }
0x20c: {  	_ =	swait.ge [sflag:s2], $0x3200  }
0x20d: {  	[sflag:s2] =	ssyncset.done $0x0  }
0x20e: {  	[sflag:s2] =	ssyncadd.s32 $0xFFFFCE00  }
0x20f: {  	_ =	swait.ge [sflag:s5], $0x3200  }
0x210: {  	[sflag:s5] =	ssyncset.done $0x0  }
0x211: {  	[sflag:s5] =	ssyncadd.s32 $0xFFFFCE00  }
0x212: {  	_ =	swait.ge [sflag:s4], $0x3200  }
0x213: {  	[sflag:s4] =	ssyncset.done $0x0  }
0x214: {  	[sflag:s4] =	ssyncadd.s32 $0xFFFFCE00  }
0x215: {  	_ =	swait.ge [sflag:s3], $0x3200  }
0x216: {  	[sflag:s3] =	ssyncset.done $0x0  }
0x217: {  	[sflag:s3] =	ssyncadd.s32 $0xFFFFCE00  }
0x218: {  	_ =	swait.ge [sflag:s2], $0x3200  }
0x219: {  	[sflag:s2] =	ssyncset.done $0x0  }
0x21a: {  	[sflag:s2] =	ssyncadd.s32 $0xFFFFCE00  }
0x21b: {  	_ =	swait.ge [sflag:s5], $0x3200  }
0x21c: {  	[sflag:s5] =	ssyncset.done $0x0  }
0x21d: {  	[sflag:s5] =	ssyncadd.s32 $0xFFFFCE00  }
0x21e: {  	_ =	swait.ge [sflag:s4], $0x3200  }
0x21f: {  	[sflag:s4] =	ssyncset.done $0x0  }
0x220: {  	[sflag:s4] =	ssyncadd.s32 $0xFFFFCE00  }
0x221: {  	_ =	swait.ge [sflag:s3], $0x3200  }
0x222: {  	[sflag:s3] =	ssyncset.done $0x0  }
0x223: {  	[sflag:s3] =	ssyncadd.s32 $0xFFFFCE00  }
0x224: {  	_ =	swait.ge [sflag:s2], $0x3200  }
0x225: {  	[sflag:s2] =	ssyncset.done $0x0  }
0x226: {  	[sflag:s2] =	ssyncadd.s32 $0xFFFFCE00  }
0x227: {  	_ =	swait.ge [sflag:s5], $0x3200  }
0x228: {  	[sflag:s5] =	ssyncset.done $0x0  }
0x229: {  	[sflag:s5] =	ssyncadd.s32 $0xFFFFCE00  }
0x22a: {  	_ =	swait.ge [sflag:s4], $0x3200  }
0x22b: {  	[sflag:s4] =	ssyncset.done $0x0  }
0x22c: {  	[sflag:s4] =	ssyncadd.s32 $0xFFFFCE00  }
0x22d: {  	_ =	swait.ge [sflag:s3], $0x3200  }
0x22e: {  	[sflag:s3] =	ssyncset.done $0x0  }
0x22f: {  	[sflag:s3] =	ssyncadd.s32 $0xFFFFCE00  }
0x230: {  	_ =	swait.ge [sflag:s2], $0x3200  }
0x231: {  	[sflag:s2] =	ssyncset.done $0x0  }
0x232: {  	[sflag:s2] =	ssyncadd.s32 $0xFFFFCE00  }
0x233: {  	_ =	swait.ge [sflag:s5], $0x3200  }
0x234: {  	[sflag:s5] =	ssyncset.done $0x0  }
0x235: {  	[sflag:s5] =	ssyncadd.s32 $0xFFFFCE00  }
0x236: {  	_ =	swait.ge [sflag:s4], $0x3200  }
0x237: {  	[sflag:s4] =	ssyncset.done $0x0  }
0x238: {  	[sflag:s4] =	ssyncadd.s32 $0xFFFFCE00  }
0x239: {  	_ =	swait.ge [sflag:s3], $0x3200  }
0x23a: {  	[sflag:s3] =	ssyncset.done $0x0  }
0x23b: {  	[sflag:s3] =	ssyncadd.s32 $0xFFFFCE00  }
0x23c: {  	_ =	swait.ge [sflag:s2], $0x3200  }
0x23d: {  	[sflag:s2] =	ssyncset.done $0x0  }
0x23e: {  	[sflag:s2] =	ssyncadd.s32 $0xFFFFCE00  }
0x23f: {  	_ =	swait.ge [sflag:s5], $0x3200  }
0x240: {  	[sflag:s5] =	ssyncset.done $0x0  }
0x241: {  	[sflag:s5] =	ssyncadd.s32 $0xFFFFCE00  }
0x242: {  	_ =	swait.ge [sflag:s4], $0x3200  }
0x243: {  	[sflag:s4] =	ssyncset.done $0x0  }
0x244: {  	[sflag:s4] =	ssyncadd.s32 $0xFFFFCE00  }
0x245: {  	_ =	swait.ge [sflag:s3], $0x3200  }
0x246: {  	[sflag:s3] =	ssyncset.done $0x0  }
0x247: {  	[sflag:s3] =	ssyncadd.s32 $0xFFFFCE00  }
0x248: {  	_ =	swait.ge [sflag:s2], $0x3200  }
0x249: {  	[sflag:s2] =	ssyncset.done $0x0  }
0x24a: {  	[sflag:s2] =	ssyncadd.s32 $0xFFFFCE00  }
0x24b: {  	_ =	swait.ge [sflag:s5], $0x3200  }
0x24c: {  	[sflag:s5] =	ssyncset.done $0x0  }
0x24d: {  	[sflag:s5] =	ssyncadd.s32 $0xFFFFCE00  }
0x24e: {  	_ =	swait.ge [sflag:s4], $0x3200  }
0x24f: {  	[sflag:s4] =	ssyncset.done $0x0  }
0x250: {  	[sflag:s4] =	ssyncadd.s32 $0xFFFFCE00  }
0x251: {  	_ =	swait.ge [sflag:s3], $0x3200  }
0x252: {  	[sflag:s3] =	ssyncset.done $0x0  }
0x253: {  	[sflag:s3] =	ssyncadd.s32 $0xFFFFCE00  }
0x254: {  	_ =	swait.ge [sflag:s2], $0x3200  }
0x255: {  	[sflag:s2] =	ssyncset.done $0x0  }
0x256: {  	[sflag:s2] =	ssyncadd.s32 $0xFFFFCE00  }
0x257: {  	_ =	swait.ge [sflag:s5], $0x3200  }
0x258: {  	[sflag:s5] =	ssyncset.done $0x0  }
0x259: {  	[sflag:s5] =	ssyncadd.s32 $0xFFFFCE00  }
0x25a: {  	_ =	swait.ge [sflag:s4], $0x3200  }
0x25b: {  	[sflag:s4] =	ssyncset.done $0x0  }
0x25c: {  	[sflag:s4] =	ssyncadd.s32 $0xFFFFCE00  }
0x25d: {  	_ =	swait.ge [sflag:s3], $0x3200  }
0x25e: {  	[sflag:s3] =	ssyncset.done $0x0  }
0x25f: {  	[sflag:s3] =	ssyncadd.s32 $0xFFFFCE00  }
0x260: {  	_ =	swait.ge [sflag:s2], $0x3200  }
0x261: {  	[sflag:s2] =	ssyncset.done $0x0  }
0x262: {  	[sflag:s2] =	ssyncadd.s32 $0xFFFFCE00  }
0x263: {  	_ =	swait.ge [sflag:s5], $0x3200  }
0x264: {  	[sflag:s5] =	ssyncset.done $0x0  }
0x265: {  	[sflag:s5] =	ssyncadd.s32 $0xFFFFCE00  }
0x266: {  	_ =	swait.ge [sflag:s4], $0x3200  }
0x267: {  	[sflag:s4] =	ssyncset.done $0x0  }
0x268: {  	[sflag:s4] =	ssyncadd.s32 $0xFFFFCE00  }
0x269: {  	_ =	swait.ge [sflag:s3], $0x3200  }
0x26a: {  	[sflag:s3] =	ssyncset.done $0x0  }
0x26b: {  	[sflag:s3] =	ssyncadd.s32 $0xFFFFCE00  }
0x26c: {  	_ =	swait.ge [sflag:s2], $0x3200  }
0x26d: {  	[sflag:s2] =	ssyncset.done $0x0  }
0x26e: {  	[sflag:s2] =	ssyncadd.s32 $0xFFFFCE00  }
0x26f: {  	_ =	swait.ge [sflag:s5], $0x3200  }
0x270: {  	[sflag:s5] =	ssyncset.done $0x0  }
0x271: {  	[sflag:s5] =	ssyncadd.s32 $0xFFFFCE00  }
0x272: {  	_ =	swait.ge [sflag:s4], $0x3200  }
0x273: {  	[sflag:s4] =	ssyncset.done $0x0  }
0x274: {  	[sflag:s4] =	ssyncadd.s32 $0xFFFFCE00  }
0x275: {  	_ =	swait.ge [sflag:s3], $0x3200  }
0x276: {  	[sflag:s3] =	ssyncset.done $0x0  }
0x277: {  	[sflag:s3] =	ssyncadd.s32 $0xFFFFCE00  }
0x278: {  	_ =	swait.ge [sflag:s2], $0x3200  }
0x279: {  	[sflag:s2] =	ssyncset.done $0x0  }
0x27a: {  	[sflag:s2] =	ssyncadd.s32 $0xFFFFCE00  }
0x27b: {  	_ =	swait.ge [sflag:s5], $0x3200  }
0x27c: {  	[sflag:s5] =	ssyncset.done $0x0  }
0x27d: {  	[sflag:s5] =	ssyncadd.s32 $0xFFFFCE00  }
0x27e: {  	_ =	swait.ge [sflag:s4], $0x3200  }
0x27f: {  	[sflag:s4] =	ssyncset.done $0x0  }
0x280: {  	[sflag:s4] =	ssyncadd.s32 $0xFFFFCE00  }
0x281: {  	_ =	swait.ge [sflag:s3], $0x3200  }
0x282: {  	[sflag:s3] =	ssyncset.done $0x0  }
0x283: {  	[sflag:s3] =	ssyncadd.s32 $0xFFFFCE00  }
0x284: {  	_ =	swait.ge [sflag:s2], $0x3200  }
0x285: {  	[sflag:s2] =	ssyncset.done $0x0  }
0x286: {  	[sflag:s2] =	ssyncadd.s32 $0xFFFFCE00  }
0x287: {  	_ =	swait.ge [sflag:s5], $0x3200  }
0x288: {  	[sflag:s5] =	ssyncset.done $0x0  }
0x289: {  	[sflag:s5] =	ssyncadd.s32 $0xFFFFCE00  }
0x28a: {  	_ =	swait.ge [sflag:s4], $0x3200  }
0x28b: {  	[sflag:s4] =	ssyncset.done $0x0  }
0x28c: {  	[sflag:s4] =	ssyncadd.s32 $0xFFFFCE00  }
0x28d: {  	_ =	swait.ge [sflag:s3], $0x3200  }
0x28e: {  	[sflag:s3] =	ssyncset.done $0x0  }
0x28f: {  	[sflag:s3] =	ssyncadd.s32 $0xFFFFCE00  }
0x290: {  	_ =	swait.ge [sflag:s2], $0x3200  }
0x291: {  	[sflag:s2] =	ssyncset.done $0x0  }
0x292: {  	[sflag:s2] =	ssyncadd.s32 $0xFFFFCE00  }
0x293: {  	_ =	swait.ge [sflag:s5], $0x3200  }
0x294: {  	[sflag:s5] =	ssyncset.done $0x0  }
0x295: {  	[sflag:s5] =	ssyncadd.s32 $0xFFFFCE00  }
0x296: {  	_ =	swait.ge [sflag:s4], $0x3200  }
0x297: {  	[sflag:s4] =	ssyncset.done $0x0  }
0x298: {  	[sflag:s4] =	ssyncadd.s32 $0xFFFFCE00  }
0x299: {  	_ =	swait.ge [sflag:s3], $0x3200  }
0x29a: {  	[sflag:s3] =	ssyncset.done $0x0  }
0x29b: {  	[sflag:s3] =	ssyncadd.s32 $0xFFFFCE00  }
0x29c: {  	_ =	swait.ge [sflag:s2], $0x3200  }
0x29d: {  	[sflag:s2] =	ssyncset.done $0x0  }
0x29e: {  	[sflag:s2] =	ssyncadd.s32 $0xFFFFCE00  }
0x29f: {  	_ =	swait.ge [sflag:s5], $0x3200  }
0x2a0: {  	[sflag:s5] =	ssyncset.done $0x0  }
0x2a1: {  	[sflag:s5] =	ssyncadd.s32 $0xFFFFCE00  }
0x2a2: {  	_ =	swait.ge [sflag:s4], $0x3200  }
0x2a3: {  	[sflag:s4] =	ssyncset.done $0x0  }
0x2a4: {  	[sflag:s4] =	ssyncadd.s32 $0xFFFFCE00  }
0x2a5: {  	_ =	swait.ge [sflag:s3], $0x3200  }
0x2a6: {  	[sflag:s3] =	ssyncset.done $0x0  }
0x2a7: {  	[sflag:s3] =	ssyncadd.s32 $0xFFFFCE00  }
0x2a8: {  	_ =	swait.ge [sflag:s2], $0x3200  }
0x2a9: {  	[sflag:s2] =	ssyncset.done $0x0  }
0x2aa: {  	[sflag:s2] =	ssyncadd.s32 $0xFFFFCE00  }
0x2ab: {  	_ =	swait.ge [sflag:s5], $0x3200  }
0x2ac: {  	[sflag:s5] =	ssyncset.done $0x0  }
0x2ad: {  	[sflag:s5] =	ssyncadd.s32 $0xFFFFCE00  }
0x2ae: {  	_ =	swait.ge [sflag:s4], $0x3200  }
0x2af: {  	[sflag:s4] =	ssyncset.done $0x0  }
0x2b0: {  	[sflag:s4] =	ssyncadd.s32 $0xFFFFCE00  }
0x2b1: {  	_ =	swait.ge [sflag:s3], $0x3200  }
0x2b2: {  	[sflag:s3] =	ssyncset.done $0x0  }
0x2b3: {  	[sflag:s3] =	ssyncadd.s32 $0xFFFFCE00  }
0x2b4: {  	_ =	swait.ge [sflag:s2], $0x3200  }
0x2b5: {  	[sflag:s2] =	ssyncset.done $0x0  }
0x2b6: {  	[sflag:s2] =	ssyncadd.s32 $0xFFFFCE00  }
0x2b7: {  	_ =	swait.ge [sflag:s5], $0x3200  }
0x2b8: {  	[sflag:s5] =	ssyncset.done $0x0  }
0x2b9: {  	[sflag:s5] =	ssyncadd.s32 $0xFFFFCE00  }
0x2ba: {  	_ =	swait.ge [sflag:s4], $0x3200  }
0x2bb: {  	[sflag:s4] =	ssyncset.done $0x0  }
0x2bc: {  	[sflag:s4] =	ssyncadd.s32 $0xFFFFCE00  }
0x2bd: {  	_ =	swait.ge [sflag:s3], $0x3200  }
0x2be: {  	[sflag:s3] =	ssyncset.done $0x0  }
0x2bf: {  	[sflag:s3] =	ssyncadd.s32 $0xFFFFCE00  }
0x2c0: {  	_ =	swait.ge [sflag:s2], $0x3200  }
0x2c1: {  	[sflag:s2] =	ssyncset.done $0x0  }
0x2c2: {  	[sflag:s2] =	ssyncadd.s32 $0xFFFFCE00  }
0x2c3: {  	_ =	swait.ge [sflag:s5], $0x3200  }
0x2c4: {  	[sflag:s5] =	ssyncset.done $0x0  }
0x2c5: {  	[sflag:s5] =	ssyncadd.s32 $0xFFFFCE00  }
0x2c6: {  	_ =	swait.ge [sflag:s4], $0x3200  }
0x2c7: {  	[sflag:s4] =	ssyncset.done $0x0  }
0x2c8: {  	[sflag:s4] =	ssyncadd.s32 $0xFFFFCE00  }
0x2c9: {  	_ =	swait.ge [sflag:s3], $0x3200  }
0x2ca: {  	[sflag:s3] =	ssyncset.done $0x0  }
0x2cb: {  	[sflag:s3] =	ssyncadd.s32 $0xFFFFCE00  }
0x2cc: {  	_ =	swait.ge [sflag:s2], $0x3200  }
0x2cd: {  	[sflag:s2] =	ssyncset.done $0x0  }
0x2ce: {  	[sflag:s2] =	ssyncadd.s32 $0xFFFFCE00  }
0x2cf: {  	_ =	swait.ge [sflag:s5], $0x3200  }
0x2d0: {  	[sflag:s5] =	ssyncset.done $0x0  }
0x2d1: {  	[sflag:s5] =	ssyncadd.s32 $0xFFFFCE00  }
0x2d2: {  	_ =	swait.ge [sflag:s4], $0x3200  }
0x2d3: {  	[sflag:s4] =	ssyncset.done $0x0  }
0x2d4: {  	[sflag:s4] =	ssyncadd.s32 $0xFFFFCE00  }
0x2d5: {  	_ =	swait.ge [sflag:s3], $0x3200  }
0x2d6: {  	[sflag:s3] =	ssyncset.done $0x0  }
0x2d7: {  	[sflag:s3] =	ssyncadd.s32 $0xFFFFCE00  }
0x2d8: {  	_ =	swait.ge [sflag:s2], $0x3200  }
0x2d9: {  	[sflag:s2] =	ssyncset.done $0x0  }
0x2da: {  	[sflag:s2] =	ssyncadd.s32 $0xFFFFCE00  }
0x2db: {  	_ =	swait.ge [sflag:s5], $0x3200  }
0x2dc: {  	[sflag:s5] =	ssyncset.done $0x0  }
0x2dd: {  	[sflag:s5] =	ssyncadd.s32 $0xFFFFCE00  }
0x2de: {  	_ =	swait.ge [sflag:s4], $0x3200  }
0x2df: {  	[sflag:s4] =	ssyncset.done $0x0  }
0x2e0: {  	[sflag:s4] =	ssyncadd.s32 $0xFFFFCE00  }
0x2e1: {  	_ =	swait.ge [sflag:s3], $0x3200  }
0x2e2: {  	[sflag:s3] =	ssyncset.done $0x0  }
0x2e3: {  	[sflag:s3] =	ssyncadd.s32 $0xFFFFCE00  }
0x2e4: {  	_ =	swait.ge [sflag:s2], $0x3200  }
0x2e5: {  	[sflag:s2] =	ssyncset.done $0x0  }
0x2e6: {  	[sflag:s2] =	ssyncadd.s32 $0xFFFFCE00  }
0x2e7: {  	_ =	swait.ge [sflag:s5], $0x3200  }
0x2e8: {  	[sflag:s5] =	ssyncset.done $0x0  }
0x2e9: {  	[sflag:s5] =	ssyncadd.s32 $0xFFFFCE00  }
0x2ea: {  	_ =	swait.ge [sflag:s4], $0x3200  }
0x2eb: {  	[sflag:s4] =	ssyncset.done $0x0  }
0x2ec: {  	[sflag:s4] =	ssyncadd.s32 $0xFFFFCE00  }
0x2ed: {  	_ =	swait.ge [sflag:s3], $0x3200  }
0x2ee: {  	[sflag:s3] =	ssyncset.done $0x0  }
0x2ef: {  	[sflag:s3] =	ssyncadd.s32 $0xFFFFCE00  }
0x2f0: {  	_ =	swait.ge [sflag:s2], $0x3200  }
0x2f1: {  	[sflag:s2] =	ssyncset.done $0x0  }
0x2f2: {  	[sflag:s2] =	ssyncadd.s32 $0xFFFFCE00  }
0x2f3: {  	_ =	swait.ge [sflag:s5], $0x3200  }
0x2f4: {  	[sflag:s5] =	ssyncset.done $0x0  }
0x2f5: {  	[sflag:s5] =	ssyncadd.s32 $0xFFFFCE00  }
0x2f6: {  	_ =	swait.ge [sflag:s4], $0x3200  }
0x2f7: {  	[sflag:s4] =	ssyncset.done $0x0  }
0x2f8: {  	p1 =	sne.s32 s8, $0x1;
	[sflag:s4] =	ssyncadd.s32 $0xFFFFCE00  }
.Ltmp1:
0x2f9: {  	_ =	swait.ge [sflag:s3], $0x3200;
	(pc) =	sbr.rel @!p1 .LBB2_3-.Ltmp1, $4  }
0x2fa: {  	[sflag:s3] =	ssyncset.done $0x0  }
0x2fb: {  	[sflag:s3] =	ssyncadd.s32 $0xFFFFCE00  }
0x2fc: {  	p0 =	por $0x1, $0x1;
	_ =	swait.ge [sflag:s2], $0x3200  }
0x2fd: {  	s1 =	sadd.s32 $0xFFFFFFFF, s8;
	s0 =	rddreg [dreg:$0x3];
	[sflag:s2] =	ssyncset.done $0x0  }
.LBB2_4:
0x2fe: {  	[sflag:s2] =	ssyncadd.s32 $0xFFFFCE00  }
0x2ff: {  	[tilespmem:s6], [sflag:$0x1] =	stream.linear.gather [hbm4b:s0+s6], $0x3200, $0x38;
	[tilespmem:$0x3200] =	vst v63  }
0x300: {  	_ =	swait.ge [sflag:s31], $0x3200  }
0x301: {  	s8 =	sld [smem:$0x7AE]  }
0x302: {  	[sflag:s31] =	ssyncset.done $0x0  }
0x303: {  	s0 =	rddreg [dreg:$0x4];
	[sflag:s31] =	ssyncadd.s32 $0xFFFFCE00  }
0x304: {  	[hbm4b:s8+s29] =	stream.strided.scatter [tilespmem:s6], [sflag:$0x2], $0x3200, s30, s29, $0x38;
	[tilespmem:$0x3200] =	vst v63  }
0x305: {  	s8 =	rddreg [dreg:$0x5]  }
0x306: {  	[hbm4b:s0+s29] =	stream.strided.scatter [tilespmem:s6], [sflag:$0x3], $0x3200, s30, s29, $0x38;
	[tilespmem:$0x3200] =	vst v63  }
0x307: {  	s0 =	rddreg [dreg:$0x6]  }
0x308: {  	[hbm4b:s8+s29] =	stream.strided.scatter [tilespmem:s6], [sflag:$0x4], $0x3200, s30, s29, $0x38;
	[tilespmem:$0x3200] =	vst v63  }
0x309: {  	s8 =	rddreg [dreg:$0x7]  }
0x30a: {  	[hbm4b:s0+s29] =	stream.strided.scatter [tilespmem:s6], [sflag:$0x5], $0x3200, s30, s29, $0x38;
	[tilespmem:$0x3200] =	vst v63  }
0x30b: {  	s0 =	rddreg [dreg:$0x8]  }
0x30c: {  	[hbm4b:s8+s29] =	stream.strided.scatter [tilespmem:s6], [sflag:$0x2], $0x3200, s30, s29, $0x38;
	[tilespmem:$0x3200] =	vst v63  }
0x30d: {  	s8 =	rddreg [dreg:$0x9]  }
0x30e: {  	[hbm4b:s0+s29] =	stream.strided.scatter [tilespmem:s6], [sflag:$0x3], $0x3200, s30, s29, $0x38;
	[tilespmem:$0x3200] =	vst v63  }
0x30f: {  	s0 =	rddreg [dreg:$0xa]  }
0x310: {  	[hbm4b:s8+s29] =	stream.strided.scatter [tilespmem:s6], [sflag:$0x4], $0x3200, s30, s29, $0x38;
	[tilespmem:$0x3200] =	vst v63  }
0x311: {  	s8 =	rddreg [dreg:$0xb]  }
0x312: {  	[hbm4b:s0+s29] =	stream.strided.scatter [tilespmem:s6], [sflag:$0x5], $0x3200, s30, s29, $0x38;
	[tilespmem:$0x3200] =	vst v63  }
0x313: {  	s0 =	rddreg [dreg:$0xc]  }
0x314: {  	[hbm4b:s8+s29] =	stream.strided.scatter [tilespmem:s6], [sflag:$0x2], $0x3200, s30, s29, $0x38;
	[tilespmem:$0x3200] =	vst v63  }
0x315: {  	s8 =	rddreg [dreg:$0xd]  }
0x316: {  	[hbm4b:s0+s29] =	stream.strided.scatter [tilespmem:s6], [sflag:$0x3], $0x3200, s30, s29, $0x38;
	[tilespmem:$0x3200] =	vst v63  }
0x317: {  	s0 =	rddreg [dreg:$0xe]  }
0x318: {  	[hbm4b:s8+s29] =	stream.strided.scatter [tilespmem:s6], [sflag:$0x4], $0x3200, s30, s29, $0x38;
	[tilespmem:$0x3200] =	vst v63  }
0x319: {  	s8 =	rddreg [dreg:$0xf]  }
0x31a: {  	[hbm4b:s0+s29] =	stream.strided.scatter [tilespmem:s6], [sflag:$0x5], $0x3200, s30, s29, $0x38;
	[tilespmem:$0x3200] =	vst v63  }
0x31b: {  	s0 =	rddreg [dreg:$0x10]  }
0x31c: {  	[hbm4b:s8+s29] =	stream.strided.scatter [tilespmem:s6], [sflag:$0x2], $0x3200, s30, s29, $0x38;
	[tilespmem:$0x3200] =	vst v63  }
0x31d: {  	s8 =	rddreg [dreg:$0x11]  }
0x31e: {  	[hbm4b:s0+s29] =	stream.strided.scatter [tilespmem:s6], [sflag:$0x3], $0x3200, s30, s29, $0x38;
	[tilespmem:$0x3200] =	vst v63  }
0x31f: {  	s0 =	rddreg [dreg:$0x12]  }
0x320: {  	[hbm4b:s8+s29] =	stream.strided.scatter [tilespmem:s6], [sflag:$0x4], $0x3200, s30, s29, $0x38;
	[tilespmem:$0x3200] =	vst v63  }
0x321: {  	s8 =	rddreg [dreg:$0x13]  }
0x322: {  	[hbm4b:s0+s29] =	stream.strided.scatter [tilespmem:s6], [sflag:$0x5], $0x3200, s30, s29, $0x38;
	[tilespmem:$0x3200] =	vst v63  }
0x323: {  	s0 =	rddreg [dreg:$0x14]  }
0x324: {  	[hbm4b:s8+s29] =	stream.strided.scatter [tilespmem:s6], [sflag:$0x2], $0x3200, s30, s29, $0x38;
	[tilespmem:$0x3200] =	vst v63  }
0x325: {  	s8 =	rddreg [dreg:$0x15]  }
0x326: {  	[hbm4b:s0+s29] =	stream.strided.scatter [tilespmem:s6], [sflag:$0x3], $0x3200, s30, s29, $0x38;
	[tilespmem:$0x3200] =	vst v63  }
0x327: {  	s0 =	rddreg [dreg:$0x16]  }
0x328: {  	[hbm4b:s8+s29] =	stream.strided.scatter [tilespmem:s6], [sflag:$0x4], $0x3200, s30, s29, $0x38;
	[tilespmem:$0x3200] =	vst v63  }
0x329: {  	s8 =	rddreg [dreg:$0x17]  }
0x32a: {  	[hbm4b:s0+s29] =	stream.strided.scatter [tilespmem:s6], [sflag:$0x5], $0x3200, s30, s29, $0x38;
	[tilespmem:$0x3200] =	vst v63  }
0x32b: {  	s0 =	rddreg [dreg:$0x18]  }
0x32c: {  	[hbm4b:s8+s29] =	stream.strided.scatter [tilespmem:s6], [sflag:$0x2], $0x3200, s30, s29, $0x38;
	[tilespmem:$0x3200] =	vst v63  }
0x32d: {  	s8 =	rddreg [dreg:$0x19]  }
0x32e: {  	[hbm4b:s0+s29] =	stream.strided.scatter [tilespmem:s6], [sflag:$0x3], $0x3200, s30, s29, $0x38;
	[tilespmem:$0x3200] =	vst v63  }
0x32f: {  	s0 =	rddreg [dreg:$0x1a]  }
0x330: {  	[hbm4b:s8+s29] =	stream.strided.scatter [tilespmem:s6], [sflag:$0x4], $0x3200, s30, s29, $0x38;
	[tilespmem:$0x3200] =	vst v63  }
0x331: {  	s8 =	rddreg [dreg:$0x1b]  }
0x332: {  	[hbm4b:s0+s29] =	stream.strided.scatter [tilespmem:s6], [sflag:$0x5], $0x3200, s30, s29, $0x38;
	[tilespmem:$0x3200] =	vst v63  }
0x333: {  	s0 =	rddreg [dreg:$0x1c]  }
0x334: {  	[hbm4b:s8+s29] =	stream.strided.scatter [tilespmem:s6], [sflag:$0x2], $0x3200, s30, s29, $0x38;
	[tilespmem:$0x3200] =	vst v63  }
0x335: {  	s8 =	rddreg [dreg:$0x1d]  }
0x336: {  	[hbm4b:s0+s29] =	stream.strided.scatter [tilespmem:s6], [sflag:$0x3], $0x3200, s30, s29, $0x38;
	[tilespmem:$0x3200] =	vst v63  }
0x337: {  	s0 =	rddreg [dreg:$0x1e]  }
0x338: {  	[hbm4b:s8+s29] =	stream.strided.scatter [tilespmem:s6], [sflag:$0x4], $0x3200, s30, s29, $0x38;
	[tilespmem:$0x3200] =	vst v63  }
0x339: {  	s8 =	rddreg [dreg:$0x1f]  }
0x33a: {  	[hbm4b:s0+s29] =	stream.strided.scatter [tilespmem:s6], [sflag:$0x5], $0x3200, s30, s29, $0x38;
	[tilespmem:$0x3200] =	vst v63  }
0x33b: {  	s0 =	sld [smem:$0x7AF]  }
0x33c: {  	[hbm4b:s8+s29] =	stream.strided.scatter [tilespmem:s6], [sflag:$0x2], $0x3200, s30, s29, $0x38;
	[tilespmem:$0x3200] =	vst v63  }
0x33d: {  	s8 =	sld [smem:$0x7B0]  }
0x33e: {  	[hbm4b:s0+s29] =	stream.strided.scatter [tilespmem:s6], [sflag:$0x3], $0x3200, s30, s29, $0x38;
	[tilespmem:$0x3200] =	vst v63  }
0x33f: {  	s0 =	sld [smem:$0x7B1]  }
0x340: {  	[hbm4b:s8+s29] =	stream.strided.scatter [tilespmem:s6], [sflag:$0x4], $0x3200, s30, s29, $0x38;
	[tilespmem:$0x3200] =	vst v63  }
0x341: {  	s8 =	sld [smem:$0x7B2]  }
0x342: {  	[hbm4b:s0+s29] =	stream.strided.scatter [tilespmem:s6], [sflag:$0x5], $0x3200, s30, s29, $0x38;
	[tilespmem:$0x3200] =	vst v63  }
0x343: {  	s0 =	sld [smem:$0x7B3]  }
0x344: {  	[hbm4b:s8+s29] =	stream.strided.scatter [tilespmem:s6], [sflag:$0x2], $0x3200, s30, s29, $0x38;
	[tilespmem:$0x3200] =	vst v63  }
0x345: {  	s8 =	sld [smem:$0x7B4]  }
0x346: {  	[hbm4b:s0+s29] =	stream.strided.scatter [tilespmem:s6], [sflag:$0x3], $0x3200, s30, s29, $0x38;
	[tilespmem:$0x3200] =	vst v63  }
0x347: {  	s0 =	sld [smem:$0x7B5]  }
0x348: {  	[hbm4b:s8+s29] =	stream.strided.scatter [tilespmem:s6], [sflag:$0x4], $0x3200, s30, s29, $0x38;
	[tilespmem:$0x3200] =	vst v63  }
0x349: {  	s8 =	sld [smem:$0x7B6]  }
0x34a: {  	[hbm4b:s0+s29] =	stream.strided.scatter [tilespmem:s6], [sflag:$0x5], $0x3200, s30, s29, $0x38;
	[tilespmem:$0x3200] =	vst v63  }
0x34b: {  	s0 =	sld [smem:$0x7B7]  }
0x34c: {  	[hbm4b:s8+s29] =	stream.strided.scatter [tilespmem:s6], [sflag:$0x2], $0x3200, s30, s29, $0x38;
	[tilespmem:$0x3200] =	vst v63  }
0x34d: {  	s8 =	sld [smem:$0x7B8]  }
0x34e: {  	[hbm4b:s0+s29] =	stream.strided.scatter [tilespmem:s6], [sflag:$0x3], $0x3200, s30, s29, $0x38;
	[tilespmem:$0x3200] =	vst v63  }
0x34f: {  	s0 =	sld [smem:$0x7B9]  }
0x350: {  	[hbm4b:s8+s29] =	stream.strided.scatter [tilespmem:s6], [sflag:$0x4], $0x3200, s30, s29, $0x38;
	[tilespmem:$0x3200] =	vst v63  }
0x351: {  	s8 =	sld [smem:$0x7BA]  }
0x352: {  	[hbm4b:s0+s29] =	stream.strided.scatter [tilespmem:s6], [sflag:$0x5], $0x3200, s30, s29, $0x38;
	[tilespmem:$0x3200] =	vst v63  }
0x353: {  	s0 =	sld [smem:$0x7BB]  }
0x354: {  	[hbm4b:s8+s29] =	stream.strided.scatter [tilespmem:s6], [sflag:$0x2], $0x3200, s30, s29, $0x38;
	[tilespmem:$0x3200] =	vst v63  }
0x355: {  	s8 =	sld [smem:$0x7BC]  }
0x356: {  	[hbm4b:s0+s29] =	stream.strided.scatter [tilespmem:s6], [sflag:$0x3], $0x3200, s30, s29, $0x38;
	[tilespmem:$0x3200] =	vst v63  }
0x357: {  	s0 =	sld [smem:$0x7BD]  }
0x358: {  	[hbm4b:s8+s29] =	stream.strided.scatter [tilespmem:s6], [sflag:$0x4], $0x3200, s30, s29, $0x38;
	[tilespmem:$0x3200] =	vst v63  }
0x359: {  	s8 =	sld [smem:$0x7BE]  }
0x35a: {  	[hbm4b:s0+s29] =	stream.strided.scatter [tilespmem:s6], [sflag:$0x5], $0x3200, s30, s29, $0x38;
	[tilespmem:$0x3200] =	vst v63  }
0x35b: {  	s0 =	sld [smem:$0x7BF]  }
0x35c: {  	[hbm4b:s8+s29] =	stream.strided.scatter [tilespmem:s6], [sflag:$0x2], $0x3200, s30, s29, $0x38;
	[tilespmem:$0x3200] =	vst v63  }
0x35d: {  	s8 =	sld [smem:$0x7C0]  }
0x35e: {  	[hbm4b:s0+s29] =	stream.strided.scatter [tilespmem:s6], [sflag:$0x3], $0x3200, s30, s29, $0x38;
	[tilespmem:$0x3200] =	vst v63  }
0x35f: {  	s0 =	sld [smem:$0x7C1]  }
0x360: {  	[hbm4b:s8+s29] =	stream.strided.scatter [tilespmem:s6], [sflag:$0x4], $0x3200, s30, s29, $0x38;
	[tilespmem:$0x3200] =	vst v63  }
0x361: {  	s8 =	sld [smem:$0x7C2]  }
0x362: {  	[hbm4b:s0+s29] =	stream.strided.scatter [tilespmem:s6], [sflag:$0x5], $0x3200, s30, s29, $0x38;
	[tilespmem:$0x3200] =	vst v63  }
0x363: {  	s0 =	sld [smem:$0x7C3]  }
0x364: {  	[hbm4b:s8+s29] =	stream.strided.scatter [tilespmem:s6], [sflag:$0x2], $0x3200, s30, s29, $0x38;
	[tilespmem:$0x3200] =	vst v63  }
0x365: {  	s8 =	sld [smem:$0x7C4]  }
0x366: {  	[hbm4b:s0+s29] =	stream.strided.scatter [tilespmem:s6], [sflag:$0x3], $0x3200, s30, s29, $0x38;
	[tilespmem:$0x3200] =	vst v63  }
0x367: {  	s0 =	sld [smem:$0x7C5]  }
0x368: {  	[hbm4b:s8+s29] =	stream.strided.scatter [tilespmem:s6], [sflag:$0x4], $0x3200, s30, s29, $0x38;
	[tilespmem:$0x3200] =	vst v63  }
0x369: {  	s8 =	sld [smem:$0x7C6]  }
0x36a: {  	[hbm4b:s0+s29] =	stream.strided.scatter [tilespmem:s6], [sflag:$0x5], $0x3200, s30, s29, $0x38;
	[tilespmem:$0x3200] =	vst v63  }
0x36b: {  	s0 =	sld [smem:$0x7C7]  }
0x36c: {  	[hbm4b:s8+s29] =	stream.strided.scatter [tilespmem:s6], [sflag:$0x2], $0x3200, s30, s29, $0x38;
	[tilespmem:$0x3200] =	vst v63  }
0x36d: {  	s8 =	sld [smem:$0x7C8]  }
0x36e: {  	[hbm4b:s0+s29] =	stream.strided.scatter [tilespmem:s6], [sflag:$0x3], $0x3200, s30, s29, $0x38;
	[tilespmem:$0x3200] =	vst v63  }
0x36f: {  	s0 =	sld [smem:$0x7C9]  }
0x370: {  	[hbm4b:s8+s29] =	stream.strided.scatter [tilespmem:s6], [sflag:$0x4], $0x3200, s30, s29, $0x38;
	[tilespmem:$0x3200] =	vst v63  }
0x371: {  	s8 =	sld [smem:$0x7CA]  }
0x372: {  	[hbm4b:s0+s29] =	stream.strided.scatter [tilespmem:s6], [sflag:$0x5], $0x3200, s30, s29, $0x38;
	[tilespmem:$0x3200] =	vst v63  }
0x373: {  	s0 =	sld [smem:$0x7CB]  }
0x374: {  	[hbm4b:s8+s29] =	stream.strided.scatter [tilespmem:s6], [sflag:$0x2], $0x3200, s30, s29, $0x38;
	[tilespmem:$0x3200] =	vst v63  }
0x375: {  	s8 =	sld [smem:$0x7CC]  }
0x376: {  	[hbm4b:s0+s29] =	stream.strided.scatter [tilespmem:s6], [sflag:$0x3], $0x3200, s30, s29, $0x38;
	[tilespmem:$0x3200] =	vst v63  }
0x377: {  	s0 =	sld [smem:$0x7CD]  }
0x378: {  	[hbm4b:s8+s29] =	stream.strided.scatter [tilespmem:s6], [sflag:$0x4], $0x3200, s30, s29, $0x38;
	[tilespmem:$0x3200] =	vst v63  }
0x379: {  	s8 =	sld [smem:$0x7CE]  }
0x37a: {  	[hbm4b:s0+s29] =	stream.strided.scatter [tilespmem:s6], [sflag:$0x5], $0x3200, s30, s29, $0x38;
	[tilespmem:$0x3200] =	vst v63  }
0x37b: {  	s0 =	sld [smem:$0x7CF]  }
0x37c: {  	[hbm4b:s8+s29] =	stream.strided.scatter [tilespmem:s6], [sflag:$0x2], $0x3200, s30, s29, $0x38;
	[tilespmem:$0x3200] =	vst v63  }
0x37d: {  	s8 =	sld [smem:$0x7D0]  }
0x37e: {  	[hbm4b:s0+s29] =	stream.strided.scatter [tilespmem:s6], [sflag:$0x3], $0x3200, s30, s29, $0x38;
	[tilespmem:$0x3200] =	vst v63  }
0x37f: {  	s0 =	sld [smem:$0x7D1]  }
0x380: {  	[hbm4b:s8+s29] =	stream.strided.scatter [tilespmem:s6], [sflag:$0x4], $0x3200, s30, s29, $0x38;
	[tilespmem:$0x3200] =	vst v63  }
0x381: {  	s8 =	sld [smem:$0x7D2]  }
0x382: {  	[hbm4b:s0+s29] =	stream.strided.scatter [tilespmem:s6], [sflag:$0x5], $0x3200, s30, s29, $0x38;
	[tilespmem:$0x3200] =	vst v63  }
0x383: {  	s0 =	sld [smem:$0x7D3]  }
0x384: {  	[hbm4b:s8+s29] =	stream.strided.scatter [tilespmem:s6], [sflag:$0x2], $0x3200, s30, s29, $0x38;
	[tilespmem:$0x3200] =	vst v63  }
0x385: {  	s8 =	sld [smem:$0x7D4]  }
0x386: {  	[hbm4b:s0+s29] =	stream.strided.scatter [tilespmem:s6], [sflag:$0x3], $0x3200, s30, s29, $0x38;
	[tilespmem:$0x3200] =	vst v63  }
0x387: {  	s0 =	sld [smem:$0x7D5]  }
0x388: {  	[hbm4b:s8+s29] =	stream.strided.scatter [tilespmem:s6], [sflag:$0x4], $0x3200, s30, s29, $0x38;
	[tilespmem:$0x3200] =	vst v63  }
0x389: {  	s8 =	sld [smem:$0x7D6]  }
0x38a: {  	[hbm4b:s0+s29] =	stream.strided.scatter [tilespmem:s6], [sflag:$0x5], $0x3200, s30, s29, $0x38;
	[tilespmem:$0x3200] =	vst v63  }
0x38b: {  	s0 =	sld [smem:$0x7D7]  }
0x38c: {  	[hbm4b:s8+s29] =	stream.strided.scatter [tilespmem:s6], [sflag:$0x2], $0x3200, s30, s29, $0x38;
	[tilespmem:$0x3200] =	vst v63  }
0x38d: {  	s8 =	sld [smem:$0x7D8]  }
0x38e: {  	[hbm4b:s0+s29] =	stream.strided.scatter [tilespmem:s6], [sflag:$0x3], $0x3200, s30, s29, $0x38;
	[tilespmem:$0x3200] =	vst v63  }
0x38f: {  	s0 =	sld [smem:$0x7D9]  }
0x390: {  	[hbm4b:s8+s29] =	stream.strided.scatter [tilespmem:s6], [sflag:$0x4], $0x3200, s30, s29, $0x38;
	[tilespmem:$0x3200] =	vst v63  }
0x391: {  	s8 =	sld [smem:$0x7DA]  }
0x392: {  	[hbm4b:s0+s29] =	stream.strided.scatter [tilespmem:s6], [sflag:$0x5], $0x3200, s30, s29, $0x38;
	[tilespmem:$0x3200] =	vst v63  }
0x393: {  	s0 =	sld [smem:$0x7DB]  }
0x394: {  	[hbm4b:s8+s29] =	stream.strided.scatter [tilespmem:s6], [sflag:$0x2], $0x3200, s30, s29, $0x38;
	[tilespmem:$0x3200] =	vst v63  }
0x395: {  	s8 =	sld [smem:$0x7DC]  }
0x396: {  	[hbm4b:s0+s29] =	stream.strided.scatter [tilespmem:s6], [sflag:$0x3], $0x3200, s30, s29, $0x38;
	[tilespmem:$0x3200] =	vst v63  }
0x397: {  	s0 =	sld [smem:$0x7DD]  }
0x398: {  	[hbm4b:s8+s29] =	stream.strided.scatter [tilespmem:s6], [sflag:$0x4], $0x3200, s30, s29, $0x38;
	[tilespmem:$0x3200] =	vst v63  }
0x399: {  	s8 =	sld [smem:$0x7DE]  }
0x39a: {  	[hbm4b:s0+s29] =	stream.strided.scatter [tilespmem:s6], [sflag:$0x5], $0x3200, s30, s29, $0x38;
	[tilespmem:$0x3200] =	vst v63  }
0x39b: {  	s0 =	sld [smem:$0x7DF]  }
0x39c: {  	[hbm4b:s8+s29] =	stream.strided.scatter [tilespmem:s6], [sflag:$0x2], $0x3200, s30, s29, $0x38;
	[tilespmem:$0x3200] =	vst v63  }
0x39d: {  	s8 =	sld [smem:$0x7E0]  }
0x39e: {  	[hbm4b:s0+s29] =	stream.strided.scatter [tilespmem:s6], [sflag:$0x3], $0x3200, s30, s29, $0x38;
	[tilespmem:$0x3200] =	vst v63  }
0x39f: {  	s0 =	sld [smem:$0x7E1]  }
0x3a0: {  	[hbm4b:s8+s29] =	stream.strided.scatter [tilespmem:s6], [sflag:$0x4], $0x3200, s30, s29, $0x38;
	[tilespmem:$0x3200] =	vst v63  }
0x3a1: {  	s8 =	sld [smem:$0x7E2]  }
0x3a2: {  	[hbm4b:s0+s29] =	stream.strided.scatter [tilespmem:s6], [sflag:$0x5], $0x3200, s30, s29, $0x38;
	[tilespmem:$0x3200] =	vst v63  }
0x3a3: {  	s0 =	sld [smem:$0x7E3]  }
0x3a4: {  	[hbm4b:s8+s29] =	stream.strided.scatter [tilespmem:s6], [sflag:$0x2], $0x3200, s30, s29, $0x38;
	[tilespmem:$0x3200] =	vst v63  }
0x3a5: {  	s8 =	sld [smem:$0x7E4]  }
0x3a6: {  	[hbm4b:s0+s29] =	stream.strided.scatter [tilespmem:s6], [sflag:$0x3], $0x3200, s30, s29, $0x38;
	[tilespmem:$0x3200] =	vst v63  }
0x3a7: {  	s0 =	sld [smem:$0x7E5]  }
0x3a8: {  	[hbm4b:s8+s29] =	stream.strided.scatter [tilespmem:s6], [sflag:$0x4], $0x3200, s30, s29, $0x38;
	[tilespmem:$0x3200] =	vst v63  }
0x3a9: {  	s8 =	sld [smem:$0x7E6]  }
0x3aa: {  	[hbm4b:s0+s29] =	stream.strided.scatter [tilespmem:s6], [sflag:$0x5], $0x3200, s30, s29, $0x38;
	[tilespmem:$0x3200] =	vst v63  }
0x3ab: {  	s0 =	sld [smem:$0x7E7]  }
0x3ac: {  	[hbm4b:s8+s29] =	stream.strided.scatter [tilespmem:s6], [sflag:$0x2], $0x3200, s30, s29, $0x38;
	[tilespmem:$0x3200] =	vst v63  }
0x3ad: {  	s8 =	sld [smem:$0x7E8]  }
0x3ae: {  	[hbm4b:s0+s29] =	stream.strided.scatter [tilespmem:s6], [sflag:$0x3], $0x3200, s30, s29, $0x38;
	[tilespmem:$0x3200] =	vst v63  }
0x3af: {  	s0 =	sld [smem:$0x7E9]  }
0x3b0: {  	[hbm4b:s8+s29] =	stream.strided.scatter [tilespmem:s6], [sflag:$0x4], $0x3200, s30, s29, $0x38;
	[tilespmem:$0x3200] =	vst v63  }
0x3b1: {  	s8 =	sld [smem:$0x7EA]  }
0x3b2: {  	[hbm4b:s0+s29] =	stream.strided.scatter [tilespmem:s6], [sflag:$0x5], $0x3200, s30, s29, $0x38;
	[tilespmem:$0x3200] =	vst v63  }
0x3b3: {  	s0 =	sld [smem:$0x7EB]  }
0x3b4: {  	[hbm4b:s8+s29] =	stream.strided.scatter [tilespmem:s6], [sflag:$0x2], $0x3200, s30, s29, $0x38;
	[tilespmem:$0x3200] =	vst v63  }
0x3b5: {  	s8 =	sld [smem:$0x7EC]  }
0x3b6: {  	[hbm4b:s0+s29] =	stream.strided.scatter [tilespmem:s6], [sflag:$0x3], $0x3200, s30, s29, $0x38;
	[tilespmem:$0x3200] =	vst v63  }
0x3b7: {  	s0 =	sld [smem:$0x7ED]  }
0x3b8: {  	[hbm4b:s8+s29] =	stream.strided.scatter [tilespmem:s6], [sflag:$0x4], $0x3200, s30, s29, $0x38;
	[tilespmem:$0x3200] =	vst v63  }
0x3b9: {  	s8 =	sld [smem:$0x7EE]  }
0x3ba: {  	[hbm4b:s0+s29] =	stream.strided.scatter [tilespmem:s6], [sflag:$0x5], $0x3200, s30, s29, $0x38;
	[tilespmem:$0x3200] =	vst v63  }
0x3bb: {  	s0 =	sld [smem:$0x7EF]  }
0x3bc: {  	[hbm4b:s8+s29] =	stream.strided.scatter [tilespmem:s6], [sflag:$0x2], $0x3200, s30, s29, $0x38;
	[tilespmem:$0x3200] =	vst v63  }
0x3bd: {  	s8 =	sld [smem:$0x7F0]  }
0x3be: {  	[hbm4b:s0+s29] =	stream.strided.scatter [tilespmem:s6], [sflag:$0x3], $0x3200, s30, s29, $0x38;
	[tilespmem:$0x3200] =	vst v63  }
0x3bf: {  	s0 =	sld [smem:$0x7F1]  }
0x3c0: {  	[hbm4b:s8+s29] =	stream.strided.scatter [tilespmem:s6], [sflag:$0x4], $0x3200, s30, s29, $0x38;
	[tilespmem:$0x3200] =	vst v63  }
0x3c1: {  	s8 =	sld [smem:$0x7F2]  }
0x3c2: {  	[hbm4b:s0+s29] =	stream.strided.scatter [tilespmem:s6], [sflag:$0x5], $0x3200, s30, s29, $0x38;
	[tilespmem:$0x3200] =	vst v63  }
0x3c3: {  	s0 =	sld [smem:$0x7F3]  }
0x3c4: {  	[hbm4b:s8+s29] =	stream.strided.scatter [tilespmem:s6], [sflag:$0x2], $0x3200, s30, s29, $0x38;
	[tilespmem:$0x3200] =	vst v63  }
0x3c5: {  	s8 =	sld [smem:$0x7F4]  }
0x3c6: {  	[hbm4b:s0+s29] =	stream.strided.scatter [tilespmem:s6], [sflag:$0x3], $0x3200, s30, s29, $0x38;
	[tilespmem:$0x3200] =	vst v63  }
0x3c7: {  	s0 =	sld [smem:$0x7F5]  }
0x3c8: {  	[hbm4b:s8+s29] =	stream.strided.scatter [tilespmem:s6], [sflag:$0x4], $0x3200, s30, s29, $0x38;
	[tilespmem:$0x3200] =	vst v63  }
0x3c9: {  	s8 =	sld [smem:$0x7F6]  }
0x3ca: {  	[hbm4b:s0+s29] =	stream.strided.scatter [tilespmem:s6], [sflag:$0x5], $0x3200, s30, s29, $0x38;
	[tilespmem:$0x3200] =	vst v63  }
0x3cb: {  	s0 =	sld [smem:$0x7F7]  }
0x3cc: {  	[hbm4b:s8+s29] =	stream.strided.scatter [tilespmem:s6], [sflag:$0x2], $0x3200, s30, s29, $0x38;
	[tilespmem:$0x3200] =	vst v63  }
0x3cd: {  	s8 =	sld [smem:$0x7F8]  }
0x3ce: {  	[hbm4b:s0+s29] =	stream.strided.scatter [tilespmem:s6], [sflag:$0x3], $0x3200, s30, s29, $0x38;
	[tilespmem:$0x3200] =	vst v63  }
0x3cf: {  	s0 =	sld [smem:$0x7F9]  }
0x3d0: {  	[hbm4b:s8+s29] =	stream.strided.scatter [tilespmem:s6], [sflag:$0x4], $0x3200, s30, s29, $0x38;
	[tilespmem:$0x3200] =	vst v63  }
0x3d1: {  	s8 =	sld [smem:$0x7FA]  }
0x3d2: {  	[hbm4b:s0+s29] =	stream.strided.scatter [tilespmem:s6], [sflag:$0x5], $0x3200, s30, s29, $0x38;
	[tilespmem:$0x3200] =	vst v63  }
0x3d3: {  	s0 =	sld [smem:$0x7FB]  }
0x3d4: {  	[hbm4b:s8+s29] =	stream.strided.scatter [tilespmem:s6], [sflag:$0x2], $0x3200, s30, s29, $0x38;
	[tilespmem:$0x3200] =	vst v63  }
0x3d5: {  	s8 =	sld [smem:$0x7FC]  }
0x3d6: {  	[hbm4b:s0+s29] =	stream.strided.scatter [tilespmem:s6], [sflag:$0x3], $0x3200, s30, s29, $0x38;
	[tilespmem:$0x3200] =	vst v63  }
0x3d7: {  	s0 =	sld [smem:$0x7FD]  }
0x3d8: {  	[hbm4b:s8+s29] =	stream.strided.scatter [tilespmem:s6], [sflag:$0x4], $0x3200, s30, s29, $0x38;
	[tilespmem:$0x3200] =	vst v63  }
0x3d9: {  	_ = 	snop  }
0x3da: {  	[hbm4b:s0+s29] =	stream.strided.scatter [tilespmem:s6], [sflag:$0x5], $0x3200, s30, s29, $0x38;
	[tilespmem:$0x3200] =	vst v63  }
0x3db: {  	_ = 	snop  }
0x3dc: {  	[hbm4b:s9+s29] =	stream.strided.scatter [tilespmem:s6], [sflag:$0x2], $0x3200, s30, s29, $0x38;
	[tilespmem:$0x3200] =	vst v63  }
0x3dd: {  	_ = 	snop  }
0x3de: {  	[hbm4b:s10+s29] =	stream.strided.scatter [tilespmem:s6], [sflag:$0x3], $0x3200, s30, s29, $0x38;
	[tilespmem:$0x3200] =	vst v63  }
0x3df: {  	_ = 	snop  }
0x3e0: {  	[hbm4b:s11+s29] =	stream.strided.scatter [tilespmem:s6], [sflag:$0x4], $0x3200, s30, s29, $0x38;
	[tilespmem:$0x3200] =	vst v63  }
0x3e1: {  	_ = 	snop  }
0x3e2: {  	[hbm4b:s12+s29] =	stream.strided.scatter [tilespmem:s6], [sflag:$0x5], $0x3200, s30, s29, $0x38;
	[tilespmem:$0x3200] =	vst v63  }
0x3e3: {  	_ = 	snop  }
0x3e4: {  	[hbm4b:s13+s29] =	stream.strided.scatter [tilespmem:s6], [sflag:$0x2], $0x3200, s30, s29, $0x38;
	[tilespmem:$0x3200] =	vst v63  }
0x3e5: {  	_ = 	snop  }
0x3e6: {  	[hbm4b:s14+s29] =	stream.strided.scatter [tilespmem:s6], [sflag:$0x3], $0x3200, s30, s29, $0x38;
	[tilespmem:$0x3200] =	vst v63  }
0x3e7: {  	_ = 	snop  }
0x3e8: {  	[hbm4b:s15+s29] =	stream.strided.scatter [tilespmem:s6], [sflag:$0x4], $0x3200, s30, s29, $0x38;
	[tilespmem:$0x3200] =	vst v63  }
0x3e9: {  	_ = 	snop  }
0x3ea: {  	[hbm4b:s16+s29] =	stream.strided.scatter [tilespmem:s6], [sflag:$0x5], $0x3200, s30, s29, $0x38;
	[tilespmem:$0x3200] =	vst v63  }
0x3eb: {  	_ = 	snop  }
0x3ec: {  	[hbm4b:s17+s29] =	stream.strided.scatter [tilespmem:s6], [sflag:$0x2], $0x3200, s30, s29, $0x38;
	[tilespmem:$0x3200] =	vst v63  }
0x3ed: {  	_ = 	snop  }
0x3ee: {  	[hbm4b:s18+s29] =	stream.strided.scatter [tilespmem:s6], [sflag:$0x3], $0x3200, s30, s29, $0x38;
	[tilespmem:$0x3200] =	vst v63  }
0x3ef: {  	_ = 	snop  }
0x3f0: {  	[hbm4b:s19+s29] =	stream.strided.scatter [tilespmem:s6], [sflag:$0x4], $0x3200, s30, s29, $0x38;
	[tilespmem:$0x3200] =	vst v63  }
0x3f1: {  	_ = 	snop  }
0x3f2: {  	[hbm4b:s20+s29] =	stream.strided.scatter [tilespmem:s6], [sflag:$0x5], $0x3200, s30, s29, $0x38;
	[tilespmem:$0x3200] =	vst v63  }
0x3f3: {  	_ = 	snop  }
0x3f4: {  	[hbm4b:s21+s29] =	stream.strided.scatter [tilespmem:s6], [sflag:$0x2], $0x3200, s30, s29, $0x38;
	[tilespmem:$0x3200] =	vst v63  }
0x3f5: {  	_ = 	snop  }
0x3f6: {  	[hbm4b:s22+s29] =	stream.strided.scatter [tilespmem:s6], [sflag:$0x3], $0x3200, s30, s29, $0x38;
	[tilespmem:$0x3200] =	vst v63  }
0x3f7: {  	_ = 	snop  }
0x3f8: {  	[hbm4b:s23+s29] =	stream.strided.scatter [tilespmem:s6], [sflag:$0x4], $0x3200, s30, s29, $0x38;
	[tilespmem:$0x3200] =	vst v63  }
0x3f9: {  	_ = 	snop  }
0x3fa: {  	[hbm4b:s24+s29] =	stream.strided.scatter [tilespmem:s6], [sflag:$0x5], $0x3200, s30, s29, $0x38;
	[tilespmem:$0x3200] =	vst v63  }
0x3fb: {  	_ = 	snop  }
0x3fc: {  	[hbm4b:s25+s29] =	stream.strided.scatter [tilespmem:s6], [sflag:$0x2], $0x3200, s30, s29, $0x38;
	[tilespmem:$0x3200] =	vst v63  }
0x3fd: {  	_ = 	snop  }
0x3fe: {  	[hbm4b:s26+s29] =	stream.strided.scatter [tilespmem:s6], [sflag:$0x3], $0x3200, s30, s29, $0x38;
	[tilespmem:$0x3200] =	vst v63  }
0x3ff: {  	_ = 	snop  }
0x400: {  	[hbm4b:s28+s29] =	stream.strided.scatter [tilespmem:s6], [sflag:$0x4], $0x3200, s30, s29, $0x38;
	[tilespmem:$0x3200] =	vst v63  }
0x401: {  	_ = 	snop  }
0x402: {  	[hbm4b:s7+s29] =	stream.strided.scatter [tilespmem:s6], [sflag:$0x5], $0x3200, s30, s29, $0x38;
	[tilespmem:$0x3200] =	vst v63  }
0x403: {  	_ =	swait.ge [sflag:s5], $0x3200  }
0x404: {  	[sflag:s5] =	ssyncset.done $0x0  }
0x405: {  	[sflag:s5] =	ssyncadd.s32 $0xFFFFCE00  }
0x406: {  	_ =	swait.ge [sflag:s4], $0x3200  }
0x407: {  	[sflag:s4] =	ssyncset.done $0x0  }
0x408: {  	[sflag:s4] =	ssyncadd.s32 $0xFFFFCE00  }
0x409: {  	_ =	swait.ge [sflag:s3], $0x3200  }
0x40a: {  	[sflag:s3] =	ssyncset.done $0x0  }
0x40b: {  	[sflag:s3] =	ssyncadd.s32 $0xFFFFCE00  }
0x40c: {  	_ =	swait.ge [sflag:s2], $0x3200  }
0x40d: {  	[sflag:s2] =	ssyncset.done $0x0  }
0x40e: {  	[sflag:s2] =	ssyncadd.s32 $0xFFFFCE00  }
0x40f: {  	_ =	swait.ge [sflag:s5], $0x3200  }
0x410: {  	[sflag:s5] =	ssyncset.done $0x0  }
0x411: {  	[sflag:s5] =	ssyncadd.s32 $0xFFFFCE00  }
0x412: {  	_ =	swait.ge [sflag:s4], $0x3200  }
0x413: {  	[sflag:s4] =	ssyncset.done $0x0  }
0x414: {  	[sflag:s4] =	ssyncadd.s32 $0xFFFFCE00  }
0x415: {  	_ =	swait.ge [sflag:s3], $0x3200  }
0x416: {  	[sflag:s3] =	ssyncset.done $0x0  }
0x417: {  	[sflag:s3] =	ssyncadd.s32 $0xFFFFCE00  }
0x418: {  	_ =	swait.ge [sflag:s2], $0x3200  }
0x419: {  	[sflag:s2] =	ssyncset.done $0x0  }
0x41a: {  	[sflag:s2] =	ssyncadd.s32 $0xFFFFCE00  }
0x41b: {  	_ =	swait.ge [sflag:s5], $0x3200  }
0x41c: {  	[sflag:s5] =	ssyncset.done $0x0  }
0x41d: {  	[sflag:s5] =	ssyncadd.s32 $0xFFFFCE00  }
0x41e: {  	_ =	swait.ge [sflag:s4], $0x3200  }
0x41f: {  	[sflag:s4] =	ssyncset.done $0x0  }
0x420: {  	[sflag:s4] =	ssyncadd.s32 $0xFFFFCE00  }
0x421: {  	_ =	swait.ge [sflag:s3], $0x3200  }
0x422: {  	[sflag:s3] =	ssyncset.done $0x0  }
0x423: {  	[sflag:s3] =	ssyncadd.s32 $0xFFFFCE00  }
0x424: {  	_ =	swait.ge [sflag:s2], $0x3200  }
0x425: {  	[sflag:s2] =	ssyncset.done $0x0  }
0x426: {  	[sflag:s2] =	ssyncadd.s32 $0xFFFFCE00  }
0x427: {  	_ =	swait.ge [sflag:s5], $0x3200  }
0x428: {  	[sflag:s5] =	ssyncset.done $0x0  }
0x429: {  	[sflag:s5] =	ssyncadd.s32 $0xFFFFCE00  }
0x42a: {  	_ =	swait.ge [sflag:s4], $0x3200  }
0x42b: {  	[sflag:s4] =	ssyncset.done $0x0  }
0x42c: {  	[sflag:s4] =	ssyncadd.s32 $0xFFFFCE00  }
0x42d: {  	_ =	swait.ge [sflag:s3], $0x3200  }
0x42e: {  	[sflag:s3] =	ssyncset.done $0x0  }
0x42f: {  	[sflag:s3] =	ssyncadd.s32 $0xFFFFCE00  }
0x430: {  	_ =	swait.ge [sflag:s2], $0x3200  }
0x431: {  	[sflag:s2] =	ssyncset.done $0x0  }
0x432: {  	[sflag:s2] =	ssyncadd.s32 $0xFFFFCE00  }
0x433: {  	_ =	swait.ge [sflag:s5], $0x3200  }
0x434: {  	[sflag:s5] =	ssyncset.done $0x0  }
0x435: {  	[sflag:s5] =	ssyncadd.s32 $0xFFFFCE00  }
0x436: {  	_ =	swait.ge [sflag:s4], $0x3200  }
0x437: {  	[sflag:s4] =	ssyncset.done $0x0  }
0x438: {  	[sflag:s4] =	ssyncadd.s32 $0xFFFFCE00  }
0x439: {  	_ =	swait.ge [sflag:s3], $0x3200  }
0x43a: {  	[sflag:s3] =	ssyncset.done $0x0  }
0x43b: {  	[sflag:s3] =	ssyncadd.s32 $0xFFFFCE00  }
0x43c: {  	_ =	swait.ge [sflag:s2], $0x3200  }
0x43d: {  	[sflag:s2] =	ssyncset.done $0x0  }
0x43e: {  	[sflag:s2] =	ssyncadd.s32 $0xFFFFCE00  }
0x43f: {  	_ =	swait.ge [sflag:s5], $0x3200  }
0x440: {  	[sflag:s5] =	ssyncset.done $0x0  }
0x441: {  	[sflag:s5] =	ssyncadd.s32 $0xFFFFCE00  }
0x442: {  	_ =	swait.ge [sflag:s4], $0x3200  }
0x443: {  	[sflag:s4] =	ssyncset.done $0x0  }
0x444: {  	[sflag:s4] =	ssyncadd.s32 $0xFFFFCE00  }
0x445: {  	_ =	swait.ge [sflag:s3], $0x3200  }
0x446: {  	[sflag:s3] =	ssyncset.done $0x0  }
0x447: {  	[sflag:s3] =	ssyncadd.s32 $0xFFFFCE00  }
0x448: {  	_ =	swait.ge [sflag:s2], $0x3200  }
0x449: {  	[sflag:s2] =	ssyncset.done $0x0  }
0x44a: {  	[sflag:s2] =	ssyncadd.s32 $0xFFFFCE00  }
0x44b: {  	_ =	swait.ge [sflag:s5], $0x3200  }
0x44c: {  	[sflag:s5] =	ssyncset.done $0x0  }
0x44d: {  	[sflag:s5] =	ssyncadd.s32 $0xFFFFCE00  }
0x44e: {  	_ =	swait.ge [sflag:s4], $0x3200  }
0x44f: {  	[sflag:s4] =	ssyncset.done $0x0  }
0x450: {  	[sflag:s4] =	ssyncadd.s32 $0xFFFFCE00  }
0x451: {  	_ =	swait.ge [sflag:s3], $0x3200  }
0x452: {  	[sflag:s3] =	ssyncset.done $0x0  }
0x453: {  	[sflag:s3] =	ssyncadd.s32 $0xFFFFCE00  }
0x454: {  	_ =	swait.ge [sflag:s2], $0x3200  }
0x455: {  	[sflag:s2] =	ssyncset.done $0x0  }
0x456: {  	[sflag:s2] =	ssyncadd.s32 $0xFFFFCE00  }
0x457: {  	_ =	swait.ge [sflag:s5], $0x3200  }
0x458: {  	[sflag:s5] =	ssyncset.done $0x0  }
0x459: {  	[sflag:s5] =	ssyncadd.s32 $0xFFFFCE00  }
0x45a: {  	_ =	swait.ge [sflag:s4], $0x3200  }
0x45b: {  	[sflag:s4] =	ssyncset.done $0x0  }
0x45c: {  	[sflag:s4] =	ssyncadd.s32 $0xFFFFCE00  }
0x45d: {  	_ =	swait.ge [sflag:s3], $0x3200  }
0x45e: {  	[sflag:s3] =	ssyncset.done $0x0  }
0x45f: {  	[sflag:s3] =	ssyncadd.s32 $0xFFFFCE00  }
0x460: {  	_ =	swait.ge [sflag:s2], $0x3200  }
0x461: {  	[sflag:s2] =	ssyncset.done $0x0  }
0x462: {  	[sflag:s2] =	ssyncadd.s32 $0xFFFFCE00  }
0x463: {  	_ =	swait.ge [sflag:s5], $0x3200  }
0x464: {  	[sflag:s5] =	ssyncset.done $0x0  }
0x465: {  	[sflag:s5] =	ssyncadd.s32 $0xFFFFCE00  }
0x466: {  	_ =	swait.ge [sflag:s4], $0x3200  }
0x467: {  	[sflag:s4] =	ssyncset.done $0x0  }
0x468: {  	[sflag:s4] =	ssyncadd.s32 $0xFFFFCE00  }
0x469: {  	_ =	swait.ge [sflag:s3], $0x3200  }
0x46a: {  	[sflag:s3] =	ssyncset.done $0x0  }
0x46b: {  	[sflag:s3] =	ssyncadd.s32 $0xFFFFCE00  }
0x46c: {  	_ =	swait.ge [sflag:s2], $0x3200  }
0x46d: {  	[sflag:s2] =	ssyncset.done $0x0  }
0x46e: {  	[sflag:s2] =	ssyncadd.s32 $0xFFFFCE00  }
0x46f: {  	_ =	swait.ge [sflag:s5], $0x3200  }
0x470: {  	[sflag:s5] =	ssyncset.done $0x0  }
0x471: {  	[sflag:s5] =	ssyncadd.s32 $0xFFFFCE00  }
0x472: {  	_ =	swait.ge [sflag:s4], $0x3200  }
0x473: {  	[sflag:s4] =	ssyncset.done $0x0  }
0x474: {  	[sflag:s4] =	ssyncadd.s32 $0xFFFFCE00  }
0x475: {  	_ =	swait.ge [sflag:s3], $0x3200  }
0x476: {  	[sflag:s3] =	ssyncset.done $0x0  }
0x477: {  	[sflag:s3] =	ssyncadd.s32 $0xFFFFCE00  }
0x478: {  	_ =	swait.ge [sflag:s2], $0x3200  }
0x479: {  	[sflag:s2] =	ssyncset.done $0x0  }
0x47a: {  	[sflag:s2] =	ssyncadd.s32 $0xFFFFCE00  }
0x47b: {  	_ =	swait.ge [sflag:s5], $0x3200  }
0x47c: {  	[sflag:s5] =	ssyncset.done $0x0  }
0x47d: {  	[sflag:s5] =	ssyncadd.s32 $0xFFFFCE00  }
0x47e: {  	_ =	swait.ge [sflag:s4], $0x3200  }
0x47f: {  	[sflag:s4] =	ssyncset.done $0x0  }
0x480: {  	[sflag:s4] =	ssyncadd.s32 $0xFFFFCE00  }
0x481: {  	_ =	swait.ge [sflag:s3], $0x3200  }
0x482: {  	[sflag:s3] =	ssyncset.done $0x0  }
0x483: {  	[sflag:s3] =	ssyncadd.s32 $0xFFFFCE00  }
0x484: {  	_ =	swait.ge [sflag:s2], $0x3200  }
0x485: {  	[sflag:s2] =	ssyncset.done $0x0  }
0x486: {  	[sflag:s2] =	ssyncadd.s32 $0xFFFFCE00  }
0x487: {  	_ =	swait.ge [sflag:s5], $0x3200  }
0x488: {  	[sflag:s5] =	ssyncset.done $0x0  }
0x489: {  	[sflag:s5] =	ssyncadd.s32 $0xFFFFCE00  }
0x48a: {  	_ =	swait.ge [sflag:s4], $0x3200  }
0x48b: {  	[sflag:s4] =	ssyncset.done $0x0  }
0x48c: {  	[sflag:s4] =	ssyncadd.s32 $0xFFFFCE00  }
0x48d: {  	_ =	swait.ge [sflag:s3], $0x3200  }
0x48e: {  	[sflag:s3] =	ssyncset.done $0x0  }
0x48f: {  	[sflag:s3] =	ssyncadd.s32 $0xFFFFCE00  }
0x490: {  	_ =	swait.ge [sflag:s2], $0x3200  }
0x491: {  	[sflag:s2] =	ssyncset.done $0x0  }
0x492: {  	[sflag:s2] =	ssyncadd.s32 $0xFFFFCE00  }
0x493: {  	_ =	swait.ge [sflag:s5], $0x3200  }
0x494: {  	[sflag:s5] =	ssyncset.done $0x0  }
0x495: {  	[sflag:s5] =	ssyncadd.s32 $0xFFFFCE00  }
0x496: {  	_ =	swait.ge [sflag:s4], $0x3200  }
0x497: {  	[sflag:s4] =	ssyncset.done $0x0  }
0x498: {  	[sflag:s4] =	ssyncadd.s32 $0xFFFFCE00  }
0x499: {  	_ =	swait.ge [sflag:s3], $0x3200  }
0x49a: {  	[sflag:s3] =	ssyncset.done $0x0  }
0x49b: {  	[sflag:s3] =	ssyncadd.s32 $0xFFFFCE00  }
0x49c: {  	_ =	swait.ge [sflag:s2], $0x3200  }
0x49d: {  	[sflag:s2] =	ssyncset.done $0x0  }
0x49e: {  	[sflag:s2] =	ssyncadd.s32 $0xFFFFCE00  }
0x49f: {  	_ =	swait.ge [sflag:s5], $0x3200  }
0x4a0: {  	[sflag:s5] =	ssyncset.done $0x0  }
0x4a1: {  	[sflag:s5] =	ssyncadd.s32 $0xFFFFCE00  }
0x4a2: {  	_ =	swait.ge [sflag:s4], $0x3200  }
0x4a3: {  	[sflag:s4] =	ssyncset.done $0x0  }
0x4a4: {  	[sflag:s4] =	ssyncadd.s32 $0xFFFFCE00  }
0x4a5: {  	_ =	swait.ge [sflag:s3], $0x3200  }
0x4a6: {  	[sflag:s3] =	ssyncset.done $0x0  }
0x4a7: {  	[sflag:s3] =	ssyncadd.s32 $0xFFFFCE00  }
0x4a8: {  	_ =	swait.ge [sflag:s2], $0x3200  }
0x4a9: {  	[sflag:s2] =	ssyncset.done $0x0  }
0x4aa: {  	[sflag:s2] =	ssyncadd.s32 $0xFFFFCE00  }
0x4ab: {  	_ =	swait.ge [sflag:s5], $0x3200  }
0x4ac: {  	[sflag:s5] =	ssyncset.done $0x0  }
0x4ad: {  	[sflag:s5] =	ssyncadd.s32 $0xFFFFCE00  }
0x4ae: {  	_ =	swait.ge [sflag:s4], $0x3200  }
0x4af: {  	[sflag:s4] =	ssyncset.done $0x0  }
0x4b0: {  	[sflag:s4] =	ssyncadd.s32 $0xFFFFCE00  }
0x4b1: {  	_ =	swait.ge [sflag:s3], $0x3200  }
0x4b2: {  	[sflag:s3] =	ssyncset.done $0x0  }
0x4b3: {  	[sflag:s3] =	ssyncadd.s32 $0xFFFFCE00  }
0x4b4: {  	_ =	swait.ge [sflag:s2], $0x3200  }
0x4b5: {  	[sflag:s2] =	ssyncset.done $0x0  }
0x4b6: {  	[sflag:s2] =	ssyncadd.s32 $0xFFFFCE00  }
0x4b7: {  	_ =	swait.ge [sflag:s5], $0x3200  }
0x4b8: {  	[sflag:s5] =	ssyncset.done $0x0  }
0x4b9: {  	[sflag:s5] =	ssyncadd.s32 $0xFFFFCE00  }
0x4ba: {  	_ =	swait.ge [sflag:s4], $0x3200  }
0x4bb: {  	[sflag:s4] =	ssyncset.done $0x0  }
0x4bc: {  	[sflag:s4] =	ssyncadd.s32 $0xFFFFCE00  }
0x4bd: {  	_ =	swait.ge [sflag:s3], $0x3200  }
0x4be: {  	[sflag:s3] =	ssyncset.done $0x0  }
0x4bf: {  	[sflag:s3] =	ssyncadd.s32 $0xFFFFCE00  }
0x4c0: {  	_ =	swait.ge [sflag:s2], $0x3200  }
0x4c1: {  	[sflag:s2] =	ssyncset.done $0x0  }
0x4c2: {  	[sflag:s2] =	ssyncadd.s32 $0xFFFFCE00  }
0x4c3: {  	_ =	swait.ge [sflag:s5], $0x3200  }
0x4c4: {  	[sflag:s5] =	ssyncset.done $0x0  }
0x4c5: {  	[sflag:s5] =	ssyncadd.s32 $0xFFFFCE00  }
0x4c6: {  	_ =	swait.ge [sflag:s4], $0x3200  }
0x4c7: {  	[sflag:s4] =	ssyncset.done $0x0  }
0x4c8: {  	[sflag:s4] =	ssyncadd.s32 $0xFFFFCE00  }
0x4c9: {  	_ =	swait.ge [sflag:s3], $0x3200  }
0x4ca: {  	[sflag:s3] =	ssyncset.done $0x0  }
0x4cb: {  	[sflag:s3] =	ssyncadd.s32 $0xFFFFCE00  }
0x4cc: {  	_ =	swait.ge [sflag:s2], $0x3200  }
0x4cd: {  	[sflag:s2] =	ssyncset.done $0x0  }
0x4ce: {  	[sflag:s2] =	ssyncadd.s32 $0xFFFFCE00  }
0x4cf: {  	_ =	swait.ge [sflag:s5], $0x3200  }
0x4d0: {  	[sflag:s5] =	ssyncset.done $0x0  }
0x4d1: {  	[sflag:s5] =	ssyncadd.s32 $0xFFFFCE00  }
0x4d2: {  	_ =	swait.ge [sflag:s4], $0x3200  }
0x4d3: {  	[sflag:s4] =	ssyncset.done $0x0  }
0x4d4: {  	[sflag:s4] =	ssyncadd.s32 $0xFFFFCE00  }
0x4d5: {  	_ =	swait.ge [sflag:s3], $0x3200  }
0x4d6: {  	[sflag:s3] =	ssyncset.done $0x0  }
0x4d7: {  	[sflag:s3] =	ssyncadd.s32 $0xFFFFCE00  }
0x4d8: {  	_ =	swait.ge [sflag:s2], $0x3200  }
0x4d9: {  	[sflag:s2] =	ssyncset.done $0x0  }
0x4da: {  	[sflag:s2] =	ssyncadd.s32 $0xFFFFCE00  }
0x4db: {  	_ =	swait.ge [sflag:s5], $0x3200  }
0x4dc: {  	[sflag:s5] =	ssyncset.done $0x0  }
0x4dd: {  	[sflag:s5] =	ssyncadd.s32 $0xFFFFCE00  }
0x4de: {  	_ =	swait.ge [sflag:s4], $0x3200  }
0x4df: {  	[sflag:s4] =	ssyncset.done $0x0  }
0x4e0: {  	[sflag:s4] =	ssyncadd.s32 $0xFFFFCE00  }
0x4e1: {  	_ =	swait.ge [sflag:s3], $0x3200  }
0x4e2: {  	[sflag:s3] =	ssyncset.done $0x0  }
0x4e3: {  	[sflag:s3] =	ssyncadd.s32 $0xFFFFCE00  }
0x4e4: {  	_ =	swait.ge [sflag:s2], $0x3200  }
0x4e5: {  	[sflag:s2] =	ssyncset.done $0x0  }
0x4e6: {  	[sflag:s2] =	ssyncadd.s32 $0xFFFFCE00  }
0x4e7: {  	_ =	swait.ge [sflag:s5], $0x3200  }
0x4e8: {  	[sflag:s5] =	ssyncset.done $0x0  }
0x4e9: {  	[sflag:s5] =	ssyncadd.s32 $0xFFFFCE00  }
0x4ea: {  	_ =	swait.ge [sflag:s4], $0x3200  }
0x4eb: {  	[sflag:s4] =	ssyncset.done $0x0  }
0x4ec: {  	[sflag:s4] =	ssyncadd.s32 $0xFFFFCE00  }
0x4ed: {  	_ =	swait.ge [sflag:s3], $0x3200  }
0x4ee: {  	[sflag:s3] =	ssyncset.done $0x0  }
0x4ef: {  	[sflag:s3] =	ssyncadd.s32 $0xFFFFCE00  }
0x4f0: {  	_ =	swait.ge [sflag:s2], $0x3200  }
0x4f1: {  	[sflag:s2] =	ssyncset.done $0x0  }
0x4f2: {  	[sflag:s2] =	ssyncadd.s32 $0xFFFFCE00  }
0x4f3: {  	_ =	swait.ge [sflag:s5], $0x3200  }
0x4f4: {  	[sflag:s5] =	ssyncset.done $0x0  }
0x4f5: {  	[sflag:s5] =	ssyncadd.s32 $0xFFFFCE00  }
0x4f6: {  	_ =	swait.ge [sflag:s4], $0x3200  }
0x4f7: {  	[sflag:s4] =	ssyncset.done $0x0  }
0x4f8: {  	[sflag:s4] =	ssyncadd.s32 $0xFFFFCE00  }
0x4f9: {  	_ =	swait.ge [sflag:s3], $0x3200  }
0x4fa: {  	[sflag:s3] =	ssyncset.done $0x0  }
0x4fb: {  	[sflag:s3] =	ssyncadd.s32 $0xFFFFCE00  }
0x4fc: {  	_ =	swait.ge [sflag:s2], $0x3200  }
0x4fd: {  	[sflag:s2] =	ssyncset.done $0x0  }
0x4fe: {  	[sflag:s2] =	ssyncadd.s32 $0xFFFFCE00  }
0x4ff: {  	_ =	swait.ge [sflag:s5], $0x3200  }
0x500: {  	[sflag:s5] =	ssyncset.done $0x0  }
0x501: {  	[sflag:s5] =	ssyncadd.s32 $0xFFFFCE00  }
0x502: {  	_ =	swait.ge [sflag:s4], $0x3200  }
0x503: {  	[sflag:s4] =	ssyncset.done $0x0  }
0x504: {  	[sflag:s4] =	ssyncadd.s32 $0xFFFFCE00  }
0x505: {  	_ =	swait.ge [sflag:s3], $0x3200  }
0x506: {  	[sflag:s3] =	ssyncset.done $0x0  }
0x507: {  	[sflag:s3] =	ssyncadd.s32 $0xFFFFCE00  }
0x508: {  	_ =	swait.ge [sflag:s2], $0x3200  }
0x509: {  	[sflag:s2] =	ssyncset.done $0x0  }
0x50a: {  	[sflag:s2] =	ssyncadd.s32 $0xFFFFCE00  }
0x50b: {  	_ =	swait.ge [sflag:s5], $0x3200  }
0x50c: {  	[sflag:s5] =	ssyncset.done $0x0  }
0x50d: {  	[sflag:s5] =	ssyncadd.s32 $0xFFFFCE00  }
0x50e: {  	_ =	swait.ge [sflag:s4], $0x3200  }
0x50f: {  	[sflag:s4] =	ssyncset.done $0x0  }
0x510: {  	[sflag:s4] =	ssyncadd.s32 $0xFFFFCE00  }
0x511: {  	_ =	swait.ge [sflag:s3], $0x3200  }
0x512: {  	[sflag:s3] =	ssyncset.done $0x0  }
0x513: {  	[sflag:s3] =	ssyncadd.s32 $0xFFFFCE00  }
0x514: {  	_ =	swait.ge [sflag:s2], $0x3200  }
0x515: {  	[sflag:s2] =	ssyncset.done $0x0  }
0x516: {  	[sflag:s2] =	ssyncadd.s32 $0xFFFFCE00  }
0x517: {  	_ =	swait.ge [sflag:s5], $0x3200  }
0x518: {  	[sflag:s5] =	ssyncset.done $0x0  }
0x519: {  	[sflag:s5] =	ssyncadd.s32 $0xFFFFCE00  }
0x51a: {  	_ =	swait.ge [sflag:s4], $0x3200  }
0x51b: {  	[sflag:s4] =	ssyncset.done $0x0  }
0x51c: {  	[sflag:s4] =	ssyncadd.s32 $0xFFFFCE00  }
0x51d: {  	_ =	swait.ge [sflag:s3], $0x3200  }
0x51e: {  	[sflag:s3] =	ssyncset.done $0x0  }
0x51f: {  	[sflag:s3] =	ssyncadd.s32 $0xFFFFCE00  }
0x520: {  	_ =	swait.ge [sflag:s2], $0x3200  }
0x521: {  	[sflag:s2] =	ssyncset.done $0x0  }
0x522: {  	[sflag:s2] =	ssyncadd.s32 $0xFFFFCE00  }
0x523: {  	_ =	swait.ge [sflag:s5], $0x3200  }
0x524: {  	[sflag:s5] =	ssyncset.done $0x0  }
0x525: {  	[sflag:s5] =	ssyncadd.s32 $0xFFFFCE00  }
0x526: {  	_ =	swait.ge [sflag:s4], $0x3200  }
0x527: {  	[sflag:s4] =	ssyncset.done $0x0  }
0x528: {  	[sflag:s4] =	ssyncadd.s32 $0xFFFFCE00  }
0x529: {  	_ =	swait.ge [sflag:s3], $0x3200  }
0x52a: {  	[sflag:s3] =	ssyncset.done $0x0  }
0x52b: {  	[sflag:s3] =	ssyncadd.s32 $0xFFFFCE00  }
0x52c: {  	_ =	swait.ge [sflag:s2], $0x3200  }
0x52d: {  	[sflag:s2] =	ssyncset.done $0x0  }
0x52e: {  	[sflag:s2] =	ssyncadd.s32 $0xFFFFCE00  }
0x52f: {  	_ =	swait.ge [sflag:s5], $0x3200  }
0x530: {  	[sflag:s5] =	ssyncset.done $0x0  }
0x531: {  	[sflag:s5] =	ssyncadd.s32 $0xFFFFCE00  }
0x532: {  	_ =	swait.ge [sflag:s4], $0x3200  }
0x533: {  	[sflag:s4] =	ssyncset.done $0x0  }
0x534: {  	[sflag:s4] =	ssyncadd.s32 $0xFFFFCE00  }
0x535: {  	_ =	swait.ge [sflag:s3], $0x3200  }
0x536: {  	[sflag:s3] =	ssyncset.done $0x0  }
0x537: {  	[sflag:s3] =	ssyncadd.s32 $0xFFFFCE00  }
0x538: {  	_ =	swait.ge [sflag:s2], $0x3200  }
0x539: {  	[sflag:s2] =	ssyncset.done $0x0  }
0x53a: {  	[sflag:s2] =	ssyncadd.s32 $0xFFFFCE00  }
0x53b: {  	_ =	swait.ge [sflag:s5], $0x3200  }
0x53c: {  	[sflag:s5] =	ssyncset.done $0x0  }
0x53d: {  	[sflag:s5] =	ssyncadd.s32 $0xFFFFCE00  }
0x53e: {  	_ =	swait.ge [sflag:s4], $0x3200  }
0x53f: {  	[sflag:s4] =	ssyncset.done $0x0  }
0x540: {  	[sflag:s4] =	ssyncadd.s32 $0xFFFFCE00  }
0x541: {  	_ =	swait.ge [sflag:s3], $0x3200  }
0x542: {  	[sflag:s3] =	ssyncset.done $0x0  }
0x543: {  	[sflag:s3] =	ssyncadd.s32 $0xFFFFCE00  }
0x544: {  	_ =	swait.ge [sflag:s2], $0x3200  }
0x545: {  	[sflag:s2] =	ssyncset.done $0x0  }
0x546: {  	[sflag:s2] =	ssyncadd.s32 $0xFFFFCE00  }
0x547: {  	_ =	swait.ge [sflag:s5], $0x3200  }
0x548: {  	[sflag:s5] =	ssyncset.done $0x0  }
0x549: {  	[sflag:s5] =	ssyncadd.s32 $0xFFFFCE00  }
0x54a: {  	_ =	swait.ge [sflag:s4], $0x3200  }
0x54b: {  	[sflag:s4] =	ssyncset.done $0x0  }
0x54c: {  	[sflag:s4] =	ssyncadd.s32 $0xFFFFCE00  }
0x54d: {  	_ =	swait.ge [sflag:s3], $0x3200  }
0x54e: {  	[sflag:s3] =	ssyncset.done $0x0  }
0x54f: {  	[sflag:s3] =	ssyncadd.s32 $0xFFFFCE00  }
0x550: {  	_ =	swait.ge [sflag:s2], $0x3200  }
0x551: {  	[sflag:s2] =	ssyncset.done $0x0  }
0x552: {  	[sflag:s2] =	ssyncadd.s32 $0xFFFFCE00  }
0x553: {  	_ =	swait.ge [sflag:s5], $0x3200  }
0x554: {  	[sflag:s5] =	ssyncset.done $0x0  }
0x555: {  	[sflag:s5] =	ssyncadd.s32 $0xFFFFCE00  }
0x556: {  	_ =	swait.ge [sflag:s4], $0x3200  }
0x557: {  	[sflag:s4] =	ssyncset.done $0x0  }
0x558: {  	[sflag:s4] =	ssyncadd.s32 $0xFFFFCE00  }
0x559: {  	_ =	swait.ge [sflag:s3], $0x3200  }
0x55a: {  	[sflag:s3] =	ssyncset.done $0x0  }
0x55b: {  	[sflag:s3] =	ssyncadd.s32 $0xFFFFCE00  }
0x55c: {  	_ =	swait.ge [sflag:s2], $0x3200  }
0x55d: {  	[sflag:s2] =	ssyncset.done $0x0  }
0x55e: {  	[sflag:s2] =	ssyncadd.s32 $0xFFFFCE00  }
0x55f: {  	_ =	swait.ge [sflag:s5], $0x3200  }
0x560: {  	[sflag:s5] =	ssyncset.done $0x0  }
0x561: {  	[sflag:s5] =	ssyncadd.s32 $0xFFFFCE00  }
0x562: {  	_ =	swait.ge [sflag:s4], $0x3200  }
0x563: {  	[sflag:s4] =	ssyncset.done $0x0  }
0x564: {  	[sflag:s4] =	ssyncadd.s32 $0xFFFFCE00  }
0x565: {  	_ =	swait.ge [sflag:s3], $0x3200  }
0x566: {  	[sflag:s3] =	ssyncset.done $0x0  }
0x567: {  	[sflag:s3] =	ssyncadd.s32 $0xFFFFCE00  }
0x568: {  	_ =	swait.ge [sflag:s2], $0x3200  }
0x569: {  	[sflag:s2] =	ssyncset.done $0x0  }
0x56a: {  	[sflag:s2] =	ssyncadd.s32 $0xFFFFCE00  }
0x56b: {  	_ =	swait.ge [sflag:s5], $0x3200  }
0x56c: {  	[sflag:s5] =	ssyncset.done $0x0  }
0x56d: {  	[sflag:s5] =	ssyncadd.s32 $0xFFFFCE00  }
0x56e: {  	_ =	swait.ge [sflag:s4], $0x3200  }
0x56f: {  	[sflag:s4] =	ssyncset.done $0x0  }
0x570: {  	[sflag:s4] =	ssyncadd.s32 $0xFFFFCE00  }
0x571: {  	_ =	swait.ge [sflag:s3], $0x3200  }
0x572: {  	[sflag:s3] =	ssyncset.done $0x0  }
0x573: {  	[sflag:s3] =	ssyncadd.s32 $0xFFFFCE00  }
0x574: {  	_ =	swait.ge [sflag:s2], $0x3200  }
0x575: {  	[sflag:s2] =	ssyncset.done $0x0  }
0x576: {  	[sflag:s2] =	ssyncadd.s32 $0xFFFFCE00  }
0x577: {  	_ =	swait.ge [sflag:s5], $0x3200  }
0x578: {  	[sflag:s5] =	ssyncset.done $0x0  }
0x579: {  	[sflag:s5] =	ssyncadd.s32 $0xFFFFCE00  }
0x57a: {  	_ =	swait.ge [sflag:s4], $0x3200  }
0x57b: {  	[sflag:s4] =	ssyncset.done $0x0  }
0x57c: {  	p1 =	sne.s32 s1, $0x1;
	[sflag:s4] =	ssyncadd.s32 $0xFFFFCE00  }
.Ltmp2:
0x57d: {  	_ =	swait.ge [sflag:s3], $0x3200;
	(pc) =	sbr.rel @p1 .LBB2_4-.Ltmp2, $4  }
0x57e: {  	[sflag:s3] =	ssyncset.done $0x0  }
0x57f: {  	[sflag:s3] =	ssyncadd.s32 $0xFFFFCE00  }
0x580: {  	_ =	swait.ge [sflag:s2], $0x3200  }
0x581: {  	s1 =	sadd.s32 $0xFFFFFFFF, s1;
	s0 =	rddreg [dreg:$0x3];
	[sflag:s2] =	ssyncset.done $0x0  }
0x582: {  	s1 =	sld [smem:$0x7AE];
	s8 =	stileid.u32  }
.LBB2_6:
0x583: {  	[sflag:s2] =	ssyncadd.s32 @p0 $0xFFFFCE00  }
0x584: {  	[tilespmem:s6], [sflag:$0x1] =	stream.linear.gather [hbm4b:s0+s6], $0x3200, $0x38;
	[tilespmem:$0x3200] =	vst v63  }
0x585: {  	_ =	swait.ge [sflag:s31], $0x3200  }
0x586: {  	[sflag:s31] =	ssyncset.done $0x0  }
0x587: {  	[sflag:s31] =	ssyncadd.s32 $0xFFFFCE00;
	s31 =	rddreg [dreg:$0x4]  }
0x588: {  	[hbm4b:s1+s29] =	stream.strided.scatter [tilespmem:s6], [sflag:$0x2], $0x3200, s30, s29, $0x38;
	[tilespmem:$0x3200] =	vst v63  }
0x589: {  	s1 =	rddreg [dreg:$0x5]  }
0x58a: {  	[hbm4b:s31+s29] =	stream.strided.scatter [tilespmem:s6], [sflag:$0x3], $0x3200, s30, s29, $0x38;
	[tilespmem:$0x3200] =	vst v63  }
0x58b: {  	s31 =	rddreg [dreg:$0x6]  }
0x58c: {  	[hbm4b:s1+s29] =	stream.strided.scatter [tilespmem:s6], [sflag:$0x4], $0x3200, s30, s29, $0x38;
	[tilespmem:$0x3200] =	vst v63  }
0x58d: {  	s1 =	rddreg [dreg:$0x7]  }
0x58e: {  	[hbm4b:s31+s29] =	stream.strided.scatter [tilespmem:s6], [sflag:$0x5], $0x3200, s30, s29, $0x38;
	[tilespmem:$0x3200] =	vst v63  }
0x58f: {  	s31 =	rddreg [dreg:$0x8]  }
0x590: {  	[hbm4b:s1+s29] =	stream.strided.scatter [tilespmem:s6], [sflag:$0x2], $0x3200, s30, s29, $0x38;
	[tilespmem:$0x3200] =	vst v63  }
0x591: {  	s1 =	rddreg [dreg:$0x9]  }
0x592: {  	[hbm4b:s31+s29] =	stream.strided.scatter [tilespmem:s6], [sflag:$0x3], $0x3200, s30, s29, $0x38;
	[tilespmem:$0x3200] =	vst v63  }
0x593: {  	s31 =	rddreg [dreg:$0xa]  }
0x594: {  	[hbm4b:s1+s29] =	stream.strided.scatter [tilespmem:s6], [sflag:$0x4], $0x3200, s30, s29, $0x38;
	[tilespmem:$0x3200] =	vst v63  }
0x595: {  	s1 =	rddreg [dreg:$0xb]  }
0x596: {  	[hbm4b:s31+s29] =	stream.strided.scatter [tilespmem:s6], [sflag:$0x5], $0x3200, s30, s29, $0x38;
	[tilespmem:$0x3200] =	vst v63  }
0x597: {  	s31 =	rddreg [dreg:$0xc]  }
0x598: {  	[hbm4b:s1+s29] =	stream.strided.scatter [tilespmem:s6], [sflag:$0x2], $0x3200, s30, s29, $0x38;
	[tilespmem:$0x3200] =	vst v63  }
0x599: {  	s1 =	rddreg [dreg:$0xd]  }
0x59a: {  	[hbm4b:s31+s29] =	stream.strided.scatter [tilespmem:s6], [sflag:$0x3], $0x3200, s30, s29, $0x38;
	[tilespmem:$0x3200] =	vst v63  }
0x59b: {  	s31 =	rddreg [dreg:$0xe]  }
0x59c: {  	[hbm4b:s1+s29] =	stream.strided.scatter [tilespmem:s6], [sflag:$0x4], $0x3200, s30, s29, $0x38;
	[tilespmem:$0x3200] =	vst v63  }
0x59d: {  	s1 =	rddreg [dreg:$0xf]  }
0x59e: {  	[hbm4b:s31+s29] =	stream.strided.scatter [tilespmem:s6], [sflag:$0x5], $0x3200, s30, s29, $0x38;
	[tilespmem:$0x3200] =	vst v63  }
0x59f: {  	s31 =	rddreg [dreg:$0x10]  }
0x5a0: {  	[hbm4b:s1+s29] =	stream.strided.scatter [tilespmem:s6], [sflag:$0x2], $0x3200, s30, s29, $0x38;
	[tilespmem:$0x3200] =	vst v63  }
0x5a1: {  	s1 =	rddreg [dreg:$0x11]  }
0x5a2: {  	[hbm4b:s31+s29] =	stream.strided.scatter [tilespmem:s6], [sflag:$0x3], $0x3200, s30, s29, $0x38;
	[tilespmem:$0x3200] =	vst v63  }
0x5a3: {  	s31 =	rddreg [dreg:$0x12]  }
0x5a4: {  	[hbm4b:s1+s29] =	stream.strided.scatter [tilespmem:s6], [sflag:$0x4], $0x3200, s30, s29, $0x38;
	[tilespmem:$0x3200] =	vst v63  }
0x5a5: {  	s1 =	rddreg [dreg:$0x13]  }
0x5a6: {  	[hbm4b:s31+s29] =	stream.strided.scatter [tilespmem:s6], [sflag:$0x5], $0x3200, s30, s29, $0x38;
	[tilespmem:$0x3200] =	vst v63  }
0x5a7: {  	s31 =	rddreg [dreg:$0x14]  }
0x5a8: {  	[hbm4b:s1+s29] =	stream.strided.scatter [tilespmem:s6], [sflag:$0x2], $0x3200, s30, s29, $0x38;
	[tilespmem:$0x3200] =	vst v63  }
0x5a9: {  	s1 =	rddreg [dreg:$0x15]  }
0x5aa: {  	[hbm4b:s31+s29] =	stream.strided.scatter [tilespmem:s6], [sflag:$0x3], $0x3200, s30, s29, $0x38;
	[tilespmem:$0x3200] =	vst v63  }
0x5ab: {  	s31 =	rddreg [dreg:$0x16]  }
0x5ac: {  	[hbm4b:s1+s29] =	stream.strided.scatter [tilespmem:s6], [sflag:$0x4], $0x3200, s30, s29, $0x38;
	[tilespmem:$0x3200] =	vst v63  }
0x5ad: {  	s1 =	rddreg [dreg:$0x17]  }
0x5ae: {  	[hbm4b:s31+s29] =	stream.strided.scatter [tilespmem:s6], [sflag:$0x5], $0x3200, s30, s29, $0x38;
	[tilespmem:$0x3200] =	vst v63  }
0x5af: {  	s31 =	rddreg [dreg:$0x18]  }
0x5b0: {  	[hbm4b:s1+s29] =	stream.strided.scatter [tilespmem:s6], [sflag:$0x2], $0x3200, s30, s29, $0x38;
	[tilespmem:$0x3200] =	vst v63  }
0x5b1: {  	s1 =	rddreg [dreg:$0x19]  }
0x5b2: {  	[hbm4b:s31+s29] =	stream.strided.scatter [tilespmem:s6], [sflag:$0x3], $0x3200, s30, s29, $0x38;
	[tilespmem:$0x3200] =	vst v63  }
0x5b3: {  	s31 =	rddreg [dreg:$0x1a]  }
0x5b4: {  	[hbm4b:s1+s29] =	stream.strided.scatter [tilespmem:s6], [sflag:$0x4], $0x3200, s30, s29, $0x38;
	[tilespmem:$0x3200] =	vst v63  }
0x5b5: {  	s1 =	rddreg [dreg:$0x1b]  }
0x5b6: {  	[hbm4b:s31+s29] =	stream.strided.scatter [tilespmem:s6], [sflag:$0x5], $0x3200, s30, s29, $0x38;
	[tilespmem:$0x3200] =	vst v63  }
0x5b7: {  	s31 =	rddreg [dreg:$0x1c]  }
0x5b8: {  	[hbm4b:s1+s29] =	stream.strided.scatter [tilespmem:s6], [sflag:$0x2], $0x3200, s30, s29, $0x38;
	[tilespmem:$0x3200] =	vst v63  }
0x5b9: {  	s1 =	rddreg [dreg:$0x1d]  }
0x5ba: {  	[hbm4b:s31+s29] =	stream.strided.scatter [tilespmem:s6], [sflag:$0x3], $0x3200, s30, s29, $0x38;
	[tilespmem:$0x3200] =	vst v63  }
0x5bb: {  	s31 =	rddreg [dreg:$0x1e]  }
0x5bc: {  	[hbm4b:s1+s29] =	stream.strided.scatter [tilespmem:s6], [sflag:$0x4], $0x3200, s30, s29, $0x38;
	[tilespmem:$0x3200] =	vst v63  }
0x5bd: {  	s1 =	rddreg [dreg:$0x1f]  }
0x5be: {  	[hbm4b:s31+s29] =	stream.strided.scatter [tilespmem:s6], [sflag:$0x5], $0x3200, s30, s29, $0x38;
	[tilespmem:$0x3200] =	vst v63  }
0x5bf: {  	s31 =	sld [smem:$0x7AF]  }
0x5c0: {  	[hbm4b:s1+s29] =	stream.strided.scatter [tilespmem:s6], [sflag:$0x2], $0x3200, s30, s29, $0x38;
	[tilespmem:$0x3200] =	vst v63  }
0x5c1: {  	s1 =	sld [smem:$0x7B0]  }
0x5c2: {  	[hbm4b:s31+s29] =	stream.strided.scatter [tilespmem:s6], [sflag:$0x3], $0x3200, s30, s29, $0x38;
	[tilespmem:$0x3200] =	vst v63  }
0x5c3: {  	s31 =	sld [smem:$0x7B1]  }
0x5c4: {  	[hbm4b:s1+s29] =	stream.strided.scatter [tilespmem:s6], [sflag:$0x4], $0x3200, s30, s29, $0x38;
	[tilespmem:$0x3200] =	vst v63  }
0x5c5: {  	s1 =	sld [smem:$0x7B2]  }
0x5c6: {  	[hbm4b:s31+s29] =	stream.strided.scatter [tilespmem:s6], [sflag:$0x5], $0x3200, s30, s29, $0x38;
	[tilespmem:$0x3200] =	vst v63  }
0x5c7: {  	s31 =	sld [smem:$0x7B3]  }
0x5c8: {  	[hbm4b:s1+s29] =	stream.strided.scatter [tilespmem:s6], [sflag:$0x2], $0x3200, s30, s29, $0x38;
	[tilespmem:$0x3200] =	vst v63  }
0x5c9: {  	s1 =	sld [smem:$0x7B4]  }
0x5ca: {  	[hbm4b:s31+s29] =	stream.strided.scatter [tilespmem:s6], [sflag:$0x3], $0x3200, s30, s29, $0x38;
	[tilespmem:$0x3200] =	vst v63  }
0x5cb: {  	s31 =	sld [smem:$0x7B5]  }
0x5cc: {  	[hbm4b:s1+s29] =	stream.strided.scatter [tilespmem:s6], [sflag:$0x4], $0x3200, s30, s29, $0x38;
	[tilespmem:$0x3200] =	vst v63  }
0x5cd: {  	s1 =	sld [smem:$0x7B6]  }
0x5ce: {  	[hbm4b:s31+s29] =	stream.strided.scatter [tilespmem:s6], [sflag:$0x5], $0x3200, s30, s29, $0x38;
	[tilespmem:$0x3200] =	vst v63  }
0x5cf: {  	s31 =	sld [smem:$0x7B7]  }
0x5d0: {  	[hbm4b:s1+s29] =	stream.strided.scatter [tilespmem:s6], [sflag:$0x2], $0x3200, s30, s29, $0x38;
	[tilespmem:$0x3200] =	vst v63  }
0x5d1: {  	s1 =	sld [smem:$0x7B8]  }
0x5d2: {  	[hbm4b:s31+s29] =	stream.strided.scatter [tilespmem:s6], [sflag:$0x3], $0x3200, s30, s29, $0x38;
	[tilespmem:$0x3200] =	vst v63  }
0x5d3: {  	s31 =	sld [smem:$0x7B9]  }
0x5d4: {  	[hbm4b:s1+s29] =	stream.strided.scatter [tilespmem:s6], [sflag:$0x4], $0x3200, s30, s29, $0x38;
	[tilespmem:$0x3200] =	vst v63  }
0x5d5: {  	s1 =	sld [smem:$0x7BA]  }
0x5d6: {  	[hbm4b:s31+s29] =	stream.strided.scatter [tilespmem:s6], [sflag:$0x5], $0x3200, s30, s29, $0x38;
	[tilespmem:$0x3200] =	vst v63  }
0x5d7: {  	s31 =	sld [smem:$0x7BB]  }
0x5d8: {  	[hbm4b:s1+s29] =	stream.strided.scatter [tilespmem:s6], [sflag:$0x2], $0x3200, s30, s29, $0x38;
	[tilespmem:$0x3200] =	vst v63  }
0x5d9: {  	s1 =	sld [smem:$0x7BC]  }
0x5da: {  	[hbm4b:s31+s29] =	stream.strided.scatter [tilespmem:s6], [sflag:$0x3], $0x3200, s30, s29, $0x38;
	[tilespmem:$0x3200] =	vst v63  }
0x5db: {  	s31 =	sld [smem:$0x7BD]  }
0x5dc: {  	[hbm4b:s1+s29] =	stream.strided.scatter [tilespmem:s6], [sflag:$0x4], $0x3200, s30, s29, $0x38;
	[tilespmem:$0x3200] =	vst v63  }
0x5dd: {  	s1 =	sld [smem:$0x7BE]  }
0x5de: {  	[hbm4b:s31+s29] =	stream.strided.scatter [tilespmem:s6], [sflag:$0x5], $0x3200, s30, s29, $0x38;
	[tilespmem:$0x3200] =	vst v63  }
0x5df: {  	s31 =	sld [smem:$0x7BF]  }
0x5e0: {  	[hbm4b:s1+s29] =	stream.strided.scatter [tilespmem:s6], [sflag:$0x2], $0x3200, s30, s29, $0x38;
	[tilespmem:$0x3200] =	vst v63  }
0x5e1: {  	s1 =	sld [smem:$0x7C0]  }
0x5e2: {  	[hbm4b:s31+s29] =	stream.strided.scatter [tilespmem:s6], [sflag:$0x3], $0x3200, s30, s29, $0x38;
	[tilespmem:$0x3200] =	vst v63  }
0x5e3: {  	s31 =	sld [smem:$0x7C1]  }
0x5e4: {  	[hbm4b:s1+s29] =	stream.strided.scatter [tilespmem:s6], [sflag:$0x4], $0x3200, s30, s29, $0x38;
	[tilespmem:$0x3200] =	vst v63  }
0x5e5: {  	s1 =	sld [smem:$0x7C2]  }
0x5e6: {  	[hbm4b:s31+s29] =	stream.strided.scatter [tilespmem:s6], [sflag:$0x5], $0x3200, s30, s29, $0x38;
	[tilespmem:$0x3200] =	vst v63  }
0x5e7: {  	s31 =	sld [smem:$0x7C3]  }
0x5e8: {  	[hbm4b:s1+s29] =	stream.strided.scatter [tilespmem:s6], [sflag:$0x2], $0x3200, s30, s29, $0x38;
	[tilespmem:$0x3200] =	vst v63  }
0x5e9: {  	s1 =	sld [smem:$0x7C4]  }
0x5ea: {  	[hbm4b:s31+s29] =	stream.strided.scatter [tilespmem:s6], [sflag:$0x3], $0x3200, s30, s29, $0x38;
	[tilespmem:$0x3200] =	vst v63  }
0x5eb: {  	s31 =	sld [smem:$0x7C5]  }
0x5ec: {  	[hbm4b:s1+s29] =	stream.strided.scatter [tilespmem:s6], [sflag:$0x4], $0x3200, s30, s29, $0x38;
	[tilespmem:$0x3200] =	vst v63  }
0x5ed: {  	s1 =	sld [smem:$0x7C6]  }
0x5ee: {  	[hbm4b:s31+s29] =	stream.strided.scatter [tilespmem:s6], [sflag:$0x5], $0x3200, s30, s29, $0x38;
	[tilespmem:$0x3200] =	vst v63  }
0x5ef: {  	s31 =	sld [smem:$0x7C7]  }
0x5f0: {  	[hbm4b:s1+s29] =	stream.strided.scatter [tilespmem:s6], [sflag:$0x2], $0x3200, s30, s29, $0x38;
	[tilespmem:$0x3200] =	vst v63  }
0x5f1: {  	s1 =	sld [smem:$0x7C8]  }
0x5f2: {  	[hbm4b:s31+s29] =	stream.strided.scatter [tilespmem:s6], [sflag:$0x3], $0x3200, s30, s29, $0x38;
	[tilespmem:$0x3200] =	vst v63  }
0x5f3: {  	s31 =	sld [smem:$0x7C9]  }
0x5f4: {  	[hbm4b:s1+s29] =	stream.strided.scatter [tilespmem:s6], [sflag:$0x4], $0x3200, s30, s29, $0x38;
	[tilespmem:$0x3200] =	vst v63  }
0x5f5: {  	s1 =	sld [smem:$0x7CA]  }
0x5f6: {  	[hbm4b:s31+s29] =	stream.strided.scatter [tilespmem:s6], [sflag:$0x5], $0x3200, s30, s29, $0x38;
	[tilespmem:$0x3200] =	vst v63  }
0x5f7: {  	s31 =	sld [smem:$0x7CB]  }
0x5f8: {  	[hbm4b:s1+s29] =	stream.strided.scatter [tilespmem:s6], [sflag:$0x2], $0x3200, s30, s29, $0x38;
	[tilespmem:$0x3200] =	vst v63  }
0x5f9: {  	s1 =	sld [smem:$0x7CC]  }
0x5fa: {  	[hbm4b:s31+s29] =	stream.strided.scatter [tilespmem:s6], [sflag:$0x3], $0x3200, s30, s29, $0x38;
	[tilespmem:$0x3200] =	vst v63  }
0x5fb: {  	s31 =	sld [smem:$0x7CD]  }
0x5fc: {  	[hbm4b:s1+s29] =	stream.strided.scatter [tilespmem:s6], [sflag:$0x4], $0x3200, s30, s29, $0x38;
	[tilespmem:$0x3200] =	vst v63  }
0x5fd: {  	s1 =	sld [smem:$0x7CE]  }
0x5fe: {  	[hbm4b:s31+s29] =	stream.strided.scatter [tilespmem:s6], [sflag:$0x5], $0x3200, s30, s29, $0x38;
	[tilespmem:$0x3200] =	vst v63  }
0x5ff: {  	s31 =	sld [smem:$0x7CF]  }
0x600: {  	[hbm4b:s1+s29] =	stream.strided.scatter [tilespmem:s6], [sflag:$0x2], $0x3200, s30, s29, $0x38;
	[tilespmem:$0x3200] =	vst v63  }
0x601: {  	s1 =	sld [smem:$0x7D0]  }
0x602: {  	[hbm4b:s31+s29] =	stream.strided.scatter [tilespmem:s6], [sflag:$0x3], $0x3200, s30, s29, $0x38;
	[tilespmem:$0x3200] =	vst v63  }
0x603: {  	s31 =	sld [smem:$0x7D1]  }
0x604: {  	[hbm4b:s1+s29] =	stream.strided.scatter [tilespmem:s6], [sflag:$0x4], $0x3200, s30, s29, $0x38;
	[tilespmem:$0x3200] =	vst v63  }
0x605: {  	s1 =	sld [smem:$0x7D2]  }
0x606: {  	[hbm4b:s31+s29] =	stream.strided.scatter [tilespmem:s6], [sflag:$0x5], $0x3200, s30, s29, $0x38;
	[tilespmem:$0x3200] =	vst v63  }
0x607: {  	s31 =	sld [smem:$0x7D3]  }
0x608: {  	[hbm4b:s1+s29] =	stream.strided.scatter [tilespmem:s6], [sflag:$0x2], $0x3200, s30, s29, $0x38;
	[tilespmem:$0x3200] =	vst v63  }
0x609: {  	s1 =	sld [smem:$0x7D4]  }
0x60a: {  	[hbm4b:s31+s29] =	stream.strided.scatter [tilespmem:s6], [sflag:$0x3], $0x3200, s30, s29, $0x38;
	[tilespmem:$0x3200] =	vst v63  }
0x60b: {  	s31 =	sld [smem:$0x7D5]  }
0x60c: {  	[hbm4b:s1+s29] =	stream.strided.scatter [tilespmem:s6], [sflag:$0x4], $0x3200, s30, s29, $0x38;
	[tilespmem:$0x3200] =	vst v63  }
0x60d: {  	s1 =	sld [smem:$0x7D6]  }
0x60e: {  	[hbm4b:s31+s29] =	stream.strided.scatter [tilespmem:s6], [sflag:$0x5], $0x3200, s30, s29, $0x38;
	[tilespmem:$0x3200] =	vst v63  }
0x60f: {  	s31 =	sld [smem:$0x7D7]  }
0x610: {  	[hbm4b:s1+s29] =	stream.strided.scatter [tilespmem:s6], [sflag:$0x2], $0x3200, s30, s29, $0x38;
	[tilespmem:$0x3200] =	vst v63  }
0x611: {  	s1 =	sld [smem:$0x7D8]  }
0x612: {  	[hbm4b:s31+s29] =	stream.strided.scatter [tilespmem:s6], [sflag:$0x3], $0x3200, s30, s29, $0x38;
	[tilespmem:$0x3200] =	vst v63  }
0x613: {  	s31 =	sld [smem:$0x7D9]  }
0x614: {  	[hbm4b:s1+s29] =	stream.strided.scatter [tilespmem:s6], [sflag:$0x4], $0x3200, s30, s29, $0x38;
	[tilespmem:$0x3200] =	vst v63  }
0x615: {  	s1 =	sld [smem:$0x7DA]  }
0x616: {  	[hbm4b:s31+s29] =	stream.strided.scatter [tilespmem:s6], [sflag:$0x5], $0x3200, s30, s29, $0x38;
	[tilespmem:$0x3200] =	vst v63  }
0x617: {  	s31 =	sld [smem:$0x7DB]  }
0x618: {  	[hbm4b:s1+s29] =	stream.strided.scatter [tilespmem:s6], [sflag:$0x2], $0x3200, s30, s29, $0x38;
	[tilespmem:$0x3200] =	vst v63  }
0x619: {  	s1 =	sld [smem:$0x7DC]  }
0x61a: {  	[hbm4b:s31+s29] =	stream.strided.scatter [tilespmem:s6], [sflag:$0x3], $0x3200, s30, s29, $0x38;
	[tilespmem:$0x3200] =	vst v63  }
0x61b: {  	s31 =	sld [smem:$0x7DD]  }
0x61c: {  	[hbm4b:s1+s29] =	stream.strided.scatter [tilespmem:s6], [sflag:$0x4], $0x3200, s30, s29, $0x38;
	[tilespmem:$0x3200] =	vst v63  }
0x61d: {  	s1 =	sld [smem:$0x7DE]  }
0x61e: {  	[hbm4b:s31+s29] =	stream.strided.scatter [tilespmem:s6], [sflag:$0x5], $0x3200, s30, s29, $0x38;
	[tilespmem:$0x3200] =	vst v63  }
0x61f: {  	s31 =	sld [smem:$0x7DF]  }
0x620: {  	[hbm4b:s1+s29] =	stream.strided.scatter [tilespmem:s6], [sflag:$0x2], $0x3200, s30, s29, $0x38;
	[tilespmem:$0x3200] =	vst v63  }
0x621: {  	s1 =	sld [smem:$0x7E0]  }
0x622: {  	[hbm4b:s31+s29] =	stream.strided.scatter [tilespmem:s6], [sflag:$0x3], $0x3200, s30, s29, $0x38;
	[tilespmem:$0x3200] =	vst v63  }
0x623: {  	s31 =	sld [smem:$0x7E1]  }
0x624: {  	[hbm4b:s1+s29] =	stream.strided.scatter [tilespmem:s6], [sflag:$0x4], $0x3200, s30, s29, $0x38;
	[tilespmem:$0x3200] =	vst v63  }
0x625: {  	s1 =	sld [smem:$0x7E2]  }
0x626: {  	[hbm4b:s31+s29] =	stream.strided.scatter [tilespmem:s6], [sflag:$0x5], $0x3200, s30, s29, $0x38;
	[tilespmem:$0x3200] =	vst v63  }
0x627: {  	s31 =	sld [smem:$0x7E3]  }
0x628: {  	[hbm4b:s1+s29] =	stream.strided.scatter [tilespmem:s6], [sflag:$0x2], $0x3200, s30, s29, $0x38;
	[tilespmem:$0x3200] =	vst v63  }
0x629: {  	s1 =	sld [smem:$0x7E4]  }
0x62a: {  	[hbm4b:s31+s29] =	stream.strided.scatter [tilespmem:s6], [sflag:$0x3], $0x3200, s30, s29, $0x38;
	[tilespmem:$0x3200] =	vst v63  }
0x62b: {  	s31 =	sld [smem:$0x7E5]  }
0x62c: {  	[hbm4b:s1+s29] =	stream.strided.scatter [tilespmem:s6], [sflag:$0x4], $0x3200, s30, s29, $0x38;
	[tilespmem:$0x3200] =	vst v63  }
0x62d: {  	s1 =	sld [smem:$0x7E6]  }
0x62e: {  	[hbm4b:s31+s29] =	stream.strided.scatter [tilespmem:s6], [sflag:$0x5], $0x3200, s30, s29, $0x38;
	[tilespmem:$0x3200] =	vst v63  }
0x62f: {  	s31 =	sld [smem:$0x7E7]  }
0x630: {  	[hbm4b:s1+s29] =	stream.strided.scatter [tilespmem:s6], [sflag:$0x2], $0x3200, s30, s29, $0x38;
	[tilespmem:$0x3200] =	vst v63  }
0x631: {  	s1 =	sld [smem:$0x7E8]  }
0x632: {  	[hbm4b:s31+s29] =	stream.strided.scatter [tilespmem:s6], [sflag:$0x3], $0x3200, s30, s29, $0x38;
	[tilespmem:$0x3200] =	vst v63  }
0x633: {  	s31 =	sld [smem:$0x7E9]  }
0x634: {  	[hbm4b:s1+s29] =	stream.strided.scatter [tilespmem:s6], [sflag:$0x4], $0x3200, s30, s29, $0x38;
	[tilespmem:$0x3200] =	vst v63  }
0x635: {  	s1 =	sld [smem:$0x7EA]  }
0x636: {  	[hbm4b:s31+s29] =	stream.strided.scatter [tilespmem:s6], [sflag:$0x5], $0x3200, s30, s29, $0x38;
	[tilespmem:$0x3200] =	vst v63  }
0x637: {  	s31 =	sld [smem:$0x7EB]  }
0x638: {  	[hbm4b:s1+s29] =	stream.strided.scatter [tilespmem:s6], [sflag:$0x2], $0x3200, s30, s29, $0x38;
	[tilespmem:$0x3200] =	vst v63  }
0x639: {  	s1 =	sld [smem:$0x7EC]  }
0x63a: {  	[hbm4b:s31+s29] =	stream.strided.scatter [tilespmem:s6], [sflag:$0x3], $0x3200, s30, s29, $0x38;
	[tilespmem:$0x3200] =	vst v63  }
0x63b: {  	s31 =	sld [smem:$0x7ED]  }
0x63c: {  	[hbm4b:s1+s29] =	stream.strided.scatter [tilespmem:s6], [sflag:$0x4], $0x3200, s30, s29, $0x38;
	[tilespmem:$0x3200] =	vst v63  }
0x63d: {  	s1 =	sld [smem:$0x7EE]  }
0x63e: {  	[hbm4b:s31+s29] =	stream.strided.scatter [tilespmem:s6], [sflag:$0x5], $0x3200, s30, s29, $0x38;
	[tilespmem:$0x3200] =	vst v63  }
0x63f: {  	s31 =	sld [smem:$0x7EF]  }
0x640: {  	[hbm4b:s1+s29] =	stream.strided.scatter [tilespmem:s6], [sflag:$0x2], $0x3200, s30, s29, $0x38;
	[tilespmem:$0x3200] =	vst v63  }
0x641: {  	s1 =	sld [smem:$0x7F0]  }
0x642: {  	[hbm4b:s31+s29] =	stream.strided.scatter [tilespmem:s6], [sflag:$0x3], $0x3200, s30, s29, $0x38;
	[tilespmem:$0x3200] =	vst v63  }
0x643: {  	s31 =	sld [smem:$0x7F1]  }
0x644: {  	[hbm4b:s1+s29] =	stream.strided.scatter [tilespmem:s6], [sflag:$0x4], $0x3200, s30, s29, $0x38;
	[tilespmem:$0x3200] =	vst v63  }
0x645: {  	s1 =	sld [smem:$0x7F2]  }
0x646: {  	[hbm4b:s31+s29] =	stream.strided.scatter [tilespmem:s6], [sflag:$0x5], $0x3200, s30, s29, $0x38;
	[tilespmem:$0x3200] =	vst v63  }
0x647: {  	s31 =	sld [smem:$0x7F3]  }
0x648: {  	[hbm4b:s1+s29] =	stream.strided.scatter [tilespmem:s6], [sflag:$0x2], $0x3200, s30, s29, $0x38;
	[tilespmem:$0x3200] =	vst v63  }
0x649: {  	s1 =	sld [smem:$0x7F4]  }
0x64a: {  	[hbm4b:s31+s29] =	stream.strided.scatter [tilespmem:s6], [sflag:$0x3], $0x3200, s30, s29, $0x38;
	[tilespmem:$0x3200] =	vst v63  }
0x64b: {  	s31 =	sld [smem:$0x7F5]  }
0x64c: {  	[hbm4b:s1+s29] =	stream.strided.scatter [tilespmem:s6], [sflag:$0x4], $0x3200, s30, s29, $0x38;
	[tilespmem:$0x3200] =	vst v63  }
0x64d: {  	s1 =	sld [smem:$0x7F6]  }
0x64e: {  	[hbm4b:s31+s29] =	stream.strided.scatter [tilespmem:s6], [sflag:$0x5], $0x3200, s30, s29, $0x38;
	[tilespmem:$0x3200] =	vst v63  }
0x64f: {  	s31 =	sld [smem:$0x7F7]  }
0x650: {  	[hbm4b:s1+s29] =	stream.strided.scatter [tilespmem:s6], [sflag:$0x2], $0x3200, s30, s29, $0x38;
	[tilespmem:$0x3200] =	vst v63  }
0x651: {  	s1 =	sld [smem:$0x7F8]  }
0x652: {  	[hbm4b:s31+s29] =	stream.strided.scatter [tilespmem:s6], [sflag:$0x3], $0x3200, s30, s29, $0x38;
	[tilespmem:$0x3200] =	vst v63  }
0x653: {  	s31 =	sld [smem:$0x7F9]  }
0x654: {  	[hbm4b:s1+s29] =	stream.strided.scatter [tilespmem:s6], [sflag:$0x4], $0x3200, s30, s29, $0x38;
	[tilespmem:$0x3200] =	vst v63  }
0x655: {  	s1 =	sld [smem:$0x7FA]  }
0x656: {  	[hbm4b:s31+s29] =	stream.strided.scatter [tilespmem:s6], [sflag:$0x5], $0x3200, s30, s29, $0x38;
	[tilespmem:$0x3200] =	vst v63  }
0x657: {  	s31 =	sld [smem:$0x7FB]  }
0x658: {  	[hbm4b:s1+s29] =	stream.strided.scatter [tilespmem:s6], [sflag:$0x2], $0x3200, s30, s29, $0x38;
	[tilespmem:$0x3200] =	vst v63  }
0x659: {  	s1 =	sld [smem:$0x7FC]  }
0x65a: {  	[hbm4b:s31+s29] =	stream.strided.scatter [tilespmem:s6], [sflag:$0x3], $0x3200, s30, s29, $0x38;
	[tilespmem:$0x3200] =	vst v63  }
0x65b: {  	s31 =	sld [smem:$0x7FD]  }
0x65c: {  	[hbm4b:s1+s29] =	stream.strided.scatter [tilespmem:s6], [sflag:$0x4], $0x3200, s30, s29, $0x38;
	[tilespmem:$0x3200] =	vst v63  }
0x65d: {  	_ = 	snop  }
0x65e: {  	[hbm4b:s31+s29] =	stream.strided.scatter [tilespmem:s6], [sflag:$0x5], $0x3200, s30, s29, $0x38;
	[tilespmem:$0x3200] =	vst v63  }
0x65f: {  	_ = 	snop  }
0x660: {  	[hbm4b:s9+s29] =	stream.strided.scatter [tilespmem:s6], [sflag:$0x2], $0x3200, s30, s29, $0x38;
	[tilespmem:$0x3200] =	vst v63  }
0x661: {  	_ = 	snop  }
0x662: {  	[hbm4b:s10+s29] =	stream.strided.scatter [tilespmem:s6], [sflag:$0x3], $0x3200, s30, s29, $0x38;
	[tilespmem:$0x3200] =	vst v63  }
0x663: {  	_ = 	snop  }
0x664: {  	[hbm4b:s11+s29] =	stream.strided.scatter [tilespmem:s6], [sflag:$0x4], $0x3200, s30, s29, $0x38;
	[tilespmem:$0x3200] =	vst v63  }
0x665: {  	_ = 	snop  }
0x666: {  	[hbm4b:s12+s29] =	stream.strided.scatter [tilespmem:s6], [sflag:$0x5], $0x3200, s30, s29, $0x38;
	[tilespmem:$0x3200] =	vst v63  }
0x667: {  	_ = 	snop  }
0x668: {  	[hbm4b:s13+s29] =	stream.strided.scatter [tilespmem:s6], [sflag:$0x2], $0x3200, s30, s29, $0x38;
	[tilespmem:$0x3200] =	vst v63  }
0x669: {  	_ = 	snop  }
0x66a: {  	[hbm4b:s14+s29] =	stream.strided.scatter [tilespmem:s6], [sflag:$0x3], $0x3200, s30, s29, $0x38;
	[tilespmem:$0x3200] =	vst v63  }
0x66b: {  	_ = 	snop  }
0x66c: {  	[hbm4b:s15+s29] =	stream.strided.scatter [tilespmem:s6], [sflag:$0x4], $0x3200, s30, s29, $0x38;
	[tilespmem:$0x3200] =	vst v63  }
0x66d: {  	_ = 	snop  }
0x66e: {  	[hbm4b:s16+s29] =	stream.strided.scatter [tilespmem:s6], [sflag:$0x5], $0x3200, s30, s29, $0x38;
	[tilespmem:$0x3200] =	vst v63  }
0x66f: {  	_ = 	snop  }
0x670: {  	[hbm4b:s17+s29] =	stream.strided.scatter [tilespmem:s6], [sflag:$0x2], $0x3200, s30, s29, $0x38;
	[tilespmem:$0x3200] =	vst v63  }
0x671: {  	_ = 	snop  }
0x672: {  	[hbm4b:s18+s29] =	stream.strided.scatter [tilespmem:s6], [sflag:$0x3], $0x3200, s30, s29, $0x38;
	[tilespmem:$0x3200] =	vst v63  }
0x673: {  	_ = 	snop  }
0x674: {  	[hbm4b:s19+s29] =	stream.strided.scatter [tilespmem:s6], [sflag:$0x4], $0x3200, s30, s29, $0x38;
	[tilespmem:$0x3200] =	vst v63  }
0x675: {  	_ = 	snop  }
0x676: {  	[hbm4b:s20+s29] =	stream.strided.scatter [tilespmem:s6], [sflag:$0x5], $0x3200, s30, s29, $0x38;
	[tilespmem:$0x3200] =	vst v63  }
0x677: {  	_ = 	snop  }
0x678: {  	[hbm4b:s21+s29] =	stream.strided.scatter [tilespmem:s6], [sflag:$0x2], $0x3200, s30, s29, $0x38;
	[tilespmem:$0x3200] =	vst v63  }
0x679: {  	_ = 	snop  }
0x67a: {  	[hbm4b:s22+s29] =	stream.strided.scatter [tilespmem:s6], [sflag:$0x3], $0x3200, s30, s29, $0x38;
	[tilespmem:$0x3200] =	vst v63  }
0x67b: {  	_ = 	snop  }
0x67c: {  	[hbm4b:s23+s29] =	stream.strided.scatter [tilespmem:s6], [sflag:$0x4], $0x3200, s30, s29, $0x38;
	[tilespmem:$0x3200] =	vst v63  }
0x67d: {  	_ = 	snop  }
0x67e: {  	[hbm4b:s24+s29] =	stream.strided.scatter [tilespmem:s6], [sflag:$0x5], $0x3200, s30, s29, $0x38;
	[tilespmem:$0x3200] =	vst v63  }
0x67f: {  	_ = 	snop  }
0x680: {  	[hbm4b:s25+s29] =	stream.strided.scatter [tilespmem:s6], [sflag:$0x2], $0x3200, s30, s29, $0x38;
	[tilespmem:$0x3200] =	vst v63  }
0x681: {  	_ = 	snop  }
0x682: {  	[hbm4b:s26+s29] =	stream.strided.scatter [tilespmem:s6], [sflag:$0x3], $0x3200, s30, s29, $0x38;
	[tilespmem:$0x3200] =	vst v63  }
0x683: {  	_ = 	snop  }
0x684: {  	[hbm4b:s28+s29] =	stream.strided.scatter [tilespmem:s6], [sflag:$0x4], $0x3200, s30, s29, $0x38;
	[tilespmem:$0x3200] =	vst v63  }
0x685: {  	_ = 	snop  }
0x686: {  	[hbm4b:s7+s29] =	stream.strided.scatter [tilespmem:s6], [sflag:$0x5], $0x3200, s30, s29, $0x38;
	[tilespmem:$0x3200] =	vst v63  }
0x687: {  	_ =	swait.ge [sflag:s5], $0x3200  }
0x688: {  	[sflag:s5] =	ssyncset.done $0x0  }
0x689: {  	[sflag:s5] =	ssyncadd.s32 $0xFFFFCE00  }
0x68a: {  	_ =	swait.ge [sflag:s4], $0x3200  }
0x68b: {  	[sflag:s4] =	ssyncset.done $0x0  }
0x68c: {  	[sflag:s4] =	ssyncadd.s32 $0xFFFFCE00  }
0x68d: {  	_ =	swait.ge [sflag:s3], $0x3200  }
0x68e: {  	[sflag:s3] =	ssyncset.done $0x0  }
0x68f: {  	[sflag:s3] =	ssyncadd.s32 $0xFFFFCE00  }
0x690: {  	_ =	swait.ge [sflag:s2], $0x3200  }
0x691: {  	[sflag:s2] =	ssyncset.done $0x0  }
0x692: {  	[sflag:s2] =	ssyncadd.s32 $0xFFFFCE00  }
0x693: {  	_ =	swait.ge [sflag:s5], $0x3200  }
0x694: {  	[sflag:s5] =	ssyncset.done $0x0  }
0x695: {  	[sflag:s5] =	ssyncadd.s32 $0xFFFFCE00  }
0x696: {  	_ =	swait.ge [sflag:s4], $0x3200  }
0x697: {  	[sflag:s4] =	ssyncset.done $0x0  }
0x698: {  	[sflag:s4] =	ssyncadd.s32 $0xFFFFCE00  }
0x699: {  	_ =	swait.ge [sflag:s3], $0x3200  }
0x69a: {  	[sflag:s3] =	ssyncset.done $0x0  }
0x69b: {  	[sflag:s3] =	ssyncadd.s32 $0xFFFFCE00  }
0x69c: {  	_ =	swait.ge [sflag:s2], $0x3200  }
0x69d: {  	[sflag:s2] =	ssyncset.done $0x0  }
0x69e: {  	[sflag:s2] =	ssyncadd.s32 $0xFFFFCE00  }
0x69f: {  	_ =	swait.ge [sflag:s5], $0x3200  }
0x6a0: {  	[sflag:s5] =	ssyncset.done $0x0  }
0x6a1: {  	[sflag:s5] =	ssyncadd.s32 $0xFFFFCE00  }
0x6a2: {  	_ =	swait.ge [sflag:s4], $0x3200  }
0x6a3: {  	[sflag:s4] =	ssyncset.done $0x0  }
0x6a4: {  	[sflag:s4] =	ssyncadd.s32 $0xFFFFCE00  }
0x6a5: {  	_ =	swait.ge [sflag:s3], $0x3200  }
0x6a6: {  	[sflag:s3] =	ssyncset.done $0x0  }
0x6a7: {  	[sflag:s3] =	ssyncadd.s32 $0xFFFFCE00  }
0x6a8: {  	_ =	swait.ge [sflag:s2], $0x3200  }
0x6a9: {  	[sflag:s2] =	ssyncset.done $0x0  }
0x6aa: {  	[sflag:s2] =	ssyncadd.s32 $0xFFFFCE00  }
0x6ab: {  	_ =	swait.ge [sflag:s5], $0x3200  }
0x6ac: {  	[sflag:s5] =	ssyncset.done $0x0  }
0x6ad: {  	[sflag:s5] =	ssyncadd.s32 $0xFFFFCE00  }
0x6ae: {  	_ =	swait.ge [sflag:s4], $0x3200  }
0x6af: {  	[sflag:s4] =	ssyncset.done $0x0  }
0x6b0: {  	[sflag:s4] =	ssyncadd.s32 $0xFFFFCE00  }
0x6b1: {  	_ =	swait.ge [sflag:s3], $0x3200  }
0x6b2: {  	[sflag:s3] =	ssyncset.done $0x0  }
0x6b3: {  	[sflag:s3] =	ssyncadd.s32 $0xFFFFCE00  }
0x6b4: {  	_ =	swait.ge [sflag:s2], $0x3200  }
0x6b5: {  	[sflag:s2] =	ssyncset.done $0x0  }
0x6b6: {  	[sflag:s2] =	ssyncadd.s32 $0xFFFFCE00  }
0x6b7: {  	_ =	swait.ge [sflag:s5], $0x3200  }
0x6b8: {  	[sflag:s5] =	ssyncset.done $0x0  }
0x6b9: {  	[sflag:s5] =	ssyncadd.s32 $0xFFFFCE00  }
0x6ba: {  	_ =	swait.ge [sflag:s4], $0x3200  }
0x6bb: {  	[sflag:s4] =	ssyncset.done $0x0  }
0x6bc: {  	[sflag:s4] =	ssyncadd.s32 $0xFFFFCE00  }
0x6bd: {  	_ =	swait.ge [sflag:s3], $0x3200  }
0x6be: {  	[sflag:s3] =	ssyncset.done $0x0  }
0x6bf: {  	[sflag:s3] =	ssyncadd.s32 $0xFFFFCE00  }
0x6c0: {  	_ =	swait.ge [sflag:s2], $0x3200  }
0x6c1: {  	[sflag:s2] =	ssyncset.done $0x0  }
0x6c2: {  	[sflag:s2] =	ssyncadd.s32 $0xFFFFCE00  }
0x6c3: {  	_ =	swait.ge [sflag:s5], $0x3200  }
0x6c4: {  	[sflag:s5] =	ssyncset.done $0x0  }
0x6c5: {  	[sflag:s5] =	ssyncadd.s32 $0xFFFFCE00  }
0x6c6: {  	_ =	swait.ge [sflag:s4], $0x3200  }
0x6c7: {  	[sflag:s4] =	ssyncset.done $0x0  }
0x6c8: {  	[sflag:s4] =	ssyncadd.s32 $0xFFFFCE00  }
0x6c9: {  	_ =	swait.ge [sflag:s3], $0x3200  }
0x6ca: {  	[sflag:s3] =	ssyncset.done $0x0  }
0x6cb: {  	[sflag:s3] =	ssyncadd.s32 $0xFFFFCE00  }
0x6cc: {  	_ =	swait.ge [sflag:s2], $0x3200  }
0x6cd: {  	[sflag:s2] =	ssyncset.done $0x0  }
0x6ce: {  	[sflag:s2] =	ssyncadd.s32 $0xFFFFCE00  }
0x6cf: {  	_ =	swait.ge [sflag:s5], $0x3200  }
0x6d0: {  	[sflag:s5] =	ssyncset.done $0x0  }
0x6d1: {  	[sflag:s5] =	ssyncadd.s32 $0xFFFFCE00  }
0x6d2: {  	_ =	swait.ge [sflag:s4], $0x3200  }
0x6d3: {  	[sflag:s4] =	ssyncset.done $0x0  }
0x6d4: {  	[sflag:s4] =	ssyncadd.s32 $0xFFFFCE00  }
0x6d5: {  	_ =	swait.ge [sflag:s3], $0x3200  }
0x6d6: {  	[sflag:s3] =	ssyncset.done $0x0  }
0x6d7: {  	[sflag:s3] =	ssyncadd.s32 $0xFFFFCE00  }
0x6d8: {  	_ =	swait.ge [sflag:s2], $0x3200  }
0x6d9: {  	[sflag:s2] =	ssyncset.done $0x0  }
0x6da: {  	[sflag:s2] =	ssyncadd.s32 $0xFFFFCE00  }
0x6db: {  	_ =	swait.ge [sflag:s5], $0x3200  }
0x6dc: {  	[sflag:s5] =	ssyncset.done $0x0  }
0x6dd: {  	[sflag:s5] =	ssyncadd.s32 $0xFFFFCE00  }
0x6de: {  	_ =	swait.ge [sflag:s4], $0x3200  }
0x6df: {  	[sflag:s4] =	ssyncset.done $0x0  }
0x6e0: {  	[sflag:s4] =	ssyncadd.s32 $0xFFFFCE00  }
0x6e1: {  	_ =	swait.ge [sflag:s3], $0x3200  }
0x6e2: {  	[sflag:s3] =	ssyncset.done $0x0  }
0x6e3: {  	[sflag:s3] =	ssyncadd.s32 $0xFFFFCE00  }
0x6e4: {  	_ =	swait.ge [sflag:s2], $0x3200  }
0x6e5: {  	[sflag:s2] =	ssyncset.done $0x0  }
0x6e6: {  	[sflag:s2] =	ssyncadd.s32 $0xFFFFCE00  }
0x6e7: {  	_ =	swait.ge [sflag:s5], $0x3200  }
0x6e8: {  	[sflag:s5] =	ssyncset.done $0x0  }
0x6e9: {  	[sflag:s5] =	ssyncadd.s32 $0xFFFFCE00  }
0x6ea: {  	_ =	swait.ge [sflag:s4], $0x3200  }
0x6eb: {  	[sflag:s4] =	ssyncset.done $0x0  }
0x6ec: {  	[sflag:s4] =	ssyncadd.s32 $0xFFFFCE00  }
0x6ed: {  	_ =	swait.ge [sflag:s3], $0x3200  }
0x6ee: {  	[sflag:s3] =	ssyncset.done $0x0  }
0x6ef: {  	[sflag:s3] =	ssyncadd.s32 $0xFFFFCE00  }
0x6f0: {  	_ =	swait.ge [sflag:s2], $0x3200  }
0x6f1: {  	[sflag:s2] =	ssyncset.done $0x0  }
0x6f2: {  	[sflag:s2] =	ssyncadd.s32 $0xFFFFCE00  }
0x6f3: {  	_ =	swait.ge [sflag:s5], $0x3200  }
0x6f4: {  	[sflag:s5] =	ssyncset.done $0x0  }
0x6f5: {  	[sflag:s5] =	ssyncadd.s32 $0xFFFFCE00  }
0x6f6: {  	_ =	swait.ge [sflag:s4], $0x3200  }
0x6f7: {  	[sflag:s4] =	ssyncset.done $0x0  }
0x6f8: {  	[sflag:s4] =	ssyncadd.s32 $0xFFFFCE00  }
0x6f9: {  	_ =	swait.ge [sflag:s3], $0x3200  }
0x6fa: {  	[sflag:s3] =	ssyncset.done $0x0  }
0x6fb: {  	[sflag:s3] =	ssyncadd.s32 $0xFFFFCE00  }
0x6fc: {  	_ =	swait.ge [sflag:s2], $0x3200  }
0x6fd: {  	[sflag:s2] =	ssyncset.done $0x0  }
0x6fe: {  	[sflag:s2] =	ssyncadd.s32 $0xFFFFCE00  }
0x6ff: {  	_ =	swait.ge [sflag:s5], $0x3200  }
0x700: {  	[sflag:s5] =	ssyncset.done $0x0  }
0x701: {  	[sflag:s5] =	ssyncadd.s32 $0xFFFFCE00  }
0x702: {  	_ =	swait.ge [sflag:s4], $0x3200  }
0x703: {  	[sflag:s4] =	ssyncset.done $0x0  }
0x704: {  	[sflag:s4] =	ssyncadd.s32 $0xFFFFCE00  }
0x705: {  	_ =	swait.ge [sflag:s3], $0x3200  }
0x706: {  	[sflag:s3] =	ssyncset.done $0x0  }
0x707: {  	[sflag:s3] =	ssyncadd.s32 $0xFFFFCE00  }
0x708: {  	_ =	swait.ge [sflag:s2], $0x3200  }
0x709: {  	[sflag:s2] =	ssyncset.done $0x0  }
0x70a: {  	[sflag:s2] =	ssyncadd.s32 $0xFFFFCE00  }
0x70b: {  	_ =	swait.ge [sflag:s5], $0x3200  }
0x70c: {  	[sflag:s5] =	ssyncset.done $0x0  }
0x70d: {  	[sflag:s5] =	ssyncadd.s32 $0xFFFFCE00  }
0x70e: {  	_ =	swait.ge [sflag:s4], $0x3200  }
0x70f: {  	[sflag:s4] =	ssyncset.done $0x0  }
0x710: {  	[sflag:s4] =	ssyncadd.s32 $0xFFFFCE00  }
0x711: {  	_ =	swait.ge [sflag:s3], $0x3200  }
0x712: {  	[sflag:s3] =	ssyncset.done $0x0  }
0x713: {  	[sflag:s3] =	ssyncadd.s32 $0xFFFFCE00  }
0x714: {  	_ =	swait.ge [sflag:s2], $0x3200  }
0x715: {  	[sflag:s2] =	ssyncset.done $0x0  }
0x716: {  	[sflag:s2] =	ssyncadd.s32 $0xFFFFCE00  }
0x717: {  	_ =	swait.ge [sflag:s5], $0x3200  }
0x718: {  	[sflag:s5] =	ssyncset.done $0x0  }
0x719: {  	[sflag:s5] =	ssyncadd.s32 $0xFFFFCE00  }
0x71a: {  	_ =	swait.ge [sflag:s4], $0x3200  }
0x71b: {  	[sflag:s4] =	ssyncset.done $0x0  }
0x71c: {  	[sflag:s4] =	ssyncadd.s32 $0xFFFFCE00  }
0x71d: {  	_ =	swait.ge [sflag:s3], $0x3200  }
0x71e: {  	[sflag:s3] =	ssyncset.done $0x0  }
0x71f: {  	[sflag:s3] =	ssyncadd.s32 $0xFFFFCE00  }
0x720: {  	_ =	swait.ge [sflag:s2], $0x3200  }
0x721: {  	[sflag:s2] =	ssyncset.done $0x0  }
0x722: {  	[sflag:s2] =	ssyncadd.s32 $0xFFFFCE00  }
0x723: {  	_ =	swait.ge [sflag:s5], $0x3200  }
0x724: {  	[sflag:s5] =	ssyncset.done $0x0  }
0x725: {  	[sflag:s5] =	ssyncadd.s32 $0xFFFFCE00  }
0x726: {  	_ =	swait.ge [sflag:s4], $0x3200  }
0x727: {  	[sflag:s4] =	ssyncset.done $0x0  }
0x728: {  	[sflag:s4] =	ssyncadd.s32 $0xFFFFCE00  }
0x729: {  	_ =	swait.ge [sflag:s3], $0x3200  }
0x72a: {  	[sflag:s3] =	ssyncset.done $0x0  }
0x72b: {  	[sflag:s3] =	ssyncadd.s32 $0xFFFFCE00  }
0x72c: {  	_ =	swait.ge [sflag:s2], $0x3200  }
0x72d: {  	[sflag:s2] =	ssyncset.done $0x0  }
0x72e: {  	[sflag:s2] =	ssyncadd.s32 $0xFFFFCE00  }
0x72f: {  	_ =	swait.ge [sflag:s5], $0x3200  }
0x730: {  	[sflag:s5] =	ssyncset.done $0x0  }
0x731: {  	[sflag:s5] =	ssyncadd.s32 $0xFFFFCE00  }
0x732: {  	_ =	swait.ge [sflag:s4], $0x3200  }
0x733: {  	[sflag:s4] =	ssyncset.done $0x0  }
0x734: {  	[sflag:s4] =	ssyncadd.s32 $0xFFFFCE00  }
0x735: {  	_ =	swait.ge [sflag:s3], $0x3200  }
0x736: {  	[sflag:s3] =	ssyncset.done $0x0  }
0x737: {  	[sflag:s3] =	ssyncadd.s32 $0xFFFFCE00  }
0x738: {  	_ =	swait.ge [sflag:s2], $0x3200  }
0x739: {  	[sflag:s2] =	ssyncset.done $0x0  }
0x73a: {  	[sflag:s2] =	ssyncadd.s32 $0xFFFFCE00  }
0x73b: {  	_ =	swait.ge [sflag:s5], $0x3200  }
0x73c: {  	[sflag:s5] =	ssyncset.done $0x0  }
0x73d: {  	[sflag:s5] =	ssyncadd.s32 $0xFFFFCE00  }
0x73e: {  	_ =	swait.ge [sflag:s4], $0x3200  }
0x73f: {  	[sflag:s4] =	ssyncset.done $0x0  }
0x740: {  	[sflag:s4] =	ssyncadd.s32 $0xFFFFCE00  }
0x741: {  	_ =	swait.ge [sflag:s3], $0x3200  }
0x742: {  	[sflag:s3] =	ssyncset.done $0x0  }
0x743: {  	[sflag:s3] =	ssyncadd.s32 $0xFFFFCE00  }
0x744: {  	_ =	swait.ge [sflag:s2], $0x3200  }
0x745: {  	[sflag:s2] =	ssyncset.done $0x0  }
0x746: {  	[sflag:s2] =	ssyncadd.s32 $0xFFFFCE00  }
0x747: {  	_ =	swait.ge [sflag:s5], $0x3200  }
0x748: {  	[sflag:s5] =	ssyncset.done $0x0  }
0x749: {  	[sflag:s5] =	ssyncadd.s32 $0xFFFFCE00  }
0x74a: {  	_ =	swait.ge [sflag:s4], $0x3200  }
0x74b: {  	[sflag:s4] =	ssyncset.done $0x0  }
0x74c: {  	[sflag:s4] =	ssyncadd.s32 $0xFFFFCE00  }
0x74d: {  	_ =	swait.ge [sflag:s3], $0x3200  }
0x74e: {  	[sflag:s3] =	ssyncset.done $0x0  }
0x74f: {  	[sflag:s3] =	ssyncadd.s32 $0xFFFFCE00  }
0x750: {  	_ =	swait.ge [sflag:s2], $0x3200  }
0x751: {  	[sflag:s2] =	ssyncset.done $0x0  }
0x752: {  	[sflag:s2] =	ssyncadd.s32 $0xFFFFCE00  }
0x753: {  	_ =	swait.ge [sflag:s5], $0x3200  }
0x754: {  	[sflag:s5] =	ssyncset.done $0x0  }
0x755: {  	[sflag:s5] =	ssyncadd.s32 $0xFFFFCE00  }
0x756: {  	_ =	swait.ge [sflag:s4], $0x3200  }
0x757: {  	[sflag:s4] =	ssyncset.done $0x0  }
0x758: {  	[sflag:s4] =	ssyncadd.s32 $0xFFFFCE00  }
0x759: {  	_ =	swait.ge [sflag:s3], $0x3200  }
0x75a: {  	[sflag:s3] =	ssyncset.done $0x0  }
0x75b: {  	[sflag:s3] =	ssyncadd.s32 $0xFFFFCE00  }
0x75c: {  	_ =	swait.ge [sflag:s2], $0x3200  }
0x75d: {  	[sflag:s2] =	ssyncset.done $0x0  }
0x75e: {  	[sflag:s2] =	ssyncadd.s32 $0xFFFFCE00  }
0x75f: {  	_ =	swait.ge [sflag:s5], $0x3200  }
0x760: {  	[sflag:s5] =	ssyncset.done $0x0  }
0x761: {  	[sflag:s5] =	ssyncadd.s32 $0xFFFFCE00  }
0x762: {  	_ =	swait.ge [sflag:s4], $0x3200  }
0x763: {  	[sflag:s4] =	ssyncset.done $0x0  }
0x764: {  	[sflag:s4] =	ssyncadd.s32 $0xFFFFCE00  }
0x765: {  	_ =	swait.ge [sflag:s3], $0x3200  }
0x766: {  	[sflag:s3] =	ssyncset.done $0x0  }
0x767: {  	[sflag:s3] =	ssyncadd.s32 $0xFFFFCE00  }
0x768: {  	_ =	swait.ge [sflag:s2], $0x3200  }
0x769: {  	[sflag:s2] =	ssyncset.done $0x0  }
0x76a: {  	[sflag:s2] =	ssyncadd.s32 $0xFFFFCE00  }
0x76b: {  	_ =	swait.ge [sflag:s5], $0x3200  }
0x76c: {  	[sflag:s5] =	ssyncset.done $0x0  }
0x76d: {  	[sflag:s5] =	ssyncadd.s32 $0xFFFFCE00  }
0x76e: {  	_ =	swait.ge [sflag:s4], $0x3200  }
0x76f: {  	[sflag:s4] =	ssyncset.done $0x0  }
0x770: {  	[sflag:s4] =	ssyncadd.s32 $0xFFFFCE00  }
0x771: {  	_ =	swait.ge [sflag:s3], $0x3200  }
0x772: {  	[sflag:s3] =	ssyncset.done $0x0  }
0x773: {  	[sflag:s3] =	ssyncadd.s32 $0xFFFFCE00  }
0x774: {  	_ =	swait.ge [sflag:s2], $0x3200  }
0x775: {  	[sflag:s2] =	ssyncset.done $0x0  }
0x776: {  	[sflag:s2] =	ssyncadd.s32 $0xFFFFCE00  }
0x777: {  	_ =	swait.ge [sflag:s5], $0x3200  }
0x778: {  	[sflag:s5] =	ssyncset.done $0x0  }
0x779: {  	[sflag:s5] =	ssyncadd.s32 $0xFFFFCE00  }
0x77a: {  	_ =	swait.ge [sflag:s4], $0x3200  }
0x77b: {  	[sflag:s4] =	ssyncset.done $0x0  }
0x77c: {  	[sflag:s4] =	ssyncadd.s32 $0xFFFFCE00  }
0x77d: {  	_ =	swait.ge [sflag:s3], $0x3200  }
0x77e: {  	[sflag:s3] =	ssyncset.done $0x0  }
0x77f: {  	[sflag:s3] =	ssyncadd.s32 $0xFFFFCE00  }
0x780: {  	_ =	swait.ge [sflag:s2], $0x3200  }
0x781: {  	[sflag:s2] =	ssyncset.done $0x0  }
0x782: {  	[sflag:s2] =	ssyncadd.s32 $0xFFFFCE00  }
0x783: {  	_ =	swait.ge [sflag:s5], $0x3200  }
0x784: {  	[sflag:s5] =	ssyncset.done $0x0  }
0x785: {  	[sflag:s5] =	ssyncadd.s32 $0xFFFFCE00  }
0x786: {  	_ =	swait.ge [sflag:s4], $0x3200  }
0x787: {  	[sflag:s4] =	ssyncset.done $0x0  }
0x788: {  	[sflag:s4] =	ssyncadd.s32 $0xFFFFCE00  }
0x789: {  	_ =	swait.ge [sflag:s3], $0x3200  }
0x78a: {  	[sflag:s3] =	ssyncset.done $0x0  }
0x78b: {  	[sflag:s3] =	ssyncadd.s32 $0xFFFFCE00  }
0x78c: {  	_ =	swait.ge [sflag:s2], $0x3200  }
0x78d: {  	[sflag:s2] =	ssyncset.done $0x0  }
0x78e: {  	[sflag:s2] =	ssyncadd.s32 $0xFFFFCE00  }
0x78f: {  	_ =	swait.ge [sflag:s5], $0x3200  }
0x790: {  	[sflag:s5] =	ssyncset.done $0x0  }
0x791: {  	[sflag:s5] =	ssyncadd.s32 $0xFFFFCE00  }
0x792: {  	_ =	swait.ge [sflag:s4], $0x3200  }
0x793: {  	[sflag:s4] =	ssyncset.done $0x0  }
0x794: {  	[sflag:s4] =	ssyncadd.s32 $0xFFFFCE00  }
0x795: {  	_ =	swait.ge [sflag:s3], $0x3200  }
0x796: {  	[sflag:s3] =	ssyncset.done $0x0  }
0x797: {  	[sflag:s3] =	ssyncadd.s32 $0xFFFFCE00  }
0x798: {  	_ =	swait.ge [sflag:s2], $0x3200  }
0x799: {  	[sflag:s2] =	ssyncset.done $0x0  }
0x79a: {  	[sflag:s2] =	ssyncadd.s32 $0xFFFFCE00  }
0x79b: {  	_ =	swait.ge [sflag:s5], $0x3200  }
0x79c: {  	[sflag:s5] =	ssyncset.done $0x0  }
0x79d: {  	[sflag:s5] =	ssyncadd.s32 $0xFFFFCE00  }
0x79e: {  	_ =	swait.ge [sflag:s4], $0x3200  }
0x79f: {  	[sflag:s4] =	ssyncset.done $0x0  }
0x7a0: {  	[sflag:s4] =	ssyncadd.s32 $0xFFFFCE00  }
0x7a1: {  	_ =	swait.ge [sflag:s3], $0x3200  }
0x7a2: {  	[sflag:s3] =	ssyncset.done $0x0  }
0x7a3: {  	[sflag:s3] =	ssyncadd.s32 $0xFFFFCE00  }
0x7a4: {  	_ =	swait.ge [sflag:s2], $0x3200  }
0x7a5: {  	[sflag:s2] =	ssyncset.done $0x0  }
0x7a6: {  	[sflag:s2] =	ssyncadd.s32 $0xFFFFCE00  }
0x7a7: {  	_ =	swait.ge [sflag:s5], $0x3200  }
0x7a8: {  	[sflag:s5] =	ssyncset.done $0x0  }
0x7a9: {  	[sflag:s5] =	ssyncadd.s32 $0xFFFFCE00  }
0x7aa: {  	_ =	swait.ge [sflag:s4], $0x3200  }
0x7ab: {  	[sflag:s4] =	ssyncset.done $0x0  }
0x7ac: {  	[sflag:s4] =	ssyncadd.s32 $0xFFFFCE00  }
0x7ad: {  	_ =	swait.ge [sflag:s3], $0x3200  }
0x7ae: {  	[sflag:s3] =	ssyncset.done $0x0  }
0x7af: {  	[sflag:s3] =	ssyncadd.s32 $0xFFFFCE00  }
0x7b0: {  	_ =	swait.ge [sflag:s2], $0x3200  }
0x7b1: {  	[sflag:s2] =	ssyncset.done $0x0  }
0x7b2: {  	[sflag:s2] =	ssyncadd.s32 $0xFFFFCE00  }
0x7b3: {  	_ =	swait.ge [sflag:s5], $0x3200  }
0x7b4: {  	[sflag:s5] =	ssyncset.done $0x0  }
0x7b5: {  	[sflag:s5] =	ssyncadd.s32 $0xFFFFCE00  }
0x7b6: {  	_ =	swait.ge [sflag:s4], $0x3200  }
0x7b7: {  	[sflag:s4] =	ssyncset.done $0x0  }
0x7b8: {  	[sflag:s4] =	ssyncadd.s32 $0xFFFFCE00  }
0x7b9: {  	_ =	swait.ge [sflag:s3], $0x3200  }
0x7ba: {  	[sflag:s3] =	ssyncset.done $0x0  }
0x7bb: {  	[sflag:s3] =	ssyncadd.s32 $0xFFFFCE00  }
0x7bc: {  	_ =	swait.ge [sflag:s2], $0x3200  }
0x7bd: {  	[sflag:s2] =	ssyncset.done $0x0  }
0x7be: {  	[sflag:s2] =	ssyncadd.s32 $0xFFFFCE00  }
0x7bf: {  	_ =	swait.ge [sflag:s5], $0x3200  }
0x7c0: {  	[sflag:s5] =	ssyncset.done $0x0  }
0x7c1: {  	[sflag:s5] =	ssyncadd.s32 $0xFFFFCE00  }
0x7c2: {  	_ =	swait.ge [sflag:s4], $0x3200  }
0x7c3: {  	[sflag:s4] =	ssyncset.done $0x0  }
0x7c4: {  	[sflag:s4] =	ssyncadd.s32 $0xFFFFCE00  }
0x7c5: {  	_ =	swait.ge [sflag:s3], $0x3200  }
0x7c6: {  	[sflag:s3] =	ssyncset.done $0x0  }
0x7c7: {  	[sflag:s3] =	ssyncadd.s32 $0xFFFFCE00  }
0x7c8: {  	_ =	swait.ge [sflag:s2], $0x3200  }
0x7c9: {  	[sflag:s2] =	ssyncset.done $0x0  }
0x7ca: {  	[sflag:s2] =	ssyncadd.s32 $0xFFFFCE00  }
0x7cb: {  	_ =	swait.ge [sflag:s5], $0x3200  }
0x7cc: {  	[sflag:s5] =	ssyncset.done $0x0  }
0x7cd: {  	[sflag:s5] =	ssyncadd.s32 $0xFFFFCE00  }
0x7ce: {  	_ =	swait.ge [sflag:s4], $0x3200  }
0x7cf: {  	[sflag:s4] =	ssyncset.done $0x0  }
0x7d0: {  	[sflag:s4] =	ssyncadd.s32 $0xFFFFCE00  }
0x7d1: {  	_ =	swait.ge [sflag:s3], $0x3200  }
0x7d2: {  	[sflag:s3] =	ssyncset.done $0x0  }
0x7d3: {  	[sflag:s3] =	ssyncadd.s32 $0xFFFFCE00  }
0x7d4: {  	_ =	swait.ge [sflag:s2], $0x3200  }
0x7d5: {  	[sflag:s2] =	ssyncset.done $0x0  }
0x7d6: {  	[sflag:s2] =	ssyncadd.s32 $0xFFFFCE00  }
0x7d7: {  	_ =	swait.ge [sflag:s5], $0x3200  }
0x7d8: {  	[sflag:s5] =	ssyncset.done $0x0  }
0x7d9: {  	[sflag:s5] =	ssyncadd.s32 $0xFFFFCE00  }
0x7da: {  	_ =	swait.ge [sflag:s4], $0x3200  }
0x7db: {  	[sflag:s4] =	ssyncset.done $0x0  }
0x7dc: {  	[sflag:s4] =	ssyncadd.s32 $0xFFFFCE00  }
0x7dd: {  	_ =	swait.ge [sflag:s3], $0x3200  }
0x7de: {  	[sflag:s3] =	ssyncset.done $0x0  }
0x7df: {  	[sflag:s3] =	ssyncadd.s32 $0xFFFFCE00  }
0x7e0: {  	_ =	swait.ge [sflag:s2], $0x3200  }
0x7e1: {  	[sflag:s2] =	ssyncset.done $0x0  }
0x7e2: {  	[sflag:s2] =	ssyncadd.s32 $0xFFFFCE00  }
0x7e3: {  	_ =	swait.ge [sflag:s5], $0x3200  }
0x7e4: {  	[sflag:s5] =	ssyncset.done $0x0  }
0x7e5: {  	[sflag:s5] =	ssyncadd.s32 $0xFFFFCE00  }
0x7e6: {  	_ =	swait.ge [sflag:s4], $0x3200  }
0x7e7: {  	[sflag:s4] =	ssyncset.done $0x0  }
0x7e8: {  	[sflag:s4] =	ssyncadd.s32 $0xFFFFCE00  }
0x7e9: {  	_ =	swait.ge [sflag:s3], $0x3200  }
0x7ea: {  	[sflag:s3] =	ssyncset.done $0x0  }
0x7eb: {  	[sflag:s3] =	ssyncadd.s32 $0xFFFFCE00  }
0x7ec: {  	_ =	swait.ge [sflag:s2], $0x3200  }
0x7ed: {  	[sflag:s2] =	ssyncset.done $0x0  }
0x7ee: {  	[sflag:s2] =	ssyncadd.s32 $0xFFFFCE00  }
0x7ef: {  	_ =	swait.ge [sflag:s5], $0x3200  }
0x7f0: {  	[sflag:s5] =	ssyncset.done $0x0  }
0x7f1: {  	[sflag:s5] =	ssyncadd.s32 $0xFFFFCE00  }
0x7f2: {  	_ =	swait.ge [sflag:s4], $0x3200  }
0x7f3: {  	[sflag:s4] =	ssyncset.done $0x0  }
0x7f4: {  	[sflag:s4] =	ssyncadd.s32 $0xFFFFCE00  }
0x7f5: {  	_ =	swait.ge [sflag:s3], $0x3200  }
0x7f6: {  	[sflag:s3] =	ssyncset.done $0x0  }
0x7f7: {  	[sflag:s3] =	ssyncadd.s32 $0xFFFFCE00  }
0x7f8: {  	_ =	swait.ge [sflag:s2], $0x3200  }
0x7f9: {  	[sflag:s2] =	ssyncset.done $0x0  }
0x7fa: {  	[sflag:s2] =	ssyncadd.s32 $0xFFFFCE00  }
0x7fb: {  	_ =	swait.ge [sflag:s5], $0x3200  }
0x7fc: {  	[sflag:s5] =	ssyncset.done $0x0  }
0x7fd: {  	[sflag:s5] =	ssyncadd.s32 $0xFFFFCE00  }
0x7fe: {  	_ =	swait.ge [sflag:s4], $0x3200  }
0x7ff: {  	[sflag:s4] =	ssyncset.done $0x0  }
0x800: {  	[sflag:s4] =	ssyncadd.s32 $0xFFFFCE00  }
0x801: {  	_ =	swait.ge [sflag:s3], $0x3200  }
0x802: {  	[sflag:s3] =	ssyncset.done $0x0  }
0x803: {  	[sflag:s3] =	ssyncadd.s32 $0xFFFFCE00  }
0x804: {  	_ =	swait.ge [sflag:s2], $0x3200  }
0x805: {  	[sflag:s2] =	ssyncset.done $0x0  }
0x806: {  	[sflag:s2] =	ssyncadd.s32 $0xFFFFCE00  }
0x807: {  	_ =	sfence.sel $0x180000  }
0x808: {  	[bflag:$0x0] =	sbarrier.arrive $0xFFFF  }
0x809: {  	_ =	strace $0x90000047  }
0x80a: {  	[bflag:$0x2] =	sbarrier.arrive $0xFFFF  }
0x80b: {  	p0 =	sne.s32 s8, $0x0;
	s0 =	rddreg [dreg:$0x2]  }
0x80c: {  	s0 =	sadd.s32 @!p0 $0x100000, s0  }
0x80d: {  	[sflag:s0] =	ssyncadd.tile.s32 @!p0 $0x1;
	_ =	shalt  }
.LBB2_1:
.Ltmp3:
0x80e: {  	(pc) =	sbr.rel .LBB2_6-.Ltmp3, $2  }
0x80f: {  	_ =	sdelay $0x2  }
0x810: {  	s1 =	sld [smem:$0x7AE]  }
.LBB2_3:
.Ltmp4:
0x811: {  	(pc) =	sbr.rel .LBB2_6-.Ltmp4, $2  }
0x812: {  	_ =	sdelay $0x2  }
0x813: {  	s1 =	sld [smem:$0x7AE];
	s8 =	stileid.u32  }
.Lfunc_end2:
_tile_overlayer_lowered:
.L_overlay_start_2:
0x814: {  	(tag) =	ssettag $0x2  }
0x815: {  	s0 =	rddreg [dreg:$0x0];
	s2 =	stileid.u32  }
0x816: {  	s1 =	rddreg [dreg:$0x1];
	p0 =	sne.s32 s2, $0x0  }
0x817: {  	s3 =	rddreg [dreg:$0x2];
	[bflag:$0x3] =	sbarrier.arrive $0xFFFF;
	s2 =	simm.s32 @!p0 $0x1C06  }
0x818: {  	[timem:s3], [sflag:s2] =	dma.local @!p0 [hbm:s0], s1  }
0x819: {  	s0 =	simm.s32 @!p0 $0x6  }
0x81a: {  	_ =	swait.ge @!p0 [sflag:s0], s1  }
0x81b: {  	s1 =	ssub.s32 @!p0 $0x0, s1;
	[sflag:s0] =	ssyncset.done @!p0 $0x0  }
0x81c: {  	[sflag:s0] =	ssyncadd.s32 @!p0 s1  }
0x81d: {  	[bflag:$0x3] =	sbarrier.arrive $0xFFFF  }
0x81e: {  	_ =	shalt  }

</sc_bundles>
